<compile_context>
chip_gen: v7x
topology: tpu7x:2x2x1
jax: 0.10.2.dev20260603
libtpu: 0.0.44.dev20260713+nightly
codegen_flags: <defaults>
</compile_context>

<pallas_src>
import functools

import jax
import jax.numpy as jnp
from jax import lax
from jax.experimental import pallas as pl
from jax.experimental.pallas import tpu as pltpu
from jax.experimental.pallas import tpu_sc as plsc

SDIM = 64
VDIM = 16
EDGE_DIM = 16
CUTOFF = 5.0
MSGW = 128
CHUNK = 32
CH = 128
BN = 2000
BE = 3200
HP = None
HX = jax.lax.Precision.HIGHEST


def _silu(x):
    return x / (1.0 + jnp.exp(-x))


def _envelope(d):
    return jnp.where(d < CUTOFF, 0.5 * (jnp.cos(jnp.pi * d / CUTOFF) + 1.0), 0.0)


def _layernorm(x, scale, bias):
    mu = jnp.mean(x, axis=-1, keepdims=True)
    var = jnp.mean((x - mu) ** 2, axis=-1, keepdims=True)
    return (x - mu) / jnp.sqrt(var + 1e-6) * scale + bias


def _vnorm48(v48, scale16):
    sq = v48[:, :16] ** 2 + v48[:, 16:32] ** 2 + v48[:, 32:48] ** 2
    n = jnp.sqrt(jnp.mean(sq, axis=-1, keepdims=True) + 1e-6)
    sc3 = jnp.concatenate([scale16, scale16, scale16], axis=-1)
    return v48 / n * sc3



def _prep0_body(s_ref, lns_ref, lnb_ref, w1a_ref, b1_ref, w1b_ref,
                sn_ref, xa_ref, xb_ref):
    sn = _layernorm(s_ref[...], lns_ref[...], lnb_ref[...])
    sn_ref[...] = sn
    xa_ref[...] = jnp.dot(sn, w1a_ref[...], precision=HX) + b1_ref[...]
    xb_ref[...] = jnp.dot(sn, w1b_ref[...], precision=HX)


_DN_T = (((0,), (0,)), ((), ()))


def _edge_tail(g_ref, eT_ref, feat_da, C2, rn, rnR, vs, wpre_ref, wq_ref,
               msg_ref, enew_ref, enew_transposed):
    g = g_ref[...]
    w = wpre_ref[...]
    pre = (g[:, :SDIM] + g[:, SDIM:]
           + lax.dot_general(eT_ref[...], w[:EDGE_DIM], _DN_T, precision=HP)
           + jnp.dot(feat_da, w[EDGE_DIM:EDGE_DIM + 3], precision=HP))
    sil = _silu(pre)
    silC = sil * C2
    ones = jnp.ones_like(C2)
    m = jnp.concatenate([silC, sil, C2, ones], axis=-1)
    gout = jnp.dot(m, wq_ref[...], precision=HP)
    grT = gout[:, :48]
    gvT = gout[:, 48:96]
    enew = gout[:, 96:112]
    enew_ref[...] = jnp.transpose(enew, (1, 0)) if enew_transposed else enew
    mv48 = grT * rnR if vs is None else grT * rnR + gvT * vs
    pcr = gout[:, 112:115] * rn
    pad = jnp.zeros_like(pre[:, :11])
    msg_ref[...] = jnp.concatenate(
        [silC, mv48, pcr, C2, ones, pad], axis=-1)


def _edge0_body(g_ref, eT_ref, d_ref, a_ref, rnT_ref, rmat_ref, wpre_ref,
                wq_ref, msg_ref, enew_ref):
    dl = d_ref[...].reshape(1, BE)
    al = a_ref[...].reshape(1, BE)
    Cl = _envelope(dl)
    rnT = rnT_ref[...]
    stack = jnp.concatenate([dl, al, jnp.ones_like(dl), Cl, rnT], axis=0)
    cols = jnp.transpose(stack, (1, 0))
    feat_da = cols[:, 0:3]
    C2 = cols[:, 3:4]
    rn = cols[:, 4:7]
    rnR = lax.dot_general(rnT, rmat_ref[...], _DN_T, precision=HP)
    _edge_tail(g_ref, eT_ref, feat_da, C2, rn, rnR, None,
               wpre_ref, wq_ref, msg_ref, enew_ref, True)


def _edge1_body(g_ref, eT_ref, y_ref, rmat_ref, wpre_ref, wq_ref,
                msg_ref, enew_ref):
    y = y_ref[...]
    vs = y[:, :48]
    pT = jnp.transpose(y[:, 48:64], (1, 0))
    psT = pT[0:3]
    pdT = pT[8:11]
    rT = pdT - psT
    aL = jnp.sum(pdT * psT, axis=0, keepdims=True)
    dL = jnp.sqrt(jnp.clip(jnp.sum(rT * rT, axis=0, keepdims=True), 1e-6, None))
    CL = _envelope(dL)
    rnT = rT / (1.0 + dL)
    stack = jnp.concatenate([dL, aL, jnp.ones_like(dL), CL, rnT], axis=0)
    cols = jnp.transpose(stack, (1, 0))
    feat_da = cols[:, 0:3]
    C2 = cols[:, 3:4]
    rn = cols[:, 4:7]
    rnR = lax.dot_general(rnT, rmat_ref[...], _DN_T, precision=HP)
    _edge_tail(g_ref, eT_ref, feat_da, C2, rn, rnR, vs,
               wpre_ref, wq_ref, msg_ref, enew_ref, False)


def _upd0_body(acc_ref, s_ref, v_ref, p_ref, sn0_ref,
               w2ms_ref, b2ms_ref, wu1_ref, bu1_ref, wu2_ref, bu2_ref,
               lns_ref, lnb_ref, vns_ref, w1a_ref, b1_ref, w1b_ref,
               s1_ref, v1_ref, p1_ref, ppad_ref, xa_ref, xb_ref, vn1_ref):
    acc = acc_ref[...]
    inv = 1.0 / jnp.clip(acc[:, 116:117], 1.0, None)
    hsum = acc[:, :SDIM] * inv
    csum = acc[:, 115:116] * inv
    s_agg = jnp.dot(hsum, w2ms_ref[...], precision=HX) + csum * b2ms_ref[...]
    vagg = acc[:, SDIM:SDIM + 48] * inv
    p1 = p_ref[...] + acc[:, 112:115] * inv
    vn = jnp.sqrt(vagg[:, :16] ** 2 + vagg[:, 16:32] ** 2 + vagg[:, 32:48] ** 2 + 1e-6)
    uin = jnp.concatenate([sn0_ref[...], s_agg, vn], axis=-1)
    uh = _silu(jnp.dot(uin, wu1_ref[...], precision=HP) + bu1_ref[...])
    u = jnp.dot(uh, wu2_ref[...], precision=HP) + bu2_ref[...]
    s1 = s_ref[...] + u[:, :SDIM]
    gate = u[:, SDIM:SDIM + VDIM]
    g3 = jnp.concatenate([gate, gate, gate], axis=-1)
    v1 = v_ref[...] + g3 * vagg
    s1_ref[...] = s1
    v1_ref[...] = v1
    p1_ref[...] = p1
    ppad_ref[...] = jnp.concatenate([p1, jnp.zeros_like(acc[:, :5])], axis=-1)
    sn1 = _layernorm(s1, lns_ref[...], lnb_ref[...])
    xa_ref[...] = jnp.dot(sn1, w1a_ref[...], precision=HX) + b1_ref[...]
    xb_ref[...] = jnp.dot(sn1, w1b_ref[...], precision=HX)
    vn1_ref[...] = _vnorm48(v1, vns_ref[...])


def _upd1_body(acc_ref, s_ref, v_ref, p_ref, w2ms_ref, b2ms_ref,
               lns_ref, lnb_ref, vns_ref,
               so_ref, vo_ref, po_ref):
    acc = acc_ref[...]
    inv = 1.0 / jnp.clip(acc[:, 116:117], 1.0, None)
    hsum = acc[:, :SDIM] * inv
    csum = acc[:, 115:116] * inv
    s_agg = jnp.dot(hsum, w2ms_ref[...], precision=HX) + csum * b2ms_ref[...]
    vagg = acc[:, SDIM:SDIM + 48] * inv
    s2 = s_ref[...] + s_agg
    v2 = v_ref[...] + vagg
    po_ref[...] = p_ref[...] + acc[:, 112:115] * inv
    so_ref[...] = _layernorm(s2, lns_ref[...], lnb_ref[...])
    vo_ref[...] = _vnorm48(v2, vns_ref[...])


def _row_spec(bn, w):
    return pl.BlockSpec((bn, w), lambda i: (i, 0))


def _vec_spec(bn):
    return pl.BlockSpec((1, 1, bn), lambda i: (i, 0, 0))


def _colT_spec(rows, bn):
    return pl.BlockSpec((rows, bn), lambda i: (0, i))


def _full_spec(shape):
    return pl.BlockSpec(shape, lambda i: tuple(0 for _ in shape))



def _sc_mesh():
    return plsc.VectorSubcoreMesh(core_axis_name="c", subcore_axis_name="s")


def _gather_kernel(E, specs, out_widths):
    nt = len(specs)
    no = len(out_widths)
    NB = E // CH
    rem = NB % 32
    full = NB // 32

    def body(*refs):
        tabs = refs[:nt]
        src_hbm, dst_hbm = refs[nt], refs[nt + 1]
        outs = refs[nt + 2:nt + 2 + no]
        idx_s, idx_d = refs[nt + 2 + no], refs[nt + 3 + no]
        bufs = refs[nt + 4 + no:nt + 4 + no + nt]
        sem, semi, semo = refs[nt + 4 + no + nt:nt + 7 + no + nt]
        wid = lax.axis_index("s") * 2 + lax.axis_index("c")
        nblk = jnp.where(wid < rem, full + 1, full)

        def out_descs(base):
            return [pltpu.make_async_copy(
                        bufs[t], outs[oi].at[pl.ds(base, CH), pl.ds(co, w)],
                        semo)
                    for t, (w, sel, oi, co) in enumerate(specs)]

        def step(i, _):
            base = (i * 32 + wid) * CH
            di_s = pltpu.async_copy(src_hbm.at[pl.ds(base, CH)], idx_s, semi)
            di_d = pltpu.async_copy(dst_hbm.at[pl.ds(base, CH)], idx_d, semi)

            @pl.when(i > 0)
            def _():
                for dsc in out_descs(base):
                    dsc.wait()

            di_s.wait()
            di_d.wait()
            gd = []
            for t, (w, sel, oi, co) in enumerate(specs):
                idx = idx_s if sel == 0 else idx_d
                gd.append(pltpu.async_copy(tabs[t].at[idx], bufs[t], sem))
            for dsc in gd:
                dsc.wait()
            for dsc in out_descs(base):
                dsc.start()
            return 0

        lax.fori_loop(0, nblk, step, 0)

        @pl.when(nblk > 0)
        def _():
            for dsc in out_descs(0):
                dsc.wait()

    out_type = tuple(jax.ShapeDtypeStruct((E, w), jnp.float32) for w in out_widths)
    scratch = ([pltpu.VMEM((CH,), jnp.int32)] * 2
               + [pltpu.VMEM((CH, sp[0]), jnp.float32) for sp in specs]
               + [pltpu.SemaphoreType.DMA] * 3)
    return pl.kernel(body, out_type=out_type, mesh=_sc_mesh(),
                     compiler_params=pltpu.CompilerParams(use_tc_tiling_on_sc=False),
                     scratch_types=scratch)


def _scatter_kernel(N, E):
    NB = E // CH
    rem = NB % 16
    full = NB // 16
    rows_t = N // 16

    pairs = (full + 2) // 2

    def body(msg_hbm, dst_hbm, zeros_hbm, out_hbm, mbuf0, dbuf0, mbuf1,
             dbuf1, acc_sh, seml0, seml1, sems0, sems1):
        cid = lax.axis_index("c")
        sid = lax.axis_index("s")
        nblk = jnp.where(sid < rem, full + 1, full)
        rbase = sid * rows_t
        mb = (mbuf0, mbuf1)
        db = (dbuf0, dbuf1)
        sl = (seml0, seml1)
        ss = (sems0, sems1)

        for half in range(2):
            col = (cid * 2 + half) * CHUNK
            pltpu.sync_copy(zeros_hbm.at[pl.ds(rbase, rows_t)],
                            acc_sh.at[pl.ds(rbase, rows_t)])
            plsc.subcore_barrier()

            def pair(jp, _):
                for b in (0, 1):
                    g = (jp * 2 + b) * 16 + sid

                    @pl.when(g < NB)
                    def _():
                        @pl.when(jp > 0)
                        def _():
                            pltpu.make_async_copy(
                                mb[b], acc_sh.at[db[b]], ss[b]).wait()
                        base = g * CH
                        dl = pltpu.async_copy(
                            dst_hbm.at[pl.ds(base, CH)], db[b], sl[b])
                        ml = pltpu.async_copy(
                            msg_hbm.at[pl.ds(base, CH), pl.ds(col, CHUNK)],
                            mb[b], sl[b])
                        dl.wait()
                        ml.wait()
                        pltpu.async_copy(mb[b], acc_sh.at[db[b]], ss[b],
                                         add=True)
                return 0

            lax.fori_loop(0, pairs, pair, 0)

            for b in (0, 1):
                @pl.when(nblk > b)
                def _():
                    pltpu.make_async_copy(mb[b], acc_sh.at[db[b]], ss[b]).wait()

            plsc.subcore_barrier()
            pltpu.sync_copy(acc_sh.at[pl.ds(rbase, rows_t)],
                            out_hbm.at[pl.ds(rbase, rows_t), pl.ds(col, CHUNK)])
            plsc.subcore_barrier()

    return pl.kernel(
        body,
        out_type=jax.ShapeDtypeStruct((N, MSGW), jnp.float32),
        mesh=_sc_mesh(),
        compiler_params=pltpu.CompilerParams(use_tc_tiling_on_sc=False),
        scratch_types=[pltpu.VMEM((CH, CHUNK), jnp.float32),
                       pltpu.VMEM((CH,), jnp.int32),
                       pltpu.VMEM((CH, CHUNK), jnp.float32),
                       pltpu.VMEM((CH,), jnp.int32),
                       pltpu.VMEM_SHARED((N, CHUNK), jnp.float32),
                       pltpu.SemaphoreType.DMA,
                       pltpu.SemaphoreType.DMA,
                       pltpu.SemaphoreType.DMA,
                       pltpu.SemaphoreType.DMA])



def kernel(s, v, p, edge_index_local, edge_index_global, edge_d, edge_a,
           edge_rnorm, edge_e, params, out_norm_params):
    N = s.shape[0]
    E = edge_e.shape[0]
    src = edge_index_global[0].astype(jnp.int32)
    dst = edge_index_global[1].astype(jnp.int32)
    v48 = v.reshape(N, 3 * VDIM)

    def packed(pr):
        W1, W2, b2 = pr['W1'], pr['W2'], pr['b2']
        wpre = jnp.concatenate(
            [W1[2 * SDIM:2 * SDIM + EDGE_DIM],
             W1[2 * SDIM + EDGE_DIM:2 * SDIM + EDGE_DIM + 2],
             jnp.zeros((1, SDIM), jnp.float32)], axis=0)
        t3 = lambda M: jnp.concatenate([M, M, M], axis=-1)
        Wgr = W2[:, SDIM:SDIM + VDIM]
        Wgv = W2[:, SDIM + VDIM:SDIM + 2 * VDIM]
        Wen = W2[:, SDIM + 2 * VDIM:SDIM + 2 * VDIM + EDGE_DIM]
        wpc = W2[:, SDIM + 2 * VDIM + EDGE_DIM:]
        bgr = b2[SDIM:SDIM + VDIM]
        bgv = b2[SDIM + VDIM:SDIM + 2 * VDIM]
        ben = b2[SDIM + 2 * VDIM:SDIM + 2 * VDIM + EDGE_DIM]
        bpc = b2[SDIM + 2 * VDIM + EDGE_DIM:]
        wq = jnp.concatenate([
            jnp.concatenate([t3(Wgr), t3(Wgv),
                             jnp.zeros((SDIM, EDGE_DIM), jnp.float32), wpc], axis=1),
            jnp.concatenate([jnp.zeros((SDIM, 96), jnp.float32), Wen,
                             jnp.zeros((SDIM, 1), jnp.float32)], axis=1),
            jnp.concatenate([t3(bgr), t3(bgv),
                             jnp.zeros((EDGE_DIM,), jnp.float32),
                             bpc]).reshape(1, 113),
            jnp.concatenate([jnp.zeros((96,), jnp.float32), ben,
                             jnp.zeros((1,), jnp.float32)]).reshape(1, 113),
        ], axis=0)
        wq = jnp.concatenate([wq, wq[:, 112:113], wq[:, 112:113]], axis=1)
        return dict(
            w1a=W1[:SDIM], w1b=W1[SDIM:2 * SDIM],
            b1=pr['b1'].reshape(1, SDIM), wpre=wpre, wq=wq,
            w2ms=W2[:, :SDIM], b2ms=b2[:SDIM].reshape(1, SDIM),
            lns=pr['ln_scale'].reshape(1, SDIM), lnb=pr['ln_bias'].reshape(1, SDIM),
            vns=pr['vn_scale'].reshape(1, VDIM))

    pk0, pk1 = packed(params[0]), packed(params[1])
    rmat = jnp.repeat(jnp.eye(3, dtype=jnp.float32), VDIM, axis=1)
    nb_n = N // BN
    nb_e = E // BE

    sn0, xa0, xb0 = pl.pallas_call(
        _prep0_body,
        grid=(nb_n,),
        in_specs=[_row_spec(BN, SDIM), _full_spec((1, SDIM)), _full_spec((1, SDIM)),
                  _full_spec((SDIM, SDIM)), _full_spec((1, SDIM)), _full_spec((SDIM, SDIM))],
        out_specs=[_row_spec(BN, SDIM)] * 3,
        out_shape=[jax.ShapeDtypeStruct((N, SDIM), jnp.float32)] * 3,
    )(s, pk0['lns'], pk0['lnb'], pk0['w1a'], pk0['b1'], pk0['w1b'])

    (g0,) = _gather_kernel(E, ((SDIM, 0, 0, 0), (SDIM, 1, 0, SDIM)),
                           (MSGW,))(xa0, xb0, src, dst)

    msg0, e1T = pl.pallas_call(
        _edge0_body,
        grid=(nb_e,),
        in_specs=[_row_spec(BE, MSGW), _colT_spec(EDGE_DIM, BE),
                  _vec_spec(BE), _vec_spec(BE), _colT_spec(3, BE),
                  _full_spec((3, 48)),
                  _full_spec((19, SDIM)), _full_spec((130, 115))],
        out_specs=[_row_spec(BE, MSGW), _colT_spec(EDGE_DIM, BE)],
        out_shape=[jax.ShapeDtypeStruct((E, MSGW), jnp.float32),
                   jax.ShapeDtypeStruct((EDGE_DIM, E), jnp.float32)],
    )(g0, edge_e.T, edge_d.reshape(nb_e, 1, BE), edge_a.reshape(nb_e, 1, BE),
      edge_rnorm.T, rmat, pk0['wpre'], pk0['wq'])

    zeros_acc = jnp.zeros((N, CHUNK), jnp.float32)
    scat = _scatter_kernel(N, E)
    acc0 = scat(msg0, dst, zeros_acc)

    pr0 = params[0]
    s1, v1, p1, ppad, xa1, xb1, vn1 = pl.pallas_call(
        _upd0_body,
        grid=(nb_n,),
        in_specs=[_row_spec(BN, MSGW), _row_spec(BN, SDIM), _row_spec(BN, 48),
                  _row_spec(BN, 3), _row_spec(BN, SDIM),
                  _full_spec((SDIM, SDIM)), _full_spec((1, SDIM)),
                  _full_spec((144, SDIM)), _full_spec((1, SDIM)),
                  _full_spec((SDIM, 80)), _full_spec((1, 80)),
                  _full_spec((1, SDIM)), _full_spec((1, SDIM)), _full_spec((1, VDIM)),
                  _full_spec((SDIM, SDIM)), _full_spec((1, SDIM)), _full_spec((SDIM, SDIM))],
        out_specs=[_row_spec(BN, SDIM), _row_spec(BN, 48), _row_spec(BN, 3),
                   _row_spec(BN, 8), _row_spec(BN, SDIM), _row_spec(BN, SDIM),
                   _row_spec(BN, 48)],
        out_shape=[jax.ShapeDtypeStruct((N, SDIM), jnp.float32),
                   jax.ShapeDtypeStruct((N, 48), jnp.float32),
                   jax.ShapeDtypeStruct((N, 3), jnp.float32),
                   jax.ShapeDtypeStruct((N, 8), jnp.float32),
                   jax.ShapeDtypeStruct((N, SDIM), jnp.float32),
                   jax.ShapeDtypeStruct((N, SDIM), jnp.float32),
                   jax.ShapeDtypeStruct((N, 48), jnp.float32)],
    )(acc0, s, v48, p, sn0,
      pk0['w2ms'], pk0['b2ms'],
      pr0['Wu1'], pr0['bu1'].reshape(1, SDIM),
      pr0['Wu2'], pr0['bu2'].reshape(1, 80),
      pk1['lns'], pk1['lnb'], pk1['vns'], pk1['w1a'], pk1['b1'], pk1['w1b'])

    g1, y1 = _gather_kernel(
        E, ((SDIM, 0, 0, 0), (SDIM, 1, 0, SDIM),
            (48, 0, 1, 0), (8, 0, 1, 48), (8, 1, 1, 56)),
        (MSGW, MSGW))(xa1, xb1, vn1, ppad, ppad, src, dst)

    msg1, e2 = pl.pallas_call(
        _edge1_body,
        grid=(nb_e,),
        in_specs=[_row_spec(BE, MSGW), _colT_spec(EDGE_DIM, BE),
                  _row_spec(BE, MSGW), _full_spec((3, 48)),
                  _full_spec((19, SDIM)), _full_spec((130, 115))],
        out_specs=[_row_spec(BE, MSGW), _row_spec(BE, EDGE_DIM)],
        out_shape=[jax.ShapeDtypeStruct((E, MSGW), jnp.float32),
                   jax.ShapeDtypeStruct((E, EDGE_DIM), jnp.float32)],
    )(g1, e1T, y1, rmat, pk1['wpre'], pk1['wq'])

    acc1 = scat(msg1, dst, zeros_acc)

    onp = out_norm_params
    so, vo, po = pl.pallas_call(
        _upd1_body,
        grid=(nb_n,),
        in_specs=[_row_spec(BN, MSGW), _row_spec(BN, SDIM), _row_spec(BN, 48),
                  _row_spec(BN, 3),
                  _full_spec((SDIM, SDIM)), _full_spec((1, SDIM)),
                  _full_spec((1, SDIM)), _full_spec((1, SDIM)), _full_spec((1, VDIM))],
        out_specs=[_row_spec(BN, SDIM), _row_spec(BN, 48), _row_spec(BN, 3)],
        out_shape=[jax.ShapeDtypeStruct((N, SDIM), jnp.float32),
                   jax.ShapeDtypeStruct((N, 48), jnp.float32),
                   jax.ShapeDtypeStruct((N, 3), jnp.float32)],
    )(acc1, s1, v1, p1, pk1['w2ms'], pk1['b2ms'],
      onp['ln_scale'].reshape(1, SDIM), onp['ln_bias'].reshape(1, SDIM),
      onp['vn_scale'].reshape(1, VDIM))

    return so, vo.reshape(N, 3, VDIM), e2, po

# --- scband reference (transcript-rebuilt; emitter-appended) ---
"""Pipeline reference for scband-eqgatedge-gnn-88613765251897 (READ-ONLY COPY).

The authoritative reference and input builder live on the scoring server;
editing this copy changes nothing except your own understanding.
"""

import jax, jax.numpy as jnp
import numpy as np

N = 50000
E = 800000
SDIM = 64
VDIM = 16
EDGE_DIM = 16
NUM_LAYERS = 2
CUTOFF = 5.0

def _calc_edge_attrs(eig, pos):
    src = eig[0]
    dst = eig[1]
    r = pos[dst] - pos[src]
    a = jnp.sum(pos[dst] * pos[src], axis=-1)
    d = jnp.sqrt(jnp.clip(jnp.sum(r * r, axis=-1), 1e-6, None))
    r_norm = r / (1.0 + d[:, None])
    return d, a, r_norm

def _ln(x, scale, bias):
    mu = jnp.mean(x, axis=-1, keepdims=True)
    var = jnp.mean((x - mu) ** 2, axis=-1, keepdims=True)
    return (x - mu) / jnp.sqrt(var + 1e-6) * scale + bias

def _vnorm(v, scale):
    n = jnp.sqrt(jnp.mean(jnp.sum(v * v, axis=1), axis=-1, keepdims=True) + 1e-6)
    return v / n[:, None, :] * scale[None, None, :]

def _seg_mean(vals, idx, num):
    sm = jax.ops.segment_sum(vals, idx, num_segments=num)
    cnt = jax.ops.segment_sum(jnp.ones((idx.shape[0],), vals.dtype), idx, num_segments=num)
    cnt = jnp.clip(cnt, 1.0, None)
    return sm / cnt.reshape((num,) + (1,) * (vals.ndim - 1))

def _envelope(d):
    return jnp.where(d < CUTOFF, 0.5 * (jnp.cos(jnp.pi * d / CUTOFF) + 1.0), 0.0)

def _forward(s, v, p, d, a, r_norm, e, params, out_norm_params, eig):
    src = eig[0]
    dst = eig[1]
    nnodes = s.shape[0]
    for i, pr in enumerate(params):
        s_n = _ln(s, pr['ln_scale'], pr['ln_bias'])
        v_n = _vnorm(v, pr['vn_scale'])
        feat = jnp.concatenate([s_n[src], s_n[dst], e, d[:, None], a[:, None]], axis=-1)
        h = jax.nn.silu(feat @ pr['W1'] + pr['b1']) @ pr['W2'] + pr['b2']
        ms = h[:, :SDIM]
        gr = h[:, SDIM:SDIM + VDIM]
        gv = h[:, SDIM + VDIM:SDIM + 2 * VDIM]
        enew = h[:, SDIM + 2 * VDIM:SDIM + 2 * VDIM + EDGE_DIM]
        pc = h[:, SDIM + 2 * VDIM + EDGE_DIM:]
        C = _envelope(d)[:, None]
        ms = ms * C
        gr = gr * C
        gv = gv * C
        pc = pc * C
        mv = gr[:, None, :] * r_norm[:, :, None]
        if i > 0:
            mv = mv + gv[:, None, :] * v_n[src]
        s_agg = _seg_mean(ms, dst, nnodes)
        v_agg = _seg_mean(mv, dst, nnodes)
        p = p + _seg_mean(pc * r_norm, dst, nnodes)
        e = enew
        if 'Wu1' in pr:
            vn = jnp.sqrt(jnp.sum(v_agg * v_agg, axis=1) + 1e-6)
            u = jax.nn.silu(jnp.concatenate([s_n, s_agg, vn], axis=-1) @ pr['Wu1'] + pr['bu1']) @ pr['Wu2'] + pr['bu2']
            s = s + u[:, :SDIM]
            v = v + u[:, SDIM:][:, None, :] * v_agg
        else:
            s = s + s_agg
            v = v + v_agg
        d, a, r_norm = _calc_edge_attrs(eig, p)
    s = _ln(s, out_norm_params['ln_scale'], out_norm_params['ln_bias'])
    v = _vnorm(v, out_norm_params['vn_scale'])
    return s, v, e, p

def setup_inputs(seed: int = 0):
    key = jax.random.key(seed)
    ks = jax.random.split(key, 16)
    s = jax.random.normal(ks[0], (N, SDIM), jnp.float32)
    v = jax.random.normal(ks[1], (N, 3, VDIM), jnp.float32)
    p = jax.random.normal(ks[2], (N, 3), jnp.float32) * 3.0
    eil = jax.random.randint(ks[3], (2, E), 0, N)
    eig = jax.random.randint(ks[4], (2, E), 0, N)
    d, a, r_norm = _calc_edge_attrs(eig, p)
    e = jax.random.normal(ks[5], (E, EDGE_DIM), jnp.float32)
    edge_in = 2 * SDIM + EDGE_DIM + 2
    msg_out = SDIM + 2 * VDIM + EDGE_DIM + 1
    params = []
    kp = ks[6]
    for i in range(NUM_LAYERS):
        kp, k1, k2, k3, k4 = jax.random.split(kp, 5)
        pr = {
            'ln_scale': jnp.ones((SDIM,), jnp.float32),
            'ln_bias': jnp.zeros((SDIM,), jnp.float32),
            'vn_scale': jnp.ones((VDIM,), jnp.float32),
            'W1': jax.random.normal(k1, (edge_in, SDIM), jnp.float32) / np.sqrt(edge_in),
            'b1': jnp.zeros((SDIM,), jnp.float32),
            'W2': jax.random.normal(k2, (SDIM, msg_out), jnp.float32) / np.sqrt(SDIM),
            'b2': jnp.zeros((msg_out,), jnp.float32),
        }
        if i < NUM_LAYERS - 1:
            uin = 2 * SDIM + VDIM
            pr['Wu1'] = jax.random.normal(k3, (uin, SDIM), jnp.float32) / np.sqrt(uin)
            pr['bu1'] = jnp.zeros((SDIM,), jnp.float32)
            pr['Wu2'] = jax.random.normal(k4, (SDIM, SDIM + VDIM), jnp.float32) / np.sqrt(SDIM)
            pr['bu2'] = jnp.zeros((SDIM + VDIM,), jnp.float32)
        params.append(pr)
    out_norm_params = {'ln_scale': jnp.ones((SDIM,), jnp.float32), 'ln_bias': jnp.zeros((SDIM,), jnp.float32), 'vn_scale': jnp.ones((VDIM,), jnp.float32)}
    return {'s': s, 'v': v, 'p': p, 'edge_index_local': eil, 'edge_index_global': eig, 'edge_d': d, 'edge_a': a, 'edge_rnorm': r_norm, 'edge_e': e, 'params': params, 'out_norm_params': out_norm_params}

def reference(s, v, p, edge_index_local, edge_index_global, edge_d, edge_a, edge_rnorm, edge_e, params, out_norm_params):
    return _forward(s, v, p, edge_d, edge_a, edge_rnorm, edge_e, params, out_norm_params, edge_index_global)

if __name__ == "__main__":
    import jax
    _d = setup_inputs()
    print(jax.jit(kernel)(*tuple(_d.values())))

</pallas_src>

<mosaic_0001>
#map = affine_map<(d0, d1) -> (0, 0)>
#map1 = affine_map<(d0, d1) -> (0)>
module attributes {stable_mosaic.version = 14 : i64} {
  func.func @body(%arg0: i32, %arg1: i32, %arg2: memref<800000x128xf32, #tpu.memory_space<hbm>>, %arg3: memref<800000xi32, #tpu.memory_space<hbm>>, %arg4: memref<50000x32xf32, #tpu.memory_space<hbm>>, %arg5: memref<50000x128xf32, #tpu.memory_space<hbm>>, %arg6: memref<128x32xf32, #tpu.memory_space<vmem>>, %arg7: memref<128xi32, #tpu.memory_space<vmem>>, %arg8: memref<128x32xf32, #tpu.memory_space<vmem>>, %arg9: memref<128xi32, #tpu.memory_space<vmem>>, %arg10: memref<50000x32xf32, #tpu.memory_space<vmem_shared>>, %arg11: memref<!tpu.dma_semaphore, #tpu.memory_space<semaphore_mem>>, %arg12: memref<!tpu.dma_semaphore, #tpu.memory_space<semaphore_mem>>, %arg13: memref<!tpu.dma_semaphore, #tpu.memory_space<semaphore_mem>>, %arg14: memref<!tpu.dma_semaphore, #tpu.memory_space<semaphore_mem>>) attributes {dimension_semantics = [#tpu.dimension_semantics<core_parallel>, #tpu.dimension_semantics<subcore_parallel>], iteration_bounds = array<i64: 2, 16>, scalar_prefetch = 0 : i64, scratch_operands = 9 : i64, tpu.core_type = #tpu.core_type<sc_vector_subcore>, window_params = [{transform_indices = #map}, {transform_indices = #map1}, {transform_indices = #map}, {transform_indices = #map}]} {
    %lt3A = arith.constant 10 : i32
    %lt3A_0 = arith.cmpi slt, %arg1, %lt3A : i32
    %jit3A = arith.constant 391 : i32
    %jit3A_1 = arith.constant 390 : i32
    %select_n3A = arith.select %lt3A_0, %jit3A, %jit3A_1 : i32
    %mul3A = arith.constant 3125 : i32
    %mul3A_2 = arith.muli %arg1, %mul3A : i32
    %mul3A_3 = arith.constant 2 : i32
    %mul3A_4 = arith.muli %arg0, %mul3A_3 : i32
    %add3A = arith.constant 0 : i32
    %add3A_5 = arith.addi %mul3A_4, %add3A : i32
    %mul3A_6 = arith.constant 32 : i32
    %mul3A_7 = arith.muli %add3A_5, %mul3A_6 : i32
    "tpu.region"() ({
      %run_scoped3A = tpu.sem_alloc : memref<!tpu.dma_semaphore, #tpu.memory_space<semaphore_mem>>
      %dma_start3A = arith.constant 0 : i32
      %dma_start3A_49 = tpu.memref_slice %arg10[%mul3A_2, %dma_start3A] : memref<50000x32xf32, #tpu.memory_space<vmem_shared>> -> memref<3125x32xf32, #tpu.memory_space<vmem_shared>>
      %dma_start3A_50 = arith.constant 0 : i32
      %dma_start3A_51 = tpu.memref_slice %arg4[%mul3A_2, %dma_start3A_50] : memref<50000x32xf32, #tpu.memory_space<hbm>> -> memref<3125x32xf32, #tpu.memory_space<hbm>>
      tpu.enqueue_dma source(%dma_start3A_51 : memref<3125x32xf32, #tpu.memory_space<hbm>>) target(%dma_start3A_49 : memref<3125x32xf32, #tpu.memory_space<vmem_shared>>) target_semaphore(%run_scoped3A : memref<!tpu.dma_semaphore, #tpu.memory_space<semaphore_mem>>)
      %dma_wait3A = arith.constant 0 : i32
      %dma_wait3A_52 = tpu.memref_slice %arg10[%mul3A_2, %dma_wait3A] : memref<50000x32xf32, #tpu.memory_space<vmem_shared>> -> memref<3125x32xf32, #tpu.memory_space<vmem_shared>>
      %dma_wait3A_53 = arith.constant 0 : i32
      %dma_wait3A_54 = tpu.memref_slice %arg4[%mul3A_2, %dma_wait3A_53] : memref<50000x32xf32, #tpu.memory_space<hbm>> -> memref<3125x32xf32, #tpu.memory_space<hbm>>
      tpu.wait_dma2 semaphore(%run_scoped3A : memref<!tpu.dma_semaphore, #tpu.memory_space<semaphore_mem>>) src(%dma_wait3A_54 : memref<3125x32xf32, #tpu.memory_space<hbm>>) dst(%dma_wait3A_52 : memref<3125x32xf32, #tpu.memory_space<vmem_shared>>)
      tpu.yield
    }) : () -> ()
    %barrier3A = arith.constant 0 : index
    tpu.barrier barrier_id(%barrier3A)
    %scan3A = arith.constant 0 : i32
    %scan3A_8 = arith.constant 0 : i32
    %scan3A_9 = arith.constant 196 : i32
    %scan3A_10 = arith.addi %scan3A_8, %scan3A_9 : i32
    %scan3A_11 = arith.constant 1 : i32
    %scan3A_12 = scf.for %scan3A_49 = %scan3A_8 to %scan3A_10 step %scan3A_11 iter_args(%scan3A_50 = %scan3A) -> (i32)  : i32 {
      %mul3A_51 = arith.constant 2 : i32
      %mul3A_52 = arith.muli %scan3A_49, %mul3A_51 : i32
      %add3A_53 = arith.constant 0 : i32
      %add3A_54 = arith.addi %mul3A_52, %add3A_53 : i32
      %mul3A_55 = arith.constant 16 : i32
      %mul3A_56 = arith.muli %add3A_54, %mul3A_55 : i32
      %add3A_57 = arith.addi %mul3A_56, %arg1 : i32
      %lt3A_58 = arith.constant 6250 : i32
      %lt3A_59 = arith.cmpi slt, %add3A_57, %lt3A_58 : i32
      %convert_element_type3A_60 = arith.extui %lt3A_59 : i1 to i32
      %cond3A_61 = arith.constant 0 : i32
      %cond3A_62 = arith.cmpi ne, %convert_element_type3A_60, %cond3A_61 : i32
      scf.if %cond3A_62 {
        %gt3A_76 = arith.constant 0 : i32
        %gt3A_77 = arith.cmpi sgt, %scan3A_49, %gt3A_76 : i32
        %convert_element_type3A_78 = arith.extui %gt3A_77 : i1 to i32
        %cond3A_79 = arith.constant 0 : i32
        %cond3A_80 = arith.cmpi ne, %convert_element_type3A_78, %cond3A_79 : i32
        scf.if %cond3A_80 {
          %dma_wait3A_92 = arith.constant 0 : i32
          %dma_wait3A_93 = arith.constant 0 : i32
          %dma_wait3A_94 = tpu.memref_slice %arg10[%dma_wait3A_92, %dma_wait3A_93] : memref<50000x32xf32, #tpu.memory_space<vmem_shared>> -> memref<50000x32xf32, #tpu.memory_space<vmem_shared>>
          tpu.wait_indirect_dma semaphore(%arg13 : memref<!tpu.dma_semaphore, #tpu.memory_space<semaphore_mem>>) src(%arg6 : memref<128x32xf32, #tpu.memory_space<vmem>>) dst(%dma_wait3A_94 : memref<50000x32xf32, #tpu.memory_space<vmem_shared>>)
        } else {
        }
        %mul3A_81 = arith.constant 128 : i32
        %mul3A_82 = arith.muli %add3A_57, %mul3A_81 : i32
        %dma_start3A = tpu.memref_slice %arg3[%mul3A_82] : memref<800000xi32, #tpu.memory_space<hbm>> -> memref<128xi32, #tpu.memory_space<hbm>>
        %dma_start3A_83 = tpu.memref_slice %arg3[%mul3A_82] : memref<800000xi32, #tpu.memory_space<hbm>> -> memref<128xi32, #tpu.memory_space<hbm>>
        tpu.enqueue_dma source(%dma_start3A_83 : memref<128xi32, #tpu.memory_space<hbm>>) target(%arg7 : memref<128xi32, #tpu.memory_space<vmem>>) target_semaphore(%arg11 : memref<!tpu.dma_semaphore, #tpu.memory_space<semaphore_mem>>)
        %dma_start3A_84 = tpu.memref_slice %arg2[%mul3A_82, %mul3A_7] : memref<800000x128xf32, #tpu.memory_space<hbm>> -> memref<128x32xf32, #tpu.memory_space<hbm>>
        %dma_start3A_85 = tpu.memref_slice %arg2[%mul3A_82, %mul3A_7] : memref<800000x128xf32, #tpu.memory_space<hbm>> -> memref<128x32xf32, #tpu.memory_space<hbm>>
        tpu.enqueue_dma source(%dma_start3A_85 : memref<128x32xf32, #tpu.memory_space<hbm>>) target(%arg6 : memref<128x32xf32, #tpu.memory_space<vmem>>) target_semaphore(%arg11 : memref<!tpu.dma_semaphore, #tpu.memory_space<semaphore_mem>>)
        %dma_wait3A = tpu.memref_slice %arg3[%mul3A_82] : memref<800000xi32, #tpu.memory_space<hbm>> -> memref<128xi32, #tpu.memory_space<hbm>>
        %dma_wait3A_86 = tpu.memref_slice %arg3[%mul3A_82] : memref<800000xi32, #tpu.memory_space<hbm>> -> memref<128xi32, #tpu.memory_space<hbm>>
        tpu.wait_dma2 semaphore(%arg11 : memref<!tpu.dma_semaphore, #tpu.memory_space<semaphore_mem>>) src(%dma_wait3A_86 : memref<128xi32, #tpu.memory_space<hbm>>) dst(%arg7 : memref<128xi32, #tpu.memory_space<vmem>>)
        %dma_wait3A_87 = tpu.memref_slice %arg2[%mul3A_82, %mul3A_7] : memref<800000x128xf32, #tpu.memory_space<hbm>> -> memref<128x32xf32, #tpu.memory_space<hbm>>
        %dma_wait3A_88 = tpu.memref_slice %arg2[%mul3A_82, %mul3A_7] : memref<800000x128xf32, #tpu.memory_space<hbm>> -> memref<128x32xf32, #tpu.memory_space<hbm>>
        tpu.wait_dma2 semaphore(%arg11 : memref<!tpu.dma_semaphore, #tpu.memory_space<semaphore_mem>>) src(%dma_wait3A_88 : memref<128x32xf32, #tpu.memory_space<hbm>>) dst(%arg6 : memref<128x32xf32, #tpu.memory_space<vmem>>)
        %dma_start3A_89 = arith.constant 0 : i32
        %dma_start3A_90 = arith.constant 0 : i32
        %dma_start3A_91 = tpu.memref_slice %arg10[%dma_start3A_89, %dma_start3A_90] : memref<50000x32xf32, #tpu.memory_space<vmem_shared>> -> memref<50000x32xf32, #tpu.memory_space<vmem_shared>>
        tpu.enqueue_indirect_dma source(%arg6 : memref<128x32xf32, #tpu.memory_space<vmem>>) target(%dma_start3A_91 : memref<50000x32xf32, #tpu.memory_space<vmem_shared>>) offsets(%arg7 : memref<128xi32, #tpu.memory_space<vmem>>) semaphore(%arg13 : memref<!tpu.dma_semaphore, #tpu.memory_space<semaphore_mem>>) {add = true}
      } else {
      }
      %mul3A_63 = arith.constant 2 : i32
      %mul3A_64 = arith.muli %scan3A_49, %mul3A_63 : i32
      %add3A_65 = arith.constant 1 : i32
      %add3A_66 = arith.addi %mul3A_64, %add3A_65 : i32
      %mul3A_67 = arith.constant 16 : i32
      %mul3A_68 = arith.muli %add3A_66, %mul3A_67 : i32
      %add3A_69 = arith.addi %mul3A_68, %arg1 : i32
      %lt3A_70 = arith.constant 6250 : i32
      %lt3A_71 = arith.cmpi slt, %add3A_69, %lt3A_70 : i32
      %convert_element_type3A_72 = arith.extui %lt3A_71 : i1 to i32
      %cond3A_73 = arith.constant 0 : i32
      %cond3A_74 = arith.cmpi ne, %convert_element_type3A_72, %cond3A_73 : i32
      scf.if %cond3A_74 {
        %gt3A_76 = arith.constant 0 : i32
        %gt3A_77 = arith.cmpi sgt, %scan3A_49, %gt3A_76 : i32
        %convert_element_type3A_78 = arith.extui %gt3A_77 : i1 to i32
        %cond3A_79 = arith.constant 0 : i32
        %cond3A_80 = arith.cmpi ne, %convert_element_type3A_78, %cond3A_79 : i32
        scf.if %cond3A_80 {
          %dma_wait3A_92 = arith.constant 0 : i32
          %dma_wait3A_93 = arith.constant 0 : i32
          %dma_wait3A_94 = tpu.memref_slice %arg10[%dma_wait3A_92, %dma_wait3A_93] : memref<50000x32xf32, #tpu.memory_space<vmem_shared>> -> memref<50000x32xf32, #tpu.memory_space<vmem_shared>>
          tpu.wait_indirect_dma semaphore(%arg14 : memref<!tpu.dma_semaphore, #tpu.memory_space<semaphore_mem>>) src(%arg8 : memref<128x32xf32, #tpu.memory_space<vmem>>) dst(%dma_wait3A_94 : memref<50000x32xf32, #tpu.memory_space<vmem_shared>>)
        } else {
        }
        %mul3A_81 = arith.constant 128 : i32
        %mul3A_82 = arith.muli %add3A_69, %mul3A_81 : i32
        %dma_start3A = tpu.memref_slice %arg3[%mul3A_82] : memref<800000xi32, #tpu.memory_space<hbm>> -> memref<128xi32, #tpu.memory_space<hbm>>
        %dma_start3A_83 = tpu.memref_slice %arg3[%mul3A_82] : memref<800000xi32, #tpu.memory_space<hbm>> -> memref<128xi32, #tpu.memory_space<hbm>>
        tpu.enqueue_dma source(%dma_start3A_83 : memref<128xi32, #tpu.memory_space<hbm>>) target(%arg9 : memref<128xi32, #tpu.memory_space<vmem>>) target_semaphore(%arg12 : memref<!tpu.dma_semaphore, #tpu.memory_space<semaphore_mem>>)
        %dma_start3A_84 = tpu.memref_slice %arg2[%mul3A_82, %mul3A_7] : memref<800000x128xf32, #tpu.memory_space<hbm>> -> memref<128x32xf32, #tpu.memory_space<hbm>>
        %dma_start3A_85 = tpu.memref_slice %arg2[%mul3A_82, %mul3A_7] : memref<800000x128xf32, #tpu.memory_space<hbm>> -> memref<128x32xf32, #tpu.memory_space<hbm>>
        tpu.enqueue_dma source(%dma_start3A_85 : memref<128x32xf32, #tpu.memory_space<hbm>>) target(%arg8 : memref<128x32xf32, #tpu.memory_space<vmem>>) target_semaphore(%arg12 : memref<!tpu.dma_semaphore, #tpu.memory_space<semaphore_mem>>)
        %dma_wait3A = tpu.memref_slice %arg3[%mul3A_82] : memref<800000xi32, #tpu.memory_space<hbm>> -> memref<128xi32, #tpu.memory_space<hbm>>
        %dma_wait3A_86 = tpu.memref_slice %arg3[%mul3A_82] : memref<800000xi32, #tpu.memory_space<hbm>> -> memref<128xi32, #tpu.memory_space<hbm>>
        tpu.wait_dma2 semaphore(%arg12 : memref<!tpu.dma_semaphore, #tpu.memory_space<semaphore_mem>>) src(%dma_wait3A_86 : memref<128xi32, #tpu.memory_space<hbm>>) dst(%arg9 : memref<128xi32, #tpu.memory_space<vmem>>)
        %dma_wait3A_87 = tpu.memref_slice %arg2[%mul3A_82, %mul3A_7] : memref<800000x128xf32, #tpu.memory_space<hbm>> -> memref<128x32xf32, #tpu.memory_space<hbm>>
        %dma_wait3A_88 = tpu.memref_slice %arg2[%mul3A_82, %mul3A_7] : memref<800000x128xf32, #tpu.memory_space<hbm>> -> memref<128x32xf32, #tpu.memory_space<hbm>>
        tpu.wait_dma2 semaphore(%arg12 : memref<!tpu.dma_semaphore, #tpu.memory_space<semaphore_mem>>) src(%dma_wait3A_88 : memref<128x32xf32, #tpu.memory_space<hbm>>) dst(%arg8 : memref<128x32xf32, #tpu.memory_space<vmem>>)
        %dma_start3A_89 = arith.constant 0 : i32
        %dma_start3A_90 = arith.constant 0 : i32
        %dma_start3A_91 = tpu.memref_slice %arg10[%dma_start3A_89, %dma_start3A_90] : memref<50000x32xf32, #tpu.memory_space<vmem_shared>> -> memref<50000x32xf32, #tpu.memory_space<vmem_shared>>
        tpu.enqueue_indirect_dma source(%arg8 : memref<128x32xf32, #tpu.memory_space<vmem>>) target(%dma_start3A_91 : memref<50000x32xf32, #tpu.memory_space<vmem_shared>>) offsets(%arg9 : memref<128xi32, #tpu.memory_space<vmem>>) semaphore(%arg14 : memref<!tpu.dma_semaphore, #tpu.memory_space<semaphore_mem>>) {add = true}
      } else {
      }
      %scan3A_75 = arith.constant 0 : i32
      scf.yield %scan3A_75 : i32
    }
    %scan3A_13 = arith.constant 196 : i32
    %gt3A = arith.constant 0 : i32
    %gt3A_14 = arith.cmpi sgt, %select_n3A, %gt3A : i32
    %convert_element_type3A = arith.extui %gt3A_14 : i1 to i32
    %cond3A = arith.constant 0 : i32
    %cond3A_15 = arith.cmpi ne, %convert_element_type3A, %cond3A : i32
    scf.if %cond3A_15 {
      %dma_wait3A = arith.constant 0 : i32
      %dma_wait3A_49 = arith.constant 0 : i32
      %dma_wait3A_50 = tpu.memref_slice %arg10[%dma_wait3A, %dma_wait3A_49] : memref<50000x32xf32, #tpu.memory_space<vmem_shared>> -> memref<50000x32xf32, #tpu.memory_space<vmem_shared>>
      tpu.wait_indirect_dma semaphore(%arg13 : memref<!tpu.dma_semaphore, #tpu.memory_space<semaphore_mem>>) src(%arg6 : memref<128x32xf32, #tpu.memory_space<vmem>>) dst(%dma_wait3A_50 : memref<50000x32xf32, #tpu.memory_space<vmem_shared>>)
    } else {
    }
    %gt3A_16 = arith.constant 1 : i32
    %gt3A_17 = arith.cmpi sgt, %select_n3A, %gt3A_16 : i32
    %convert_element_type3A_18 = arith.extui %gt3A_17 : i1 to i32
    %cond3A_19 = arith.constant 0 : i32
    %cond3A_20 = arith.cmpi ne, %convert_element_type3A_18, %cond3A_19 : i32
    scf.if %cond3A_20 {
      %dma_wait3A = arith.constant 0 : i32
      %dma_wait3A_49 = arith.constant 0 : i32
      %dma_wait3A_50 = tpu.memref_slice %arg10[%dma_wait3A, %dma_wait3A_49] : memref<50000x32xf32, #tpu.memory_space<vmem_shared>> -> memref<50000x32xf32, #tpu.memory_space<vmem_shared>>
      tpu.wait_indirect_dma semaphore(%arg14 : memref<!tpu.dma_semaphore, #tpu.memory_space<semaphore_mem>>) src(%arg8 : memref<128x32xf32, #tpu.memory_space<vmem>>) dst(%dma_wait3A_50 : memref<50000x32xf32, #tpu.memory_space<vmem_shared>>)
    } else {
    }
    %barrier3A_21 = arith.constant 0 : index
    tpu.barrier barrier_id(%barrier3A_21)
    "tpu.region"() ({
      %run_scoped3A = tpu.sem_alloc : memref<!tpu.dma_semaphore, #tpu.memory_space<semaphore_mem>>
      %dma_start3A = tpu.memref_slice %arg5[%mul3A_2, %mul3A_7] : memref<50000x128xf32, #tpu.memory_space<hbm>> -> memref<3125x32xf32, #tpu.memory_space<hbm>>
      %dma_start3A_49 = arith.constant 0 : i32
      %dma_start3A_50 = tpu.memref_slice %arg10[%mul3A_2, %dma_start3A_49] : memref<50000x32xf32, #tpu.memory_space<vmem_shared>> -> memref<3125x32xf32, #tpu.memory_space<vmem_shared>>
      tpu.enqueue_dma source(%dma_start3A_50 : memref<3125x32xf32, #tpu.memory_space<vmem_shared>>) target(%dma_start3A : memref<3125x32xf32, #tpu.memory_space<hbm>>) target_semaphore(%run_scoped3A : memref<!tpu.dma_semaphore, #tpu.memory_space<semaphore_mem>>)
      %dma_wait3A = tpu.memref_slice %arg5[%mul3A_2, %mul3A_7] : memref<50000x128xf32, #tpu.memory_space<hbm>> -> memref<3125x32xf32, #tpu.memory_space<hbm>>
      %dma_wait3A_51 = arith.constant 0 : i32
      %dma_wait3A_52 = tpu.memref_slice %arg10[%mul3A_2, %dma_wait3A_51] : memref<50000x32xf32, #tpu.memory_space<vmem_shared>> -> memref<3125x32xf32, #tpu.memory_space<vmem_shared>>
      tpu.wait_dma2 semaphore(%run_scoped3A : memref<!tpu.dma_semaphore, #tpu.memory_space<semaphore_mem>>) src(%dma_wait3A_52 : memref<3125x32xf32, #tpu.memory_space<vmem_shared>>) dst(%dma_wait3A : memref<3125x32xf32, #tpu.memory_space<hbm>>)
      tpu.yield
    }) : () -> ()
    %barrier3A_22 = arith.constant 0 : index
    tpu.barrier barrier_id(%barrier3A_22)
    %mul3A_23 = arith.constant 2 : i32
    %mul3A_24 = arith.muli %arg0, %mul3A_23 : i32
    %add3A_25 = arith.constant 1 : i32
    %add3A_26 = arith.addi %mul3A_24, %add3A_25 : i32
    %mul3A_27 = arith.constant 32 : i32
    %mul3A_28 = arith.muli %add3A_26, %mul3A_27 : i32
    "tpu.region"() ({
      %run_scoped3A = tpu.sem_alloc : memref<!tpu.dma_semaphore, #tpu.memory_space<semaphore_mem>>
      %dma_start3A = arith.constant 0 : i32
      %dma_start3A_49 = tpu.memref_slice %arg10[%mul3A_2, %dma_start3A] : memref<50000x32xf32, #tpu.memory_space<vmem_shared>> -> memref<3125x32xf32, #tpu.memory_space<vmem_shared>>
      %dma_start3A_50 = arith.constant 0 : i32
      %dma_start3A_51 = tpu.memref_slice %arg4[%mul3A_2, %dma_start3A_50] : memref<50000x32xf32, #tpu.memory_space<hbm>> -> memref<3125x32xf32, #tpu.memory_space<hbm>>
      tpu.enqueue_dma source(%dma_start3A_51 : memref<3125x32xf32, #tpu.memory_space<hbm>>) target(%dma_start3A_49 : memref<3125x32xf32, #tpu.memory_space<vmem_shared>>) target_semaphore(%run_scoped3A : memref<!tpu.dma_semaphore, #tpu.memory_space<semaphore_mem>>)
      %dma_wait3A = arith.constant 0 : i32
      %dma_wait3A_52 = tpu.memref_slice %arg10[%mul3A_2, %dma_wait3A] : memref<50000x32xf32, #tpu.memory_space<vmem_shared>> -> memref<3125x32xf32, #tpu.memory_space<vmem_shared>>
      %dma_wait3A_53 = arith.constant 0 : i32
      %dma_wait3A_54 = tpu.memref_slice %arg4[%mul3A_2, %dma_wait3A_53] : memref<50000x32xf32, #tpu.memory_space<hbm>> -> memref<3125x32xf32, #tpu.memory_space<hbm>>
      tpu.wait_dma2 semaphore(%run_scoped3A : memref<!tpu.dma_semaphore, #tpu.memory_space<semaphore_mem>>) src(%dma_wait3A_54 : memref<3125x32xf32, #tpu.memory_space<hbm>>) dst(%dma_wait3A_52 : memref<3125x32xf32, #tpu.memory_space<vmem_shared>>)
      tpu.yield
    }) : () -> ()
    %barrier3A_29 = arith.constant 0 : index
    tpu.barrier barrier_id(%barrier3A_29)
    %scan3A_30 = arith.constant 0 : i32
    %scan3A_31 = arith.constant 0 : i32
    %scan3A_32 = arith.constant 196 : i32
    %scan3A_33 = arith.addi %scan3A_31, %scan3A_32 : i32
    %scan3A_34 = arith.constant 1 : i32
    %scan3A_35 = scf.for %scan3A_49 = %scan3A_31 to %scan3A_33 step %scan3A_34 iter_args(%scan3A_50 = %scan3A_30) -> (i32)  : i32 {
      %mul3A_51 = arith.constant 2 : i32
      %mul3A_52 = arith.muli %scan3A_49, %mul3A_51 : i32
      %add3A_53 = arith.constant 0 : i32
      %add3A_54 = arith.addi %mul3A_52, %add3A_53 : i32
      %mul3A_55 = arith.constant 16 : i32
      %mul3A_56 = arith.muli %add3A_54, %mul3A_55 : i32
      %add3A_57 = arith.addi %mul3A_56, %arg1 : i32
      %lt3A_58 = arith.constant 6250 : i32
      %lt3A_59 = arith.cmpi slt, %add3A_57, %lt3A_58 : i32
      %convert_element_type3A_60 = arith.extui %lt3A_59 : i1 to i32
      %cond3A_61 = arith.constant 0 : i32
      %cond3A_62 = arith.cmpi ne, %convert_element_type3A_60, %cond3A_61 : i32
      scf.if %cond3A_62 {
        %gt3A_76 = arith.constant 0 : i32
        %gt3A_77 = arith.cmpi sgt, %scan3A_49, %gt3A_76 : i32
        %convert_element_type3A_78 = arith.extui %gt3A_77 : i1 to i32
        %cond3A_79 = arith.constant 0 : i32
        %cond3A_80 = arith.cmpi ne, %convert_element_type3A_78, %cond3A_79 : i32
        scf.if %cond3A_80 {
          %dma_wait3A_92 = arith.constant 0 : i32
          %dma_wait3A_93 = arith.constant 0 : i32
          %dma_wait3A_94 = tpu.memref_slice %arg10[%dma_wait3A_92, %dma_wait3A_93] : memref<50000x32xf32, #tpu.memory_space<vmem_shared>> -> memref<50000x32xf32, #tpu.memory_space<vmem_shared>>
          tpu.wait_indirect_dma semaphore(%arg13 : memref<!tpu.dma_semaphore, #tpu.memory_space<semaphore_mem>>) src(%arg6 : memref<128x32xf32, #tpu.memory_space<vmem>>) dst(%dma_wait3A_94 : memref<50000x32xf32, #tpu.memory_space<vmem_shared>>)
        } else {
        }
        %mul3A_81 = arith.constant 128 : i32
        %mul3A_82 = arith.muli %add3A_57, %mul3A_81 : i32
        %dma_start3A = tpu.memref_slice %arg3[%mul3A_82] : memref<800000xi32, #tpu.memory_space<hbm>> -> memref<128xi32, #tpu.memory_space<hbm>>
        %dma_start3A_83 = tpu.memref_slice %arg3[%mul3A_82] : memref<800000xi32, #tpu.memory_space<hbm>> -> memref<128xi32, #tpu.memory_space<hbm>>
        tpu.enqueue_dma source(%dma_start3A_83 : memref<128xi32, #tpu.memory_space<hbm>>) target(%arg7 : memref<128xi32, #tpu.memory_space<vmem>>) target_semaphore(%arg11 : memref<!tpu.dma_semaphore, #tpu.memory_space<semaphore_mem>>)
        %dma_start3A_84 = tpu.memref_slice %arg2[%mul3A_82, %mul3A_28] : memref<800000x128xf32, #tpu.memory_space<hbm>> -> memref<128x32xf32, #tpu.memory_space<hbm>>
        %dma_start3A_85 = tpu.memref_slice %arg2[%mul3A_82, %mul3A_28] : memref<800000x128xf32, #tpu.memory_space<hbm>> -> memref<128x32xf32, #tpu.memory_space<hbm>>
        tpu.enqueue_dma source(%dma_start3A_85 : memref<128x32xf32, #tpu.memory_space<hbm>>) target(%arg6 : memref<128x32xf32, #tpu.memory_space<vmem>>) target_semaphore(%arg11 : memref<!tpu.dma_semaphore, #tpu.memory_space<semaphore_mem>>)
        %dma_wait3A = tpu.memref_slice %arg3[%mul3A_82] : memref<800000xi32, #tpu.memory_space<hbm>> -> memref<128xi32, #tpu.memory_space<hbm>>
        %dma_wait3A_86 = tpu.memref_slice %arg3[%mul3A_82] : memref<800000xi32, #tpu.memory_space<hbm>> -> memref<128xi32, #tpu.memory_space<hbm>>
        tpu.wait_dma2 semaphore(%arg11 : memref<!tpu.dma_semaphore, #tpu.memory_space<semaphore_mem>>) src(%dma_wait3A_86 : memref<128xi32, #tpu.memory_space<hbm>>) dst(%arg7 : memref<128xi32, #tpu.memory_space<vmem>>)
        %dma_wait3A_87 = tpu.memref_slice %arg2[%mul3A_82, %mul3A_28] : memref<800000x128xf32, #tpu.memory_space<hbm>> -> memref<128x32xf32, #tpu.memory_space<hbm>>
        %dma_wait3A_88 = tpu.memref_slice %arg2[%mul3A_82, %mul3A_28] : memref<800000x128xf32, #tpu.memory_space<hbm>> -> memref<128x32xf32, #tpu.memory_space<hbm>>
        tpu.wait_dma2 semaphore(%arg11 : memref<!tpu.dma_semaphore, #tpu.memory_space<semaphore_mem>>) src(%dma_wait3A_88 : memref<128x32xf32, #tpu.memory_space<hbm>>) dst(%arg6 : memref<128x32xf32, #tpu.memory_space<vmem>>)
        %dma_start3A_89 = arith.constant 0 : i32
        %dma_start3A_90 = arith.constant 0 : i32
        %dma_start3A_91 = tpu.memref_slice %arg10[%dma_start3A_89, %dma_start3A_90] : memref<50000x32xf32, #tpu.memory_space<vmem_shared>> -> memref<50000x32xf32, #tpu.memory_space<vmem_shared>>
        tpu.enqueue_indirect_dma source(%arg6 : memref<128x32xf32, #tpu.memory_space<vmem>>) target(%dma_start3A_91 : memref<50000x32xf32, #tpu.memory_space<vmem_shared>>) offsets(%arg7 : memref<128xi32, #tpu.memory_space<vmem>>) semaphore(%arg13 : memref<!tpu.dma_semaphore, #tpu.memory_space<semaphore_mem>>) {add = true}
      } else {
      }
      %mul3A_63 = arith.constant 2 : i32
      %mul3A_64 = arith.muli %scan3A_49, %mul3A_63 : i32
      %add3A_65 = arith.constant 1 : i32
      %add3A_66 = arith.addi %mul3A_64, %add3A_65 : i32
      %mul3A_67 = arith.constant 16 : i32
      %mul3A_68 = arith.muli %add3A_66, %mul3A_67 : i32
      %add3A_69 = arith.addi %mul3A_68, %arg1 : i32
      %lt3A_70 = arith.constant 6250 : i32
      %lt3A_71 = arith.cmpi slt, %add3A_69, %lt3A_70 : i32
      %convert_element_type3A_72 = arith.extui %lt3A_71 : i1 to i32
      %cond3A_73 = arith.constant 0 : i32
      %cond3A_74 = arith.cmpi ne, %convert_element_type3A_72, %cond3A_73 : i32
      scf.if %cond3A_74 {
        %gt3A_76 = arith.constant 0 : i32
        %gt3A_77 = arith.cmpi sgt, %scan3A_49, %gt3A_76 : i32
        %convert_element_type3A_78 = arith.extui %gt3A_77 : i1 to i32
        %cond3A_79 = arith.constant 0 : i32
        %cond3A_80 = arith.cmpi ne, %convert_element_type3A_78, %cond3A_79 : i32
        scf.if %cond3A_80 {
          %dma_wait3A_92 = arith.constant 0 : i32
          %dma_wait3A_93 = arith.constant 0 : i32
          %dma_wait3A_94 = tpu.memref_slice %arg10[%dma_wait3A_92, %dma_wait3A_93] : memref<50000x32xf32, #tpu.memory_space<vmem_shared>> -> memref<50000x32xf32, #tpu.memory_space<vmem_shared>>
          tpu.wait_indirect_dma semaphore(%arg14 : memref<!tpu.dma_semaphore, #tpu.memory_space<semaphore_mem>>) src(%arg8 : memref<128x32xf32, #tpu.memory_space<vmem>>) dst(%dma_wait3A_94 : memref<50000x32xf32, #tpu.memory_space<vmem_shared>>)
        } else {
        }
        %mul3A_81 = arith.constant 128 : i32
        %mul3A_82 = arith.muli %add3A_69, %mul3A_81 : i32
        %dma_start3A = tpu.memref_slice %arg3[%mul3A_82] : memref<800000xi32, #tpu.memory_space<hbm>> -> memref<128xi32, #tpu.memory_space<hbm>>
        %dma_start3A_83 = tpu.memref_slice %arg3[%mul3A_82] : memref<800000xi32, #tpu.memory_space<hbm>> -> memref<128xi32, #tpu.memory_space<hbm>>
        tpu.enqueue_dma source(%dma_start3A_83 : memref<128xi32, #tpu.memory_space<hbm>>) target(%arg9 : memref<128xi32, #tpu.memory_space<vmem>>) target_semaphore(%arg12 : memref<!tpu.dma_semaphore, #tpu.memory_space<semaphore_mem>>)
        %dma_start3A_84 = tpu.memref_slice %arg2[%mul3A_82, %mul3A_28] : memref<800000x128xf32, #tpu.memory_space<hbm>> -> memref<128x32xf32, #tpu.memory_space<hbm>>
        %dma_start3A_85 = tpu.memref_slice %arg2[%mul3A_82, %mul3A_28] : memref<800000x128xf32, #tpu.memory_space<hbm>> -> memref<128x32xf32, #tpu.memory_space<hbm>>
        tpu.enqueue_dma source(%dma_start3A_85 : memref<128x32xf32, #tpu.memory_space<hbm>>) target(%arg8 : memref<128x32xf32, #tpu.memory_space<vmem>>) target_semaphore(%arg12 : memref<!tpu.dma_semaphore, #tpu.memory_space<semaphore_mem>>)
        %dma_wait3A = tpu.memref_slice %arg3[%mul3A_82] : memref<800000xi32, #tpu.memory_space<hbm>> -> memref<128xi32, #tpu.memory_space<hbm>>
        %dma_wait3A_86 = tpu.memref_slice %arg3[%mul3A_82] : memref<800000xi32, #tpu.memory_space<hbm>> -> memref<128xi32, #tpu.memory_space<hbm>>
        tpu.wait_dma2 semaphore(%arg12 : memref<!tpu.dma_semaphore, #tpu.memory_space<semaphore_mem>>) src(%dma_wait3A_86 : memref<128xi32, #tpu.memory_space<hbm>>) dst(%arg9 : memref<128xi32, #tpu.memory_space<vmem>>)
        %dma_wait3A_87 = tpu.memref_slice %arg2[%mul3A_82, %mul3A_28] : memref<800000x128xf32, #tpu.memory_space<hbm>> -> memref<128x32xf32, #tpu.memory_space<hbm>>
        %dma_wait3A_88 = tpu.memref_slice %arg2[%mul3A_82, %mul3A_28] : memref<800000x128xf32, #tpu.memory_space<hbm>> -> memref<128x32xf32, #tpu.memory_space<hbm>>
        tpu.wait_dma2 semaphore(%arg12 : memref<!tpu.dma_semaphore, #tpu.memory_space<semaphore_mem>>) src(%dma_wait3A_88 : memref<128x32xf32, #tpu.memory_space<hbm>>) dst(%arg8 : memref<128x32xf32, #tpu.memory_space<vmem>>)
        %dma_start3A_89 = arith.constant 0 : i32
        %dma_start3A_90 = arith.constant 0 : i32
        %dma_start3A_91 = tpu.memref_slice %arg10[%dma_start3A_89, %dma_start3A_90] : memref<50000x32xf32, #tpu.memory_space<vmem_shared>> -> memref<50000x32xf32, #tpu.memory_space<vmem_shared>>
        tpu.enqueue_indirect_dma source(%arg8 : memref<128x32xf32, #tpu.memory_space<vmem>>) target(%dma_start3A_91 : memref<50000x32xf32, #tpu.memory_space<vmem_shared>>) offsets(%arg9 : memref<128xi32, #tpu.memory_space<vmem>>) semaphore(%arg14 : memref<!tpu.dma_semaphore, #tpu.memory_space<semaphore_mem>>) {add = true}
      } else {
      }
      %scan3A_75 = arith.constant 0 : i32
      scf.yield %scan3A_75 : i32
    }
    %scan3A_36 = arith.constant 196 : i32
    %gt3A_37 = arith.constant 0 : i32
    %gt3A_38 = arith.cmpi sgt, %select_n3A, %gt3A_37 : i32
    %convert_element_type3A_39 = arith.extui %gt3A_38 : i1 to i32
    %cond3A_40 = arith.constant 0 : i32
    %cond3A_41 = arith.cmpi ne, %convert_element_type3A_39, %cond3A_40 : i32
    scf.if %cond3A_41 {
      %dma_wait3A = arith.constant 0 : i32
      %dma_wait3A_49 = arith.constant 0 : i32
      %dma_wait3A_50 = tpu.memref_slice %arg10[%dma_wait3A, %dma_wait3A_49] : memref<50000x32xf32, #tpu.memory_space<vmem_shared>> -> memref<50000x32xf32, #tpu.memory_space<vmem_shared>>
      tpu.wait_indirect_dma semaphore(%arg13 : memref<!tpu.dma_semaphore, #tpu.memory_space<semaphore_mem>>) src(%arg6 : memref<128x32xf32, #tpu.memory_space<vmem>>) dst(%dma_wait3A_50 : memref<50000x32xf32, #tpu.memory_space<vmem_shared>>)
    } else {
    }
    %gt3A_42 = arith.constant 1 : i32
    %gt3A_43 = arith.cmpi sgt, %select_n3A, %gt3A_42 : i32
    %convert_element_type3A_44 = arith.extui %gt3A_43 : i1 to i32
    %cond3A_45 = arith.constant 0 : i32
    %cond3A_46 = arith.cmpi ne, %convert_element_type3A_44, %cond3A_45 : i32
    scf.if %cond3A_46 {
      %dma_wait3A = arith.constant 0 : i32
      %dma_wait3A_49 = arith.constant 0 : i32
      %dma_wait3A_50 = tpu.memref_slice %arg10[%dma_wait3A, %dma_wait3A_49] : memref<50000x32xf32, #tpu.memory_space<vmem_shared>> -> memref<50000x32xf32, #tpu.memory_space<vmem_shared>>
      tpu.wait_indirect_dma semaphore(%arg14 : memref<!tpu.dma_semaphore, #tpu.memory_space<semaphore_mem>>) src(%arg8 : memref<128x32xf32, #tpu.memory_space<vmem>>) dst(%dma_wait3A_50 : memref<50000x32xf32, #tpu.memory_space<vmem_shared>>)
    } else {
    }
    %barrier3A_47 = arith.constant 0 : index
    tpu.barrier barrier_id(%barrier3A_47)
    "tpu.region"() ({
      %run_scoped3A = tpu.sem_alloc : memref<!tpu.dma_semaphore, #tpu.memory_space<semaphore_mem>>
      %dma_start3A = tpu.memref_slice %arg5[%mul3A_2, %mul3A_28] : memref<50000x128xf32, #tpu.memory_space<hbm>> -> memref<3125x32xf32, #tpu.memory_space<hbm>>
      %dma_start3A_49 = arith.constant 0 : i32
      %dma_start3A_50 = tpu.memref_slice %arg10[%mul3A_2, %dma_start3A_49] : memref<50000x32xf32, #tpu.memory_space<vmem_shared>> -> memref<3125x32xf32, #tpu.memory_space<vmem_shared>>
      tpu.enqueue_dma source(%dma_start3A_50 : memref<3125x32xf32, #tpu.memory_space<vmem_shared>>) target(%dma_start3A : memref<3125x32xf32, #tpu.memory_space<hbm>>) target_semaphore(%run_scoped3A : memref<!tpu.dma_semaphore, #tpu.memory_space<semaphore_mem>>)
      %dma_wait3A = tpu.memref_slice %arg5[%mul3A_2, %mul3A_28] : memref<50000x128xf32, #tpu.memory_space<hbm>> -> memref<3125x32xf32, #tpu.memory_space<hbm>>
      %dma_wait3A_51 = arith.constant 0 : i32
      %dma_wait3A_52 = tpu.memref_slice %arg10[%mul3A_2, %dma_wait3A_51] : memref<50000x32xf32, #tpu.memory_space<vmem_shared>> -> memref<3125x32xf32, #tpu.memory_space<vmem_shared>>
      tpu.wait_dma2 semaphore(%run_scoped3A : memref<!tpu.dma_semaphore, #tpu.memory_space<semaphore_mem>>) src(%dma_wait3A_52 : memref<3125x32xf32, #tpu.memory_space<vmem_shared>>) dst(%dma_wait3A : memref<3125x32xf32, #tpu.memory_space<hbm>>)
      tpu.yield
    }) : () -> ()
    %barrier3A_48 = arith.constant 0 : index
    tpu.barrier barrier_id(%barrier3A_48)
    return
  }
}

#map = affine_map<(d0, d1) -> (0, 0)>
#map1 = affine_map<(d0, d1) -> (0)>
module attributes {stable_mosaic.version = 14 : i64} {
  func.func @body(%arg0: i32, %arg1: i32, %arg2: memref<800000x128xf32, #tpu.memory_space<hbm>>, %arg3: memref<800000xi32, #tpu.memory_space<hbm>>, %arg4: memref<50000x32xf32, #tpu.memory_space<hbm>>, %arg5: memref<50000x128xf32, #tpu.memory_space<hbm>>, %arg6: memref<128x32xf32, #tpu.memory_space<vmem>>, %arg7: memref<128xi32, #tpu.memory_space<vmem>>, %arg8: memref<128x32xf32, #tpu.memory_space<vmem>>, %arg9: memref<128xi32, #tpu.memory_space<vmem>>, %arg10: memref<50000x32xf32, #tpu.memory_space<vmem_shared>>, %arg11: memref<!tpu.dma_semaphore, #tpu.memory_space<semaphore_mem>>, %arg12: memref<!tpu.dma_semaphore, #tpu.memory_space<semaphore_mem>>, %arg13: memref<!tpu.dma_semaphore, #tpu.memory_space<semaphore_mem>>, %arg14: memref<!tpu.dma_semaphore, #tpu.memory_space<semaphore_mem>>) attributes {dimension_semantics = [#tpu.dimension_semantics<core_parallel>, #tpu.dimension_semantics<subcore_parallel>], iteration_bounds = array<i64: 2, 16>, scalar_prefetch = 0 : i64, scratch_operands = 9 : i64, tpu.core_type = #tpu.core_type<sc_vector_subcore>, window_params = [{transform_indices = #map}, {transform_indices = #map1}, {transform_indices = #map}, {transform_indices = #map}]} {
    %lt3A = arith.constant 10 : i32
    %lt3A_0 = arith.cmpi slt, %arg1, %lt3A : i32
    %jit3A = arith.constant 391 : i32
    %jit3A_1 = arith.constant 390 : i32
    %select_n3A = arith.select %lt3A_0, %jit3A, %jit3A_1 : i32
    %mul3A = arith.constant 3125 : i32
    %mul3A_2 = arith.muli %arg1, %mul3A : i32
    %mul3A_3 = arith.constant 2 : i32
    %mul3A_4 = arith.muli %arg0, %mul3A_3 : i32
    %add3A = arith.constant 0 : i32
    %add3A_5 = arith.addi %mul3A_4, %add3A : i32
    %mul3A_6 = arith.constant 32 : i32
    %mul3A_7 = arith.muli %add3A_5, %mul3A_6 : i32
    "tpu.region"() ({
      %run_scoped3A = tpu.sem_alloc : memref<!tpu.dma_semaphore, #tpu.memory_space<semaphore_mem>>
      %dma_start3A = arith.constant 0 : i32
      %dma_start3A_49 = tpu.memref_slice %arg10[%mul3A_2, %dma_start3A] : memref<50000x32xf32, #tpu.memory_space<vmem_shared>> -> memref<3125x32xf32, #tpu.memory_space<vmem_shared>>
      %dma_start3A_50 = arith.constant 0 : i32
      %dma_start3A_51 = tpu.memref_slice %arg4[%mul3A_2, %dma_start3A_50] : memref<50000x32xf32, #tpu.memory_space<hbm>> -> memref<3125x32xf32, #tpu.memory_space<hbm>>
      tpu.enqueue_dma source(%dma_start3A_51 : memref<3125x32xf32, #tpu.memory_space<hbm>>) target(%dma_start3A_49 : memref<3125x32xf32, #tpu.memory_space<vmem_shared>>) target_semaphore(%run_scoped3A : memref<!tpu.dma_semaphore, #tpu.memory_space<semaphore_mem>>)
      %dma_wait3A = arith.constant 0 : i32
      %dma_wait3A_52 = tpu.memref_slice %arg10[%mul3A_2, %dma_wait3A] : memref<50000x32xf32, #tpu.memory_space<vmem_shared>> -> memref<3125x32xf32, #tpu.memory_space<vmem_shared>>
      %dma_wait3A_53 = arith.constant 0 : i32
      %dma_wait3A_54 = tpu.memref_slice %arg4[%mul3A_2, %dma_wait3A_53] : memref<50000x32xf32, #tpu.memory_space<hbm>> -> memref<3125x32xf32, #tpu.memory_space<hbm>>
      tpu.wait_dma2 semaphore(%run_scoped3A : memref<!tpu.dma_semaphore, #tpu.memory_space<semaphore_mem>>) src(%dma_wait3A_54 : memref<3125x32xf32, #tpu.memory_space<hbm>>) dst(%dma_wait3A_52 : memref<3125x32xf32, #tpu.memory_space<vmem_shared>>)
      tpu.yield
    }) : () -> ()
    %barrier3A = arith.constant 0 : index
    tpu.barrier barrier_id(%barrier3A)
    %scan3A = arith.constant 0 : i32
    %scan3A_8 = arith.constant 0 : i32
    %scan3A_9 = arith.constant 196 : i32
    %scan3A_10 = arith.addi %scan3A_8, %scan3A_9 : i32
    %scan3A_11 = arith.constant 1 : i32
    %scan3A_12 = scf.for %scan3A_49 = %scan3A_8 to %scan3A_10 step %scan3A_11 iter_args(%scan3A_50 = %scan3A) -> (i32)  : i32 {
      %mul3A_51 = arith.constant 2 : i32
      %mul3A_52 = arith.muli %scan3A_49, %mul3A_51 : i32
      %add3A_53 = arith.constant 0 : i32
      %add3A_54 = arith.addi %mul3A_52, %add3A_53 : i32
      %mul3A_55 = arith.constant 16 : i32
      %mul3A_56 = arith.muli %add3A_54, %mul3A_55 : i32
      %add3A_57 = arith.addi %mul3A_56, %arg1 : i32
      %lt3A_58 = arith.constant 6250 : i32
      %lt3A_59 = arith.cmpi slt, %add3A_57, %lt3A_58 : i32
      %convert_element_type3A_60 = arith.extui %lt3A_59 : i1 to i32
      %cond3A_61 = arith.constant 0 : i32
      %cond3A_62 = arith.cmpi ne, %convert_element_type3A_60, %cond3A_61 : i32
      scf.if %cond3A_62 {
        %gt3A_76 = arith.constant 0 : i32
        %gt3A_77 = arith.cmpi sgt, %scan3A_49, %gt3A_76 : i32
        %convert_element_type3A_78 = arith.extui %gt3A_77 : i1 to i32
        %cond3A_79 = arith.constant 0 : i32
        %cond3A_80 = arith.cmpi ne, %convert_element_type3A_78, %cond3A_79 : i32
        scf.if %cond3A_80 {
          %dma_wait3A_92 = arith.constant 0 : i32
          %dma_wait3A_93 = arith.constant 0 : i32
          %dma_wait3A_94 = tpu.memref_slice %arg10[%dma_wait3A_92, %dma_wait3A_93] : memref<50000x32xf32, #tpu.memory_space<vmem_shared>> -> memref<50000x32xf32, #tpu.memory_space<vmem_shared>>
          tpu.wait_indirect_dma semaphore(%arg13 : memref<!tpu.dma_semaphore, #tpu.memory_space<semaphore_mem>>) src(%arg6 : memref<128x32xf32, #tpu.memory_space<vmem>>) dst(%dma_wait3A_94 : memref<50000x32xf32, #tpu.memory_space<vmem_shared>>)
        } else {
        }
        %mul3A_81 = arith.constant 128 : i32
        %mul3A_82 = arith.muli %add3A_57, %mul3A_81 : i32
        %dma_start3A = tpu.memref_slice %arg3[%mul3A_82] : memref<800000xi32, #tpu.memory_space<hbm>> -> memref<128xi32, #tpu.memory_space<hbm>>
        %dma_start3A_83 = tpu.memref_slice %arg3[%mul3A_82] : memref<800000xi32, #tpu.memory_space<hbm>> -> memref<128xi32, #tpu.memory_space<hbm>>
        tpu.enqueue_dma source(%dma_start3A_83 : memref<128xi32, #tpu.memory_space<hbm>>) target(%arg7 : memref<128xi32, #tpu.memory_space<vmem>>) target_semaphore(%arg11 : memref<!tpu.dma_semaphore, #tpu.memory_space<semaphore_mem>>)
        %dma_start3A_84 = tpu.memref_slice %arg2[%mul3A_82, %mul3A_7] : memref<800000x128xf32, #tpu.memory_space<hbm>> -> memref<128x32xf32, #tpu.memory_space<hbm>>
        %dma_start3A_85 = tpu.memref_slice %arg2[%mul3A_82, %mul3A_7] : memref<800000x128xf32, #tpu.memory_space<hbm>> -> memref<128x32xf32, #tpu.memory_space<hbm>>
        tpu.enqueue_dma source(%dma_start3A_85 : memref<128x32xf32, #tpu.memory_space<hbm>>) target(%arg6 : memref<128x32xf32, #tpu.memory_space<vmem>>) target_semaphore(%arg11 : memref<!tpu.dma_semaphore, #tpu.memory_space<semaphore_mem>>)
        %dma_wait3A = tpu.memref_slice %arg3[%mul3A_82] : memref<800000xi32, #tpu.memory_space<hbm>> -> memref<128xi32, #tpu.memory_space<hbm>>
        %dma_wait3A_86 = tpu.memref_slice %arg3[%mul3A_82] : memref<800000xi32, #tpu.memory_space<hbm>> -> memref<128xi32, #tpu.memory_space<hbm>>
        tpu.wait_dma2 semaphore(%arg11 : memref<!tpu.dma_semaphore, #tpu.memory_space<semaphore_mem>>) src(%dma_wait3A_86 : memref<128xi32, #tpu.memory_space<hbm>>) dst(%arg7 : memref<128xi32, #tpu.memory_space<vmem>>)
        %dma_wait3A_87 = tpu.memref_slice %arg2[%mul3A_82, %mul3A_7] : memref<800000x128xf32, #tpu.memory_space<hbm>> -> memref<128x32xf32, #tpu.memory_space<hbm>>
        %dma_wait3A_88 = tpu.memref_slice %arg2[%mul3A_82, %mul3A_7] : memref<800000x128xf32, #tpu.memory_space<hbm>> -> memref<128x32xf32, #tpu.memory_space<hbm>>
        tpu.wait_dma2 semaphore(%arg11 : memref<!tpu.dma_semaphore, #tpu.memory_space<semaphore_mem>>) src(%dma_wait3A_88 : memref<128x32xf32, #tpu.memory_space<hbm>>) dst(%arg6 : memref<128x32xf32, #tpu.memory_space<vmem>>)
        %dma_start3A_89 = arith.constant 0 : i32
        %dma_start3A_90 = arith.constant 0 : i32
        %dma_start3A_91 = tpu.memref_slice %arg10[%dma_start3A_89, %dma_start3A_90] : memref<50000x32xf32, #tpu.memory_space<vmem_shared>> -> memref<50000x32xf32, #tpu.memory_space<vmem_shared>>
        tpu.enqueue_indirect_dma source(%arg6 : memref<128x32xf32, #tpu.memory_space<vmem>>) target(%dma_start3A_91 : memref<50000x32xf32, #tpu.memory_space<vmem_shared>>) offsets(%arg7 : memref<128xi32, #tpu.memory_space<vmem>>) semaphore(%arg13 : memref<!tpu.dma_semaphore, #tpu.memory_space<semaphore_mem>>) {add = true}
      } else {
      }
      %mul3A_63 = arith.constant 2 : i32
      %mul3A_64 = arith.muli %scan3A_49, %mul3A_63 : i32
      %add3A_65 = arith.constant 1 : i32
      %add3A_66 = arith.addi %mul3A_64, %add3A_65 : i32
      %mul3A_67 = arith.constant 16 : i32
      %mul3A_68 = arith.muli %add3A_66, %mul3A_67 : i32
      %add3A_69 = arith.addi %mul3A_68, %arg1 : i32
      %lt3A_70 = arith.constant 6250 : i32
      %lt3A_71 = arith.cmpi slt, %add3A_69, %lt3A_70 : i32
      %convert_element_type3A_72 = arith.extui %lt3A_71 : i1 to i32
      %cond3A_73 = arith.constant 0 : i32
      %cond3A_74 = arith.cmpi ne, %convert_element_type3A_72, %cond3A_73 : i32
      scf.if %cond3A_74 {
        %gt3A_76 = arith.constant 0 : i32
        %gt3A_77 = arith.cmpi sgt, %scan3A_49, %gt3A_76 : i32
        %convert_element_type3A_78 = arith.extui %gt3A_77 : i1 to i32
        %cond3A_79 = arith.constant 0 : i32
        %cond3A_80 = arith.cmpi ne, %convert_element_type3A_78, %cond3A_79 : i32
        scf.if %cond3A_80 {
          %dma_wait3A_92 = arith.constant 0 : i32
          %dma_wait3A_93 = arith.constant 0 : i32
          %dma_wait3A_94 = tpu.memref_slice %arg10[%dma_wait3A_92, %dma_wait3A_93] : memref<50000x32xf32, #tpu.memory_space<vmem_shared>> -> memref<50000x32xf32, #tpu.memory_space<vmem_shared>>
          tpu.wait_indirect_dma semaphore(%arg14 : memref<!tpu.dma_semaphore, #tpu.memory_space<semaphore_mem>>) src(%arg8 : memref<128x32xf32, #tpu.memory_space<vmem>>) dst(%dma_wait3A_94 : memref<50000x32xf32, #tpu.memory_space<vmem_shared>>)
        } else {
        }
        %mul3A_81 = arith.constant 128 : i32
        %mul3A_82 = arith.muli %add3A_69, %mul3A_81 : i32
        %dma_start3A = tpu.memref_slice %arg3[%mul3A_82] : memref<800000xi32, #tpu.memory_space<hbm>> -> memref<128xi32, #tpu.memory_space<hbm>>
        %dma_start3A_83 = tpu.memref_slice %arg3[%mul3A_82] : memref<800000xi32, #tpu.memory_space<hbm>> -> memref<128xi32, #tpu.memory_space<hbm>>
        tpu.enqueue_dma source(%dma_start3A_83 : memref<128xi32, #tpu.memory_space<hbm>>) target(%arg9 : memref<128xi32, #tpu.memory_space<vmem>>) target_semaphore(%arg12 : memref<!tpu.dma_semaphore, #tpu.memory_space<semaphore_mem>>)
        %dma_start3A_84 = tpu.memref_slice %arg2[%mul3A_82, %mul3A_7] : memref<800000x128xf32, #tpu.memory_space<hbm>> -> memref<128x32xf32, #tpu.memory_space<hbm>>
        %dma_start3A_85 = tpu.memref_slice %arg2[%mul3A_82, %mul3A_7] : memref<800000x128xf32, #tpu.memory_space<hbm>> -> memref<128x32xf32, #tpu.memory_space<hbm>>
        tpu.enqueue_dma source(%dma_start3A_85 : memref<128x32xf32, #tpu.memory_space<hbm>>) target(%arg8 : memref<128x32xf32, #tpu.memory_space<vmem>>) target_semaphore(%arg12 : memref<!tpu.dma_semaphore, #tpu.memory_space<semaphore_mem>>)
        %dma_wait3A = tpu.memref_slice %arg3[%mul3A_82] : memref<800000xi32, #tpu.memory_space<hbm>> -> memref<128xi32, #tpu.memory_space<hbm>>
        %dma_wait3A_86 = tpu.memref_slice %arg3[%mul3A_82] : memref<800000xi32, #tpu.memory_space<hbm>> -> memref<128xi32, #tpu.memory_space<hbm>>
        tpu.wait_dma2 semaphore(%arg12 : memref<!tpu.dma_semaphore, #tpu.memory_space<semaphore_mem>>) src(%dma_wait3A_86 : memref<128xi32, #tpu.memory_space<hbm>>) dst(%arg9 : memref<128xi32, #tpu.memory_space<vmem>>)
        %dma_wait3A_87 = tpu.memref_slice %arg2[%mul3A_82, %mul3A_7] : memref<800000x128xf32, #tpu.memory_space<hbm>> -> memref<128x32xf32, #tpu.memory_space<hbm>>
        %dma_wait3A_88 = tpu.memref_slice %arg2[%mul3A_82, %mul3A_7] : memref<800000x128xf32, #tpu.memory_space<hbm>> -> memref<128x32xf32, #tpu.memory_space<hbm>>
        tpu.wait_dma2 semaphore(%arg12 : memref<!tpu.dma_semaphore, #tpu.memory_space<semaphore_mem>>) src(%dma_wait3A_88 : memref<128x32xf32, #tpu.memory_space<hbm>>) dst(%arg8 : memref<128x32xf32, #tpu.memory_space<vmem>>)
        %dma_start3A_89 = arith.constant 0 : i32
        %dma_start3A_90 = arith.constant 0 : i32
        %dma_start3A_91 = tpu.memref_slice %arg10[%dma_start3A_89, %dma_start3A_90] : memref<50000x32xf32, #tpu.memory_space<vmem_shared>> -> memref<50000x32xf32, #tpu.memory_space<vmem_shared>>
        tpu.enqueue_indirect_dma source(%arg8 : memref<128x32xf32, #tpu.memory_space<vmem>>) target(%dma_start3A_91 : memref<50000x32xf32, #tpu.memory_space<vmem_shared>>) offsets(%arg9 : memref<128xi32, #tpu.memory_space<vmem>>) semaphore(%arg14 : memref<!tpu.dma_semaphore, #tpu.memory_space<semaphore_mem>>) {add = true}
      } else {
      }
      %scan3A_75 = arith.constant 0 : i32
      scf.yield %scan3A_75 : i32
    }
    %scan3A_13 = arith.constant 196 : i32
    %gt3A = arith.constant 0 : i32
    %gt3A_14 = arith.cmpi sgt, %select_n3A, %gt3A : i32
    %convert_element_type3A = arith.extui %gt3A_14 : i1 to i32
    %cond3A = arith.constant 0 : i32
    %cond3A_15 = arith.cmpi ne, %convert_element_type3A, %cond3A : i32
    scf.if %cond3A_15 {
      %dma_wait3A = arith.constant 0 : i32
      %dma_wait3A_49 = arith.constant 0 : i32
      %dma_wait3A_50 = tpu.memref_slice %arg10[%dma_wait3A, %dma_wait3A_49] : memref<50000x32xf32, #tpu.memory_space<vmem_shared>> -> memref<50000x32xf32, #tpu.memory_space<vmem_shared>>
      tpu.wait_indirect_dma semaphore(%arg13 : memref<!tpu.dma_semaphore, #tpu.memory_space<semaphore_mem>>) src(%arg6 : memref<128x32xf32, #tpu.memory_space<vmem>>) dst(%dma_wait3A_50 : memref<50000x32xf32, #tpu.memory_space<vmem_shared>>)
    } else {
    }
    %gt3A_16 = arith.constant 1 : i32
    %gt3A_17 = arith.cmpi sgt, %select_n3A, %gt3A_16 : i32
    %convert_element_type3A_18 = arith.extui %gt3A_17 : i1 to i32
    %cond3A_19 = arith.constant 0 : i32
    %cond3A_20 = arith.cmpi ne, %convert_element_type3A_18, %cond3A_19 : i32
    scf.if %cond3A_20 {
      %dma_wait3A = arith.constant 0 : i32
      %dma_wait3A_49 = arith.constant 0 : i32
      %dma_wait3A_50 = tpu.memref_slice %arg10[%dma_wait3A, %dma_wait3A_49] : memref<50000x32xf32, #tpu.memory_space<vmem_shared>> -> memref<50000x32xf32, #tpu.memory_space<vmem_shared>>
      tpu.wait_indirect_dma semaphore(%arg14 : memref<!tpu.dma_semaphore, #tpu.memory_space<semaphore_mem>>) src(%arg8 : memref<128x32xf32, #tpu.memory_space<vmem>>) dst(%dma_wait3A_50 : memref<50000x32xf32, #tpu.memory_space<vmem_shared>>)
    } else {
    }
    %barrier3A_21 = arith.constant 0 : index
    tpu.barrier barrier_id(%barrier3A_21)
    "tpu.region"() ({
      %run_scoped3A = tpu.sem_alloc : memref<!tpu.dma_semaphore, #tpu.memory_space<semaphore_mem>>
      %dma_start3A = tpu.memref_slice %arg5[%mul3A_2, %mul3A_7] : memref<50000x128xf32, #tpu.memory_space<hbm>> -> memref<3125x32xf32, #tpu.memory_space<hbm>>
      %dma_start3A_49 = arith.constant 0 : i32
      %dma_start3A_50 = tpu.memref_slice %arg10[%mul3A_2, %dma_start3A_49] : memref<50000x32xf32, #tpu.memory_space<vmem_shared>> -> memref<3125x32xf32, #tpu.memory_space<vmem_shared>>
      tpu.enqueue_dma source(%dma_start3A_50 : memref<3125x32xf32, #tpu.memory_space<vmem_shared>>) target(%dma_start3A : memref<3125x32xf32, #tpu.memory_space<hbm>>) target_semaphore(%run_scoped3A : memref<!tpu.dma_semaphore, #tpu.memory_space<semaphore_mem>>)
      %dma_wait3A = tpu.memref_slice %arg5[%mul3A_2, %mul3A_7] : memref<50000x128xf32, #tpu.memory_space<hbm>> -> memref<3125x32xf32, #tpu.memory_space<hbm>>
      %dma_wait3A_51 = arith.constant 0 : i32
      %dma_wait3A_52 = tpu.memref_slice %arg10[%mul3A_2, %dma_wait3A_51] : memref<50000x32xf32, #tpu.memory_space<vmem_shared>> -> memref<3125x32xf32, #tpu.memory_space<vmem_shared>>
      tpu.wait_dma2 semaphore(%run_scoped3A : memref<!tpu.dma_semaphore, #tpu.memory_space<semaphore_mem>>) src(%dma_wait3A_52 : memref<3125x32xf32, #tpu.memory_space<vmem_shared>>) dst(%dma_wait3A : memref<3125x32xf32, #tpu.memory_space<hbm>>)
      tpu.yield
    }) : () -> ()
    %barrier3A_22 = arith.constant 0 : index
    tpu.barrier barrier_id(%barrier3A_22)
    %mul3A_23 = arith.constant 2 : i32
    %mul3A_24 = arith.muli %arg0, %mul3A_23 : i32
    %add3A_25 = arith.constant 1 : i32
    %add3A_26 = arith.addi %mul3A_24, %add3A_25 : i32
    %mul3A_27 = arith.constant 32 : i32
    %mul3A_28 = arith.muli %add3A_26, %mul3A_27 : i32
    "tpu.region"() ({
      %run_scoped3A = tpu.sem_alloc : memref<!tpu.dma_semaphore, #tpu.memory_space<semaphore_mem>>
      %dma_start3A = arith.constant 0 : i32
      %dma_start3A_49 = tpu.memref_slice %arg10[%mul3A_2, %dma_start3A] : memref<50000x32xf32, #tpu.memory_space<vmem_shared>> -> memref<3125x32xf32, #tpu.memory_space<vmem_shared>>
      %dma_start3A_50 = arith.constant 0 : i32
      %dma_start3A_51 = tpu.memref_slice %arg4[%mul3A_2, %dma_start3A_50] : memref<50000x32xf32, #tpu.memory_space<hbm>> -> memref<3125x32xf32, #tpu.memory_space<hbm>>
      tpu.enqueue_dma source(%dma_start3A_51 : memref<3125x32xf32, #tpu.memory_space<hbm>>) target(%dma_start3A_49 : memref<3125x32xf32, #tpu.memory_space<vmem_shared>>) target_semaphore(%run_scoped3A : memref<!tpu.dma_semaphore, #tpu.memory_space<semaphore_mem>>)
      %dma_wait3A = arith.constant 0 : i32
      %dma_wait3A_52 = tpu.memref_slice %arg10[%mul3A_2, %dma_wait3A] : memref<50000x32xf32, #tpu.memory_space<vmem_shared>> -> memref<3125x32xf32, #tpu.memory_space<vmem_shared>>
      %dma_wait3A_53 = arith.constant 0 : i32
      %dma_wait3A_54 = tpu.memref_slice %arg4[%mul3A_2, %dma_wait3A_53] : memref<50000x32xf32, #tpu.memory_space<hbm>> -> memref<3125x32xf32, #tpu.memory_space<hbm>>
      tpu.wait_dma2 semaphore(%run_scoped3A : memref<!tpu.dma_semaphore, #tpu.memory_space<semaphore_mem>>) src(%dma_wait3A_54 : memref<3125x32xf32, #tpu.memory_space<hbm>>) dst(%dma_wait3A_52 : memref<3125x32xf32, #tpu.memory_space<vmem_shared>>)
      tpu.yield
    }) : () -> ()
    %barrier3A_29 = arith.constant 0 : index
    tpu.barrier barrier_id(%barrier3A_29)
    %scan3A_30 = arith.constant 0 : i32
    %scan3A_31 = arith.constant 0 : i32
    %scan3A_32 = arith.constant 196 : i32
    %scan3A_33 = arith.addi %scan3A_31, %scan3A_32 : i32
    %scan3A_34 = arith.constant 1 : i32
    %scan3A_35 = scf.for %scan3A_49 = %scan3A_31 to %scan3A_33 step %scan3A_34 iter_args(%scan3A_50 = %scan3A_30) -> (i32)  : i32 {
      %mul3A_51 = arith.constant 2 : i32
      %mul3A_52 = arith.muli %scan3A_49, %mul3A_51 : i32
      %add3A_53 = arith.constant 0 : i32
      %add3A_54 = arith.addi %mul3A_52, %add3A_53 : i32
      %mul3A_55 = arith.constant 16 : i32
      %mul3A_56 = arith.muli %add3A_54, %mul3A_55 : i32
      %add3A_57 = arith.addi %mul3A_56, %arg1 : i32
      %lt3A_58 = arith.constant 6250 : i32
      %lt3A_59 = arith.cmpi slt, %add3A_57, %lt3A_58 : i32
      %convert_element_type3A_60 = arith.extui %lt3A_59 : i1 to i32
      %cond3A_61 = arith.constant 0 : i32
      %cond3A_62 = arith.cmpi ne, %convert_element_type3A_60, %cond3A_61 : i32
      scf.if %cond3A_62 {
        %gt3A_76 = arith.constant 0 : i32
        %gt3A_77 = arith.cmpi sgt, %scan3A_49, %gt3A_76 : i32
        %convert_element_type3A_78 = arith.extui %gt3A_77 : i1 to i32
        %cond3A_79 = arith.constant 0 : i32
        %cond3A_80 = arith.cmpi ne, %convert_element_type3A_78, %cond3A_79 : i32
        scf.if %cond3A_80 {
          %dma_wait3A_92 = arith.constant 0 : i32
          %dma_wait3A_93 = arith.constant 0 : i32
          %dma_wait3A_94 = tpu.memref_slice %arg10[%dma_wait3A_92, %dma_wait3A_93] : memref<50000x32xf32, #tpu.memory_space<vmem_shared>> -> memref<50000x32xf32, #tpu.memory_space<vmem_shared>>
          tpu.wait_indirect_dma semaphore(%arg13 : memref<!tpu.dma_semaphore, #tpu.memory_space<semaphore_mem>>) src(%arg6 : memref<128x32xf32, #tpu.memory_space<vmem>>) dst(%dma_wait3A_94 : memref<50000x32xf32, #tpu.memory_space<vmem_shared>>)
        } else {
        }
        %mul3A_81 = arith.constant 128 : i32
        %mul3A_82 = arith.muli %add3A_57, %mul3A_81 : i32
        %dma_start3A = tpu.memref_slice %arg3[%mul3A_82] : memref<800000xi32, #tpu.memory_space<hbm>> -> memref<128xi32, #tpu.memory_space<hbm>>
        %dma_start3A_83 = tpu.memref_slice %arg3[%mul3A_82] : memref<800000xi32, #tpu.memory_space<hbm>> -> memref<128xi32, #tpu.memory_space<hbm>>
        tpu.enqueue_dma source(%dma_start3A_83 : memref<128xi32, #tpu.memory_space<hbm>>) target(%arg7 : memref<128xi32, #tpu.memory_space<vmem>>) target_semaphore(%arg11 : memref<!tpu.dma_semaphore, #tpu.memory_space<semaphore_mem>>)
        %dma_start3A_84 = tpu.memref_slice %arg2[%mul3A_82, %mul3A_28] : memref<800000x128xf32, #tpu.memory_space<hbm>> -> memref<128x32xf32, #tpu.memory_space<hbm>>
        %dma_start3A_85 = tpu.memref_slice %arg2[%mul3A_82, %mul3A_28] : memref<800000x128xf32, #tpu.memory_space<hbm>> -> memref<128x32xf32, #tpu.memory_space<hbm>>
        tpu.enqueue_dma source(%dma_start3A_85 : memref<128x32xf32, #tpu.memory_space<hbm>>) target(%arg6 : memref<128x32xf32, #tpu.memory_space<vmem>>) target_semaphore(%arg11 : memref<!tpu.dma_semaphore, #tpu.memory_space<semaphore_mem>>)
        %dma_wait3A = tpu.memref_slice %arg3[%mul3A_82] : memref<800000xi32, #tpu.memory_space<hbm>> -> memref<128xi32, #tpu.memory_space<hbm>>
        %dma_wait3A_86 = tpu.memref_slice %arg3[%mul3A_82] : memref<800000xi32, #tpu.memory_space<hbm>> -> memref<128xi32, #tpu.memory_space<hbm>>
        tpu.wait_dma2 semaphore(%arg11 : memref<!tpu.dma_semaphore, #tpu.memory_space<semaphore_mem>>) src(%dma_wait3A_86 : memref<128xi32, #tpu.memory_space<hbm>>) dst(%arg7 : memref<128xi32, #tpu.memory_space<vmem>>)
        %dma_wait3A_87 = tpu.memref_slice %arg2[%mul3A_82, %mul3A_28] : memref<800000x128xf32, #tpu.memory_space<hbm>> -> memref<128x32xf32, #tpu.memory_space<hbm>>
        %dma_wait3A_88 = tpu.memref_slice %arg2[%mul3A_82, %mul3A_28] : memref<800000x128xf32, #tpu.memory_space<hbm>> -> memref<128x32xf32, #tpu.memory_space<hbm>>
        tpu.wait_dma2 semaphore(%arg11 : memref<!tpu.dma_semaphore, #tpu.memory_space<semaphore_mem>>) src(%dma_wait3A_88 : memref<128x32xf32, #tpu.memory_space<hbm>>) dst(%arg6 : memref<128x32xf32, #tpu.memory_space<vmem>>)
        %dma_start3A_89 = arith.constant 0 : i32
        %dma_start3A_90 = arith.constant 0 : i32
        %dma_start3A_91 = tpu.memref_slice %arg10[%dma_start3A_89, %dma_start3A_90] : memref<50000x32xf32, #tpu.memory_space<vmem_shared>> -> memref<50000x32xf32, #tpu.memory_space<vmem_shared>>
        tpu.enqueue_indirect_dma source(%arg6 : memref<128x32xf32, #tpu.memory_space<vmem>>) target(%dma_start3A_91 : memref<50000x32xf32, #tpu.memory_space<vmem_shared>>) offsets(%arg7 : memref<128xi32, #tpu.memory_space<vmem>>) semaphore(%arg13 : memref<!tpu.dma_semaphore, #tpu.memory_space<semaphore_mem>>) {add = true}
      } else {
      }
      %mul3A_63 = arith.constant 2 : i32
      %mul3A_64 = arith.muli %scan3A_49, %mul3A_63 : i32
      %add3A_65 = arith.constant 1 : i32
      %add3A_66 = arith.addi %mul3A_64, %add3A_65 : i32
      %mul3A_67 = arith.constant 16 : i32
      %mul3A_68 = arith.muli %add3A_66, %mul3A_67 : i32
      %add3A_69 = arith.addi %mul3A_68, %arg1 : i32
      %lt3A_70 = arith.constant 6250 : i32
      %lt3A_71 = arith.cmpi slt, %add3A_69, %lt3A_70 : i32
      %convert_element_type3A_72 = arith.extui %lt3A_71 : i1 to i32
      %cond3A_73 = arith.constant 0 : i32
      %cond3A_74 = arith.cmpi ne, %convert_element_type3A_72, %cond3A_73 : i32
      scf.if %cond3A_74 {
        %gt3A_76 = arith.constant 0 : i32
        %gt3A_77 = arith.cmpi sgt, %scan3A_49, %gt3A_76 : i32
        %convert_element_type3A_78 = arith.extui %gt3A_77 : i1 to i32
        %cond3A_79 = arith.constant 0 : i32
        %cond3A_80 = arith.cmpi ne, %convert_element_type3A_78, %cond3A_79 : i32
        scf.if %cond3A_80 {
          %dma_wait3A_92 = arith.constant 0 : i32
          %dma_wait3A_93 = arith.constant 0 : i32
          %dma_wait3A_94 = tpu.memref_slice %arg10[%dma_wait3A_92, %dma_wait3A_93] : memref<50000x32xf32, #tpu.memory_space<vmem_shared>> -> memref<50000x32xf32, #tpu.memory_space<vmem_shared>>
          tpu.wait_indirect_dma semaphore(%arg14 : memref<!tpu.dma_semaphore, #tpu.memory_space<semaphore_mem>>) src(%arg8 : memref<128x32xf32, #tpu.memory_space<vmem>>) dst(%dma_wait3A_94 : memref<50000x32xf32, #tpu.memory_space<vmem_shared>>)
        } else {
        }
        %mul3A_81 = arith.constant 128 : i32
        %mul3A_82 = arith.muli %add3A_69, %mul3A_81 : i32
        %dma_start3A = tpu.memref_slice %arg3[%mul3A_82] : memref<800000xi32, #tpu.memory_space<hbm>> -> memref<128xi32, #tpu.memory_space<hbm>>
        %dma_start3A_83 = tpu.memref_slice %arg3[%mul3A_82] : memref<800000xi32, #tpu.memory_space<hbm>> -> memref<128xi32, #tpu.memory_space<hbm>>
        tpu.enqueue_dma source(%dma_start3A_83 : memref<128xi32, #tpu.memory_space<hbm>>) target(%arg9 : memref<128xi32, #tpu.memory_space<vmem>>) target_semaphore(%arg12 : memref<!tpu.dma_semaphore, #tpu.memory_space<semaphore_mem>>)
        %dma_start3A_84 = tpu.memref_slice %arg2[%mul3A_82, %mul3A_28] : memref<800000x128xf32, #tpu.memory_space<hbm>> -> memref<128x32xf32, #tpu.memory_space<hbm>>
        %dma_start3A_85 = tpu.memref_slice %arg2[%mul3A_82, %mul3A_28] : memref<800000x128xf32, #tpu.memory_space<hbm>> -> memref<128x32xf32, #tpu.memory_space<hbm>>
        tpu.enqueue_dma source(%dma_start3A_85 : memref<128x32xf32, #tpu.memory_space<hbm>>) target(%arg8 : memref<128x32xf32, #tpu.memory_space<vmem>>) target_semaphore(%arg12 : memref<!tpu.dma_semaphore, #tpu.memory_space<semaphore_mem>>)
        %dma_wait3A = tpu.memref_slice %arg3[%mul3A_82] : memref<800000xi32, #tpu.memory_space<hbm>> -> memref<128xi32, #tpu.memory_space<hbm>>
        %dma_wait3A_86 = tpu.memref_slice %arg3[%mul3A_82] : memref<800000xi32, #tpu.memory_space<hbm>> -> memref<128xi32, #tpu.memory_space<hbm>>
        tpu.wait_dma2 semaphore(%arg12 : memref<!tpu.dma_semaphore, #tpu.memory_space<semaphore_mem>>) src(%dma_wait3A_86 : memref<128xi32, #tpu.memory_space<hbm>>) dst(%arg9 : memref<128xi32, #tpu.memory_space<vmem>>)
        %dma_wait3A_87 = tpu.memref_slice %arg2[%mul3A_82, %mul3A_28] : memref<800000x128xf32, #tpu.memory_space<hbm>> -> memref<128x32xf32, #tpu.memory_space<hbm>>
        %dma_wait3A_88 = tpu.memref_slice %arg2[%mul3A_82, %mul3A_28] : memref<800000x128xf32, #tpu.memory_space<hbm>> -> memref<128x32xf32, #tpu.memory_space<hbm>>
        tpu.wait_dma2 semaphore(%arg12 : memref<!tpu.dma_semaphore, #tpu.memory_space<semaphore_mem>>) src(%dma_wait3A_88 : memref<128x32xf32, #tpu.memory_space<hbm>>) dst(%arg8 : memref<128x32xf32, #tpu.memory_space<vmem>>)
        %dma_start3A_89 = arith.constant 0 : i32
        %dma_start3A_90 = arith.constant 0 : i32
        %dma_start3A_91 = tpu.memref_slice %arg10[%dma_start3A_89, %dma_start3A_90] : memref<50000x32xf32, #tpu.memory_space<vmem_shared>> -> memref<50000x32xf32, #tpu.memory_space<vmem_shared>>
        tpu.enqueue_indirect_dma source(%arg8 : memref<128x32xf32, #tpu.memory_space<vmem>>) target(%dma_start3A_91 : memref<50000x32xf32, #tpu.memory_space<vmem_shared>>) offsets(%arg9 : memref<128xi32, #tpu.memory_space<vmem>>) semaphore(%arg14 : memref<!tpu.dma_semaphore, #tpu.memory_space<semaphore_mem>>) {add = true}
      } else {
      }
      %scan3A_75 = arith.constant 0 : i32
      scf.yield %scan3A_75 : i32
    }
    %scan3A_36 = arith.constant 196 : i32
    %gt3A_37 = arith.constant 0 : i32
    %gt3A_38 = arith.cmpi sgt, %select_n3A, %gt3A_37 : i32
    %convert_element_type3A_39 = arith.extui %gt3A_38 : i1 to i32
    %cond3A_40 = arith.constant 0 : i32
    %cond3A_41 = arith.cmpi ne, %convert_element_type3A_39, %cond3A_40 : i32
    scf.if %cond3A_41 {
      %dma_wait3A = arith.constant 0 : i32
      %dma_wait3A_49 = arith.constant 0 : i32
      %dma_wait3A_50 = tpu.memref_slice %arg10[%dma_wait3A, %dma_wait3A_49] : memref<50000x32xf32, #tpu.memory_space<vmem_shared>> -> memref<50000x32xf32, #tpu.memory_space<vmem_shared>>
      tpu.wait_indirect_dma semaphore(%arg13 : memref<!tpu.dma_semaphore, #tpu.memory_space<semaphore_mem>>) src(%arg6 : memref<128x32xf32, #tpu.memory_space<vmem>>) dst(%dma_wait3A_50 : memref<50000x32xf32, #tpu.memory_space<vmem_shared>>)
    } else {
    }
    %gt3A_42 = arith.constant 1 : i32
    %gt3A_43 = arith.cmpi sgt, %select_n3A, %gt3A_42 : i32
    %convert_element_type3A_44 = arith.extui %gt3A_43 : i1 to i32
    %cond3A_45 = arith.constant 0 : i32
    %cond3A_46 = arith.cmpi ne, %convert_element_type3A_44, %cond3A_45 : i32
    scf.if %cond3A_46 {
      %dma_wait3A = arith.constant 0 : i32
      %dma_wait3A_49 = arith.constant 0 : i32
      %dma_wait3A_50 = tpu.memref_slice %arg10[%dma_wait3A, %dma_wait3A_49] : memref<50000x32xf32, #tpu.memory_space<vmem_shared>> -> memref<50000x32xf32, #tpu.memory_space<vmem_shared>>
      tpu.wait_indirect_dma semaphore(%arg14 : memref<!tpu.dma_semaphore, #tpu.memory_space<semaphore_mem>>) src(%arg8 : memref<128x32xf32, #tpu.memory_space<vmem>>) dst(%dma_wait3A_50 : memref<50000x32xf32, #tpu.memory_space<vmem_shared>>)
    } else {
    }
    %barrier3A_47 = arith.constant 0 : index
    tpu.barrier barrier_id(%barrier3A_47)
    "tpu.region"() ({
      %run_scoped3A = tpu.sem_alloc : memref<!tpu.dma_semaphore, #tpu.memory_space<semaphore_mem>>
      %dma_start3A = tpu.memref_slice %arg5[%mul3A_2, %mul3A_28] : memref<50000x128xf32, #tpu.memory_space<hbm>> -> memref<3125x32xf32, #tpu.memory_space<hbm>>
      %dma_start3A_49 = arith.constant 0 : i32
      %dma_start3A_50 = tpu.memref_slice %arg10[%mul3A_2, %dma_start3A_49] : memref<50000x32xf32, #tpu.memory_space<vmem_shared>> -> memref<3125x32xf32, #tpu.memory_space<vmem_shared>>
      tpu.enqueue_dma source(%dma_start3A_50 : memref<3125x32xf32, #tpu.memory_space<vmem_shared>>) target(%dma_start3A : memref<3125x32xf32, #tpu.memory_space<hbm>>) target_semaphore(%run_scoped3A : memref<!tpu.dma_semaphore, #tpu.memory_space<semaphore_mem>>)
      %dma_wait3A = tpu.memref_slice %arg5[%mul3A_2, %mul3A_28] : memref<50000x128xf32, #tpu.memory_space<hbm>> -> memref<3125x32xf32, #tpu.memory_space<hbm>>
      %dma_wait3A_51 = arith.constant 0 : i32
      %dma_wait3A_52 = tpu.memref_slice %arg10[%mul3A_2, %dma_wait3A_51] : memref<50000x32xf32, #tpu.memory_space<vmem_shared>> -> memref<3125x32xf32, #tpu.memory_space<vmem_shared>>
      tpu.wait_dma2 semaphore(%run_scoped3A : memref<!tpu.dma_semaphore, #tpu.memory_space<semaphore_mem>>) src(%dma_wait3A_52 : memref<3125x32xf32, #tpu.memory_space<vmem_shared>>) dst(%dma_wait3A : memref<3125x32xf32, #tpu.memory_space<hbm>>)
      tpu.yield
    }) : () -> ()
    %barrier3A_48 = arith.constant 0 : index
    tpu.barrier barrier_id(%barrier3A_48)
    return
  }
}

#map = affine_map<(d0, d1) -> (0, 0)>
#map1 = affine_map<(d0, d1) -> (0)>
module attributes {stable_mosaic.version = 14 : i64} {
  func.func @body(%arg0: i32, %arg1: i32, %arg2: memref<50000x64xf32, #tpu.memory_space<hbm>>, %arg3: memref<50000x64xf32, #tpu.memory_space<hbm>>, %arg4: memref<50000x48xf32, #tpu.memory_space<hbm>>, %arg5: memref<50000x8xf32, #tpu.memory_space<hbm>>, %arg6: memref<50000x8xf32, #tpu.memory_space<hbm>>, %arg7: memref<800000xi32, #tpu.memory_space<hbm>>, %arg8: memref<800000xi32, #tpu.memory_space<hbm>>, %arg9: memref<800000x128xf32, #tpu.memory_space<hbm>>, %arg10: memref<800000x128xf32, #tpu.memory_space<hbm>>, %arg11: memref<128xi32, #tpu.memory_space<vmem>>, %arg12: memref<128xi32, #tpu.memory_space<vmem>>, %arg13: memref<128x64xf32, #tpu.memory_space<vmem>>, %arg14: memref<128x64xf32, #tpu.memory_space<vmem>>, %arg15: memref<128x48xf32, #tpu.memory_space<vmem>>, %arg16: memref<128x8xf32, #tpu.memory_space<vmem>>, %arg17: memref<128x8xf32, #tpu.memory_space<vmem>>, %arg18: memref<!tpu.dma_semaphore, #tpu.memory_space<semaphore_mem>>, %arg19: memref<!tpu.dma_semaphore, #tpu.memory_space<semaphore_mem>>, %arg20: memref<!tpu.dma_semaphore, #tpu.memory_space<semaphore_mem>>) attributes {dimension_semantics = [#tpu.dimension_semantics<core_parallel>, #tpu.dimension_semantics<subcore_parallel>], iteration_bounds = array<i64: 2, 16>, scalar_prefetch = 0 : i64, scratch_operands = 10 : i64, tpu.core_type = #tpu.core_type<sc_vector_subcore>, window_params = [{transform_indices = #map}, {transform_indices = #map}, {transform_indices = #map}, {transform_indices = #map}, {transform_indices = #map}, {transform_indices = #map1}, {transform_indices = #map1}, {transform_indices = #map}, {transform_indices = #map}]} {
    %mul3A = arith.constant 2 : i32
    %mul3A_0 = arith.muli %arg1, %mul3A : i32
    %add3A = arith.addi %mul3A_0, %arg0 : i32
    %lt3A = arith.constant 10 : i32
    %lt3A_1 = arith.cmpi slt, %add3A, %lt3A : i32
    %jit3A = arith.constant 196 : i32
    %jit3A_2 = arith.constant 195 : i32
    %select_n3A = arith.select %lt3A_1, %jit3A, %jit3A_2 : i32
    %while3A = arith.constant 0 : i32
    %while3A_3 = arith.constant 0 : i32
    %while3A_4 = arith.subi %select_n3A, %while3A : i32
    %while3A_5 = arith.addi %while3A, %while3A_4 : i32
    %while3A_6 = arith.constant 1 : i32
    %while3A_7 = arith.divsi %while3A_4, %while3A_6 : i32
    %while3A_8 = arith.muli %while3A_7, %while3A_6 : i32
    %while3A_9 = arith.addi %while3A, %while3A_8 : i32
    %while3A_10 = arith.constant 1 : i32
    %while3A_11 = scf.for %while3A_16 = %while3A to %while3A_9 step %while3A_10 iter_args(%while3A_17 = %while3A_3) -> (i32)  : i32 {
      %mul3A_18 = arith.constant 32 : i32
      %mul3A_19 = arith.muli %while3A_16, %mul3A_18 : i32
      %add3A_20 = arith.addi %mul3A_19, %add3A : i32
      %mul3A_21 = arith.constant 128 : i32
      %mul3A_22 = arith.muli %add3A_20, %mul3A_21 : i32
      %dma_start3A = tpu.memref_slice %arg7[%mul3A_22] : memref<800000xi32, #tpu.memory_space<hbm>> -> memref<128xi32, #tpu.memory_space<hbm>>
      %dma_start3A_23 = tpu.memref_slice %arg7[%mul3A_22] : memref<800000xi32, #tpu.memory_space<hbm>> -> memref<128xi32, #tpu.memory_space<hbm>>
      tpu.enqueue_dma source(%dma_start3A_23 : memref<128xi32, #tpu.memory_space<hbm>>) target(%arg11 : memref<128xi32, #tpu.memory_space<vmem>>) target_semaphore(%arg19 : memref<!tpu.dma_semaphore, #tpu.memory_space<semaphore_mem>>)
      %dma_start3A_24 = tpu.memref_slice %arg8[%mul3A_22] : memref<800000xi32, #tpu.memory_space<hbm>> -> memref<128xi32, #tpu.memory_space<hbm>>
      %dma_start3A_25 = tpu.memref_slice %arg8[%mul3A_22] : memref<800000xi32, #tpu.memory_space<hbm>> -> memref<128xi32, #tpu.memory_space<hbm>>
      tpu.enqueue_dma source(%dma_start3A_25 : memref<128xi32, #tpu.memory_space<hbm>>) target(%arg12 : memref<128xi32, #tpu.memory_space<vmem>>) target_semaphore(%arg19 : memref<!tpu.dma_semaphore, #tpu.memory_space<semaphore_mem>>)
      %gt3A_26 = arith.constant 0 : i32
      %gt3A_27 = arith.cmpi sgt, %while3A_16, %gt3A_26 : i32
      %convert_element_type3A_28 = arith.extui %gt3A_27 : i1 to i32
      %cond3A_29 = arith.constant 0 : i32
      %cond3A_30 = arith.cmpi ne, %convert_element_type3A_28, %cond3A_29 : i32
      scf.if %cond3A_30 {
        %dma_wait3A_85 = arith.constant 0 : i32
        %dma_wait3A_86 = tpu.memref_slice %arg9[%mul3A_22, %dma_wait3A_85] : memref<800000x128xf32, #tpu.memory_space<hbm>> -> memref<128x64xf32, #tpu.memory_space<hbm>>
        %dma_wait3A_87 = arith.constant 0 : i32
        %dma_wait3A_88 = tpu.memref_slice %arg9[%mul3A_22, %dma_wait3A_87] : memref<800000x128xf32, #tpu.memory_space<hbm>> -> memref<128x64xf32, #tpu.memory_space<hbm>>
        tpu.wait_dma2 semaphore(%arg20 : memref<!tpu.dma_semaphore, #tpu.memory_space<semaphore_mem>>) src(%arg13 : memref<128x64xf32, #tpu.memory_space<vmem>>) dst(%dma_wait3A_88 : memref<128x64xf32, #tpu.memory_space<hbm>>)
        %dma_wait3A_89 = arith.constant 64 : i32
        %dma_wait3A_90 = tpu.memref_slice %arg9[%mul3A_22, %dma_wait3A_89] : memref<800000x128xf32, #tpu.memory_space<hbm>> -> memref<128x64xf32, #tpu.memory_space<hbm>>
        %dma_wait3A_91 = arith.constant 64 : i32
        %dma_wait3A_92 = tpu.memref_slice %arg9[%mul3A_22, %dma_wait3A_91] : memref<800000x128xf32, #tpu.memory_space<hbm>> -> memref<128x64xf32, #tpu.memory_space<hbm>>
        tpu.wait_dma2 semaphore(%arg20 : memref<!tpu.dma_semaphore, #tpu.memory_space<semaphore_mem>>) src(%arg14 : memref<128x64xf32, #tpu.memory_space<vmem>>) dst(%dma_wait3A_92 : memref<128x64xf32, #tpu.memory_space<hbm>>)
        %dma_wait3A_93 = arith.constant 0 : i32
        %dma_wait3A_94 = tpu.memref_slice %arg10[%mul3A_22, %dma_wait3A_93] : memref<800000x128xf32, #tpu.memory_space<hbm>> -> memref<128x48xf32, #tpu.memory_space<hbm>>
        %dma_wait3A_95 = arith.constant 0 : i32
        %dma_wait3A_96 = tpu.memref_slice %arg10[%mul3A_22, %dma_wait3A_95] : memref<800000x128xf32, #tpu.memory_space<hbm>> -> memref<128x48xf32, #tpu.memory_space<hbm>>
        tpu.wait_dma2 semaphore(%arg20 : memref<!tpu.dma_semaphore, #tpu.memory_space<semaphore_mem>>) src(%arg15 : memref<128x48xf32, #tpu.memory_space<vmem>>) dst(%dma_wait3A_96 : memref<128x48xf32, #tpu.memory_space<hbm>>)
        %dma_wait3A_97 = arith.constant 48 : i32
        %dma_wait3A_98 = tpu.memref_slice %arg10[%mul3A_22, %dma_wait3A_97] : memref<800000x128xf32, #tpu.memory_space<hbm>> -> memref<128x8xf32, #tpu.memory_space<hbm>>
        %dma_wait3A_99 = arith.constant 48 : i32
        %dma_wait3A_100 = tpu.memref_slice %arg10[%mul3A_22, %dma_wait3A_99] : memref<800000x128xf32, #tpu.memory_space<hbm>> -> memref<128x8xf32, #tpu.memory_space<hbm>>
        tpu.wait_dma2 semaphore(%arg20 : memref<!tpu.dma_semaphore, #tpu.memory_space<semaphore_mem>>) src(%arg16 : memref<128x8xf32, #tpu.memory_space<vmem>>) dst(%dma_wait3A_100 : memref<128x8xf32, #tpu.memory_space<hbm>>)
        %dma_wait3A_101 = arith.constant 56 : i32
        %dma_wait3A_102 = tpu.memref_slice %arg10[%mul3A_22, %dma_wait3A_101] : memref<800000x128xf32, #tpu.memory_space<hbm>> -> memref<128x8xf32, #tpu.memory_space<hbm>>
        %dma_wait3A_103 = arith.constant 56 : i32
        %dma_wait3A_104 = tpu.memref_slice %arg10[%mul3A_22, %dma_wait3A_103] : memref<800000x128xf32, #tpu.memory_space<hbm>> -> memref<128x8xf32, #tpu.memory_space<hbm>>
        tpu.wait_dma2 semaphore(%arg20 : memref<!tpu.dma_semaphore, #tpu.memory_space<semaphore_mem>>) src(%arg17 : memref<128x8xf32, #tpu.memory_space<vmem>>) dst(%dma_wait3A_104 : memref<128x8xf32, #tpu.memory_space<hbm>>)
      } else {
      }
      %dma_wait3A = tpu.memref_slice %arg7[%mul3A_22] : memref<800000xi32, #tpu.memory_space<hbm>> -> memref<128xi32, #tpu.memory_space<hbm>>
      %dma_wait3A_31 = tpu.memref_slice %arg7[%mul3A_22] : memref<800000xi32, #tpu.memory_space<hbm>> -> memref<128xi32, #tpu.memory_space<hbm>>
      tpu.wait_dma2 semaphore(%arg19 : memref<!tpu.dma_semaphore, #tpu.memory_space<semaphore_mem>>) src(%dma_wait3A_31 : memref<128xi32, #tpu.memory_space<hbm>>) dst(%arg11 : memref<128xi32, #tpu.memory_space<vmem>>)
      %dma_wait3A_32 = tpu.memref_slice %arg8[%mul3A_22] : memref<800000xi32, #tpu.memory_space<hbm>> -> memref<128xi32, #tpu.memory_space<hbm>>
      %dma_wait3A_33 = tpu.memref_slice %arg8[%mul3A_22] : memref<800000xi32, #tpu.memory_space<hbm>> -> memref<128xi32, #tpu.memory_space<hbm>>
      tpu.wait_dma2 semaphore(%arg19 : memref<!tpu.dma_semaphore, #tpu.memory_space<semaphore_mem>>) src(%dma_wait3A_33 : memref<128xi32, #tpu.memory_space<hbm>>) dst(%arg12 : memref<128xi32, #tpu.memory_space<vmem>>)
      %dma_start3A_34 = arith.constant 0 : i32
      %dma_start3A_35 = arith.constant 0 : i32
      %dma_start3A_36 = tpu.memref_slice %arg2[%dma_start3A_34, %dma_start3A_35] : memref<50000x64xf32, #tpu.memory_space<hbm>> -> memref<50000x64xf32, #tpu.memory_space<hbm>>
      tpu.enqueue_indirect_dma source(%dma_start3A_36 : memref<50000x64xf32, #tpu.memory_space<hbm>>) target(%arg13 : memref<128x64xf32, #tpu.memory_space<vmem>>) offsets(%arg11 : memref<128xi32, #tpu.memory_space<vmem>>) semaphore(%arg18 : memref<!tpu.dma_semaphore, #tpu.memory_space<semaphore_mem>>)
      %dma_start3A_37 = arith.constant 0 : i32
      %dma_start3A_38 = arith.constant 0 : i32
      %dma_start3A_39 = tpu.memref_slice %arg3[%dma_start3A_37, %dma_start3A_38] : memref<50000x64xf32, #tpu.memory_space<hbm>> -> memref<50000x64xf32, #tpu.memory_space<hbm>>
      tpu.enqueue_indirect_dma source(%dma_start3A_39 : memref<50000x64xf32, #tpu.memory_space<hbm>>) target(%arg14 : memref<128x64xf32, #tpu.memory_space<vmem>>) offsets(%arg12 : memref<128xi32, #tpu.memory_space<vmem>>) semaphore(%arg18 : memref<!tpu.dma_semaphore, #tpu.memory_space<semaphore_mem>>)
      %dma_start3A_40 = arith.constant 0 : i32
      %dma_start3A_41 = arith.constant 0 : i32
      %dma_start3A_42 = tpu.memref_slice %arg4[%dma_start3A_40, %dma_start3A_41] : memref<50000x48xf32, #tpu.memory_space<hbm>> -> memref<50000x48xf32, #tpu.memory_space<hbm>>
      tpu.enqueue_indirect_dma source(%dma_start3A_42 : memref<50000x48xf32, #tpu.memory_space<hbm>>) target(%arg15 : memref<128x48xf32, #tpu.memory_space<vmem>>) offsets(%arg11 : memref<128xi32, #tpu.memory_space<vmem>>) semaphore(%arg18 : memref<!tpu.dma_semaphore, #tpu.memory_space<semaphore_mem>>)
      %dma_start3A_43 = arith.constant 0 : i32
      %dma_start3A_44 = arith.constant 0 : i32
      %dma_start3A_45 = tpu.memref_slice %arg5[%dma_start3A_43, %dma_start3A_44] : memref<50000x8xf32, #tpu.memory_space<hbm>> -> memref<50000x8xf32, #tpu.memory_space<hbm>>
      tpu.enqueue_indirect_dma source(%dma_start3A_45 : memref<50000x8xf32, #tpu.memory_space<hbm>>) target(%arg16 : memref<128x8xf32, #tpu.memory_space<vmem>>) offsets(%arg11 : memref<128xi32, #tpu.memory_space<vmem>>) semaphore(%arg18 : memref<!tpu.dma_semaphore, #tpu.memory_space<semaphore_mem>>)
      %dma_start3A_46 = arith.constant 0 : i32
      %dma_start3A_47 = arith.constant 0 : i32
      %dma_start3A_48 = tpu.memref_slice %arg6[%dma_start3A_46, %dma_start3A_47] : memref<50000x8xf32, #tpu.memory_space<hbm>> -> memref<50000x8xf32, #tpu.memory_space<hbm>>
      tpu.enqueue_indirect_dma source(%dma_start3A_48 : memref<50000x8xf32, #tpu.memory_space<hbm>>) target(%arg17 : memref<128x8xf32, #tpu.memory_space<vmem>>) offsets(%arg12 : memref<128xi32, #tpu.memory_space<vmem>>) semaphore(%arg18 : memref<!tpu.dma_semaphore, #tpu.memory_space<semaphore_mem>>)
      %dma_wait3A_49 = arith.constant 0 : i32
      %dma_wait3A_50 = arith.constant 0 : i32
      %dma_wait3A_51 = tpu.memref_slice %arg2[%dma_wait3A_49, %dma_wait3A_50] : memref<50000x64xf32, #tpu.memory_space<hbm>> -> memref<50000x64xf32, #tpu.memory_space<hbm>>
      tpu.wait_indirect_dma semaphore(%arg18 : memref<!tpu.dma_semaphore, #tpu.memory_space<semaphore_mem>>) src(%dma_wait3A_51 : memref<50000x64xf32, #tpu.memory_space<hbm>>) dst(%arg13 : memref<128x64xf32, #tpu.memory_space<vmem>>)
      %dma_wait3A_52 = arith.constant 0 : i32
      %dma_wait3A_53 = arith.constant 0 : i32
      %dma_wait3A_54 = tpu.memref_slice %arg3[%dma_wait3A_52, %dma_wait3A_53] : memref<50000x64xf32, #tpu.memory_space<hbm>> -> memref<50000x64xf32, #tpu.memory_space<hbm>>
      tpu.wait_indirect_dma semaphore(%arg18 : memref<!tpu.dma_semaphore, #tpu.memory_space<semaphore_mem>>) src(%dma_wait3A_54 : memref<50000x64xf32, #tpu.memory_space<hbm>>) dst(%arg14 : memref<128x64xf32, #tpu.memory_space<vmem>>)
      %dma_wait3A_55 = arith.constant 0 : i32
      %dma_wait3A_56 = arith.constant 0 : i32
      %dma_wait3A_57 = tpu.memref_slice %arg4[%dma_wait3A_55, %dma_wait3A_56] : memref<50000x48xf32, #tpu.memory_space<hbm>> -> memref<50000x48xf32, #tpu.memory_space<hbm>>
      tpu.wait_indirect_dma semaphore(%arg18 : memref<!tpu.dma_semaphore, #tpu.memory_space<semaphore_mem>>) src(%dma_wait3A_57 : memref<50000x48xf32, #tpu.memory_space<hbm>>) dst(%arg15 : memref<128x48xf32, #tpu.memory_space<vmem>>)
      %dma_wait3A_58 = arith.constant 0 : i32
      %dma_wait3A_59 = arith.constant 0 : i32
      %dma_wait3A_60 = tpu.memref_slice %arg5[%dma_wait3A_58, %dma_wait3A_59] : memref<50000x8xf32, #tpu.memory_space<hbm>> -> memref<50000x8xf32, #tpu.memory_space<hbm>>
      tpu.wait_indirect_dma semaphore(%arg18 : memref<!tpu.dma_semaphore, #tpu.memory_space<semaphore_mem>>) src(%dma_wait3A_60 : memref<50000x8xf32, #tpu.memory_space<hbm>>) dst(%arg16 : memref<128x8xf32, #tpu.memory_space<vmem>>)
      %dma_wait3A_61 = arith.constant 0 : i32
      %dma_wait3A_62 = arith.constant 0 : i32
      %dma_wait3A_63 = tpu.memref_slice %arg6[%dma_wait3A_61, %dma_wait3A_62] : memref<50000x8xf32, #tpu.memory_space<hbm>> -> memref<50000x8xf32, #tpu.memory_space<hbm>>
      tpu.wait_indirect_dma semaphore(%arg18 : memref<!tpu.dma_semaphore, #tpu.memory_space<semaphore_mem>>) src(%dma_wait3A_63 : memref<50000x8xf32, #tpu.memory_space<hbm>>) dst(%arg17 : memref<128x8xf32, #tpu.memory_space<vmem>>)
      %dma_start3A_64 = arith.constant 0 : i32
      %dma_start3A_65 = tpu.memref_slice %arg9[%mul3A_22, %dma_start3A_64] : memref<800000x128xf32, #tpu.memory_space<hbm>> -> memref<128x64xf32, #tpu.memory_space<hbm>>
      %dma_start3A_66 = arith.constant 0 : i32
      %dma_start3A_67 = tpu.memref_slice %arg9[%mul3A_22, %dma_start3A_66] : memref<800000x128xf32, #tpu.memory_space<hbm>> -> memref<128x64xf32, #tpu.memory_space<hbm>>
      tpu.enqueue_dma source(%arg13 : memref<128x64xf32, #tpu.memory_space<vmem>>) target(%dma_start3A_67 : memref<128x64xf32, #tpu.memory_space<hbm>>) target_semaphore(%arg20 : memref<!tpu.dma_semaphore, #tpu.memory_space<semaphore_mem>>)
      %dma_start3A_68 = arith.constant 64 : i32
      %dma_start3A_69 = tpu.memref_slice %arg9[%mul3A_22, %dma_start3A_68] : memref<800000x128xf32, #tpu.memory_space<hbm>> -> memref<128x64xf32, #tpu.memory_space<hbm>>
      %dma_start3A_70 = arith.constant 64 : i32
      %dma_start3A_71 = tpu.memref_slice %arg9[%mul3A_22, %dma_start3A_70] : memref<800000x128xf32, #tpu.memory_space<hbm>> -> memref<128x64xf32, #tpu.memory_space<hbm>>
      tpu.enqueue_dma source(%arg14 : memref<128x64xf32, #tpu.memory_space<vmem>>) target(%dma_start3A_71 : memref<128x64xf32, #tpu.memory_space<hbm>>) target_semaphore(%arg20 : memref<!tpu.dma_semaphore, #tpu.memory_space<semaphore_mem>>)
      %dma_start3A_72 = arith.constant 0 : i32
      %dma_start3A_73 = tpu.memref_slice %arg10[%mul3A_22, %dma_start3A_72] : memref<800000x128xf32, #tpu.memory_space<hbm>> -> memref<128x48xf32, #tpu.memory_space<hbm>>
      %dma_start3A_74 = arith.constant 0 : i32
      %dma_start3A_75 = tpu.memref_slice %arg10[%mul3A_22, %dma_start3A_74] : memref<800000x128xf32, #tpu.memory_space<hbm>> -> memref<128x48xf32, #tpu.memory_space<hbm>>
      tpu.enqueue_dma source(%arg15 : memref<128x48xf32, #tpu.memory_space<vmem>>) target(%dma_start3A_75 : memref<128x48xf32, #tpu.memory_space<hbm>>) target_semaphore(%arg20 : memref<!tpu.dma_semaphore, #tpu.memory_space<semaphore_mem>>)
      %dma_start3A_76 = arith.constant 48 : i32
      %dma_start3A_77 = tpu.memref_slice %arg10[%mul3A_22, %dma_start3A_76] : memref<800000x128xf32, #tpu.memory_space<hbm>> -> memref<128x8xf32, #tpu.memory_space<hbm>>
      %dma_start3A_78 = arith.constant 48 : i32
      %dma_start3A_79 = tpu.memref_slice %arg10[%mul3A_22, %dma_start3A_78] : memref<800000x128xf32, #tpu.memory_space<hbm>> -> memref<128x8xf32, #tpu.memory_space<hbm>>
      tpu.enqueue_dma source(%arg16 : memref<128x8xf32, #tpu.memory_space<vmem>>) target(%dma_start3A_79 : memref<128x8xf32, #tpu.memory_space<hbm>>) target_semaphore(%arg20 : memref<!tpu.dma_semaphore, #tpu.memory_space<semaphore_mem>>)
      %dma_start3A_80 = arith.constant 56 : i32
      %dma_start3A_81 = tpu.memref_slice %arg10[%mul3A_22, %dma_start3A_80] : memref<800000x128xf32, #tpu.memory_space<hbm>> -> memref<128x8xf32, #tpu.memory_space<hbm>>
      %dma_start3A_82 = arith.constant 56 : i32
      %dma_start3A_83 = tpu.memref_slice %arg10[%mul3A_22, %dma_start3A_82] : memref<800000x128xf32, #tpu.memory_space<hbm>> -> memref<128x8xf32, #tpu.memory_space<hbm>>
      tpu.enqueue_dma source(%arg17 : memref<128x8xf32, #tpu.memory_space<vmem>>) target(%dma_start3A_83 : memref<128x8xf32, #tpu.memory_space<hbm>>) target_semaphore(%arg20 : memref<!tpu.dma_semaphore, #tpu.memory_space<semaphore_mem>>)
      %while3A_84 = arith.constant 0 : i32
      scf.yield %while3A_84 : i32
    }
    %while3A_12 = arith.constant 1 : i32
    %while3A_13 = scf.for %while3A_16 = %while3A_9 to %while3A_5 step %while3A_12 iter_args(%while3A_17 = %while3A_11) -> (i32)  : i32 {
      %mul3A_18 = arith.constant 32 : i32
      %mul3A_19 = arith.muli %while3A_16, %mul3A_18 : i32
      %add3A_20 = arith.addi %mul3A_19, %add3A : i32
      %mul3A_21 = arith.constant 128 : i32
      %mul3A_22 = arith.muli %add3A_20, %mul3A_21 : i32
      %dma_start3A = tpu.memref_slice %arg7[%mul3A_22] : memref<800000xi32, #tpu.memory_space<hbm>> -> memref<128xi32, #tpu.memory_space<hbm>>
      %dma_start3A_23 = tpu.memref_slice %arg7[%mul3A_22] : memref<800000xi32, #tpu.memory_space<hbm>> -> memref<128xi32, #tpu.memory_space<hbm>>
      tpu.enqueue_dma source(%dma_start3A_23 : memref<128xi32, #tpu.memory_space<hbm>>) target(%arg11 : memref<128xi32, #tpu.memory_space<vmem>>) target_semaphore(%arg19 : memref<!tpu.dma_semaphore, #tpu.memory_space<semaphore_mem>>)
      %dma_start3A_24 = tpu.memref_slice %arg8[%mul3A_22] : memref<800000xi32, #tpu.memory_space<hbm>> -> memref<128xi32, #tpu.memory_space<hbm>>
      %dma_start3A_25 = tpu.memref_slice %arg8[%mul3A_22] : memref<800000xi32, #tpu.memory_space<hbm>> -> memref<128xi32, #tpu.memory_space<hbm>>
      tpu.enqueue_dma source(%dma_start3A_25 : memref<128xi32, #tpu.memory_space<hbm>>) target(%arg12 : memref<128xi32, #tpu.memory_space<vmem>>) target_semaphore(%arg19 : memref<!tpu.dma_semaphore, #tpu.memory_space<semaphore_mem>>)
      %gt3A_26 = arith.constant 0 : i32
      %gt3A_27 = arith.cmpi sgt, %while3A_16, %gt3A_26 : i32
      %convert_element_type3A_28 = arith.extui %gt3A_27 : i1 to i32
      %cond3A_29 = arith.constant 0 : i32
      %cond3A_30 = arith.cmpi ne, %convert_element_type3A_28, %cond3A_29 : i32
      scf.if %cond3A_30 {
        %dma_wait3A_85 = arith.constant 0 : i32
        %dma_wait3A_86 = tpu.memref_slice %arg9[%mul3A_22, %dma_wait3A_85] : memref<800000x128xf32, #tpu.memory_space<hbm>> -> memref<128x64xf32, #tpu.memory_space<hbm>>
        %dma_wait3A_87 = arith.constant 0 : i32
        %dma_wait3A_88 = tpu.memref_slice %arg9[%mul3A_22, %dma_wait3A_87] : memref<800000x128xf32, #tpu.memory_space<hbm>> -> memref<128x64xf32, #tpu.memory_space<hbm>>
        tpu.wait_dma2 semaphore(%arg20 : memref<!tpu.dma_semaphore, #tpu.memory_space<semaphore_mem>>) src(%arg13 : memref<128x64xf32, #tpu.memory_space<vmem>>) dst(%dma_wait3A_88 : memref<128x64xf32, #tpu.memory_space<hbm>>)
        %dma_wait3A_89 = arith.constant 64 : i32
        %dma_wait3A_90 = tpu.memref_slice %arg9[%mul3A_22, %dma_wait3A_89] : memref<800000x128xf32, #tpu.memory_space<hbm>> -> memref<128x64xf32, #tpu.memory_space<hbm>>
        %dma_wait3A_91 = arith.constant 64 : i32
        %dma_wait3A_92 = tpu.memref_slice %arg9[%mul3A_22, %dma_wait3A_91] : memref<800000x128xf32, #tpu.memory_space<hbm>> -> memref<128x64xf32, #tpu.memory_space<hbm>>
        tpu.wait_dma2 semaphore(%arg20 : memref<!tpu.dma_semaphore, #tpu.memory_space<semaphore_mem>>) src(%arg14 : memref<128x64xf32, #tpu.memory_space<vmem>>) dst(%dma_wait3A_92 : memref<128x64xf32, #tpu.memory_space<hbm>>)
        %dma_wait3A_93 = arith.constant 0 : i32
        %dma_wait3A_94 = tpu.memref_slice %arg10[%mul3A_22, %dma_wait3A_93] : memref<800000x128xf32, #tpu.memory_space<hbm>> -> memref<128x48xf32, #tpu.memory_space<hbm>>
        %dma_wait3A_95 = arith.constant 0 : i32
        %dma_wait3A_96 = tpu.memref_slice %arg10[%mul3A_22, %dma_wait3A_95] : memref<800000x128xf32, #tpu.memory_space<hbm>> -> memref<128x48xf32, #tpu.memory_space<hbm>>
        tpu.wait_dma2 semaphore(%arg20 : memref<!tpu.dma_semaphore, #tpu.memory_space<semaphore_mem>>) src(%arg15 : memref<128x48xf32, #tpu.memory_space<vmem>>) dst(%dma_wait3A_96 : memref<128x48xf32, #tpu.memory_space<hbm>>)
        %dma_wait3A_97 = arith.constant 48 : i32
        %dma_wait3A_98 = tpu.memref_slice %arg10[%mul3A_22, %dma_wait3A_97] : memref<800000x128xf32, #tpu.memory_space<hbm>> -> memref<128x8xf32, #tpu.memory_space<hbm>>
        %dma_wait3A_99 = arith.constant 48 : i32
        %dma_wait3A_100 = tpu.memref_slice %arg10[%mul3A_22, %dma_wait3A_99] : memref<800000x128xf32, #tpu.memory_space<hbm>> -> memref<128x8xf32, #tpu.memory_space<hbm>>
        tpu.wait_dma2 semaphore(%arg20 : memref<!tpu.dma_semaphore, #tpu.memory_space<semaphore_mem>>) src(%arg16 : memref<128x8xf32, #tpu.memory_space<vmem>>) dst(%dma_wait3A_100 : memref<128x8xf32, #tpu.memory_space<hbm>>)
        %dma_wait3A_101 = arith.constant 56 : i32
        %dma_wait3A_102 = tpu.memref_slice %arg10[%mul3A_22, %dma_wait3A_101] : memref<800000x128xf32, #tpu.memory_space<hbm>> -> memref<128x8xf32, #tpu.memory_space<hbm>>
        %dma_wait3A_103 = arith.constant 56 : i32
        %dma_wait3A_104 = tpu.memref_slice %arg10[%mul3A_22, %dma_wait3A_103] : memref<800000x128xf32, #tpu.memory_space<hbm>> -> memref<128x8xf32, #tpu.memory_space<hbm>>
        tpu.wait_dma2 semaphore(%arg20 : memref<!tpu.dma_semaphore, #tpu.memory_space<semaphore_mem>>) src(%arg17 : memref<128x8xf32, #tpu.memory_space<vmem>>) dst(%dma_wait3A_104 : memref<128x8xf32, #tpu.memory_space<hbm>>)
      } else {
      }
      %dma_wait3A = tpu.memref_slice %arg7[%mul3A_22] : memref<800000xi32, #tpu.memory_space<hbm>> -> memref<128xi32, #tpu.memory_space<hbm>>
      %dma_wait3A_31 = tpu.memref_slice %arg7[%mul3A_22] : memref<800000xi32, #tpu.memory_space<hbm>> -> memref<128xi32, #tpu.memory_space<hbm>>
      tpu.wait_dma2 semaphore(%arg19 : memref<!tpu.dma_semaphore, #tpu.memory_space<semaphore_mem>>) src(%dma_wait3A_31 : memref<128xi32, #tpu.memory_space<hbm>>) dst(%arg11 : memref<128xi32, #tpu.memory_space<vmem>>)
      %dma_wait3A_32 = tpu.memref_slice %arg8[%mul3A_22] : memref<800000xi32, #tpu.memory_space<hbm>> -> memref<128xi32, #tpu.memory_space<hbm>>
      %dma_wait3A_33 = tpu.memref_slice %arg8[%mul3A_22] : memref<800000xi32, #tpu.memory_space<hbm>> -> memref<128xi32, #tpu.memory_space<hbm>>
      tpu.wait_dma2 semaphore(%arg19 : memref<!tpu.dma_semaphore, #tpu.memory_space<semaphore_mem>>) src(%dma_wait3A_33 : memref<128xi32, #tpu.memory_space<hbm>>) dst(%arg12 : memref<128xi32, #tpu.memory_space<vmem>>)
      %dma_start3A_34 = arith.constant 0 : i32
      %dma_start3A_35 = arith.constant 0 : i32
      %dma_start3A_36 = tpu.memref_slice %arg2[%dma_start3A_34, %dma_start3A_35] : memref<50000x64xf32, #tpu.memory_space<hbm>> -> memref<50000x64xf32, #tpu.memory_space<hbm>>
      tpu.enqueue_indirect_dma source(%dma_start3A_36 : memref<50000x64xf32, #tpu.memory_space<hbm>>) target(%arg13 : memref<128x64xf32, #tpu.memory_space<vmem>>) offsets(%arg11 : memref<128xi32, #tpu.memory_space<vmem>>) semaphore(%arg18 : memref<!tpu.dma_semaphore, #tpu.memory_space<semaphore_mem>>)
      %dma_start3A_37 = arith.constant 0 : i32
      %dma_start3A_38 = arith.constant 0 : i32
      %dma_start3A_39 = tpu.memref_slice %arg3[%dma_start3A_37, %dma_start3A_38] : memref<50000x64xf32, #tpu.memory_space<hbm>> -> memref<50000x64xf32, #tpu.memory_space<hbm>>
      tpu.enqueue_indirect_dma source(%dma_start3A_39 : memref<50000x64xf32, #tpu.memory_space<hbm>>) target(%arg14 : memref<128x64xf32, #tpu.memory_space<vmem>>) offsets(%arg12 : memref<128xi32, #tpu.memory_space<vmem>>) semaphore(%arg18 : memref<!tpu.dma_semaphore, #tpu.memory_space<semaphore_mem>>)
      %dma_start3A_40 = arith.constant 0 : i32
      %dma_start3A_41 = arith.constant 0 : i32
      %dma_start3A_42 = tpu.memref_slice %arg4[%dma_start3A_40, %dma_start3A_41] : memref<50000x48xf32, #tpu.memory_space<hbm>> -> memref<50000x48xf32, #tpu.memory_space<hbm>>
      tpu.enqueue_indirect_dma source(%dma_start3A_42 : memref<50000x48xf32, #tpu.memory_space<hbm>>) target(%arg15 : memref<128x48xf32, #tpu.memory_space<vmem>>) offsets(%arg11 : memref<128xi32, #tpu.memory_space<vmem>>) semaphore(%arg18 : memref<!tpu.dma_semaphore, #tpu.memory_space<semaphore_mem>>)
      %dma_start3A_43 = arith.constant 0 : i32
      %dma_start3A_44 = arith.constant 0 : i32
      %dma_start3A_45 = tpu.memref_slice %arg5[%dma_start3A_43, %dma_start3A_44] : memref<50000x8xf32, #tpu.memory_space<hbm>> -> memref<50000x8xf32, #tpu.memory_space<hbm>>
      tpu.enqueue_indirect_dma source(%dma_start3A_45 : memref<50000x8xf32, #tpu.memory_space<hbm>>) target(%arg16 : memref<128x8xf32, #tpu.memory_space<vmem>>) offsets(%arg11 : memref<128xi32, #tpu.memory_space<vmem>>) semaphore(%arg18 : memref<!tpu.dma_semaphore, #tpu.memory_space<semaphore_mem>>)
      %dma_start3A_46 = arith.constant 0 : i32
      %dma_start3A_47 = arith.constant 0 : i32
      %dma_start3A_48 = tpu.memref_slice %arg6[%dma_start3A_46, %dma_start3A_47] : memref<50000x8xf32, #tpu.memory_space<hbm>> -> memref<50000x8xf32, #tpu.memory_space<hbm>>
      tpu.enqueue_indirect_dma source(%dma_start3A_48 : memref<50000x8xf32, #tpu.memory_space<hbm>>) target(%arg17 : memref<128x8xf32, #tpu.memory_space<vmem>>) offsets(%arg12 : memref<128xi32, #tpu.memory_space<vmem>>) semaphore(%arg18 : memref<!tpu.dma_semaphore, #tpu.memory_space<semaphore_mem>>)
      %dma_wait3A_49 = arith.constant 0 : i32
      %dma_wait3A_50 = arith.constant 0 : i32
      %dma_wait3A_51 = tpu.memref_slice %arg2[%dma_wait3A_49, %dma_wait3A_50] : memref<50000x64xf32, #tpu.memory_space<hbm>> -> memref<50000x64xf32, #tpu.memory_space<hbm>>
      tpu.wait_indirect_dma semaphore(%arg18 : memref<!tpu.dma_semaphore, #tpu.memory_space<semaphore_mem>>) src(%dma_wait3A_51 : memref<50000x64xf32, #tpu.memory_space<hbm>>) dst(%arg13 : memref<128x64xf32, #tpu.memory_space<vmem>>)
      %dma_wait3A_52 = arith.constant 0 : i32
      %dma_wait3A_53 = arith.constant 0 : i32
      %dma_wait3A_54 = tpu.memref_slice %arg3[%dma_wait3A_52, %dma_wait3A_53] : memref<50000x64xf32, #tpu.memory_space<hbm>> -> memref<50000x64xf32, #tpu.memory_space<hbm>>
      tpu.wait_indirect_dma semaphore(%arg18 : memref<!tpu.dma_semaphore, #tpu.memory_space<semaphore_mem>>) src(%dma_wait3A_54 : memref<50000x64xf32, #tpu.memory_space<hbm>>) dst(%arg14 : memref<128x64xf32, #tpu.memory_space<vmem>>)
      %dma_wait3A_55 = arith.constant 0 : i32
      %dma_wait3A_56 = arith.constant 0 : i32
      %dma_wait3A_57 = tpu.memref_slice %arg4[%dma_wait3A_55, %dma_wait3A_56] : memref<50000x48xf32, #tpu.memory_space<hbm>> -> memref<50000x48xf32, #tpu.memory_space<hbm>>
      tpu.wait_indirect_dma semaphore(%arg18 : memref<!tpu.dma_semaphore, #tpu.memory_space<semaphore_mem>>) src(%dma_wait3A_57 : memref<50000x48xf32, #tpu.memory_space<hbm>>) dst(%arg15 : memref<128x48xf32, #tpu.memory_space<vmem>>)
      %dma_wait3A_58 = arith.constant 0 : i32
      %dma_wait3A_59 = arith.constant 0 : i32
      %dma_wait3A_60 = tpu.memref_slice %arg5[%dma_wait3A_58, %dma_wait3A_59] : memref<50000x8xf32, #tpu.memory_space<hbm>> -> memref<50000x8xf32, #tpu.memory_space<hbm>>
      tpu.wait_indirect_dma semaphore(%arg18 : memref<!tpu.dma_semaphore, #tpu.memory_space<semaphore_mem>>) src(%dma_wait3A_60 : memref<50000x8xf32, #tpu.memory_space<hbm>>) dst(%arg16 : memref<128x8xf32, #tpu.memory_space<vmem>>)
      %dma_wait3A_61 = arith.constant 0 : i32
      %dma_wait3A_62 = arith.constant 0 : i32
      %dma_wait3A_63 = tpu.memref_slice %arg6[%dma_wait3A_61, %dma_wait3A_62] : memref<50000x8xf32, #tpu.memory_space<hbm>> -> memref<50000x8xf32, #tpu.memory_space<hbm>>
      tpu.wait_indirect_dma semaphore(%arg18 : memref<!tpu.dma_semaphore, #tpu.memory_space<semaphore_mem>>) src(%dma_wait3A_63 : memref<50000x8xf32, #tpu.memory_space<hbm>>) dst(%arg17 : memref<128x8xf32, #tpu.memory_space<vmem>>)
      %dma_start3A_64 = arith.constant 0 : i32
      %dma_start3A_65 = tpu.memref_slice %arg9[%mul3A_22, %dma_start3A_64] : memref<800000x128xf32, #tpu.memory_space<hbm>> -> memref<128x64xf32, #tpu.memory_space<hbm>>
      %dma_start3A_66 = arith.constant 0 : i32
      %dma_start3A_67 = tpu.memref_slice %arg9[%mul3A_22, %dma_start3A_66] : memref<800000x128xf32, #tpu.memory_space<hbm>> -> memref<128x64xf32, #tpu.memory_space<hbm>>
      tpu.enqueue_dma source(%arg13 : memref<128x64xf32, #tpu.memory_space<vmem>>) target(%dma_start3A_67 : memref<128x64xf32, #tpu.memory_space<hbm>>) target_semaphore(%arg20 : memref<!tpu.dma_semaphore, #tpu.memory_space<semaphore_mem>>)
      %dma_start3A_68 = arith.constant 64 : i32
      %dma_start3A_69 = tpu.memref_slice %arg9[%mul3A_22, %dma_start3A_68] : memref<800000x128xf32, #tpu.memory_space<hbm>> -> memref<128x64xf32, #tpu.memory_space<hbm>>
      %dma_start3A_70 = arith.constant 64 : i32
      %dma_start3A_71 = tpu.memref_slice %arg9[%mul3A_22, %dma_start3A_70] : memref<800000x128xf32, #tpu.memory_space<hbm>> -> memref<128x64xf32, #tpu.memory_space<hbm>>
      tpu.enqueue_dma source(%arg14 : memref<128x64xf32, #tpu.memory_space<vmem>>) target(%dma_start3A_71 : memref<128x64xf32, #tpu.memory_space<hbm>>) target_semaphore(%arg20 : memref<!tpu.dma_semaphore, #tpu.memory_space<semaphore_mem>>)
      %dma_start3A_72 = arith.constant 0 : i32
      %dma_start3A_73 = tpu.memref_slice %arg10[%mul3A_22, %dma_start3A_72] : memref<800000x128xf32, #tpu.memory_space<hbm>> -> memref<128x48xf32, #tpu.memory_space<hbm>>
      %dma_start3A_74 = arith.constant 0 : i32
      %dma_start3A_75 = tpu.memref_slice %arg10[%mul3A_22, %dma_start3A_74] : memref<800000x128xf32, #tpu.memory_space<hbm>> -> memref<128x48xf32, #tpu.memory_space<hbm>>
      tpu.enqueue_dma source(%arg15 : memref<128x48xf32, #tpu.memory_space<vmem>>) target(%dma_start3A_75 : memref<128x48xf32, #tpu.memory_space<hbm>>) target_semaphore(%arg20 : memref<!tpu.dma_semaphore, #tpu.memory_space<semaphore_mem>>)
      %dma_start3A_76 = arith.constant 48 : i32
      %dma_start3A_77 = tpu.memref_slice %arg10[%mul3A_22, %dma_start3A_76] : memref<800000x128xf32, #tpu.memory_space<hbm>> -> memref<128x8xf32, #tpu.memory_space<hbm>>
      %dma_start3A_78 = arith.constant 48 : i32
      %dma_start3A_79 = tpu.memref_slice %arg10[%mul3A_22, %dma_start3A_78] : memref<800000x128xf32, #tpu.memory_space<hbm>> -> memref<128x8xf32, #tpu.memory_space<hbm>>
      tpu.enqueue_dma source(%arg16 : memref<128x8xf32, #tpu.memory_space<vmem>>) target(%dma_start3A_79 : memref<128x8xf32, #tpu.memory_space<hbm>>) target_semaphore(%arg20 : memref<!tpu.dma_semaphore, #tpu.memory_space<semaphore_mem>>)
      %dma_start3A_80 = arith.constant 56 : i32
      %dma_start3A_81 = tpu.memref_slice %arg10[%mul3A_22, %dma_start3A_80] : memref<800000x128xf32, #tpu.memory_space<hbm>> -> memref<128x8xf32, #tpu.memory_space<hbm>>
      %dma_start3A_82 = arith.constant 56 : i32
      %dma_start3A_83 = tpu.memref_slice %arg10[%mul3A_22, %dma_start3A_82] : memref<800000x128xf32, #tpu.memory_space<hbm>> -> memref<128x8xf32, #tpu.memory_space<hbm>>
      tpu.enqueue_dma source(%arg17 : memref<128x8xf32, #tpu.memory_space<vmem>>) target(%dma_start3A_83 : memref<128x8xf32, #tpu.memory_space<hbm>>) target_semaphore(%arg20 : memref<!tpu.dma_semaphore, #tpu.memory_space<semaphore_mem>>)
      %while3A_84 = arith.constant 0 : i32
      scf.yield %while3A_84 : i32
    }
    %gt3A = arith.constant 0 : i32
    %gt3A_14 = arith.cmpi sgt, %select_n3A, %gt3A : i32
    %convert_element_type3A = arith.extui %gt3A_14 : i1 to i32
    %cond3A = arith.constant 0 : i32
    %cond3A_15 = arith.cmpi ne, %convert_element_type3A, %cond3A : i32
    scf.if %cond3A_15 {
      %dma_wait3A = arith.constant 0 : i32
      %dma_wait3A_16 = arith.constant 0 : i32
      %dma_wait3A_17 = tpu.memref_slice %arg9[%dma_wait3A, %dma_wait3A_16] : memref<800000x128xf32, #tpu.memory_space<hbm>> -> memref<128x64xf32, #tpu.memory_space<hbm>>
      %dma_wait3A_18 = arith.constant 0 : i32
      %dma_wait3A_19 = arith.constant 0 : i32
      %dma_wait3A_20 = tpu.memref_slice %arg9[%dma_wait3A_18, %dma_wait3A_19] : memref<800000x128xf32, #tpu.memory_space<hbm>> -> memref<128x64xf32, #tpu.memory_space<hbm>>
      tpu.wait_dma2 semaphore(%arg20 : memref<!tpu.dma_semaphore, #tpu.memory_space<semaphore_mem>>) src(%arg13 : memref<128x64xf32, #tpu.memory_space<vmem>>) dst(%dma_wait3A_20 : memref<128x64xf32, #tpu.memory_space<hbm>>)
      %dma_wait3A_21 = arith.constant 0 : i32
      %dma_wait3A_22 = arith.constant 64 : i32
      %dma_wait3A_23 = tpu.memref_slice %arg9[%dma_wait3A_21, %dma_wait3A_22] : memref<800000x128xf32, #tpu.memory_space<hbm>> -> memref<128x64xf32, #tpu.memory_space<hbm>>
      %dma_wait3A_24 = arith.constant 0 : i32
      %dma_wait3A_25 = arith.constant 64 : i32
      %dma_wait3A_26 = tpu.memref_slice %arg9[%dma_wait3A_24, %dma_wait3A_25] : memref<800000x128xf32, #tpu.memory_space<hbm>> -> memref<128x64xf32, #tpu.memory_space<hbm>>
      tpu.wait_dma2 semaphore(%arg20 : memref<!tpu.dma_semaphore, #tpu.memory_space<semaphore_mem>>) src(%arg14 : memref<128x64xf32, #tpu.memory_space<vmem>>) dst(%dma_wait3A_26 : memref<128x64xf32, #tpu.memory_space<hbm>>)
      %dma_wait3A_27 = arith.constant 0 : i32
      %dma_wait3A_28 = arith.constant 0 : i32
      %dma_wait3A_29 = tpu.memref_slice %arg10[%dma_wait3A_27, %dma_wait3A_28] : memref<800000x128xf32, #tpu.memory_space<hbm>> -> memref<128x48xf32, #tpu.memory_space<hbm>>
      %dma_wait3A_30 = arith.constant 0 : i32
      %dma_wait3A_31 = arith.constant 0 : i32
      %dma_wait3A_32 = tpu.memref_slice %arg10[%dma_wait3A_30, %dma_wait3A_31] : memref<800000x128xf32, #tpu.memory_space<hbm>> -> memref<128x48xf32, #tpu.memory_space<hbm>>
      tpu.wait_dma2 semaphore(%arg20 : memref<!tpu.dma_semaphore, #tpu.memory_space<semaphore_mem>>) src(%arg15 : memref<128x48xf32, #tpu.memory_space<vmem>>) dst(%dma_wait3A_32 : memref<128x48xf32, #tpu.memory_space<hbm>>)
      %dma_wait3A_33 = arith.constant 0 : i32
      %dma_wait3A_34 = arith.constant 48 : i32
      %dma_wait3A_35 = tpu.memref_slice %arg10[%dma_wait3A_33, %dma_wait3A_34] : memref<800000x128xf32, #tpu.memory_space<hbm>> -> memref<128x8xf32, #tpu.memory_space<hbm>>
      %dma_wait3A_36 = arith.constant 0 : i32
      %dma_wait3A_37 = arith.constant 48 : i32
      %dma_wait3A_38 = tpu.memref_slice %arg10[%dma_wait3A_36, %dma_wait3A_37] : memref<800000x128xf32, #tpu.memory_space<hbm>> -> memref<128x8xf32, #tpu.memory_space<hbm>>
      tpu.wait_dma2 semaphore(%arg20 : memref<!tpu.dma_semaphore, #tpu.memory_space<semaphore_mem>>) src(%arg16 : memref<128x8xf32, #tpu.memory_space<vmem>>) dst(%dma_wait3A_38 : memref<128x8xf32, #tpu.memory_space<hbm>>)
      %dma_wait3A_39 = arith.constant 0 : i32
      %dma_wait3A_40 = arith.constant 56 : i32
      %dma_wait3A_41 = tpu.memref_slice %arg10[%dma_wait3A_39, %dma_wait3A_40] : memref<800000x128xf32, #tpu.memory_space<hbm>> -> memref<128x8xf32, #tpu.memory_space<hbm>>
      %dma_wait3A_42 = arith.constant 0 : i32
      %dma_wait3A_43 = arith.constant 56 : i32
      %dma_wait3A_44 = tpu.memref_slice %arg10[%dma_wait3A_42, %dma_wait3A_43] : memref<800000x128xf32, #tpu.memory_space<hbm>> -> memref<128x8xf32, #tpu.memory_space<hbm>>
      tpu.wait_dma2 semaphore(%arg20 : memref<!tpu.dma_semaphore, #tpu.memory_space<semaphore_mem>>) src(%arg17 : memref<128x8xf32, #tpu.memory_space<vmem>>) dst(%dma_wait3A_44 : memref<128x8xf32, #tpu.memory_space<hbm>>)
    } else {
    }
    return
  }
}

#map = affine_map<(d0, d1) -> (0, 0)>
#map1 = affine_map<(d0, d1) -> (0)>
module attributes {stable_mosaic.version = 14 : i64} {
  func.func @body(%arg0: i32, %arg1: i32, %arg2: memref<50000x64xf32, #tpu.memory_space<hbm>>, %arg3: memref<50000x64xf32, #tpu.memory_space<hbm>>, %arg4: memref<800000xi32, #tpu.memory_space<hbm>>, %arg5: memref<800000xi32, #tpu.memory_space<hbm>>, %arg6: memref<800000x128xf32, #tpu.memory_space<hbm>>, %arg7: memref<128xi32, #tpu.memory_space<vmem>>, %arg8: memref<128xi32, #tpu.memory_space<vmem>>, %arg9: memref<128x64xf32, #tpu.memory_space<vmem>>, %arg10: memref<128x64xf32, #tpu.memory_space<vmem>>, %arg11: memref<!tpu.dma_semaphore, #tpu.memory_space<semaphore_mem>>, %arg12: memref<!tpu.dma_semaphore, #tpu.memory_space<semaphore_mem>>, %arg13: memref<!tpu.dma_semaphore, #tpu.memory_space<semaphore_mem>>) attributes {dimension_semantics = [#tpu.dimension_semantics<core_parallel>, #tpu.dimension_semantics<subcore_parallel>], iteration_bounds = array<i64: 2, 16>, scalar_prefetch = 0 : i64, scratch_operands = 7 : i64, tpu.core_type = #tpu.core_type<sc_vector_subcore>, window_params = [{transform_indices = #map}, {transform_indices = #map}, {transform_indices = #map1}, {transform_indices = #map1}, {transform_indices = #map}]} {
    %mul3A = arith.constant 2 : i32
    %mul3A_0 = arith.muli %arg1, %mul3A : i32
    %add3A = arith.addi %mul3A_0, %arg0 : i32
    %lt3A = arith.constant 10 : i32
    %lt3A_1 = arith.cmpi slt, %add3A, %lt3A : i32
    %jit3A = arith.constant 196 : i32
    %jit3A_2 = arith.constant 195 : i32
    %select_n3A = arith.select %lt3A_1, %jit3A, %jit3A_2 : i32
    %while3A = arith.constant 0 : i32
    %while3A_3 = arith.constant 0 : i32
    %while3A_4 = arith.subi %select_n3A, %while3A : i32
    %while3A_5 = arith.addi %while3A, %while3A_4 : i32
    %while3A_6 = arith.constant 1 : i32
    %while3A_7 = arith.divsi %while3A_4, %while3A_6 : i32
    %while3A_8 = arith.muli %while3A_7, %while3A_6 : i32
    %while3A_9 = arith.addi %while3A, %while3A_8 : i32
    %while3A_10 = arith.constant 1 : i32
    %while3A_11 = scf.for %while3A_16 = %while3A to %while3A_9 step %while3A_10 iter_args(%while3A_17 = %while3A_3) -> (i32)  : i32 {
      %mul3A_18 = arith.constant 32 : i32
      %mul3A_19 = arith.muli %while3A_16, %mul3A_18 : i32
      %add3A_20 = arith.addi %mul3A_19, %add3A : i32
      %mul3A_21 = arith.constant 128 : i32
      %mul3A_22 = arith.muli %add3A_20, %mul3A_21 : i32
      %dma_start3A = tpu.memref_slice %arg4[%mul3A_22] : memref<800000xi32, #tpu.memory_space<hbm>> -> memref<128xi32, #tpu.memory_space<hbm>>
      %dma_start3A_23 = tpu.memref_slice %arg4[%mul3A_22] : memref<800000xi32, #tpu.memory_space<hbm>> -> memref<128xi32, #tpu.memory_space<hbm>>
      tpu.enqueue_dma source(%dma_start3A_23 : memref<128xi32, #tpu.memory_space<hbm>>) target(%arg7 : memref<128xi32, #tpu.memory_space<vmem>>) target_semaphore(%arg12 : memref<!tpu.dma_semaphore, #tpu.memory_space<semaphore_mem>>)
      %dma_start3A_24 = tpu.memref_slice %arg5[%mul3A_22] : memref<800000xi32, #tpu.memory_space<hbm>> -> memref<128xi32, #tpu.memory_space<hbm>>
      %dma_start3A_25 = tpu.memref_slice %arg5[%mul3A_22] : memref<800000xi32, #tpu.memory_space<hbm>> -> memref<128xi32, #tpu.memory_space<hbm>>
      tpu.enqueue_dma source(%dma_start3A_25 : memref<128xi32, #tpu.memory_space<hbm>>) target(%arg8 : memref<128xi32, #tpu.memory_space<vmem>>) target_semaphore(%arg12 : memref<!tpu.dma_semaphore, #tpu.memory_space<semaphore_mem>>)
      %gt3A_26 = arith.constant 0 : i32
      %gt3A_27 = arith.cmpi sgt, %while3A_16, %gt3A_26 : i32
      %convert_element_type3A_28 = arith.extui %gt3A_27 : i1 to i32
      %cond3A_29 = arith.constant 0 : i32
      %cond3A_30 = arith.cmpi ne, %convert_element_type3A_28, %cond3A_29 : i32
      scf.if %cond3A_30 {
        %dma_wait3A_55 = arith.constant 0 : i32
        %dma_wait3A_56 = tpu.memref_slice %arg6[%mul3A_22, %dma_wait3A_55] : memref<800000x128xf32, #tpu.memory_space<hbm>> -> memref<128x64xf32, #tpu.memory_space<hbm>>
        %dma_wait3A_57 = arith.constant 0 : i32
        %dma_wait3A_58 = tpu.memref_slice %arg6[%mul3A_22, %dma_wait3A_57] : memref<800000x128xf32, #tpu.memory_space<hbm>> -> memref<128x64xf32, #tpu.memory_space<hbm>>
        tpu.wait_dma2 semaphore(%arg13 : memref<!tpu.dma_semaphore, #tpu.memory_space<semaphore_mem>>) src(%arg9 : memref<128x64xf32, #tpu.memory_space<vmem>>) dst(%dma_wait3A_58 : memref<128x64xf32, #tpu.memory_space<hbm>>)
        %dma_wait3A_59 = arith.constant 64 : i32
        %dma_wait3A_60 = tpu.memref_slice %arg6[%mul3A_22, %dma_wait3A_59] : memref<800000x128xf32, #tpu.memory_space<hbm>> -> memref<128x64xf32, #tpu.memory_space<hbm>>
        %dma_wait3A_61 = arith.constant 64 : i32
        %dma_wait3A_62 = tpu.memref_slice %arg6[%mul3A_22, %dma_wait3A_61] : memref<800000x128xf32, #tpu.memory_space<hbm>> -> memref<128x64xf32, #tpu.memory_space<hbm>>
        tpu.wait_dma2 semaphore(%arg13 : memref<!tpu.dma_semaphore, #tpu.memory_space<semaphore_mem>>) src(%arg10 : memref<128x64xf32, #tpu.memory_space<vmem>>) dst(%dma_wait3A_62 : memref<128x64xf32, #tpu.memory_space<hbm>>)
      } else {
      }
      %dma_wait3A = tpu.memref_slice %arg4[%mul3A_22] : memref<800000xi32, #tpu.memory_space<hbm>> -> memref<128xi32, #tpu.memory_space<hbm>>
      %dma_wait3A_31 = tpu.memref_slice %arg4[%mul3A_22] : memref<800000xi32, #tpu.memory_space<hbm>> -> memref<128xi32, #tpu.memory_space<hbm>>
      tpu.wait_dma2 semaphore(%arg12 : memref<!tpu.dma_semaphore, #tpu.memory_space<semaphore_mem>>) src(%dma_wait3A_31 : memref<128xi32, #tpu.memory_space<hbm>>) dst(%arg7 : memref<128xi32, #tpu.memory_space<vmem>>)
      %dma_wait3A_32 = tpu.memref_slice %arg5[%mul3A_22] : memref<800000xi32, #tpu.memory_space<hbm>> -> memref<128xi32, #tpu.memory_space<hbm>>
      %dma_wait3A_33 = tpu.memref_slice %arg5[%mul3A_22] : memref<800000xi32, #tpu.memory_space<hbm>> -> memref<128xi32, #tpu.memory_space<hbm>>
      tpu.wait_dma2 semaphore(%arg12 : memref<!tpu.dma_semaphore, #tpu.memory_space<semaphore_mem>>) src(%dma_wait3A_33 : memref<128xi32, #tpu.memory_space<hbm>>) dst(%arg8 : memref<128xi32, #tpu.memory_space<vmem>>)
      %dma_start3A_34 = arith.constant 0 : i32
      %dma_start3A_35 = arith.constant 0 : i32
      %dma_start3A_36 = tpu.memref_slice %arg2[%dma_start3A_34, %dma_start3A_35] : memref<50000x64xf32, #tpu.memory_space<hbm>> -> memref<50000x64xf32, #tpu.memory_space<hbm>>
      tpu.enqueue_indirect_dma source(%dma_start3A_36 : memref<50000x64xf32, #tpu.memory_space<hbm>>) target(%arg9 : memref<128x64xf32, #tpu.memory_space<vmem>>) offsets(%arg7 : memref<128xi32, #tpu.memory_space<vmem>>) semaphore(%arg11 : memref<!tpu.dma_semaphore, #tpu.memory_space<semaphore_mem>>)
      %dma_start3A_37 = arith.constant 0 : i32
      %dma_start3A_38 = arith.constant 0 : i32
      %dma_start3A_39 = tpu.memref_slice %arg3[%dma_start3A_37, %dma_start3A_38] : memref<50000x64xf32, #tpu.memory_space<hbm>> -> memref<50000x64xf32, #tpu.memory_space<hbm>>
      tpu.enqueue_indirect_dma source(%dma_start3A_39 : memref<50000x64xf32, #tpu.memory_space<hbm>>) target(%arg10 : memref<128x64xf32, #tpu.memory_space<vmem>>) offsets(%arg8 : memref<128xi32, #tpu.memory_space<vmem>>) semaphore(%arg11 : memref<!tpu.dma_semaphore, #tpu.memory_space<semaphore_mem>>)
      %dma_wait3A_40 = arith.constant 0 : i32
      %dma_wait3A_41 = arith.constant 0 : i32
      %dma_wait3A_42 = tpu.memref_slice %arg2[%dma_wait3A_40, %dma_wait3A_41] : memref<50000x64xf32, #tpu.memory_space<hbm>> -> memref<50000x64xf32, #tpu.memory_space<hbm>>
      tpu.wait_indirect_dma semaphore(%arg11 : memref<!tpu.dma_semaphore, #tpu.memory_space<semaphore_mem>>) src(%dma_wait3A_42 : memref<50000x64xf32, #tpu.memory_space<hbm>>) dst(%arg9 : memref<128x64xf32, #tpu.memory_space<vmem>>)
      %dma_wait3A_43 = arith.constant 0 : i32
      %dma_wait3A_44 = arith.constant 0 : i32
      %dma_wait3A_45 = tpu.memref_slice %arg3[%dma_wait3A_43, %dma_wait3A_44] : memref<50000x64xf32, #tpu.memory_space<hbm>> -> memref<50000x64xf32, #tpu.memory_space<hbm>>
      tpu.wait_indirect_dma semaphore(%arg11 : memref<!tpu.dma_semaphore, #tpu.memory_space<semaphore_mem>>) src(%dma_wait3A_45 : memref<50000x64xf32, #tpu.memory_space<hbm>>) dst(%arg10 : memref<128x64xf32, #tpu.memory_space<vmem>>)
      %dma_start3A_46 = arith.constant 0 : i32
      %dma_start3A_47 = tpu.memref_slice %arg6[%mul3A_22, %dma_start3A_46] : memref<800000x128xf32, #tpu.memory_space<hbm>> -> memref<128x64xf32, #tpu.memory_space<hbm>>
      %dma_start3A_48 = arith.constant 0 : i32
      %dma_start3A_49 = tpu.memref_slice %arg6[%mul3A_22, %dma_start3A_48] : memref<800000x128xf32, #tpu.memory_space<hbm>> -> memref<128x64xf32, #tpu.memory_space<hbm>>
      tpu.enqueue_dma source(%arg9 : memref<128x64xf32, #tpu.memory_space<vmem>>) target(%dma_start3A_49 : memref<128x64xf32, #tpu.memory_space<hbm>>) target_semaphore(%arg13 : memref<!tpu.dma_semaphore, #tpu.memory_space<semaphore_mem>>)
      %dma_start3A_50 = arith.constant 64 : i32
      %dma_start3A_51 = tpu.memref_slice %arg6[%mul3A_22, %dma_start3A_50] : memref<800000x128xf32, #tpu.memory_space<hbm>> -> memref<128x64xf32, #tpu.memory_space<hbm>>
      %dma_start3A_52 = arith.constant 64 : i32
      %dma_start3A_53 = tpu.memref_slice %arg6[%mul3A_22, %dma_start3A_52] : memref<800000x128xf32, #tpu.memory_space<hbm>> -> memref<128x64xf32, #tpu.memory_space<hbm>>
      tpu.enqueue_dma source(%arg10 : memref<128x64xf32, #tpu.memory_space<vmem>>) target(%dma_start3A_53 : memref<128x64xf32, #tpu.memory_space<hbm>>) target_semaphore(%arg13 : memref<!tpu.dma_semaphore, #tpu.memory_space<semaphore_mem>>)
      %while3A_54 = arith.constant 0 : i32
      scf.yield %while3A_54 : i32
    }
    %while3A_12 = arith.constant 1 : i32
    %while3A_13 = scf.for %while3A_16 = %while3A_9 to %while3A_5 step %while3A_12 iter_args(%while3A_17 = %while3A_11) -> (i32)  : i32 {
      %mul3A_18 = arith.constant 32 : i32
      %mul3A_19 = arith.muli %while3A_16, %mul3A_18 : i32
      %add3A_20 = arith.addi %mul3A_19, %add3A : i32
      %mul3A_21 = arith.constant 128 : i32
      %mul3A_22 = arith.muli %add3A_20, %mul3A_21 : i32
      %dma_start3A = tpu.memref_slice %arg4[%mul3A_22] : memref<800000xi32, #tpu.memory_space<hbm>> -> memref<128xi32, #tpu.memory_space<hbm>>
      %dma_start3A_23 = tpu.memref_slice %arg4[%mul3A_22] : memref<800000xi32, #tpu.memory_space<hbm>> -> memref<128xi32, #tpu.memory_space<hbm>>
      tpu.enqueue_dma source(%dma_start3A_23 : memref<128xi32, #tpu.memory_space<hbm>>) target(%arg7 : memref<128xi32, #tpu.memory_space<vmem>>) target_semaphore(%arg12 : memref<!tpu.dma_semaphore, #tpu.memory_space<semaphore_mem>>)
      %dma_start3A_24 = tpu.memref_slice %arg5[%mul3A_22] : memref<800000xi32, #tpu.memory_space<hbm>> -> memref<128xi32, #tpu.memory_space<hbm>>
      %dma_start3A_25 = tpu.memref_slice %arg5[%mul3A_22] : memref<800000xi32, #tpu.memory_space<hbm>> -> memref<128xi32, #tpu.memory_space<hbm>>
      tpu.enqueue_dma source(%dma_start3A_25 : memref<128xi32, #tpu.memory_space<hbm>>) target(%arg8 : memref<128xi32, #tpu.memory_space<vmem>>) target_semaphore(%arg12 : memref<!tpu.dma_semaphore, #tpu.memory_space<semaphore_mem>>)
      %gt3A_26 = arith.constant 0 : i32
      %gt3A_27 = arith.cmpi sgt, %while3A_16, %gt3A_26 : i32
      %convert_element_type3A_28 = arith.extui %gt3A_27 : i1 to i32
      %cond3A_29 = arith.constant 0 : i32
      %cond3A_30 = arith.cmpi ne, %convert_element_type3A_28, %cond3A_29 : i32
      scf.if %cond3A_30 {
        %dma_wait3A_55 = arith.constant 0 : i32
        %dma_wait3A_56 = tpu.memref_slice %arg6[%mul3A_22, %dma_wait3A_55] : memref<800000x128xf32, #tpu.memory_space<hbm>> -> memref<128x64xf32, #tpu.memory_space<hbm>>
        %dma_wait3A_57 = arith.constant 0 : i32
        %dma_wait3A_58 = tpu.memref_slice %arg6[%mul3A_22, %dma_wait3A_57] : memref<800000x128xf32, #tpu.memory_space<hbm>> -> memref<128x64xf32, #tpu.memory_space<hbm>>
        tpu.wait_dma2 semaphore(%arg13 : memref<!tpu.dma_semaphore, #tpu.memory_space<semaphore_mem>>) src(%arg9 : memref<128x64xf32, #tpu.memory_space<vmem>>) dst(%dma_wait3A_58 : memref<128x64xf32, #tpu.memory_space<hbm>>)
        %dma_wait3A_59 = arith.constant 64 : i32
        %dma_wait3A_60 = tpu.memref_slice %arg6[%mul3A_22, %dma_wait3A_59] : memref<800000x128xf32, #tpu.memory_space<hbm>> -> memref<128x64xf32, #tpu.memory_space<hbm>>
        %dma_wait3A_61 = arith.constant 64 : i32
        %dma_wait3A_62 = tpu.memref_slice %arg6[%mul3A_22, %dma_wait3A_61] : memref<800000x128xf32, #tpu.memory_space<hbm>> -> memref<128x64xf32, #tpu.memory_space<hbm>>
        tpu.wait_dma2 semaphore(%arg13 : memref<!tpu.dma_semaphore, #tpu.memory_space<semaphore_mem>>) src(%arg10 : memref<128x64xf32, #tpu.memory_space<vmem>>) dst(%dma_wait3A_62 : memref<128x64xf32, #tpu.memory_space<hbm>>)
      } else {
      }
      %dma_wait3A = tpu.memref_slice %arg4[%mul3A_22] : memref<800000xi32, #tpu.memory_space<hbm>> -> memref<128xi32, #tpu.memory_space<hbm>>
      %dma_wait3A_31 = tpu.memref_slice %arg4[%mul3A_22] : memref<800000xi32, #tpu.memory_space<hbm>> -> memref<128xi32, #tpu.memory_space<hbm>>
      tpu.wait_dma2 semaphore(%arg12 : memref<!tpu.dma_semaphore, #tpu.memory_space<semaphore_mem>>) src(%dma_wait3A_31 : memref<128xi32, #tpu.memory_space<hbm>>) dst(%arg7 : memref<128xi32, #tpu.memory_space<vmem>>)
      %dma_wait3A_32 = tpu.memref_slice %arg5[%mul3A_22] : memref<800000xi32, #tpu.memory_space<hbm>> -> memref<128xi32, #tpu.memory_space<hbm>>
      %dma_wait3A_33 = tpu.memref_slice %arg5[%mul3A_22] : memref<800000xi32, #tpu.memory_space<hbm>> -> memref<128xi32, #tpu.memory_space<hbm>>
      tpu.wait_dma2 semaphore(%arg12 : memref<!tpu.dma_semaphore, #tpu.memory_space<semaphore_mem>>) src(%dma_wait3A_33 : memref<128xi32, #tpu.memory_space<hbm>>) dst(%arg8 : memref<128xi32, #tpu.memory_space<vmem>>)
      %dma_start3A_34 = arith.constant 0 : i32
      %dma_start3A_35 = arith.constant 0 : i32
      %dma_start3A_36 = tpu.memref_slice %arg2[%dma_start3A_34, %dma_start3A_35] : memref<50000x64xf32, #tpu.memory_space<hbm>> -> memref<50000x64xf32, #tpu.memory_space<hbm>>
      tpu.enqueue_indirect_dma source(%dma_start3A_36 : memref<50000x64xf32, #tpu.memory_space<hbm>>) target(%arg9 : memref<128x64xf32, #tpu.memory_space<vmem>>) offsets(%arg7 : memref<128xi32, #tpu.memory_space<vmem>>) semaphore(%arg11 : memref<!tpu.dma_semaphore, #tpu.memory_space<semaphore_mem>>)
      %dma_start3A_37 = arith.constant 0 : i32
      %dma_start3A_38 = arith.constant 0 : i32
      %dma_start3A_39 = tpu.memref_slice %arg3[%dma_start3A_37, %dma_start3A_38] : memref<50000x64xf32, #tpu.memory_space<hbm>> -> memref<50000x64xf32, #tpu.memory_space<hbm>>
      tpu.enqueue_indirect_dma source(%dma_start3A_39 : memref<50000x64xf32, #tpu.memory_space<hbm>>) target(%arg10 : memref<128x64xf32, #tpu.memory_space<vmem>>) offsets(%arg8 : memref<128xi32, #tpu.memory_space<vmem>>) semaphore(%arg11 : memref<!tpu.dma_semaphore, #tpu.memory_space<semaphore_mem>>)
      %dma_wait3A_40 = arith.constant 0 : i32
      %dma_wait3A_41 = arith.constant 0 : i32
      %dma_wait3A_42 = tpu.memref_slice %arg2[%dma_wait3A_40, %dma_wait3A_41] : memref<50000x64xf32, #tpu.memory_space<hbm>> -> memref<50000x64xf32, #tpu.memory_space<hbm>>
      tpu.wait_indirect_dma semaphore(%arg11 : memref<!tpu.dma_semaphore, #tpu.memory_space<semaphore_mem>>) src(%dma_wait3A_42 : memref<50000x64xf32, #tpu.memory_space<hbm>>) dst(%arg9 : memref<128x64xf32, #tpu.memory_space<vmem>>)
      %dma_wait3A_43 = arith.constant 0 : i32
      %dma_wait3A_44 = arith.constant 0 : i32
      %dma_wait3A_45 = tpu.memref_slice %arg3[%dma_wait3A_43, %dma_wait3A_44] : memref<50000x64xf32, #tpu.memory_space<hbm>> -> memref<50000x64xf32, #tpu.memory_space<hbm>>
      tpu.wait_indirect_dma semaphore(%arg11 : memref<!tpu.dma_semaphore, #tpu.memory_space<semaphore_mem>>) src(%dma_wait3A_45 : memref<50000x64xf32, #tpu.memory_space<hbm>>) dst(%arg10 : memref<128x64xf32, #tpu.memory_space<vmem>>)
      %dma_start3A_46 = arith.constant 0 : i32
      %dma_start3A_47 = tpu.memref_slice %arg6[%mul3A_22, %dma_start3A_46] : memref<800000x128xf32, #tpu.memory_space<hbm>> -> memref<128x64xf32, #tpu.memory_space<hbm>>
      %dma_start3A_48 = arith.constant 0 : i32
      %dma_start3A_49 = tpu.memref_slice %arg6[%mul3A_22, %dma_start3A_48] : memref<800000x128xf32, #tpu.memory_space<hbm>> -> memref<128x64xf32, #tpu.memory_space<hbm>>
      tpu.enqueue_dma source(%arg9 : memref<128x64xf32, #tpu.memory_space<vmem>>) target(%dma_start3A_49 : memref<128x64xf32, #tpu.memory_space<hbm>>) target_semaphore(%arg13 : memref<!tpu.dma_semaphore, #tpu.memory_space<semaphore_mem>>)
      %dma_start3A_50 = arith.constant 64 : i32
      %dma_start3A_51 = tpu.memref_slice %arg6[%mul3A_22, %dma_start3A_50] : memref<800000x128xf32, #tpu.memory_space<hbm>> -> memref<128x64xf32, #tpu.memory_space<hbm>>
      %dma_start3A_52 = arith.constant 64 : i32
      %dma_start3A_53 = tpu.memref_slice %arg6[%mul3A_22, %dma_start3A_52] : memref<800000x128xf32, #tpu.memory_space<hbm>> -> memref<128x64xf32, #tpu.memory_space<hbm>>
      tpu.enqueue_dma source(%arg10 : memref<128x64xf32, #tpu.memory_space<vmem>>) target(%dma_start3A_53 : memref<128x64xf32, #tpu.memory_space<hbm>>) target_semaphore(%arg13 : memref<!tpu.dma_semaphore, #tpu.memory_space<semaphore_mem>>)
      %while3A_54 = arith.constant 0 : i32
      scf.yield %while3A_54 : i32
    }
    %gt3A = arith.constant 0 : i32
    %gt3A_14 = arith.cmpi sgt, %select_n3A, %gt3A : i32
    %convert_element_type3A = arith.extui %gt3A_14 : i1 to i32
    %cond3A = arith.constant 0 : i32
    %cond3A_15 = arith.cmpi ne, %convert_element_type3A, %cond3A : i32
    scf.if %cond3A_15 {
      %dma_wait3A = arith.constant 0 : i32
      %dma_wait3A_16 = arith.constant 0 : i32
      %dma_wait3A_17 = tpu.memref_slice %arg6[%dma_wait3A, %dma_wait3A_16] : memref<800000x128xf32, #tpu.memory_space<hbm>> -> memref<128x64xf32, #tpu.memory_space<hbm>>
      %dma_wait3A_18 = arith.constant 0 : i32
      %dma_wait3A_19 = arith.constant 0 : i32
      %dma_wait3A_20 = tpu.memref_slice %arg6[%dma_wait3A_18, %dma_wait3A_19] : memref<800000x128xf32, #tpu.memory_space<hbm>> -> memref<128x64xf32, #tpu.memory_space<hbm>>
      tpu.wait_dma2 semaphore(%arg13 : memref<!tpu.dma_semaphore, #tpu.memory_space<semaphore_mem>>) src(%arg9 : memref<128x64xf32, #tpu.memory_space<vmem>>) dst(%dma_wait3A_20 : memref<128x64xf32, #tpu.memory_space<hbm>>)
      %dma_wait3A_21 = arith.constant 0 : i32
      %dma_wait3A_22 = arith.constant 64 : i32
      %dma_wait3A_23 = tpu.memref_slice %arg6[%dma_wait3A_21, %dma_wait3A_22] : memref<800000x128xf32, #tpu.memory_space<hbm>> -> memref<128x64xf32, #tpu.memory_space<hbm>>
      %dma_wait3A_24 = arith.constant 0 : i32
      %dma_wait3A_25 = arith.constant 64 : i32
      %dma_wait3A_26 = tpu.memref_slice %arg6[%dma_wait3A_24, %dma_wait3A_25] : memref<800000x128xf32, #tpu.memory_space<hbm>> -> memref<128x64xf32, #tpu.memory_space<hbm>>
      tpu.wait_dma2 semaphore(%arg13 : memref<!tpu.dma_semaphore, #tpu.memory_space<semaphore_mem>>) src(%arg10 : memref<128x64xf32, #tpu.memory_space<vmem>>) dst(%dma_wait3A_26 : memref<128x64xf32, #tpu.memory_space<hbm>>)
    } else {
    }
    return
  }
}

module attributes {stable_mosaic.version = 14 : i64} {
  func.func @_prep0_body(%arg0: i32, %arg1: memref<2000x64xf32, #tpu.memory_space<vmem>>, %arg2: memref<1x64xf32, #tpu.memory_space<vmem>>, %arg3: memref<1x64xf32, #tpu.memory_space<vmem>>, %arg4: memref<64x64xf32, #tpu.memory_space<vmem>>, %arg5: memref<1x64xf32, #tpu.memory_space<vmem>>, %arg6: memref<64x64xf32, #tpu.memory_space<vmem>>, %arg7: memref<2000x64xf32, #tpu.memory_space<vmem>>, %arg8: memref<2000x64xf32, #tpu.memory_space<vmem>>, %arg9: memref<2000x64xf32, #tpu.memory_space<vmem>>) attributes {dimension_semantics = [#tpu.dimension_semantics<arbitrary>], iteration_bounds = array<i64: 25>, scalar_prefetch = 0 : i64, scratch_operands = 0 : i64, tpu.core_type = #tpu.core_type<tc>, window_params = [{transform_indices = @transform_0, window_bounds = array<i64: 2000, 64>}, {pipeline_mode = #tpu.pipeline_mode<synchronous>, transform_indices = @transform_1, window_bounds = array<i64: 1, 64>}, {pipeline_mode = #tpu.pipeline_mode<synchronous>, transform_indices = @transform_2, window_bounds = array<i64: 1, 64>}, {pipeline_mode = #tpu.pipeline_mode<synchronous>, transform_indices = @transform_3, window_bounds = array<i64: 64, 64>}, {pipeline_mode = #tpu.pipeline_mode<synchronous>, transform_indices = @transform_4, window_bounds = array<i64: 1, 64>}, {pipeline_mode = #tpu.pipeline_mode<synchronous>, transform_indices = @transform_5, window_bounds = array<i64: 64, 64>}, {transform_indices = @transform_6, window_bounds = array<i64: 2000, 64>}, {transform_indices = @transform_7, window_bounds = array<i64: 2000, 64>}, {transform_indices = @transform_8, window_bounds = array<i64: 2000, 64>}]} {
    %get3A = arith.constant 0 : index
    %get3A_0 = arith.constant 0 : index
    %get3A_1 = vector.load %arg1[%get3A, %get3A_0] : memref<2000x64xf32, #tpu.memory_space<vmem>>, vector<2000x64xf32>
    %get3A_2 = arith.constant 0 : index
    %get3A_3 = arith.constant 0 : index
    %get3A_4 = vector.load %arg2[%get3A_2, %get3A_3] : memref<1x64xf32, #tpu.memory_space<vmem>>, vector<1x64xf32>
    %get3A_5 = arith.constant 0 : index
    %get3A_6 = arith.constant 0 : index
    %get3A_7 = vector.load %arg3[%get3A_5, %get3A_6] : memref<1x64xf32, #tpu.memory_space<vmem>>, vector<1x64xf32>
    %reduce_sum3A = arith.constant dense<0.000000e+00> : vector<2000xf32>
    %reduce_sum3A_8 = vector.multi_reduction <add>, %get3A_1, %reduce_sum3A [1] : vector<2000x64xf32> to vector<2000xf32>
    %broadcast_in_dim3A = vector.shape_cast %reduce_sum3A_8 : vector<2000xf32> to vector<2000x1xf32>
    %div3A = arith.constant 6.400000e+01 : f32
    %div3A_9 = vector.broadcast %div3A : f32 to vector<2000x1xf32>
    %div3A_10 = arith.divf %broadcast_in_dim3A, %div3A_9 : vector<2000x1xf32>
    %sub3A = vector.broadcast %div3A_10 : vector<2000x1xf32> to vector<2000x64xf32>
    %sub3A_11 = arith.subf %get3A_1, %sub3A : vector<2000x64xf32>
    %integer_pow3A = arith.mulf %sub3A_11, %sub3A_11 : vector<2000x64xf32>
    %reduce_sum3A_12 = arith.constant dense<0.000000e+00> : vector<2000xf32>
    %reduce_sum3A_13 = vector.multi_reduction <add>, %integer_pow3A, %reduce_sum3A_12 [1] : vector<2000x64xf32> to vector<2000xf32>
    %broadcast_in_dim3A_14 = vector.shape_cast %reduce_sum3A_13 : vector<2000xf32> to vector<2000x1xf32>
    %div3A_15 = arith.constant 6.400000e+01 : f32
    %div3A_16 = vector.broadcast %div3A_15 : f32 to vector<2000x1xf32>
    %div3A_17 = arith.divf %broadcast_in_dim3A_14, %div3A_16 : vector<2000x1xf32>
    %sub3A_18 = vector.broadcast %div3A_10 : vector<2000x1xf32> to vector<2000x64xf32>
    %sub3A_19 = arith.subf %get3A_1, %sub3A_18 : vector<2000x64xf32>
    %add3A = arith.constant 9.99999997E-7 : f32
    %add3A_20 = vector.broadcast %add3A : f32 to vector<2000x1xf32>
    %add3A_21 = arith.addf %div3A_17, %add3A_20 : vector<2000x1xf32>
    %sqrt3A = math.sqrt %add3A_21 : vector<2000x1xf32>
    %div3A_22 = vector.broadcast %sqrt3A : vector<2000x1xf32> to vector<2000x64xf32>
    %div3A_23 = arith.divf %sub3A_19, %div3A_22 : vector<2000x64xf32>
    %mul3A = vector.broadcast %get3A_4 : vector<1x64xf32> to vector<2000x64xf32>
    %mul3A_24 = arith.mulf %div3A_23, %mul3A : vector<2000x64xf32>
    %add3A_25 = vector.broadcast %get3A_7 : vector<1x64xf32> to vector<2000x64xf32>
    %add3A_26 = arith.addf %mul3A_24, %add3A_25 : vector<2000x64xf32>
    %swap3A = arith.constant 0 : index
    %swap3A_27 = arith.constant 0 : index
    %swap3A_28 = vector.load %arg7[%swap3A, %swap3A_27] : memref<2000x64xf32, #tpu.memory_space<vmem>>, vector<2000x64xf32>
    tpu.vector_store %arg7[%swap3A, %swap3A_27], %add3A_26 {strides = array<i32>} : memref<2000x64xf32, #tpu.memory_space<vmem>>, vector<2000x64xf32>,
    %get3A_29 = arith.constant 0 : index
    %get3A_30 = arith.constant 0 : index
    %get3A_31 = vector.load %arg4[%get3A_29, %get3A_30] : memref<64x64xf32, #tpu.memory_space<vmem>>, vector<64x64xf32>
    %dot_general3A = arith.constant dense<0.000000e+00> : vector<2000x64xf32>
    %dot_general3A_32 = tpu.matmul %add3A_26, %get3A_31, %dot_general3A {dimension_numbers = #tpu.dot_dimension_numbers<[1], [0], [0], [1], [0, 0, 1, 1], [], []>, precision = #tpu.contract_precision<fp32>, transpose_lhs_hint = false} : vector<2000x64xf32>, vector<64x64xf32>, vector<2000x64xf32> -> vector<2000x64xf32>
    %get3A_33 = arith.constant 0 : index
    %get3A_34 = arith.constant 0 : index
    %get3A_35 = vector.load %arg5[%get3A_33, %get3A_34] : memref<1x64xf32, #tpu.memory_space<vmem>>, vector<1x64xf32>
    %add3A_36 = vector.broadcast %get3A_35 : vector<1x64xf32> to vector<2000x64xf32>
    %add3A_37 = arith.addf %dot_general3A_32, %add3A_36 : vector<2000x64xf32>
    %swap3A_38 = arith.constant 0 : index
    %swap3A_39 = arith.constant 0 : index
    %swap3A_40 = vector.load %arg8[%swap3A_38, %swap3A_39] : memref<2000x64xf32, #tpu.memory_space<vmem>>, vector<2000x64xf32>
    tpu.vector_store %arg8[%swap3A_38, %swap3A_39], %add3A_37 {strides = array<i32>} : memref<2000x64xf32, #tpu.memory_space<vmem>>, vector<2000x64xf32>,
    %get3A_41 = arith.constant 0 : index
    %get3A_42 = arith.constant 0 : index
    %get3A_43 = vector.load %arg6[%get3A_41, %get3A_42] : memref<64x64xf32, #tpu.memory_space<vmem>>, vector<64x64xf32>
    %dot_general3A_44 = arith.constant dense<0.000000e+00> : vector<2000x64xf32>
    %dot_general3A_45 = tpu.matmul %add3A_26, %get3A_43, %dot_general3A_44 {dimension_numbers = #tpu.dot_dimension_numbers<[1], [0], [0], [1], [0, 0, 1, 1], [], []>, precision = #tpu.contract_precision<fp32>, transpose_lhs_hint = false} : vector<2000x64xf32>, vector<64x64xf32>, vector<2000x64xf32> -> vector<2000x64xf32>
    %swap3A_46 = arith.constant 0 : index
    %swap3A_47 = arith.constant 0 : index
    %swap3A_48 = vector.load %arg9[%swap3A_46, %swap3A_47] : memref<2000x64xf32, #tpu.memory_space<vmem>>, vector<2000x64xf32>
    tpu.vector_store %arg9[%swap3A_46, %swap3A_47], %dot_general3A_45 {strides = array<i32>} : memref<2000x64xf32, #tpu.memory_space<vmem>>, vector<2000x64xf32>,
    return
  }
  func.func @transform_0(%arg0: i32) -> (i32, i32) {
    %c0_i32 = arith.constant 0 : i32
    %c0_i32_0 = arith.constant 0 : i32
    return %arg0, %c0_i32 : i32, i32
  }
  func.func @transform_1(%arg0: i32) -> (i32, i32) {
    %c0_i32 = arith.constant 0 : i32
    %c0_i32_0 = arith.constant 0 : i32
    %c0_i32_1 = arith.constant 0 : i32
    return %c0_i32, %c0_i32_0 : i32, i32
  }
  func.func @transform_2(%arg0: i32) -> (i32, i32) {
    %c0_i32 = arith.constant 0 : i32
    %c0_i32_0 = arith.constant 0 : i32
    %c0_i32_1 = arith.constant 0 : i32
    return %c0_i32, %c0_i32_0 : i32, i32
  }
  func.func @transform_3(%arg0: i32) -> (i32, i32) {
    %c0_i32 = arith.constant 0 : i32
    %c0_i32_0 = arith.constant 0 : i32
    %c0_i32_1 = arith.constant 0 : i32
    return %c0_i32, %c0_i32_0 : i32, i32
  }
  func.func @transform_4(%arg0: i32) -> (i32, i32) {
    %c0_i32 = arith.constant 0 : i32
    %c0_i32_0 = arith.constant 0 : i32
    %c0_i32_1 = arith.constant 0 : i32
    return %c0_i32, %c0_i32_0 : i32, i32
  }
  func.func @transform_5(%arg0: i32) -> (i32, i32) {
    %c0_i32 = arith.constant 0 : i32
    %c0_i32_0 = arith.constant 0 : i32
    %c0_i32_1 = arith.constant 0 : i32
    return %c0_i32, %c0_i32_0 : i32, i32
  }
  func.func @transform_6(%arg0: i32) -> (i32, i32) {
    %c0_i32 = arith.constant 0 : i32
    %c0_i32_0 = arith.constant 0 : i32
    return %arg0, %c0_i32 : i32, i32
  }
  func.func @transform_7(%arg0: i32) -> (i32, i32) {
    %c0_i32 = arith.constant 0 : i32
    %c0_i32_0 = arith.constant 0 : i32
    return %arg0, %c0_i32 : i32, i32
  }
  func.func @transform_8(%arg0: i32) -> (i32, i32) {
    %c0_i32 = arith.constant 0 : i32
    %c0_i32_0 = arith.constant 0 : i32
    return %arg0, %c0_i32 : i32, i32
  }
}

module attributes {stable_mosaic.version = 14 : i64} {
  func.func @_edge0_body(%arg0: i32, %arg1: memref<3200x128xf32, #tpu.memory_space<vmem>>, %arg2: memref<16x3200xf32, #tpu.memory_space<vmem>>, %arg3: memref<1x1x3200xf32, #tpu.memory_space<vmem>>, %arg4: memref<1x1x3200xf32, #tpu.memory_space<vmem>>, %arg5: memref<3x3200xf32, #tpu.memory_space<vmem>>, %arg6: memref<3x48xf32, #tpu.memory_space<vmem>>, %arg7: memref<19x64xf32, #tpu.memory_space<vmem>>, %arg8: memref<130x115xf32, #tpu.memory_space<vmem>>, %arg9: memref<3200x128xf32, #tpu.memory_space<vmem>>, %arg10: memref<16x3200xf32, #tpu.memory_space<vmem>>) attributes {dimension_semantics = [#tpu.dimension_semantics<arbitrary>], iteration_bounds = array<i64: 250>, scalar_prefetch = 0 : i64, scratch_operands = 0 : i64, tpu.core_type = #tpu.core_type<tc>, window_params = [{transform_indices = @transform_0, window_bounds = array<i64: 3200, 128>}, {transform_indices = @transform_1, window_bounds = array<i64: 16, 3200>}, {transform_indices = @transform_2, window_bounds = array<i64: 1, 1, 3200>}, {transform_indices = @transform_3, window_bounds = array<i64: 1, 1, 3200>}, {transform_indices = @transform_4, window_bounds = array<i64: 3, 3200>}, {pipeline_mode = #tpu.pipeline_mode<synchronous>, transform_indices = @transform_5, window_bounds = array<i64: 3, 48>}, {pipeline_mode = #tpu.pipeline_mode<synchronous>, transform_indices = @transform_6, window_bounds = array<i64: 19, 64>}, {pipeline_mode = #tpu.pipeline_mode<synchronous>, transform_indices = @transform_7, window_bounds = array<i64: 130, 115>}, {transform_indices = @transform_8, window_bounds = array<i64: 3200, 128>}, {transform_indices = @transform_9, window_bounds = array<i64: 16, 3200>}]} {
    %get3A = arith.constant 0 : index
    %get3A_0 = arith.constant 0 : index
    %get3A_1 = arith.constant 0 : index
    %get3A_2 = vector.load %arg3[%get3A, %get3A_0, %get3A_1] : memref<1x1x3200xf32, #tpu.memory_space<vmem>>, vector<1x1x3200xf32>
    %reshape3A = vector.shape_cast %get3A_2 : vector<1x1x3200xf32> to vector<1x3200xf32>
    %get3A_3 = arith.constant 0 : index
    %get3A_4 = arith.constant 0 : index
    %get3A_5 = arith.constant 0 : index
    %get3A_6 = vector.load %arg4[%get3A_3, %get3A_4, %get3A_5] : memref<1x1x3200xf32, #tpu.memory_space<vmem>>, vector<1x1x3200xf32>
    %reshape3A_7 = vector.shape_cast %get3A_6 : vector<1x1x3200xf32> to vector<1x3200xf32>
    %lt3A = arith.constant 5.000000e+00 : f32
    %lt3A_8 = vector.broadcast %lt3A : f32 to vector<1x3200xf32>
    %lt3A_9 = arith.cmpf olt, %reshape3A, %lt3A_8 : vector<1x3200xf32>
    %mul3A = arith.constant 3.14159274 : f32
    %mul3A_10 = vector.broadcast %mul3A : f32 to vector<1x3200xf32>
    %mul3A_11 = arith.mulf %mul3A_10, %reshape3A : vector<1x3200xf32>
    %div3A = arith.constant 5.000000e+00 : f32
    %div3A_12 = vector.broadcast %div3A : f32 to vector<1x3200xf32>
    %div3A_13 = arith.divf %mul3A_11, %div3A_12 : vector<1x3200xf32>
    %cos3A = math.cos %div3A_13 : vector<1x3200xf32>
    %add3A = arith.constant 1.000000e+00 : f32
    %add3A_14 = vector.broadcast %add3A : f32 to vector<1x3200xf32>
    %add3A_15 = arith.addf %cos3A, %add3A_14 : vector<1x3200xf32>
    %mul3A_16 = arith.constant 5.000000e-01 : f32
    %mul3A_17 = vector.broadcast %mul3A_16 : f32 to vector<1x3200xf32>
    %mul3A_18 = arith.mulf %mul3A_17, %add3A_15 : vector<1x3200xf32>
    %jit3A = arith.constant 0.000000e+00 : f32
    %broadcast_in_dim3A = vector.broadcast %jit3A : f32 to vector<1x3200xf32>
    %select_n3A = arith.select %lt3A_9, %mul3A_18, %broadcast_in_dim3A : vector<1x3200xi1>, vector<1x3200xf32>
    %get3A_19 = arith.constant 0 : index
    %get3A_20 = arith.constant 0 : index
    %get3A_21 = vector.load %arg5[%get3A_19, %get3A_20] : memref<3x3200xf32, #tpu.memory_space<vmem>>, vector<3x3200xf32>
    %broadcast_in_dim3A_22 = arith.constant 1.000000e+00 : f32
    %broadcast_in_dim3A_23 = vector.broadcast %broadcast_in_dim3A_22 : f32 to vector<1x3200xf32>
    %concatenate3A = tpu.concatenate %reshape3A, %reshape3A_7, %broadcast_in_dim3A_23, %select_n3A, %get3A_21 in 0 : vector<1x3200xf32>, vector<1x3200xf32>, vector<1x3200xf32>, vector<1x3200xf32>, vector<3x3200xf32> -> vector<7x3200xf32>
    %transpose3A = tpu.transpose %concatenate3A, [1, 0] : vector<7x3200xf32> -> vector<3200x7xf32>
    %slice3A = vector.extract_strided_slice %transpose3A {offsets = [0, 0], sizes = [3200, 3], strides = [1, 1]} : vector<3200x7xf32> to vector<3200x3xf32>
    %slice3A_24 = vector.extract_strided_slice %transpose3A {offsets = [0, 3], sizes = [3200, 1], strides = [1, 1]} : vector<3200x7xf32> to vector<3200x1xf32>
    %slice3A_25 = vector.extract_strided_slice %transpose3A {offsets = [0, 4], sizes = [3200, 3], strides = [1, 1]} : vector<3200x7xf32> to vector<3200x3xf32>
    %get3A_26 = arith.constant 0 : index
    %get3A_27 = arith.constant 0 : index
    %get3A_28 = vector.load %arg6[%get3A_26, %get3A_27] : memref<3x48xf32, #tpu.memory_space<vmem>>, vector<3x48xf32>
    %dot_general3A = arith.constant dense<0.000000e+00> : vector<3200x48xf32>
    %dot_general3A_29 = tpu.matmul %get3A_21, %get3A_28, %dot_general3A {dimension_numbers = #tpu.dot_dimension_numbers<[0], [0], [1], [1], [0, 1, 1, 1], [], []>, transpose_lhs_hint = false} : vector<3x3200xf32>, vector<3x48xf32>, vector<3200x48xf32> -> vector<3200x48xf32>
    %get3A_30 = arith.constant 0 : index
    %get3A_31 = arith.constant 0 : index
    %get3A_32 = vector.load %arg1[%get3A_30, %get3A_31] : memref<3200x128xf32, #tpu.memory_space<vmem>>, vector<3200x128xf32>
    %get3A_33 = arith.constant 0 : index
    %get3A_34 = arith.constant 0 : index
    %get3A_35 = vector.load %arg7[%get3A_33, %get3A_34] : memref<19x64xf32, #tpu.memory_space<vmem>>, vector<19x64xf32>
    %slice3A_36 = vector.extract_strided_slice %get3A_32 {offsets = [0, 0], sizes = [3200, 64], strides = [1, 1]} : vector<3200x128xf32> to vector<3200x64xf32>
    %slice3A_37 = vector.extract_strided_slice %get3A_32 {offsets = [0, 64], sizes = [3200, 64], strides = [1, 1]} : vector<3200x128xf32> to vector<3200x64xf32>
    %add3A_38 = arith.addf %slice3A_36, %slice3A_37 : vector<3200x64xf32>
    %get3A_39 = arith.constant 0 : index
    %get3A_40 = arith.constant 0 : index
    %get3A_41 = vector.load %arg2[%get3A_39, %get3A_40] : memref<16x3200xf32, #tpu.memory_space<vmem>>, vector<16x3200xf32>
    %slice3A_42 = vector.extract_strided_slice %get3A_35 {offsets = [0, 0], sizes = [16, 64], strides = [1, 1]} : vector<19x64xf32> to vector<16x64xf32>
    %dot_general3A_43 = arith.constant dense<0.000000e+00> : vector<3200x64xf32>
    %dot_general3A_44 = tpu.matmul %get3A_41, %slice3A_42, %dot_general3A_43 {dimension_numbers = #tpu.dot_dimension_numbers<[0], [0], [1], [1], [0, 1, 1, 1], [], []>, transpose_lhs_hint = false} : vector<16x3200xf32>, vector<16x64xf32>, vector<3200x64xf32> -> vector<3200x64xf32>
    %add3A_45 = arith.addf %add3A_38, %dot_general3A_44 : vector<3200x64xf32>
    %slice3A_46 = vector.extract_strided_slice %get3A_35 {offsets = [16, 0], sizes = [3, 64], strides = [1, 1]} : vector<19x64xf32> to vector<3x64xf32>
    %dot_general3A_47 = arith.constant dense<0.000000e+00> : vector<3200x64xf32>
    %dot_general3A_48 = tpu.matmul %slice3A, %slice3A_46, %dot_general3A_47 {dimension_numbers = #tpu.dot_dimension_numbers<[1], [0], [0], [1], [0, 0, 1, 1], [], []>, transpose_lhs_hint = false} : vector<3200x3xf32>, vector<3x64xf32>, vector<3200x64xf32> -> vector<3200x64xf32>
    %add3A_49 = arith.addf %add3A_45, %dot_general3A_48 : vector<3200x64xf32>
    %neg3A = arith.constant 0.000000e+00 : f32
    %neg3A_50 = vector.broadcast %neg3A : f32 to vector<3200x64xf32>
    %neg3A_51 = arith.subf %neg3A_50, %add3A_49 : vector<3200x64xf32>
    %exp3A = math.exp %neg3A_51 : vector<3200x64xf32>
    %add3A_52 = arith.constant 1.000000e+00 : f32
    %add3A_53 = vector.broadcast %add3A_52 : f32 to vector<3200x64xf32>
    %add3A_54 = arith.addf %add3A_53, %exp3A : vector<3200x64xf32>
    %div3A_55 = arith.divf %add3A_49, %add3A_54 : vector<3200x64xf32>
    %mul3A_56 = vector.broadcast %slice3A_24 : vector<3200x1xf32> to vector<3200x64xf32>
    %mul3A_57 = arith.mulf %div3A_55, %mul3A_56 : vector<3200x64xf32>
    %broadcast_in_dim3A_58 = arith.constant 1.000000e+00 : f32
    %broadcast_in_dim3A_59 = vector.broadcast %broadcast_in_dim3A_58 : f32 to vector<3200x1xf32>
    %concatenate3A_60 = tpu.concatenate %mul3A_57, %div3A_55, %slice3A_24, %broadcast_in_dim3A_59 in 1 : vector<3200x64xf32>, vector<3200x64xf32>, vector<3200x1xf32>, vector<3200x1xf32> -> vector<3200x130xf32>
    %get3A_61 = arith.constant 0 : index
    %get3A_62 = arith.constant 0 : index
    %get3A_63 = vector.load %arg8[%get3A_61, %get3A_62] : memref<130x115xf32, #tpu.memory_space<vmem>>, vector<130x115xf32>
    %dot_general3A_64 = arith.constant dense<0.000000e+00> : vector<3200x115xf32>
    %dot_general3A_65 = tpu.matmul %concatenate3A_60, %get3A_63, %dot_general3A_64 {dimension_numbers = #tpu.dot_dimension_numbers<[1], [0], [0], [1], [0, 0, 1, 1], [], []>, transpose_lhs_hint = false} : vector<3200x130xf32>, vector<130x115xf32>, vector<3200x115xf32> -> vector<3200x115xf32>
    %slice3A_66 = vector.extract_strided_slice %dot_general3A_65 {offsets = [0, 0], sizes = [3200, 48], strides = [1, 1]} : vector<3200x115xf32> to vector<3200x48xf32>
    %slice3A_67 = vector.extract_strided_slice %dot_general3A_65 {offsets = [0, 96], sizes = [3200, 16], strides = [1, 1]} : vector<3200x115xf32> to vector<3200x16xf32>
    %transpose3A_68 = tpu.transpose %slice3A_67, [1, 0] : vector<3200x16xf32> -> vector<16x3200xf32>
    %swap3A = arith.constant 0 : index
    %swap3A_69 = arith.constant 0 : index
    %swap3A_70 = vector.load %arg10[%swap3A, %swap3A_69] : memref<16x3200xf32, #tpu.memory_space<vmem>>, vector<16x3200xf32>
    tpu.vector_store %arg10[%swap3A, %swap3A_69], %transpose3A_68 {strides = array<i32>} : memref<16x3200xf32, #tpu.memory_space<vmem>>, vector<16x3200xf32>,
    %mul3A_71 = arith.mulf %slice3A_66, %dot_general3A_29 : vector<3200x48xf32>
    %slice3A_72 = vector.extract_strided_slice %dot_general3A_65 {offsets = [0, 112], sizes = [3200, 3], strides = [1, 1]} : vector<3200x115xf32> to vector<3200x3xf32>
    %mul3A_73 = arith.mulf %slice3A_72, %slice3A_25 : vector<3200x3xf32>
    %broadcast_in_dim3A_74 = arith.constant 0.000000e+00 : f32
    %broadcast_in_dim3A_75 = vector.broadcast %broadcast_in_dim3A_74 : f32 to vector<3200x11xf32>
    %concatenate3A_76 = tpu.concatenate %mul3A_57, %mul3A_71, %mul3A_73, %slice3A_24, %broadcast_in_dim3A_59, %broadcast_in_dim3A_75 in 1 : vector<3200x64xf32>, vector<3200x48xf32>, vector<3200x3xf32>, vector<3200x1xf32>, vector<3200x1xf32>, vector<3200x11xf32> -> vector<3200x128xf32>
    %swap3A_77 = arith.constant 0 : index
    %swap3A_78 = arith.constant 0 : index
    %swap3A_79 = vector.load %arg9[%swap3A_77, %swap3A_78] : memref<3200x128xf32, #tpu.memory_space<vmem>>, vector<3200x128xf32>
    tpu.vector_store %arg9[%swap3A_77, %swap3A_78], %concatenate3A_76 {strides = array<i32>} : memref<3200x128xf32, #tpu.memory_space<vmem>>, vector<3200x128xf32>,
    return
  }
  func.func @transform_0(%arg0: i32) -> (i32, i32) {
    %c0_i32 = arith.constant 0 : i32
    %c0_i32_0 = arith.constant 0 : i32
    return %arg0, %c0_i32 : i32, i32
  }
  func.func @transform_1(%arg0: i32) -> (i32, i32) {
    %c0_i32 = arith.constant 0 : i32
    %c0_i32_0 = arith.constant 0 : i32
    return %c0_i32, %arg0 : i32, i32
  }
  func.func @transform_2(%arg0: i32) -> (i32, i32, i32) {
    %c0_i32 = arith.constant 0 : i32
    %c0_i32_0 = arith.constant 0 : i32
    %c0_i32_1 = arith.constant 0 : i32
    return %arg0, %c0_i32, %c0_i32_0 : i32, i32, i32
  }
  func.func @transform_3(%arg0: i32) -> (i32, i32, i32) {
    %c0_i32 = arith.constant 0 : i32
    %c0_i32_0 = arith.constant 0 : i32
    %c0_i32_1 = arith.constant 0 : i32
    return %arg0, %c0_i32, %c0_i32_0 : i32, i32, i32
  }
  func.func @transform_4(%arg0: i32) -> (i32, i32) {
    %c0_i32 = arith.constant 0 : i32
    %c0_i32_0 = arith.constant 0 : i32
    return %c0_i32, %arg0 : i32, i32
  }
  func.func @transform_5(%arg0: i32) -> (i32, i32) {
    %c0_i32 = arith.constant 0 : i32
    %c0_i32_0 = arith.constant 0 : i32
    %c0_i32_1 = arith.constant 0 : i32
    return %c0_i32, %c0_i32_0 : i32, i32
  }
  func.func @transform_6(%arg0: i32) -> (i32, i32) {
    %c0_i32 = arith.constant 0 : i32
    %c0_i32_0 = arith.constant 0 : i32
    %c0_i32_1 = arith.constant 0 : i32
    return %c0_i32, %c0_i32_0 : i32, i32
  }
  func.func @transform_7(%arg0: i32) -> (i32, i32) {
    %c0_i32 = arith.constant 0 : i32
    %c0_i32_0 = arith.constant 0 : i32
    %c0_i32_1 = arith.constant 0 : i32
    return %c0_i32, %c0_i32_0 : i32, i32
  }
  func.func @transform_8(%arg0: i32) -> (i32, i32) {
    %c0_i32 = arith.constant 0 : i32
    %c0_i32_0 = arith.constant 0 : i32
    return %arg0, %c0_i32 : i32, i32
  }
  func.func @transform_9(%arg0: i32) -> (i32, i32) {
    %c0_i32 = arith.constant 0 : i32
    %c0_i32_0 = arith.constant 0 : i32
    return %c0_i32, %arg0 : i32, i32
  }
}

module attributes {stable_mosaic.version = 14 : i64} {
  func.func @_upd0_body(%arg0: i32, %arg1: memref<2000x128xf32, #tpu.memory_space<vmem>>, %arg2: memref<2000x64xf32, #tpu.memory_space<vmem>>, %arg3: memref<2000x48xf32, #tpu.memory_space<vmem>>, %arg4: memref<2000x3xf32, #tpu.memory_space<vmem>>, %arg5: memref<2000x64xf32, #tpu.memory_space<vmem>>, %arg6: memref<64x64xf32, #tpu.memory_space<vmem>>, %arg7: memref<1x64xf32, #tpu.memory_space<vmem>>, %arg8: memref<144x64xf32, #tpu.memory_space<vmem>>, %arg9: memref<1x64xf32, #tpu.memory_space<vmem>>, %arg10: memref<64x80xf32, #tpu.memory_space<vmem>>, %arg11: memref<1x80xf32, #tpu.memory_space<vmem>>, %arg12: memref<1x64xf32, #tpu.memory_space<vmem>>, %arg13: memref<1x64xf32, #tpu.memory_space<vmem>>, %arg14: memref<1x16xf32, #tpu.memory_space<vmem>>, %arg15: memref<64x64xf32, #tpu.memory_space<vmem>>, %arg16: memref<1x64xf32, #tpu.memory_space<vmem>>, %arg17: memref<64x64xf32, #tpu.memory_space<vmem>>, %arg18: memref<2000x64xf32, #tpu.memory_space<vmem>>, %arg19: memref<2000x48xf32, #tpu.memory_space<vmem>>, %arg20: memref<2000x3xf32, #tpu.memory_space<vmem>>, %arg21: memref<2000x8xf32, #tpu.memory_space<vmem>>, %arg22: memref<2000x64xf32, #tpu.memory_space<vmem>>, %arg23: memref<2000x64xf32, #tpu.memory_space<vmem>>, %arg24: memref<2000x48xf32, #tpu.memory_space<vmem>>) attributes {dimension_semantics = [#tpu.dimension_semantics<arbitrary>], iteration_bounds = array<i64: 25>, scalar_prefetch = 0 : i64, scratch_operands = 0 : i64, tpu.core_type = #tpu.core_type<tc>, window_params = [{transform_indices = @transform_0, window_bounds = array<i64: 2000, 128>}, {transform_indices = @transform_1, window_bounds = array<i64: 2000, 64>}, {transform_indices = @transform_2, window_bounds = array<i64: 2000, 48>}, {transform_indices = @transform_3, window_bounds = array<i64: 2000, 3>}, {transform_indices = @transform_4, window_bounds = array<i64: 2000, 64>}, {pipeline_mode = #tpu.pipeline_mode<synchronous>, transform_indices = @transform_5, window_bounds = array<i64: 64, 64>}, {pipeline_mode = #tpu.pipeline_mode<synchronous>, transform_indices = @transform_6, window_bounds = array<i64: 1, 64>}, {pipeline_mode = #tpu.pipeline_mode<synchronous>, transform_indices = @transform_7, window_bounds = array<i64: 144, 64>}, {pipeline_mode = #tpu.pipeline_mode<synchronous>, transform_indices = @transform_8, window_bounds = array<i64: 1, 64>}, {pipeline_mode = #tpu.pipeline_mode<synchronous>, transform_indices = @transform_9, window_bounds = array<i64: 64, 80>}, {pipeline_mode = #tpu.pipeline_mode<synchronous>, transform_indices = @transform_10, window_bounds = array<i64: 1, 80>}, {pipeline_mode = #tpu.pipeline_mode<synchronous>, transform_indices = @transform_11, window_bounds = array<i64: 1, 64>}, {pipeline_mode = #tpu.pipeline_mode<synchronous>, transform_indices = @transform_12, window_bounds = array<i64: 1, 64>}, {pipeline_mode = #tpu.pipeline_mode<synchronous>, transform_indices = @transform_13, window_bounds = array<i64: 1, 16>}, {pipeline_mode = #tpu.pipeline_mode<synchronous>, transform_indices = @transform_14, window_bounds = array<i64: 64, 64>}, {pipeline_mode = #tpu.pipeline_mode<synchronous>, transform_indices = @transform_15, window_bounds = array<i64: 1, 64>}, {pipeline_mode = #tpu.pipeline_mode<synchronous>, transform_indices = @transform_16, window_bounds = array<i64: 64, 64>}, {transform_indices = @transform_17, window_bounds = array<i64: 2000, 64>}, {transform_indices = @transform_18, window_bounds = array<i64: 2000, 48>}, {transform_indices = @transform_19, window_bounds = array<i64: 2000, 3>}, {transform_indices = @transform_20, window_bounds = array<i64: 2000, 8>}, {transform_indices = @transform_21, window_bounds = array<i64: 2000, 64>}, {transform_indices = @transform_22, window_bounds = array<i64: 2000, 64>}, {transform_indices = @transform_23, window_bounds = array<i64: 2000, 48>}]} {
    %get3A = arith.constant 0 : index
    %get3A_0 = arith.constant 0 : index
    %get3A_1 = vector.load %arg1[%get3A, %get3A_0] : memref<2000x128xf32, #tpu.memory_space<vmem>>, vector<2000x128xf32>
    %slice3A = vector.extract_strided_slice %get3A_1 {offsets = [0, 116], sizes = [2000, 1], strides = [1, 1]} : vector<2000x128xf32> to vector<2000x1xf32>
    %jit3A = arith.constant 1.000000e+00 : f32
    %max3A = vector.broadcast %jit3A : f32 to vector<2000x1xf32>
    %max3A_2 = arith.maximumf %max3A, %slice3A : vector<2000x1xf32>
    %div3A = arith.constant 1.000000e+00 : f32
    %div3A_3 = vector.broadcast %div3A : f32 to vector<2000x1xf32>
    %div3A_4 = arith.divf %div3A_3, %max3A_2 : vector<2000x1xf32>
    %slice3A_5 = vector.extract_strided_slice %get3A_1 {offsets = [0, 0], sizes = [2000, 64], strides = [1, 1]} : vector<2000x128xf32> to vector<2000x64xf32>
    %mul3A = vector.broadcast %div3A_4 : vector<2000x1xf32> to vector<2000x64xf32>
    %mul3A_6 = arith.mulf %slice3A_5, %mul3A : vector<2000x64xf32>
    %slice3A_7 = vector.extract_strided_slice %get3A_1 {offsets = [0, 115], sizes = [2000, 1], strides = [1, 1]} : vector<2000x128xf32> to vector<2000x1xf32>
    %mul3A_8 = arith.mulf %slice3A_7, %div3A_4 : vector<2000x1xf32>
    %get3A_9 = arith.constant 0 : index
    %get3A_10 = arith.constant 0 : index
    %get3A_11 = vector.load %arg6[%get3A_9, %get3A_10] : memref<64x64xf32, #tpu.memory_space<vmem>>, vector<64x64xf32>
    %dot_general3A = arith.constant dense<0.000000e+00> : vector<2000x64xf32>
    %dot_general3A_12 = tpu.matmul %mul3A_6, %get3A_11, %dot_general3A {dimension_numbers = #tpu.dot_dimension_numbers<[1], [0], [0], [1], [0, 0, 1, 1], [], []>, precision = #tpu.contract_precision<fp32>, transpose_lhs_hint = false} : vector<2000x64xf32>, vector<64x64xf32>, vector<2000x64xf32> -> vector<2000x64xf32>
    %get3A_13 = arith.constant 0 : index
    %get3A_14 = arith.constant 0 : index
    %get3A_15 = vector.load %arg7[%get3A_13, %get3A_14] : memref<1x64xf32, #tpu.memory_space<vmem>>, vector<1x64xf32>
    %mul3A_16 = vector.broadcast %mul3A_8 : vector<2000x1xf32> to vector<2000x64xf32>
    %mul3A_17 = vector.broadcast %get3A_15 : vector<1x64xf32> to vector<2000x64xf32>
    %mul3A_18 = arith.mulf %mul3A_16, %mul3A_17 : vector<2000x64xf32>
    %add3A = arith.addf %dot_general3A_12, %mul3A_18 : vector<2000x64xf32>
    %slice3A_19 = vector.extract_strided_slice %get3A_1 {offsets = [0, 64], sizes = [2000, 48], strides = [1, 1]} : vector<2000x128xf32> to vector<2000x48xf32>
    %mul3A_20 = vector.broadcast %div3A_4 : vector<2000x1xf32> to vector<2000x48xf32>
    %mul3A_21 = arith.mulf %slice3A_19, %mul3A_20 : vector<2000x48xf32>
    %get3A_22 = arith.constant 0 : index
    %get3A_23 = arith.constant 0 : index
    %get3A_24 = vector.load %arg4[%get3A_22, %get3A_23] : memref<2000x3xf32, #tpu.memory_space<vmem>>, vector<2000x3xf32>
    %slice3A_25 = vector.extract_strided_slice %get3A_1 {offsets = [0, 112], sizes = [2000, 3], strides = [1, 1]} : vector<2000x128xf32> to vector<2000x3xf32>
    %mul3A_26 = vector.broadcast %div3A_4 : vector<2000x1xf32> to vector<2000x3xf32>
    %mul3A_27 = arith.mulf %slice3A_25, %mul3A_26 : vector<2000x3xf32>
    %add3A_28 = arith.addf %get3A_24, %mul3A_27 : vector<2000x3xf32>
    %slice3A_29 = vector.extract_strided_slice %mul3A_21 {offsets = [0, 0], sizes = [2000, 16], strides = [1, 1]} : vector<2000x48xf32> to vector<2000x16xf32>
    %integer_pow3A = arith.mulf %slice3A_29, %slice3A_29 : vector<2000x16xf32>
    %slice3A_30 = vector.extract_strided_slice %mul3A_21 {offsets = [0, 16], sizes = [2000, 16], strides = [1, 1]} : vector<2000x48xf32> to vector<2000x16xf32>
    %integer_pow3A_31 = arith.mulf %slice3A_30, %slice3A_30 : vector<2000x16xf32>
    %add3A_32 = arith.addf %integer_pow3A, %integer_pow3A_31 : vector<2000x16xf32>
    %slice3A_33 = vector.extract_strided_slice %mul3A_21 {offsets = [0, 32], sizes = [2000, 16], strides = [1, 1]} : vector<2000x48xf32> to vector<2000x16xf32>
    %integer_pow3A_34 = arith.mulf %slice3A_33, %slice3A_33 : vector<2000x16xf32>
    %add3A_35 = arith.addf %add3A_32, %integer_pow3A_34 : vector<2000x16xf32>
    %add3A_36 = arith.constant 9.99999997E-7 : f32
    %add3A_37 = vector.broadcast %add3A_36 : f32 to vector<2000x16xf32>
    %add3A_38 = arith.addf %add3A_35, %add3A_37 : vector<2000x16xf32>
    %sqrt3A = math.sqrt %add3A_38 : vector<2000x16xf32>
    %get3A_39 = arith.constant 0 : index
    %get3A_40 = arith.constant 0 : index
    %get3A_41 = vector.load %arg5[%get3A_39, %get3A_40] : memref<2000x64xf32, #tpu.memory_space<vmem>>, vector<2000x64xf32>
    %concatenate3A = tpu.concatenate %get3A_41, %add3A, %sqrt3A in 1 : vector<2000x64xf32>, vector<2000x64xf32>, vector<2000x16xf32> -> vector<2000x144xf32>
    %get3A_42 = arith.constant 0 : index
    %get3A_43 = arith.constant 0 : index
    %get3A_44 = vector.load %arg8[%get3A_42, %get3A_43] : memref<144x64xf32, #tpu.memory_space<vmem>>, vector<144x64xf32>
    %dot_general3A_45 = arith.constant dense<0.000000e+00> : vector<2000x64xf32>
    %dot_general3A_46 = tpu.matmul %concatenate3A, %get3A_44, %dot_general3A_45 {dimension_numbers = #tpu.dot_dimension_numbers<[1], [0], [0], [1], [0, 0, 1, 1], [], []>, transpose_lhs_hint = false} : vector<2000x144xf32>, vector<144x64xf32>, vector<2000x64xf32> -> vector<2000x64xf32>
    %get3A_47 = arith.constant 0 : index
    %get3A_48 = arith.constant 0 : index
    %get3A_49 = vector.load %arg9[%get3A_47, %get3A_48] : memref<1x64xf32, #tpu.memory_space<vmem>>, vector<1x64xf32>
    %add3A_50 = vector.broadcast %get3A_49 : vector<1x64xf32> to vector<2000x64xf32>
    %add3A_51 = arith.addf %dot_general3A_46, %add3A_50 : vector<2000x64xf32>
    %neg3A = arith.constant 0.000000e+00 : f32
    %neg3A_52 = vector.broadcast %neg3A : f32 to vector<2000x64xf32>
    %neg3A_53 = arith.subf %neg3A_52, %add3A_51 : vector<2000x64xf32>
    %exp3A = math.exp %neg3A_53 : vector<2000x64xf32>
    %add3A_54 = arith.constant 1.000000e+00 : f32
    %add3A_55 = vector.broadcast %add3A_54 : f32 to vector<2000x64xf32>
    %add3A_56 = arith.addf %add3A_55, %exp3A : vector<2000x64xf32>
    %div3A_57 = arith.divf %add3A_51, %add3A_56 : vector<2000x64xf32>
    %get3A_58 = arith.constant 0 : index
    %get3A_59 = arith.constant 0 : index
    %get3A_60 = vector.load %arg10[%get3A_58, %get3A_59] : memref<64x80xf32, #tpu.memory_space<vmem>>, vector<64x80xf32>
    %dot_general3A_61 = arith.constant dense<0.000000e+00> : vector<2000x80xf32>
    %dot_general3A_62 = tpu.matmul %div3A_57, %get3A_60, %dot_general3A_61 {dimension_numbers = #tpu.dot_dimension_numbers<[1], [0], [0], [1], [0, 0, 1, 1], [], []>, transpose_lhs_hint = false} : vector<2000x64xf32>, vector<64x80xf32>, vector<2000x80xf32> -> vector<2000x80xf32>
    %get3A_63 = arith.constant 0 : index
    %get3A_64 = arith.constant 0 : index
    %get3A_65 = vector.load %arg11[%get3A_63, %get3A_64] : memref<1x80xf32, #tpu.memory_space<vmem>>, vector<1x80xf32>
    %add3A_66 = vector.broadcast %get3A_65 : vector<1x80xf32> to vector<2000x80xf32>
    %add3A_67 = arith.addf %dot_general3A_62, %add3A_66 : vector<2000x80xf32>
    %get3A_68 = arith.constant 0 : index
    %get3A_69 = arith.constant 0 : index
    %get3A_70 = vector.load %arg2[%get3A_68, %get3A_69] : memref<2000x64xf32, #tpu.memory_space<vmem>>, vector<2000x64xf32>
    %slice3A_71 = vector.extract_strided_slice %add3A_67 {offsets = [0, 0], sizes = [2000, 64], strides = [1, 1]} : vector<2000x80xf32> to vector<2000x64xf32>
    %add3A_72 = arith.addf %get3A_70, %slice3A_71 : vector<2000x64xf32>
    %slice3A_73 = vector.extract_strided_slice %add3A_67 {offsets = [0, 64], sizes = [2000, 16], strides = [1, 1]} : vector<2000x80xf32> to vector<2000x16xf32>
    %concatenate3A_74 = tpu.concatenate %slice3A_73, %slice3A_73, %slice3A_73 in 1 : vector<2000x16xf32>, vector<2000x16xf32>, vector<2000x16xf32> -> vector<2000x48xf32>
    %get3A_75 = arith.constant 0 : index
    %get3A_76 = arith.constant 0 : index
    %get3A_77 = vector.load %arg3[%get3A_75, %get3A_76] : memref<2000x48xf32, #tpu.memory_space<vmem>>, vector<2000x48xf32>
    %mul3A_78 = arith.mulf %concatenate3A_74, %mul3A_21 : vector<2000x48xf32>
    %add3A_79 = arith.addf %get3A_77, %mul3A_78 : vector<2000x48xf32>
    %swap3A = arith.constant 0 : index
    %swap3A_80 = arith.constant 0 : index
    %swap3A_81 = vector.load %arg18[%swap3A, %swap3A_80] : memref<2000x64xf32, #tpu.memory_space<vmem>>, vector<2000x64xf32>
    tpu.vector_store %arg18[%swap3A, %swap3A_80], %add3A_72 {strides = array<i32>} : memref<2000x64xf32, #tpu.memory_space<vmem>>, vector<2000x64xf32>,
    %swap3A_82 = arith.constant 0 : index
    %swap3A_83 = arith.constant 0 : index
    %swap3A_84 = vector.load %arg19[%swap3A_82, %swap3A_83] : memref<2000x48xf32, #tpu.memory_space<vmem>>, vector<2000x48xf32>
    tpu.vector_store %arg19[%swap3A_82, %swap3A_83], %add3A_79 {strides = array<i32>} : memref<2000x48xf32, #tpu.memory_space<vmem>>, vector<2000x48xf32>,
    %swap3A_85 = arith.constant 0 : index
    %swap3A_86 = arith.constant 0 : index
    %swap3A_87 = vector.load %arg20[%swap3A_85, %swap3A_86] : memref<2000x3xf32, #tpu.memory_space<vmem>>, vector<2000x3xf32>
    tpu.vector_store %arg20[%swap3A_85, %swap3A_86], %add3A_28 {strides = array<i32>} : memref<2000x3xf32, #tpu.memory_space<vmem>>, vector<2000x3xf32>,
    %broadcast_in_dim3A = arith.constant 0.000000e+00 : f32
    %broadcast_in_dim3A_88 = vector.broadcast %broadcast_in_dim3A : f32 to vector<2000x5xf32>
    %concatenate3A_89 = tpu.concatenate %add3A_28, %broadcast_in_dim3A_88 in 1 : vector<2000x3xf32>, vector<2000x5xf32> -> vector<2000x8xf32>
    %swap3A_90 = arith.constant 0 : index
    %swap3A_91 = arith.constant 0 : index
    %swap3A_92 = vector.load %arg21[%swap3A_90, %swap3A_91] : memref<2000x8xf32, #tpu.memory_space<vmem>>, vector<2000x8xf32>
    tpu.vector_store %arg21[%swap3A_90, %swap3A_91], %concatenate3A_89 {strides = array<i32>} : memref<2000x8xf32, #tpu.memory_space<vmem>>, vector<2000x8xf32>,
    %get3A_93 = arith.constant 0 : index
    %get3A_94 = arith.constant 0 : index
    %get3A_95 = vector.load %arg12[%get3A_93, %get3A_94] : memref<1x64xf32, #tpu.memory_space<vmem>>, vector<1x64xf32>
    %get3A_96 = arith.constant 0 : index
    %get3A_97 = arith.constant 0 : index
    %get3A_98 = vector.load %arg13[%get3A_96, %get3A_97] : memref<1x64xf32, #tpu.memory_space<vmem>>, vector<1x64xf32>
    %reduce_sum3A = arith.constant dense<0.000000e+00> : vector<2000xf32>
    %reduce_sum3A_99 = vector.multi_reduction <add>, %add3A_72, %reduce_sum3A [1] : vector<2000x64xf32> to vector<2000xf32>
    %broadcast_in_dim3A_100 = vector.shape_cast %reduce_sum3A_99 : vector<2000xf32> to vector<2000x1xf32>
    %div3A_101 = arith.constant 6.400000e+01 : f32
    %div3A_102 = vector.broadcast %div3A_101 : f32 to vector<2000x1xf32>
    %div3A_103 = arith.divf %broadcast_in_dim3A_100, %div3A_102 : vector<2000x1xf32>
    %sub3A = vector.broadcast %div3A_103 : vector<2000x1xf32> to vector<2000x64xf32>
    %sub3A_104 = arith.subf %add3A_72, %sub3A : vector<2000x64xf32>
    %integer_pow3A_105 = arith.mulf %sub3A_104, %sub3A_104 : vector<2000x64xf32>
    %reduce_sum3A_106 = arith.constant dense<0.000000e+00> : vector<2000xf32>
    %reduce_sum3A_107 = vector.multi_reduction <add>, %integer_pow3A_105, %reduce_sum3A_106 [1] : vector<2000x64xf32> to vector<2000xf32>
    %broadcast_in_dim3A_108 = vector.shape_cast %reduce_sum3A_107 : vector<2000xf32> to vector<2000x1xf32>
    %div3A_109 = arith.constant 6.400000e+01 : f32
    %div3A_110 = vector.broadcast %div3A_109 : f32 to vector<2000x1xf32>
    %div3A_111 = arith.divf %broadcast_in_dim3A_108, %div3A_110 : vector<2000x1xf32>
    %sub3A_112 = vector.broadcast %div3A_103 : vector<2000x1xf32> to vector<2000x64xf32>
    %sub3A_113 = arith.subf %add3A_72, %sub3A_112 : vector<2000x64xf32>
    %add3A_114 = arith.constant 9.99999997E-7 : f32
    %add3A_115 = vector.broadcast %add3A_114 : f32 to vector<2000x1xf32>
    %add3A_116 = arith.addf %div3A_111, %add3A_115 : vector<2000x1xf32>
    %sqrt3A_117 = math.sqrt %add3A_116 : vector<2000x1xf32>
    %div3A_118 = vector.broadcast %sqrt3A_117 : vector<2000x1xf32> to vector<2000x64xf32>
    %div3A_119 = arith.divf %sub3A_113, %div3A_118 : vector<2000x64xf32>
    %mul3A_120 = vector.broadcast %get3A_95 : vector<1x64xf32> to vector<2000x64xf32>
    %mul3A_121 = arith.mulf %div3A_119, %mul3A_120 : vector<2000x64xf32>
    %add3A_122 = vector.broadcast %get3A_98 : vector<1x64xf32> to vector<2000x64xf32>
    %add3A_123 = arith.addf %mul3A_121, %add3A_122 : vector<2000x64xf32>
    %get3A_124 = arith.constant 0 : index
    %get3A_125 = arith.constant 0 : index
    %get3A_126 = vector.load %arg15[%get3A_124, %get3A_125] : memref<64x64xf32, #tpu.memory_space<vmem>>, vector<64x64xf32>
    %dot_general3A_127 = arith.constant dense<0.000000e+00> : vector<2000x64xf32>
    %dot_general3A_128 = tpu.matmul %add3A_123, %get3A_126, %dot_general3A_127 {dimension_numbers = #tpu.dot_dimension_numbers<[1], [0], [0], [1], [0, 0, 1, 1], [], []>, precision = #tpu.contract_precision<fp32>, transpose_lhs_hint = false} : vector<2000x64xf32>, vector<64x64xf32>, vector<2000x64xf32> -> vector<2000x64xf32>
    %get3A_129 = arith.constant 0 : index
    %get3A_130 = arith.constant 0 : index
    %get3A_131 = vector.load %arg16[%get3A_129, %get3A_130] : memref<1x64xf32, #tpu.memory_space<vmem>>, vector<1x64xf32>
    %add3A_132 = vector.broadcast %get3A_131 : vector<1x64xf32> to vector<2000x64xf32>
    %add3A_133 = arith.addf %dot_general3A_128, %add3A_132 : vector<2000x64xf32>
    %swap3A_134 = arith.constant 0 : index
    %swap3A_135 = arith.constant 0 : index
    %swap3A_136 = vector.load %arg22[%swap3A_134, %swap3A_135] : memref<2000x64xf32, #tpu.memory_space<vmem>>, vector<2000x64xf32>
    tpu.vector_store %arg22[%swap3A_134, %swap3A_135], %add3A_133 {strides = array<i32>} : memref<2000x64xf32, #tpu.memory_space<vmem>>, vector<2000x64xf32>,
    %get3A_137 = arith.constant 0 : index
    %get3A_138 = arith.constant 0 : index
    %get3A_139 = vector.load %arg17[%get3A_137, %get3A_138] : memref<64x64xf32, #tpu.memory_space<vmem>>, vector<64x64xf32>
    %dot_general3A_140 = arith.constant dense<0.000000e+00> : vector<2000x64xf32>
    %dot_general3A_141 = tpu.matmul %add3A_123, %get3A_139, %dot_general3A_140 {dimension_numbers = #tpu.dot_dimension_numbers<[1], [0], [0], [1], [0, 0, 1, 1], [], []>, precision = #tpu.contract_precision<fp32>, transpose_lhs_hint = false} : vector<2000x64xf32>, vector<64x64xf32>, vector<2000x64xf32> -> vector<2000x64xf32>
    %swap3A_142 = arith.constant 0 : index
    %swap3A_143 = arith.constant 0 : index
    %swap3A_144 = vector.load %arg23[%swap3A_142, %swap3A_143] : memref<2000x64xf32, #tpu.memory_space<vmem>>, vector<2000x64xf32>
    tpu.vector_store %arg23[%swap3A_142, %swap3A_143], %dot_general3A_141 {strides = array<i32>} : memref<2000x64xf32, #tpu.memory_space<vmem>>, vector<2000x64xf32>,
    %get3A_145 = arith.constant 0 : index
    %get3A_146 = arith.constant 0 : index
    %get3A_147 = vector.load %arg14[%get3A_145, %get3A_146] : memref<1x16xf32, #tpu.memory_space<vmem>>, vector<1x16xf32>
    %slice3A_148 = vector.extract_strided_slice %add3A_79 {offsets = [0, 0], sizes = [2000, 16], strides = [1, 1]} : vector<2000x48xf32> to vector<2000x16xf32>
    %integer_pow3A_149 = arith.mulf %slice3A_148, %slice3A_148 : vector<2000x16xf32>
    %slice3A_150 = vector.extract_strided_slice %add3A_79 {offsets = [0, 16], sizes = [2000, 16], strides = [1, 1]} : vector<2000x48xf32> to vector<2000x16xf32>
    %integer_pow3A_151 = arith.mulf %slice3A_150, %slice3A_150 : vector<2000x16xf32>
    %add3A_152 = arith.addf %integer_pow3A_149, %integer_pow3A_151 : vector<2000x16xf32>
    %slice3A_153 = vector.extract_strided_slice %add3A_79 {offsets = [0, 32], sizes = [2000, 16], strides = [1, 1]} : vector<2000x48xf32> to vector<2000x16xf32>
    %integer_pow3A_154 = arith.mulf %slice3A_153, %slice3A_153 : vector<2000x16xf32>
    %add3A_155 = arith.addf %add3A_152, %integer_pow3A_154 : vector<2000x16xf32>
    %reduce_sum3A_156 = arith.constant dense<0.000000e+00> : vector<2000xf32>
    %reduce_sum3A_157 = vector.multi_reduction <add>, %add3A_155, %reduce_sum3A_156 [1] : vector<2000x16xf32> to vector<2000xf32>
    %broadcast_in_dim3A_158 = vector.shape_cast %reduce_sum3A_157 : vector<2000xf32> to vector<2000x1xf32>
    %div3A_159 = arith.constant 1.600000e+01 : f32
    %div3A_160 = vector.broadcast %div3A_159 : f32 to vector<2000x1xf32>
    %div3A_161 = arith.divf %broadcast_in_dim3A_158, %div3A_160 : vector<2000x1xf32>
    %add3A_162 = arith.constant 9.99999997E-7 : f32
    %add3A_163 = vector.broadcast %add3A_162 : f32 to vector<2000x1xf32>
    %add3A_164 = arith.addf %div3A_161, %add3A_163 : vector<2000x1xf32>
    %sqrt3A_165 = math.sqrt %add3A_164 : vector<2000x1xf32>
    %concatenate3A_166 = tpu.concatenate %get3A_147, %get3A_147, %get3A_147 in 1 : vector<1x16xf32>, vector<1x16xf32>, vector<1x16xf32> -> vector<1x48xf32>
    %div3A_167 = vector.broadcast %sqrt3A_165 : vector<2000x1xf32> to vector<2000x48xf32>
    %div3A_168 = arith.divf %add3A_79, %div3A_167 : vector<2000x48xf32>
    %mul3A_169 = vector.broadcast %concatenate3A_166 : vector<1x48xf32> to vector<2000x48xf32>
    %mul3A_170 = arith.mulf %div3A_168, %mul3A_169 : vector<2000x48xf32>
    %swap3A_171 = arith.constant 0 : index
    %swap3A_172 = arith.constant 0 : index
    %swap3A_173 = vector.load %arg24[%swap3A_171, %swap3A_172] : memref<2000x48xf32, #tpu.memory_space<vmem>>, vector<2000x48xf32>
    tpu.vector_store %arg24[%swap3A_171, %swap3A_172], %mul3A_170 {strides = array<i32>} : memref<2000x48xf32, #tpu.memory_space<vmem>>, vector<2000x48xf32>,
    return
  }
  func.func @transform_0(%arg0: i32) -> (i32, i32) {
    %c0_i32 = arith.constant 0 : i32
    %c0_i32_0 = arith.constant 0 : i32
    return %arg0, %c0_i32 : i32, i32
  }
  func.func @transform_1(%arg0: i32) -> (i32, i32) {
    %c0_i32 = arith.constant 0 : i32
    %c0_i32_0 = arith.constant 0 : i32
    return %arg0, %c0_i32 : i32, i32
  }
  func.func @transform_2(%arg0: i32) -> (i32, i32) {
    %c0_i32 = arith.constant 0 : i32
    %c0_i32_0 = arith.constant 0 : i32
    return %arg0, %c0_i32 : i32, i32
  }
  func.func @transform_3(%arg0: i32) -> (i32, i32) {
    %c0_i32 = arith.constant 0 : i32
    %c0_i32_0 = arith.constant 0 : i32
    return %arg0, %c0_i32 : i32, i32
  }
  func.func @transform_4(%arg0: i32) -> (i32, i32) {
    %c0_i32 = arith.constant 0 : i32
    %c0_i32_0 = arith.constant 0 : i32
    return %arg0, %c0_i32 : i32, i32
  }
  func.func @transform_5(%arg0: i32) -> (i32, i32) {
    %c0_i32 = arith.constant 0 : i32
    %c0_i32_0 = arith.constant 0 : i32
    %c0_i32_1 = arith.constant 0 : i32
    return %c0_i32, %c0_i32_0 : i32, i32
  }
  func.func @transform_6(%arg0: i32) -> (i32, i32) {
    %c0_i32 = arith.constant 0 : i32
    %c0_i32_0 = arith.constant 0 : i32
    %c0_i32_1 = arith.constant 0 : i32
    return %c0_i32, %c0_i32_0 : i32, i32
  }
  func.func @transform_7(%arg0: i32) -> (i32, i32) {
    %c0_i32 = arith.constant 0 : i32
    %c0_i32_0 = arith.constant 0 : i32
    %c0_i32_1 = arith.constant 0 : i32
    return %c0_i32, %c0_i32_0 : i32, i32
  }
  func.func @transform_8(%arg0: i32) -> (i32, i32) {
    %c0_i32 = arith.constant 0 : i32
    %c0_i32_0 = arith.constant 0 : i32
    %c0_i32_1 = arith.constant 0 : i32
    return %c0_i32, %c0_i32_0 : i32, i32
  }
  func.func @transform_9(%arg0: i32) -> (i32, i32) {
    %c0_i32 = arith.constant 0 : i32
    %c0_i32_0 = arith.constant 0 : i32
    %c0_i32_1 = arith.constant 0 : i32
    return %c0_i32, %c0_i32_0 : i32, i32
  }
  func.func @transform_10(%arg0: i32) -> (i32, i32) {
    %c0_i32 = arith.constant 0 : i32
    %c0_i32_0 = arith.constant 0 : i32
    %c0_i32_1 = arith.constant 0 : i32
    return %c0_i32, %c0_i32_0 : i32, i32
  }
  func.func @transform_11(%arg0: i32) -> (i32, i32) {
    %c0_i32 = arith.constant 0 : i32
    %c0_i32_0 = arith.constant 0 : i32
    %c0_i32_1 = arith.constant 0 : i32
    return %c0_i32, %c0_i32_0 : i32, i32
  }
  func.func @transform_12(%arg0: i32) -> (i32, i32) {
    %c0_i32 = arith.constant 0 : i32
    %c0_i32_0 = arith.constant 0 : i32
    %c0_i32_1 = arith.constant 0 : i32
    return %c0_i32, %c0_i32_0 : i32, i32
  }
  func.func @transform_13(%arg0: i32) -> (i32, i32) {
    %c0_i32 = arith.constant 0 : i32
    %c0_i32_0 = arith.constant 0 : i32
    %c0_i32_1 = arith.constant 0 : i32
    return %c0_i32, %c0_i32_0 : i32, i32
  }
  func.func @transform_14(%arg0: i32) -> (i32, i32) {
    %c0_i32 = arith.constant 0 : i32
    %c0_i32_0 = arith.constant 0 : i32
    %c0_i32_1 = arith.constant 0 : i32
    return %c0_i32, %c0_i32_0 : i32, i32
  }
  func.func @transform_15(%arg0: i32) -> (i32, i32) {
    %c0_i32 = arith.constant 0 : i32
    %c0_i32_0 = arith.constant 0 : i32
    %c0_i32_1 = arith.constant 0 : i32
    return %c0_i32, %c0_i32_0 : i32, i32
  }
  func.func @transform_16(%arg0: i32) -> (i32, i32) {
    %c0_i32 = arith.constant 0 : i32
    %c0_i32_0 = arith.constant 0 : i32
    %c0_i32_1 = arith.constant 0 : i32
    return %c0_i32, %c0_i32_0 : i32, i32
  }
  func.func @transform_17(%arg0: i32) -> (i32, i32) {
    %c0_i32 = arith.constant 0 : i32
    %c0_i32_0 = arith.constant 0 : i32
    return %arg0, %c0_i32 : i32, i32
  }
  func.func @transform_18(%arg0: i32) -> (i32, i32) {
    %c0_i32 = arith.constant 0 : i32
    %c0_i32_0 = arith.constant 0 : i32
    return %arg0, %c0_i32 : i32, i32
  }
  func.func @transform_19(%arg0: i32) -> (i32, i32) {
    %c0_i32 = arith.constant 0 : i32
    %c0_i32_0 = arith.constant 0 : i32
    return %arg0, %c0_i32 : i32, i32
  }
  func.func @transform_20(%arg0: i32) -> (i32, i32) {
    %c0_i32 = arith.constant 0 : i32
    %c0_i32_0 = arith.constant 0 : i32
    return %arg0, %c0_i32 : i32, i32
  }
  func.func @transform_21(%arg0: i32) -> (i32, i32) {
    %c0_i32 = arith.constant 0 : i32
    %c0_i32_0 = arith.constant 0 : i32
    return %arg0, %c0_i32 : i32, i32
  }
  func.func @transform_22(%arg0: i32) -> (i32, i32) {
    %c0_i32 = arith.constant 0 : i32
    %c0_i32_0 = arith.constant 0 : i32
    return %arg0, %c0_i32 : i32, i32
  }
  func.func @transform_23(%arg0: i32) -> (i32, i32) {
    %c0_i32 = arith.constant 0 : i32
    %c0_i32_0 = arith.constant 0 : i32
    return %arg0, %c0_i32 : i32, i32
  }
}

module attributes {stable_mosaic.version = 14 : i64} {
  func.func @_edge1_body(%arg0: i32, %arg1: memref<3200x128xf32, #tpu.memory_space<vmem>>, %arg2: memref<16x3200xf32, #tpu.memory_space<vmem>>, %arg3: memref<3200x128xf32, #tpu.memory_space<vmem>>, %arg4: memref<3x48xf32, #tpu.memory_space<vmem>>, %arg5: memref<19x64xf32, #tpu.memory_space<vmem>>, %arg6: memref<130x115xf32, #tpu.memory_space<vmem>>, %arg7: memref<3200x128xf32, #tpu.memory_space<vmem>>, %arg8: memref<3200x16xf32, #tpu.memory_space<vmem>>) attributes {dimension_semantics = [#tpu.dimension_semantics<arbitrary>], iteration_bounds = array<i64: 250>, scalar_prefetch = 0 : i64, scratch_operands = 0 : i64, tpu.core_type = #tpu.core_type<tc>, window_params = [{transform_indices = @transform_0, window_bounds = array<i64: 3200, 128>}, {transform_indices = @transform_1, window_bounds = array<i64: 16, 3200>}, {transform_indices = @transform_2, window_bounds = array<i64: 3200, 128>}, {pipeline_mode = #tpu.pipeline_mode<synchronous>, transform_indices = @transform_3, window_bounds = array<i64: 3, 48>}, {pipeline_mode = #tpu.pipeline_mode<synchronous>, transform_indices = @transform_4, window_bounds = array<i64: 19, 64>}, {pipeline_mode = #tpu.pipeline_mode<synchronous>, transform_indices = @transform_5, window_bounds = array<i64: 130, 115>}, {transform_indices = @transform_6, window_bounds = array<i64: 3200, 128>}, {transform_indices = @transform_7, window_bounds = array<i64: 3200, 16>}]} {
    %get3A = arith.constant 0 : index
    %get3A_0 = arith.constant 0 : index
    %get3A_1 = vector.load %arg3[%get3A, %get3A_0] : memref<3200x128xf32, #tpu.memory_space<vmem>>, vector<3200x128xf32>
    %slice3A = vector.extract_strided_slice %get3A_1 {offsets = [0, 0], sizes = [3200, 48], strides = [1, 1]} : vector<3200x128xf32> to vector<3200x48xf32>
    %slice3A_2 = vector.extract_strided_slice %get3A_1 {offsets = [0, 48], sizes = [3200, 16], strides = [1, 1]} : vector<3200x128xf32> to vector<3200x16xf32>
    %transpose3A = tpu.transpose %slice3A_2, [1, 0] : vector<3200x16xf32> -> vector<16x3200xf32>
    %slice3A_3 = vector.extract_strided_slice %transpose3A {offsets = [0, 0], sizes = [3, 3200], strides = [1, 1]} : vector<16x3200xf32> to vector<3x3200xf32>
    %slice3A_4 = vector.extract_strided_slice %transpose3A {offsets = [8, 0], sizes = [3, 3200], strides = [1, 1]} : vector<16x3200xf32> to vector<3x3200xf32>
    %sub3A = arith.subf %slice3A_4, %slice3A_3 : vector<3x3200xf32>
    %mul3A = arith.mulf %slice3A_4, %slice3A_3 : vector<3x3200xf32>
    %reduce_sum3A = arith.constant dense<0.000000e+00> : vector<3200xf32>
    %reduce_sum3A_5 = vector.multi_reduction <add>, %mul3A, %reduce_sum3A [0] : vector<3x3200xf32> to vector<3200xf32>
    %broadcast_in_dim3A = vector.shape_cast %reduce_sum3A_5 : vector<3200xf32> to vector<1x3200xf32>
    %mul3A_6 = arith.mulf %sub3A, %sub3A : vector<3x3200xf32>
    %reduce_sum3A_7 = arith.constant dense<0.000000e+00> : vector<3200xf32>
    %reduce_sum3A_8 = vector.multi_reduction <add>, %mul3A_6, %reduce_sum3A_7 [0] : vector<3x3200xf32> to vector<3200xf32>
    %broadcast_in_dim3A_9 = vector.shape_cast %reduce_sum3A_8 : vector<3200xf32> to vector<1x3200xf32>
    %jit3A = arith.constant 9.99999997E-7 : f32
    %max3A = vector.broadcast %jit3A : f32 to vector<1x3200xf32>
    %max3A_10 = arith.maximumf %max3A, %broadcast_in_dim3A_9 : vector<1x3200xf32>
    %sqrt3A = math.sqrt %max3A_10 : vector<1x3200xf32>
    %lt3A = arith.constant 5.000000e+00 : f32
    %lt3A_11 = vector.broadcast %lt3A : f32 to vector<1x3200xf32>
    %lt3A_12 = arith.cmpf olt, %sqrt3A, %lt3A_11 : vector<1x3200xf32>
    %mul3A_13 = arith.constant 3.14159274 : f32
    %mul3A_14 = vector.broadcast %mul3A_13 : f32 to vector<1x3200xf32>
    %mul3A_15 = arith.mulf %mul3A_14, %sqrt3A : vector<1x3200xf32>
    %div3A = arith.constant 5.000000e+00 : f32
    %div3A_16 = vector.broadcast %div3A : f32 to vector<1x3200xf32>
    %div3A_17 = arith.divf %mul3A_15, %div3A_16 : vector<1x3200xf32>
    %cos3A = math.cos %div3A_17 : vector<1x3200xf32>
    %add3A = arith.constant 1.000000e+00 : f32
    %add3A_18 = vector.broadcast %add3A : f32 to vector<1x3200xf32>
    %add3A_19 = arith.addf %cos3A, %add3A_18 : vector<1x3200xf32>
    %mul3A_20 = arith.constant 5.000000e-01 : f32
    %mul3A_21 = vector.broadcast %mul3A_20 : f32 to vector<1x3200xf32>
    %mul3A_22 = arith.mulf %mul3A_21, %add3A_19 : vector<1x3200xf32>
    %jit3A_23 = arith.constant 0.000000e+00 : f32
    %broadcast_in_dim3A_24 = vector.broadcast %jit3A_23 : f32 to vector<1x3200xf32>
    %select_n3A = arith.select %lt3A_12, %mul3A_22, %broadcast_in_dim3A_24 : vector<1x3200xi1>, vector<1x3200xf32>
    %add3A_25 = arith.constant 1.000000e+00 : f32
    %add3A_26 = vector.broadcast %add3A_25 : f32 to vector<1x3200xf32>
    %add3A_27 = arith.addf %add3A_26, %sqrt3A : vector<1x3200xf32>
    %div3A_28 = vector.broadcast %add3A_27 : vector<1x3200xf32> to vector<3x3200xf32>
    %div3A_29 = arith.divf %sub3A, %div3A_28 : vector<3x3200xf32>
    %broadcast_in_dim3A_30 = arith.constant 1.000000e+00 : f32
    %broadcast_in_dim3A_31 = vector.broadcast %broadcast_in_dim3A_30 : f32 to vector<1x3200xf32>
    %concatenate3A = tpu.concatenate %sqrt3A, %broadcast_in_dim3A, %broadcast_in_dim3A_31, %select_n3A, %div3A_29 in 0 : vector<1x3200xf32>, vector<1x3200xf32>, vector<1x3200xf32>, vector<1x3200xf32>, vector<3x3200xf32> -> vector<7x3200xf32>
    %transpose3A_32 = tpu.transpose %concatenate3A, [1, 0] : vector<7x3200xf32> -> vector<3200x7xf32>
    %slice3A_33 = vector.extract_strided_slice %transpose3A_32 {offsets = [0, 0], sizes = [3200, 3], strides = [1, 1]} : vector<3200x7xf32> to vector<3200x3xf32>
    %slice3A_34 = vector.extract_strided_slice %transpose3A_32 {offsets = [0, 3], sizes = [3200, 1], strides = [1, 1]} : vector<3200x7xf32> to vector<3200x1xf32>
    %slice3A_35 = vector.extract_strided_slice %transpose3A_32 {offsets = [0, 4], sizes = [3200, 3], strides = [1, 1]} : vector<3200x7xf32> to vector<3200x3xf32>
    %get3A_36 = arith.constant 0 : index
    %get3A_37 = arith.constant 0 : index
    %get3A_38 = vector.load %arg4[%get3A_36, %get3A_37] : memref<3x48xf32, #tpu.memory_space<vmem>>, vector<3x48xf32>
    %dot_general3A = arith.constant dense<0.000000e+00> : vector<3200x48xf32>
    %dot_general3A_39 = tpu.matmul %div3A_29, %get3A_38, %dot_general3A {dimension_numbers = #tpu.dot_dimension_numbers<[0], [0], [1], [1], [0, 1, 1, 1], [], []>, transpose_lhs_hint = false} : vector<3x3200xf32>, vector<3x48xf32>, vector<3200x48xf32> -> vector<3200x48xf32>
    %get3A_40 = arith.constant 0 : index
    %get3A_41 = arith.constant 0 : index
    %get3A_42 = vector.load %arg1[%get3A_40, %get3A_41] : memref<3200x128xf32, #tpu.memory_space<vmem>>, vector<3200x128xf32>
    %get3A_43 = arith.constant 0 : index
    %get3A_44 = arith.constant 0 : index
    %get3A_45 = vector.load %arg5[%get3A_43, %get3A_44] : memref<19x64xf32, #tpu.memory_space<vmem>>, vector<19x64xf32>
    %slice3A_46 = vector.extract_strided_slice %get3A_42 {offsets = [0, 0], sizes = [3200, 64], strides = [1, 1]} : vector<3200x128xf32> to vector<3200x64xf32>
    %slice3A_47 = vector.extract_strided_slice %get3A_42 {offsets = [0, 64], sizes = [3200, 64], strides = [1, 1]} : vector<3200x128xf32> to vector<3200x64xf32>
    %add3A_48 = arith.addf %slice3A_46, %slice3A_47 : vector<3200x64xf32>
    %get3A_49 = arith.constant 0 : index
    %get3A_50 = arith.constant 0 : index
    %get3A_51 = vector.load %arg2[%get3A_49, %get3A_50] : memref<16x3200xf32, #tpu.memory_space<vmem>>, vector<16x3200xf32>
    %slice3A_52 = vector.extract_strided_slice %get3A_45 {offsets = [0, 0], sizes = [16, 64], strides = [1, 1]} : vector<19x64xf32> to vector<16x64xf32>
    %dot_general3A_53 = arith.constant dense<0.000000e+00> : vector<3200x64xf32>
    %dot_general3A_54 = tpu.matmul %get3A_51, %slice3A_52, %dot_general3A_53 {dimension_numbers = #tpu.dot_dimension_numbers<[0], [0], [1], [1], [0, 1, 1, 1], [], []>, transpose_lhs_hint = false} : vector<16x3200xf32>, vector<16x64xf32>, vector<3200x64xf32> -> vector<3200x64xf32>
    %add3A_55 = arith.addf %add3A_48, %dot_general3A_54 : vector<3200x64xf32>
    %slice3A_56 = vector.extract_strided_slice %get3A_45 {offsets = [16, 0], sizes = [3, 64], strides = [1, 1]} : vector<19x64xf32> to vector<3x64xf32>
    %dot_general3A_57 = arith.constant dense<0.000000e+00> : vector<3200x64xf32>
    %dot_general3A_58 = tpu.matmul %slice3A_33, %slice3A_56, %dot_general3A_57 {dimension_numbers = #tpu.dot_dimension_numbers<[1], [0], [0], [1], [0, 0, 1, 1], [], []>, transpose_lhs_hint = false} : vector<3200x3xf32>, vector<3x64xf32>, vector<3200x64xf32> -> vector<3200x64xf32>
    %add3A_59 = arith.addf %add3A_55, %dot_general3A_58 : vector<3200x64xf32>
    %neg3A = arith.constant 0.000000e+00 : f32
    %neg3A_60 = vector.broadcast %neg3A : f32 to vector<3200x64xf32>
    %neg3A_61 = arith.subf %neg3A_60, %add3A_59 : vector<3200x64xf32>
    %exp3A = math.exp %neg3A_61 : vector<3200x64xf32>
    %add3A_62 = arith.constant 1.000000e+00 : f32
    %add3A_63 = vector.broadcast %add3A_62 : f32 to vector<3200x64xf32>
    %add3A_64 = arith.addf %add3A_63, %exp3A : vector<3200x64xf32>
    %div3A_65 = arith.divf %add3A_59, %add3A_64 : vector<3200x64xf32>
    %mul3A_66 = vector.broadcast %slice3A_34 : vector<3200x1xf32> to vector<3200x64xf32>
    %mul3A_67 = arith.mulf %div3A_65, %mul3A_66 : vector<3200x64xf32>
    %broadcast_in_dim3A_68 = arith.constant 1.000000e+00 : f32
    %broadcast_in_dim3A_69 = vector.broadcast %broadcast_in_dim3A_68 : f32 to vector<3200x1xf32>
    %concatenate3A_70 = tpu.concatenate %mul3A_67, %div3A_65, %slice3A_34, %broadcast_in_dim3A_69 in 1 : vector<3200x64xf32>, vector<3200x64xf32>, vector<3200x1xf32>, vector<3200x1xf32> -> vector<3200x130xf32>
    %get3A_71 = arith.constant 0 : index
    %get3A_72 = arith.constant 0 : index
    %get3A_73 = vector.load %arg6[%get3A_71, %get3A_72] : memref<130x115xf32, #tpu.memory_space<vmem>>, vector<130x115xf32>
    %dot_general3A_74 = arith.constant dense<0.000000e+00> : vector<3200x115xf32>
    %dot_general3A_75 = tpu.matmul %concatenate3A_70, %get3A_73, %dot_general3A_74 {dimension_numbers = #tpu.dot_dimension_numbers<[1], [0], [0], [1], [0, 0, 1, 1], [], []>, transpose_lhs_hint = false} : vector<3200x130xf32>, vector<130x115xf32>, vector<3200x115xf32> -> vector<3200x115xf32>
    %slice3A_76 = vector.extract_strided_slice %dot_general3A_75 {offsets = [0, 0], sizes = [3200, 48], strides = [1, 1]} : vector<3200x115xf32> to vector<3200x48xf32>
    %slice3A_77 = vector.extract_strided_slice %dot_general3A_75 {offsets = [0, 48], sizes = [3200, 48], strides = [1, 1]} : vector<3200x115xf32> to vector<3200x48xf32>
    %slice3A_78 = vector.extract_strided_slice %dot_general3A_75 {offsets = [0, 96], sizes = [3200, 16], strides = [1, 1]} : vector<3200x115xf32> to vector<3200x16xf32>
    %swap3A = arith.constant 0 : index
    %swap3A_79 = arith.constant 0 : index
    %swap3A_80 = vector.load %arg8[%swap3A, %swap3A_79] : memref<3200x16xf32, #tpu.memory_space<vmem>>, vector<3200x16xf32>
    tpu.vector_store %arg8[%swap3A, %swap3A_79], %slice3A_78 {strides = array<i32>} : memref<3200x16xf32, #tpu.memory_space<vmem>>, vector<3200x16xf32>,
    %mul3A_81 = arith.mulf %slice3A_76, %dot_general3A_39 : vector<3200x48xf32>
    %mul3A_82 = arith.mulf %slice3A_77, %slice3A : vector<3200x48xf32>
    %add3A_83 = arith.addf %mul3A_81, %mul3A_82 : vector<3200x48xf32>
    %slice3A_84 = vector.extract_strided_slice %dot_general3A_75 {offsets = [0, 112], sizes = [3200, 3], strides = [1, 1]} : vector<3200x115xf32> to vector<3200x3xf32>
    %mul3A_85 = arith.mulf %slice3A_84, %slice3A_35 : vector<3200x3xf32>
    %broadcast_in_dim3A_86 = arith.constant 0.000000e+00 : f32
    %broadcast_in_dim3A_87 = vector.broadcast %broadcast_in_dim3A_86 : f32 to vector<3200x11xf32>
    %concatenate3A_88 = tpu.concatenate %mul3A_67, %add3A_83, %mul3A_85, %slice3A_34, %broadcast_in_dim3A_69, %broadcast_in_dim3A_87 in 1 : vector<3200x64xf32>, vector<3200x48xf32>, vector<3200x3xf32>, vector<3200x1xf32>, vector<3200x1xf32>, vector<3200x11xf32> -> vector<3200x128xf32>
    %swap3A_89 = arith.constant 0 : index
    %swap3A_90 = arith.constant 0 : index
    %swap3A_91 = vector.load %arg7[%swap3A_89, %swap3A_90] : memref<3200x128xf32, #tpu.memory_space<vmem>>, vector<3200x128xf32>
    tpu.vector_store %arg7[%swap3A_89, %swap3A_90], %concatenate3A_88 {strides = array<i32>} : memref<3200x128xf32, #tpu.memory_space<vmem>>, vector<3200x128xf32>,
    return
  }
  func.func @transform_0(%arg0: i32) -> (i32, i32) {
    %c0_i32 = arith.constant 0 : i32
    %c0_i32_0 = arith.constant 0 : i32
    return %arg0, %c0_i32 : i32, i32
  }
  func.func @transform_1(%arg0: i32) -> (i32, i32) {
    %c0_i32 = arith.constant 0 : i32
    %c0_i32_0 = arith.constant 0 : i32
    return %c0_i32, %arg0 : i32, i32
  }
  func.func @transform_2(%arg0: i32) -> (i32, i32) {
    %c0_i32 = arith.constant 0 : i32
    %c0_i32_0 = arith.constant 0 : i32
    return %arg0, %c0_i32 : i32, i32
  }
  func.func @transform_3(%arg0: i32) -> (i32, i32) {
    %c0_i32 = arith.constant 0 : i32
    %c0_i32_0 = arith.constant 0 : i32
    %c0_i32_1 = arith.constant 0 : i32
    return %c0_i32, %c0_i32_0 : i32, i32
  }
  func.func @transform_4(%arg0: i32) -> (i32, i32) {
    %c0_i32 = arith.constant 0 : i32
    %c0_i32_0 = arith.constant 0 : i32
    %c0_i32_1 = arith.constant 0 : i32
    return %c0_i32, %c0_i32_0 : i32, i32
  }
  func.func @transform_5(%arg0: i32) -> (i32, i32) {
    %c0_i32 = arith.constant 0 : i32
    %c0_i32_0 = arith.constant 0 : i32
    %c0_i32_1 = arith.constant 0 : i32
    return %c0_i32, %c0_i32_0 : i32, i32
  }
  func.func @transform_6(%arg0: i32) -> (i32, i32) {
    %c0_i32 = arith.constant 0 : i32
    %c0_i32_0 = arith.constant 0 : i32
    return %arg0, %c0_i32 : i32, i32
  }
  func.func @transform_7(%arg0: i32) -> (i32, i32) {
    %c0_i32 = arith.constant 0 : i32
    %c0_i32_0 = arith.constant 0 : i32
    return %arg0, %c0_i32 : i32, i32
  }
}

module attributes {stable_mosaic.version = 14 : i64} {
  func.func @_upd1_body(%arg0: i32, %arg1: memref<2000x128xf32, #tpu.memory_space<vmem>>, %arg2: memref<2000x64xf32, #tpu.memory_space<vmem>>, %arg3: memref<2000x48xf32, #tpu.memory_space<vmem>>, %arg4: memref<2000x3xf32, #tpu.memory_space<vmem>>, %arg5: memref<64x64xf32, #tpu.memory_space<vmem>>, %arg6: memref<1x64xf32, #tpu.memory_space<vmem>>, %arg7: memref<1x64xf32, #tpu.memory_space<vmem>>, %arg8: memref<1x64xf32, #tpu.memory_space<vmem>>, %arg9: memref<1x16xf32, #tpu.memory_space<vmem>>, %arg10: memref<2000x64xf32, #tpu.memory_space<vmem>>, %arg11: memref<2000x48xf32, #tpu.memory_space<vmem>>, %arg12: memref<2000x3xf32, #tpu.memory_space<vmem>>) attributes {dimension_semantics = [#tpu.dimension_semantics<arbitrary>], iteration_bounds = array<i64: 25>, scalar_prefetch = 0 : i64, scratch_operands = 0 : i64, tpu.core_type = #tpu.core_type<tc>, window_params = [{transform_indices = @transform_0, window_bounds = array<i64: 2000, 128>}, {transform_indices = @transform_1, window_bounds = array<i64: 2000, 64>}, {transform_indices = @transform_2, window_bounds = array<i64: 2000, 48>}, {transform_indices = @transform_3, window_bounds = array<i64: 2000, 3>}, {pipeline_mode = #tpu.pipeline_mode<synchronous>, transform_indices = @transform_4, window_bounds = array<i64: 64, 64>}, {pipeline_mode = #tpu.pipeline_mode<synchronous>, transform_indices = @transform_5, window_bounds = array<i64: 1, 64>}, {pipeline_mode = #tpu.pipeline_mode<synchronous>, transform_indices = @transform_6, window_bounds = array<i64: 1, 64>}, {pipeline_mode = #tpu.pipeline_mode<synchronous>, transform_indices = @transform_7, window_bounds = array<i64: 1, 64>}, {pipeline_mode = #tpu.pipeline_mode<synchronous>, transform_indices = @transform_8, window_bounds = array<i64: 1, 16>}, {transform_indices = @transform_9, window_bounds = array<i64: 2000, 64>}, {transform_indices = @transform_10, window_bounds = array<i64: 2000, 48>}, {transform_indices = @transform_11, window_bounds = array<i64: 2000, 3>}]} {
    %get3A = arith.constant 0 : index
    %get3A_0 = arith.constant 0 : index
    %get3A_1 = vector.load %arg1[%get3A, %get3A_0] : memref<2000x128xf32, #tpu.memory_space<vmem>>, vector<2000x128xf32>
    %slice3A = vector.extract_strided_slice %get3A_1 {offsets = [0, 116], sizes = [2000, 1], strides = [1, 1]} : vector<2000x128xf32> to vector<2000x1xf32>
    %jit3A = arith.constant 1.000000e+00 : f32
    %max3A = vector.broadcast %jit3A : f32 to vector<2000x1xf32>
    %max3A_2 = arith.maximumf %max3A, %slice3A : vector<2000x1xf32>
    %div3A = arith.constant 1.000000e+00 : f32
    %div3A_3 = vector.broadcast %div3A : f32 to vector<2000x1xf32>
    %div3A_4 = arith.divf %div3A_3, %max3A_2 : vector<2000x1xf32>
    %slice3A_5 = vector.extract_strided_slice %get3A_1 {offsets = [0, 0], sizes = [2000, 64], strides = [1, 1]} : vector<2000x128xf32> to vector<2000x64xf32>
    %mul3A = vector.broadcast %div3A_4 : vector<2000x1xf32> to vector<2000x64xf32>
    %mul3A_6 = arith.mulf %slice3A_5, %mul3A : vector<2000x64xf32>
    %slice3A_7 = vector.extract_strided_slice %get3A_1 {offsets = [0, 115], sizes = [2000, 1], strides = [1, 1]} : vector<2000x128xf32> to vector<2000x1xf32>
    %mul3A_8 = arith.mulf %slice3A_7, %div3A_4 : vector<2000x1xf32>
    %get3A_9 = arith.constant 0 : index
    %get3A_10 = arith.constant 0 : index
    %get3A_11 = vector.load %arg5[%get3A_9, %get3A_10] : memref<64x64xf32, #tpu.memory_space<vmem>>, vector<64x64xf32>
    %dot_general3A = arith.constant dense<0.000000e+00> : vector<2000x64xf32>
    %dot_general3A_12 = tpu.matmul %mul3A_6, %get3A_11, %dot_general3A {dimension_numbers = #tpu.dot_dimension_numbers<[1], [0], [0], [1], [0, 0, 1, 1], [], []>, precision = #tpu.contract_precision<fp32>, transpose_lhs_hint = false} : vector<2000x64xf32>, vector<64x64xf32>, vector<2000x64xf32> -> vector<2000x64xf32>
    %get3A_13 = arith.constant 0 : index
    %get3A_14 = arith.constant 0 : index
    %get3A_15 = vector.load %arg6[%get3A_13, %get3A_14] : memref<1x64xf32, #tpu.memory_space<vmem>>, vector<1x64xf32>
    %mul3A_16 = vector.broadcast %mul3A_8 : vector<2000x1xf32> to vector<2000x64xf32>
    %mul3A_17 = vector.broadcast %get3A_15 : vector<1x64xf32> to vector<2000x64xf32>
    %mul3A_18 = arith.mulf %mul3A_16, %mul3A_17 : vector<2000x64xf32>
    %add3A = arith.addf %dot_general3A_12, %mul3A_18 : vector<2000x64xf32>
    %slice3A_19 = vector.extract_strided_slice %get3A_1 {offsets = [0, 64], sizes = [2000, 48], strides = [1, 1]} : vector<2000x128xf32> to vector<2000x48xf32>
    %mul3A_20 = vector.broadcast %div3A_4 : vector<2000x1xf32> to vector<2000x48xf32>
    %mul3A_21 = arith.mulf %slice3A_19, %mul3A_20 : vector<2000x48xf32>
    %get3A_22 = arith.constant 0 : index
    %get3A_23 = arith.constant 0 : index
    %get3A_24 = vector.load %arg2[%get3A_22, %get3A_23] : memref<2000x64xf32, #tpu.memory_space<vmem>>, vector<2000x64xf32>
    %add3A_25 = arith.addf %get3A_24, %add3A : vector<2000x64xf32>
    %get3A_26 = arith.constant 0 : index
    %get3A_27 = arith.constant 0 : index
    %get3A_28 = vector.load %arg3[%get3A_26, %get3A_27] : memref<2000x48xf32, #tpu.memory_space<vmem>>, vector<2000x48xf32>
    %add3A_29 = arith.addf %get3A_28, %mul3A_21 : vector<2000x48xf32>
    %get3A_30 = arith.constant 0 : index
    %get3A_31 = arith.constant 0 : index
    %get3A_32 = vector.load %arg4[%get3A_30, %get3A_31] : memref<2000x3xf32, #tpu.memory_space<vmem>>, vector<2000x3xf32>
    %slice3A_33 = vector.extract_strided_slice %get3A_1 {offsets = [0, 112], sizes = [2000, 3], strides = [1, 1]} : vector<2000x128xf32> to vector<2000x3xf32>
    %mul3A_34 = vector.broadcast %div3A_4 : vector<2000x1xf32> to vector<2000x3xf32>
    %mul3A_35 = arith.mulf %slice3A_33, %mul3A_34 : vector<2000x3xf32>
    %add3A_36 = arith.addf %get3A_32, %mul3A_35 : vector<2000x3xf32>
    %swap3A = arith.constant 0 : index
    %swap3A_37 = arith.constant 0 : index
    %swap3A_38 = vector.load %arg12[%swap3A, %swap3A_37] : memref<2000x3xf32, #tpu.memory_space<vmem>>, vector<2000x3xf32>
    tpu.vector_store %arg12[%swap3A, %swap3A_37], %add3A_36 {strides = array<i32>} : memref<2000x3xf32, #tpu.memory_space<vmem>>, vector<2000x3xf32>,
    %get3A_39 = arith.constant 0 : index
    %get3A_40 = arith.constant 0 : index
    %get3A_41 = vector.load %arg7[%get3A_39, %get3A_40] : memref<1x64xf32, #tpu.memory_space<vmem>>, vector<1x64xf32>
    %get3A_42 = arith.constant 0 : index
    %get3A_43 = arith.constant 0 : index
    %get3A_44 = vector.load %arg8[%get3A_42, %get3A_43] : memref<1x64xf32, #tpu.memory_space<vmem>>, vector<1x64xf32>
    %reduce_sum3A = arith.constant dense<0.000000e+00> : vector<2000xf32>
    %reduce_sum3A_45 = vector.multi_reduction <add>, %add3A_25, %reduce_sum3A [1] : vector<2000x64xf32> to vector<2000xf32>
    %broadcast_in_dim3A = vector.shape_cast %reduce_sum3A_45 : vector<2000xf32> to vector<2000x1xf32>
    %div3A_46 = arith.constant 6.400000e+01 : f32
    %div3A_47 = vector.broadcast %div3A_46 : f32 to vector<2000x1xf32>
    %div3A_48 = arith.divf %broadcast_in_dim3A, %div3A_47 : vector<2000x1xf32>
    %sub3A = vector.broadcast %div3A_48 : vector<2000x1xf32> to vector<2000x64xf32>
    %sub3A_49 = arith.subf %add3A_25, %sub3A : vector<2000x64xf32>
    %integer_pow3A = arith.mulf %sub3A_49, %sub3A_49 : vector<2000x64xf32>
    %reduce_sum3A_50 = arith.constant dense<0.000000e+00> : vector<2000xf32>
    %reduce_sum3A_51 = vector.multi_reduction <add>, %integer_pow3A, %reduce_sum3A_50 [1] : vector<2000x64xf32> to vector<2000xf32>
    %broadcast_in_dim3A_52 = vector.shape_cast %reduce_sum3A_51 : vector<2000xf32> to vector<2000x1xf32>
    %div3A_53 = arith.constant 6.400000e+01 : f32
    %div3A_54 = vector.broadcast %div3A_53 : f32 to vector<2000x1xf32>
    %div3A_55 = arith.divf %broadcast_in_dim3A_52, %div3A_54 : vector<2000x1xf32>
    %sub3A_56 = vector.broadcast %div3A_48 : vector<2000x1xf32> to vector<2000x64xf32>
    %sub3A_57 = arith.subf %add3A_25, %sub3A_56 : vector<2000x64xf32>
    %add3A_58 = arith.constant 9.99999997E-7 : f32
    %add3A_59 = vector.broadcast %add3A_58 : f32 to vector<2000x1xf32>
    %add3A_60 = arith.addf %div3A_55, %add3A_59 : vector<2000x1xf32>
    %sqrt3A = math.sqrt %add3A_60 : vector<2000x1xf32>
    %div3A_61 = vector.broadcast %sqrt3A : vector<2000x1xf32> to vector<2000x64xf32>
    %div3A_62 = arith.divf %sub3A_57, %div3A_61 : vector<2000x64xf32>
    %mul3A_63 = vector.broadcast %get3A_41 : vector<1x64xf32> to vector<2000x64xf32>
    %mul3A_64 = arith.mulf %div3A_62, %mul3A_63 : vector<2000x64xf32>
    %add3A_65 = vector.broadcast %get3A_44 : vector<1x64xf32> to vector<2000x64xf32>
    %add3A_66 = arith.addf %mul3A_64, %add3A_65 : vector<2000x64xf32>
    %swap3A_67 = arith.constant 0 : index
    %swap3A_68 = arith.constant 0 : index
    %swap3A_69 = vector.load %arg10[%swap3A_67, %swap3A_68] : memref<2000x64xf32, #tpu.memory_space<vmem>>, vector<2000x64xf32>
    tpu.vector_store %arg10[%swap3A_67, %swap3A_68], %add3A_66 {strides = array<i32>} : memref<2000x64xf32, #tpu.memory_space<vmem>>, vector<2000x64xf32>,
    %get3A_70 = arith.constant 0 : index
    %get3A_71 = arith.constant 0 : index
    %get3A_72 = vector.load %arg9[%get3A_70, %get3A_71] : memref<1x16xf32, #tpu.memory_space<vmem>>, vector<1x16xf32>
    %slice3A_73 = vector.extract_strided_slice %add3A_29 {offsets = [0, 0], sizes = [2000, 16], strides = [1, 1]} : vector<2000x48xf32> to vector<2000x16xf32>
    %integer_pow3A_74 = arith.mulf %slice3A_73, %slice3A_73 : vector<2000x16xf32>
    %slice3A_75 = vector.extract_strided_slice %add3A_29 {offsets = [0, 16], sizes = [2000, 16], strides = [1, 1]} : vector<2000x48xf32> to vector<2000x16xf32>
    %integer_pow3A_76 = arith.mulf %slice3A_75, %slice3A_75 : vector<2000x16xf32>
    %add3A_77 = arith.addf %integer_pow3A_74, %integer_pow3A_76 : vector<2000x16xf32>
    %slice3A_78 = vector.extract_strided_slice %add3A_29 {offsets = [0, 32], sizes = [2000, 16], strides = [1, 1]} : vector<2000x48xf32> to vector<2000x16xf32>
    %integer_pow3A_79 = arith.mulf %slice3A_78, %slice3A_78 : vector<2000x16xf32>
    %add3A_80 = arith.addf %add3A_77, %integer_pow3A_79 : vector<2000x16xf32>
    %reduce_sum3A_81 = arith.constant dense<0.000000e+00> : vector<2000xf32>
    %reduce_sum3A_82 = vector.multi_reduction <add>, %add3A_80, %reduce_sum3A_81 [1] : vector<2000x16xf32> to vector<2000xf32>
    %broadcast_in_dim3A_83 = vector.shape_cast %reduce_sum3A_82 : vector<2000xf32> to vector<2000x1xf32>
    %div3A_84 = arith.constant 1.600000e+01 : f32
    %div3A_85 = vector.broadcast %div3A_84 : f32 to vector<2000x1xf32>
    %div3A_86 = arith.divf %broadcast_in_dim3A_83, %div3A_85 : vector<2000x1xf32>
    %add3A_87 = arith.constant 9.99999997E-7 : f32
    %add3A_88 = vector.broadcast %add3A_87 : f32 to vector<2000x1xf32>
    %add3A_89 = arith.addf %div3A_86, %add3A_88 : vector<2000x1xf32>
    %sqrt3A_90 = math.sqrt %add3A_89 : vector<2000x1xf32>
    %concatenate3A = tpu.concatenate %get3A_72, %get3A_72, %get3A_72 in 1 : vector<1x16xf32>, vector<1x16xf32>, vector<1x16xf32> -> vector<1x48xf32>
    %div3A_91 = vector.broadcast %sqrt3A_90 : vector<2000x1xf32> to vector<2000x48xf32>
    %div3A_92 = arith.divf %add3A_29, %div3A_91 : vector<2000x48xf32>
    %mul3A_93 = vector.broadcast %concatenate3A : vector<1x48xf32> to vector<2000x48xf32>
    %mul3A_94 = arith.mulf %div3A_92, %mul3A_93 : vector<2000x48xf32>
    %swap3A_95 = arith.constant 0 : index
    %swap3A_96 = arith.constant 0 : index
    %swap3A_97 = vector.load %arg11[%swap3A_95, %swap3A_96] : memref<2000x48xf32, #tpu.memory_space<vmem>>, vector<2000x48xf32>
    tpu.vector_store %arg11[%swap3A_95, %swap3A_96], %mul3A_94 {strides = array<i32>} : memref<2000x48xf32, #tpu.memory_space<vmem>>, vector<2000x48xf32>,
    return
  }
  func.func @transform_0(%arg0: i32) -> (i32, i32) {
    %c0_i32 = arith.constant 0 : i32
    %c0_i32_0 = arith.constant 0 : i32
    return %arg0, %c0_i32 : i32, i32
  }
  func.func @transform_1(%arg0: i32) -> (i32, i32) {
    %c0_i32 = arith.constant 0 : i32
    %c0_i32_0 = arith.constant 0 : i32
    return %arg0, %c0_i32 : i32, i32
  }
  func.func @transform_2(%arg0: i32) -> (i32, i32) {
    %c0_i32 = arith.constant 0 : i32
    %c0_i32_0 = arith.constant 0 : i32
    return %arg0, %c0_i32 : i32, i32
  }
  func.func @transform_3(%arg0: i32) -> (i32, i32) {
    %c0_i32 = arith.constant 0 : i32
    %c0_i32_0 = arith.constant 0 : i32
    return %arg0, %c0_i32 : i32, i32
  }
  func.func @transform_4(%arg0: i32) -> (i32, i32) {
    %c0_i32 = arith.constant 0 : i32
    %c0_i32_0 = arith.constant 0 : i32
    %c0_i32_1 = arith.constant 0 : i32
    return %c0_i32, %c0_i32_0 : i32, i32
  }
  func.func @transform_5(%arg0: i32) -> (i32, i32) {
    %c0_i32 = arith.constant 0 : i32
    %c0_i32_0 = arith.constant 0 : i32
    %c0_i32_1 = arith.constant 0 : i32
    return %c0_i32, %c0_i32_0 : i32, i32
  }
  func.func @transform_6(%arg0: i32) -> (i32, i32) {
    %c0_i32 = arith.constant 0 : i32
    %c0_i32_0 = arith.constant 0 : i32
    %c0_i32_1 = arith.constant 0 : i32
    return %c0_i32, %c0_i32_0 : i32, i32
  }
  func.func @transform_7(%arg0: i32) -> (i32, i32) {
    %c0_i32 = arith.constant 0 : i32
    %c0_i32_0 = arith.constant 0 : i32
    %c0_i32_1 = arith.constant 0 : i32
    return %c0_i32, %c0_i32_0 : i32, i32
  }
  func.func @transform_8(%arg0: i32) -> (i32, i32) {
    %c0_i32 = arith.constant 0 : i32
    %c0_i32_0 = arith.constant 0 : i32
    %c0_i32_1 = arith.constant 0 : i32
    return %c0_i32, %c0_i32_0 : i32, i32
  }
  func.func @transform_9(%arg0: i32) -> (i32, i32) {
    %c0_i32 = arith.constant 0 : i32
    %c0_i32_0 = arith.constant 0 : i32
    return %arg0, %c0_i32 : i32, i32
  }
  func.func @transform_10(%arg0: i32) -> (i32, i32) {
    %c0_i32 = arith.constant 0 : i32
    %c0_i32_0 = arith.constant 0 : i32
    return %arg0, %c0_i32 : i32, i32
  }
  func.func @transform_11(%arg0: i32) -> (i32, i32) {
    %c0_i32 = arith.constant 0 : i32
    %c0_i32_0 = arith.constant 0 : i32
    return %arg0, %c0_i32 : i32, i32
  }
}

</mosaic_0001>

<sc_bundles>
// kernel: kernel.11.cloned.1.call-start
scs
__scs_entry_jumppad:
0x0: {  	(pc) =	sbr.rel $0x88, $3  }
0x1: {  	(tag) =	ssettag $0x0;
	lr =	simm.s32 $0x1  }
0x2: {  	[smem:$0x3F85] =	sst lr;
	_ =	strace $0xD0000000  }
0x3: {  	_ = 	snop  }
0x4: {  	_ = 	snop  }
0x5: {  	_ = 	snop  }
0x6: {  	_ = 	snop  }
0x7: {  	_ = 	snop  }
__scs_overlays_trampoline_lowered:
0x8: {  	[smem:$0x3F94] =	sst s0  }
0x9: {  	[smem:$0x3F95] =	sst s1  }
0xa: {  	[smem:$0x3F96] =	sst s2  }
0xb: {  	[smem:$0x3F97] =	sst s3  }
0xc: {  	[smem:$0x3F98] =	sst s4  }
0xd: {  	[smem:$0x3F99] =	sst s5  }
0xe: {  	[smem:$0x3F9A] =	sst s6  }
0xf: {  	[smem:$0x3F9B] =	sst s7  }
0x10: {  	[smem:$0x3F9C] =	sst s8  }
0x11: {  	[smem:$0x3F9D] =	sst s9;
	s0 =	simm.s32 @!p0 $0x0  }
0x12: {  	s1 =	sld [smem:$0x3F83];
	s0 =	simm.s32 @p0 $0x1  }
0x13: {  	[smem:$0x3F9E] =	sst s0;
	s0 =	simm.s32 @!p1 $0x0  }
0x14: {  	s2 =	sld [smem:$0x3F82];
	s0 =	simm.s32 @p1 $0x1  }
0x15: {  	[smem:$0x3F9F] =	sst s0;
	s0 =	simm.s32 @!p2 $0x0  }
0x16: {  	s3 =	sld [smem:$0x3FDB];
	s0 =	simm.s32 @p2 $0x1  }
0x17: {  	s4 =	simm.s32 $0x1BF5;
	[smem:$0x3FA1] =	sst s0  }
0x18: {  	s0 =	sld [smem:$0x3F84];
	_ =	swait.ge [sflag:s4], $0x0  }
0x19: {  	s7 =	sld [smem:$0x3F85]  }
0x1a: {  	s8 =	sadd.s32 $0xFFFFE003, lr  }
0x1b: {  	s9 =	sadd.s32 $0xFFFFFEF7, lr;
	s5 =	simm.s32 $0xFFFFFFFF;
	p2 =	slt.u32 s8, $0xFFFFF086  }
0x1c: {  	p1 =	slt.u32 s9, $0xF7A;
	s5 =	simm.s32 @!p2 $0x0  }
0x1d: {  	s5 =	simm.s32 @p1 $0x1;
	p0 =	seq.s32 s7, s2  }
0x1e: {  	s7 =	smul.u32 @!p0 $0xF7A, s2;
	p2 =	seq.s32 @!p0 s5, $0x0  }
0x1f: {  	s9 =	smul.u32 $0xF7A, s1;
	s8 =	simm.s32 @!p0 $0x1BF5;
	p2 =	por !p2, p0  }
0x20: {  	[sflag:s8] =	ssyncset.s32 @!p0 $0xFFFFF086;
	s6 =	sadd.s32 @!p0 s3, s7;
	s7 =	simm.s32 @!p0 $0x108  }
0x21: {  	s3 =	sadd.s32 s3, s9;
	s6 =	sadd.s32 @!p0 $0x88, s6;
	s7 =	simm.s32 @p2 $0x1082  }
0x22: {  	[simem:s7], [sflag:s8] =	dma.local @!p0 [hbm:s6], $0xF7A  }
0x23: {  	s9 =	sor.u32 $0xD0000000, s2;
	s6 =	simm.s32 $0x108;
	_ =	swait.ge @!p0 [sflag:s8], $0x0  }
0x24: {  	s3 =	sadd.s32 $0x88, s3;
	s6 =	simm.s32 @!p1 $0x1082;
	[sflag:s4] =	ssyncset.s32 $0xFFFFF086  }
0x25: {  	[simem:s6], [sflag:s4] =	dma.local [hbm:s3], $0xF7A  }
0x26: {  	[smem:$0x3F85] =	sst s1;
	(tag) =	ssettag s2;
	_ =	strace s9  }
0x27: {  	s1 =	sld [smem:$0x3F95]  }
0x28: {  	s2 =	sld [smem:$0x3F96]  }
0x29: {  	s4 =	sld [smem:$0x3F98]  }
0x2a: {  	p0 =	seq.s32 s5, $0x0;
	s5 =	sld [smem:$0x3F99]  }
0x2b: {  	s6 =	sld [smem:$0x3F9A]  }
0x2c: {  	s7 =	sld [smem:$0x3F9B]  }
0x2d: {  	s3 =	simm.s32 $0x108;
	s8 =	sld [smem:$0x3F9C]  }
0x2e: {  	s3 =	simm.s32 @!p0 $0x1082;
	s9 =	sld [smem:$0x3F9D]  }
0x2f: {  	lr =	sadd.s32 s0, s3;
	s0 =	sld [smem:$0x3F94]  }
0x30: {  	s3 =	sld [smem:$0x3F97]  }
0x31: {  	[smem:$0x3FA0] =	sst s10  }
0x32: {  	s10 =	sld [smem:$0x3F9E];
	_ =	sdelay $0x3  }
0x33: {  	p0 =	seq.s32 s10, $0x1;
	s10 =	sld [smem:$0x3FA0];
	_ =	sdelay $0x3  }
0x34: {  	[smem:$0x3FA0] =	sst s10  }
0x35: {  	s10 =	sld [smem:$0x3F9F];
	_ =	sdelay $0x3  }
0x36: {  	p1 =	seq.s32 s10, $0x1;
	s10 =	sld [smem:$0x3FA0];
	_ =	sdelay $0x3  }
0x37: {  	[smem:$0x3FA0] =	sst s10  }
0x38: {  	s10 =	sld [smem:$0x3FA1]  }
0x39: {  	_ = 	snop;
	(pc) =	sbr.ind lr, $3  }
0x3a: {  	_ = 	snop  }
0x3b: {  	_ = 	snop  }
0x3c: {  	p2 =	seq.s32 s10, $0x1;
	s10 =	sld [smem:$0x3FA0]  }
0x3d: {  	_ =	shalt  }
0x3e: {  	_ =	shalt  }
0x3f: {  	_ =	shalt  }
0x40: {  	_ =	shalt  }
0x41: {  	_ =	shalt  }
0x42: {  	_ =	shalt  }
0x43: {  	_ =	shalt  }
0x44: {  	_ =	shalt  }
0x45: {  	_ =	shalt  }
0x46: {  	_ =	shalt  }
0x47: {  	_ =	shalt  }
0x48: {  	_ =	shalt  }
0x49: {  	_ =	shalt  }
0x4a: {  	_ =	shalt  }
0x4b: {  	_ =	shalt  }
0x4c: {  	_ =	shalt  }
0x4d: {  	_ =	shalt  }
0x4e: {  	_ =	shalt  }
0x4f: {  	_ =	shalt  }
0x50: {  	_ =	shalt  }
0x51: {  	_ =	shalt  }
0x52: {  	_ =	shalt  }
0x53: {  	_ =	shalt  }
0x54: {  	_ =	shalt  }
0x55: {  	_ =	shalt  }
0x56: {  	_ =	shalt  }
0x57: {  	_ =	shalt  }
0x58: {  	_ =	shalt  }
0x59: {  	_ =	shalt  }
0x5a: {  	_ =	shalt  }
0x5b: {  	_ =	shalt  }
0x5c: {  	_ =	shalt  }
0x5d: {  	_ =	shalt  }
0x5e: {  	_ =	shalt  }
0x5f: {  	_ =	shalt  }
0x60: {  	_ =	shalt  }
0x61: {  	_ =	shalt  }
0x62: {  	_ =	shalt  }
0x63: {  	_ =	shalt  }
0x64: {  	_ =	shalt  }
0x65: {  	_ =	shalt  }
0x66: {  	_ =	shalt  }
0x67: {  	_ =	shalt  }
0x68: {  	_ =	shalt  }
0x69: {  	_ =	shalt  }
0x6a: {  	_ =	shalt  }
0x6b: {  	_ =	shalt  }
0x6c: {  	_ =	shalt  }
0x6d: {  	_ =	shalt  }
0x6e: {  	_ =	shalt  }
0x6f: {  	_ =	shalt  }
0x70: {  	_ =	shalt  }
0x71: {  	_ =	shalt  }
0x72: {  	_ =	shalt  }
0x73: {  	_ =	shalt  }
0x74: {  	_ =	shalt  }
0x75: {  	_ =	shalt  }
0x76: {  	_ =	shalt  }
0x77: {  	_ =	shalt  }
0x78: {  	_ =	shalt  }
0x79: {  	_ =	shalt  }
0x7a: {  	_ =	shalt  }
0x7b: {  	_ =	shalt  }
0x7c: {  	_ =	shalt  }
0x7d: {  	_ =	shalt  }
0x7e: {  	_ =	shalt  }
0x7f: {  	_ =	shalt  }
0x80: {  	_ =	shalt  }
0x81: {  	_ =	shalt  }
0x82: {  	_ =	shalt  }
0x83: {  	_ =	shalt  }
0x84: {  	_ =	shalt  }
0x85: {  	_ =	shalt  }
0x86: {  	_ =	shalt  }
0x87: {  	_ =	shalt  }
.Lfunc_end0:
.L_simem_size_0:
called_computation_lowered:
.L_overlay_start_0:
0x88: {  	s2 =	sld [smem:$0x3FD9]  }
0x89: {  	s3 =	sld [smem:$0x3FFE];
	_ =	sdelay $0x1  }
0x8a: {  	s1 =	srdreg.scid  }
0x8b: {  	s0 =	sand.u32 $0x1, s1  }
0x8c: {  	s14 =	sshll.u32 s0, $0xA;
	s2 =	sadd.s32 s3, s2  }
0x8d: {  	s2 =	sadd.s32 s2, s14  }
0x8e: {  	[smem:$0x3FAC] =	sst s2  }
0x8f: {  	_ = 	snop  }
0x90: {  	s2 =	sld [smem:$0x3FD0];
	_ =	sdelay $0x2  }
0x91: {  	s15 =	simm.s32 $0xA;
	s4 =	simm.s32 $0x10  }
0x92: {  	[smem:s4], [sflag:s15] =	dma.local [hbm:s2], $0x1  }
0x93: {  	_ =	swait.eq [sflag:s15], $0x1  }
0x94: {  	[sflag:s15] =	ssyncset.done $0x0  }
0x95: {  	[sflag:s15] =	ssyncadd.s32 $0xFFFFFFFF  }
0x96: {  	s16 =	sld [smem:$0x10];
	(tm) =	ssettm $0x1  }
0x97: {  	s17 =	sld [smem:$0x3FFB];
	_ =	sdelay $0x3  }
0x98: {  	_ =	strace s17  }
0x99: {  	s3 =	sld [smem:$0x3FFC];
	_ =	sdelay $0x3  }
0x9a: {  	_ =	strace s3  }
0x9b: {  	s3 =	sld [smem:$0x3FFD];
	_ =	sdelay $0x3  }
0x9c: {  	_ =	strace s3  }
0x9d: {  	_ =	strace $0x8FFFFFFF  }
0x9e: {  	s18 =	sld [smem:$0x3FDB];
	_ =	sdelay $0x1  }
0x9f: {  	s19 =	simm.s32 $_scs_section_size  }
0xa0: {  	s5 =	simm.s32 $_size__tile_overlayer_lowered;
	s6 =	simm.s32 $_tile_overlayer_lowered  }
0xa1: {  	s22 =	simm.s32 $0x1BFF;
	s21 =	sshll.u32 s6, $0x1;
	s3 =	sadd.s32 s19, s18  }
0xa2: {  	s7 =	simm.s32 $0x0;
	s20 =	sshll.u32 s5, $0x1;
	s5 =	sadd.s32 s21, s3  }
0xa3: {  	[timem:s7], [sflag:s22] =	dma.local [hbm:s5], s20  }
0xa4: {  	_ =	swait.ge [sflag:s22], s20  }
0xa5: {  	s4 =	ssub.s32 $0x0, s20;
	[sflag:s22] =	ssyncset.done $0x0  }
0xa6: {  	[sflag:s22] =	ssyncadd.s32 s4;
	_ =	sdelay $0x1  }
0xa7: {  	s23 =	simm.s32 $0x1B8B  }
0xa8: {  	_ =	swait.ge [sflag:s23], $0x1  }
0xa9: {  	[sflag:s23] =	ssyncset.done $0x0  }
0xaa: {  	s25 =	simm.s32 $0x1B8E;
	s24 =	sld [smem:$0x3FFE];
	[sflag:s23] =	ssyncadd.s32 $0xFFFFFFFF  }
0xab: {  	s26 =	simm.s32 $execute0_lowered;
	[smem:$0x3FD2] =	sst s25  }
0xac: {  	s5 =	sshll.u32 s26, $0x1;
	_ =	strace $0x80000046;
	[dreg:$0x1] =	wrdreg $0xFFFFFFFF  }
0xad: {  	s28 =	simm.s32 $_size_execute0_lowered;
	s3 =	sadd.s32 s3, s5;
	[dreg:$0x0] =	wrdreg $0x0  }
0xae: {  	s5 =	sshll.u32 s28, $0x1;
	[dreg:$0x2] =	wrdreg s3  }
0xaf: {  	[dreg:$0x3] =	wrdreg s5  }
0xb0: {  	[dreg:$0x4] =	wrdreg $0xC0  }
0xb1: {  	_ =	task [dreg:s7], $0x5FFFF  }
0xb2: {  	[dreg:$0x1] =	wrdreg $0xFFFFFFFF  }
0xb3: {  	[dreg:$0x0] =	wrdreg $0x60  }
0xb4: {  	[dreg:$0x2] =	wrdreg s16  }
0xb5: {  	[dreg:$0x3] =	wrdreg s24  }
0xb6: {  	[dreg:$0x4] =	wrdreg $0x9  }
0xb7: {  	_ =	task.clear_ibuf [dreg:s7], $0x5FFFF;
	_ =	strace $0x90000046  }
0xb8: {  	s29 =	simm.s32 $0x9;
	_ =	strace $0x80000048  }
0xb9: {  	_ =	swait.ge [sflag:s29], $0x1  }
0xba: {  	[sflag:s29] =	ssyncadd.s32 $0xFFFFFFFF  }
0xbb: {  	_ =	strace $0x90000048  }
0xbc: {  	_ =	sfence  }
0xbd: {  	s30 =	sld [smem:$0x0];
	_ =	sdelay $0x2  }
0xbe: {  	s31 =	sshll.u32 s1, $0xD;
	s1 =	sshrl.u32 s1, $0x2  }
0xbf: {  	s3 =	sand.u32 $0x4000, s31;
	s1 =	sadd.s32 s1, s30  }
0xc0: {  	s0 =	sor.u32 s3, s0;
	s1 =	sshll.u32 s1, $0x11  }
0xc1: {  	s0 =	sor.u32 s1, s0  }
0xc2: {  	s0 =	sadd.s32 $0x8F2B, s0  }
0xc3: {  	[sflag:s0] =	ssyncadd.remote.s32 $0x1  }
0xc4: {  	_ =	sfence.sel $0xFFFF  }
0xc5: {  	[dreg:$0x0] =	wrdreg $0xFFFFFFFF;
	(pc) =	sbr.abs _section_cstart, $3  }
0xc6: {  	[dreg:$0x1] =	wrdreg $0xFFFFFFFF  }
0xc7: {  	_ =	task.clear_ibuf [dreg:s7], $0x2FFFF;
	_ =	strace $0x9FFFFFFF  }
0xc8: {  	(tm) =	ssettm $0x7FFFFFFF  }
0xc9: {  	_ =	shalt  }
tec
execute0_lowered:
.L_overlay_start_1:
0x0: {  	(tag) =	ssettag $0x1  }
0x1: {  	s1 =	rddreg [dreg:$0x0]  }
0x2: {  	s7 =	rddreg [dreg:$0x1]  }
0x3: {  	s0 =	rddreg [dreg:$0x2];
	s2 =	simm.s32 $0x0  }
0x4: {  	s3 =	srdreg.scid;
	s16 =	simm.s32 $0x2;
	s17 =	simm.s32 $0x100  }
0x5: {  	s18 =	simm.s32 $0x2100;
	s19 =	simm.s32 $0x1;
	s20 =	simm.s32 $0x40  }
0x6: {  	s21 =	simm.s32 $0x3;
	s22 =	simm.s32 $0x0;
	[smem:$0x7FF] =	sst s2  }
0x7: {  	s4 =	sadd.s32 $0x255000, s7;
	s5 =	sadd.s32 $0xCE400, s7;
	s9 =	sand.u32 $0x1, s3  }
0x8: {  	s6 =	sadd.s32 $0xE6C00, s7;
	s3 =	stileid.u32;
	s10 =	sadd.s32 $0x2B6C00, s7  }
0x9: {  	s7 =	simm.s32 $0xC3;
	_ =	strace $0x80000047;
	s8 =	ssub.s32 $0x2, s9  }
0xa: {  	p0 =	slt.u32 s3, $0x5;
	s12 =	sshll.u32 s3, $0x8;
	s13 =	sshll.u32 s9, $0x7  }
0xb: {  	s30 =	sshll.u32 s3, $0xC;
	s15 =	sshll.u32 s9, $0xB;
	s11 =	sshrl.u32 s8, $0x1  }
0xc: {  	s7 =	simm.s32 @!p0 $0xC2;
	s14 =	sor.u32 s13, s12;
	s12 =	sadd.s32 s30, s10  }
0xd: {  	s8 =	ssub.s32 s8, s11;
	s29 =	sshrl.u32 s14, $0x3;
	s13 =	sshll.u32 s14, $0x4  }
0xe: {  	s31 =	sadd.s32 s15, s12;
	s14 =	sor.u32 $0x1000, s14;
	s15 =	simm.s32 $0x80  }
0xf: {  	s8 =	smax.u32 s8, $0x1;
	s9 =	sadd.s32 s5, s29;
	s10 =	sadd.s32 s10, s13  }
0x10: {  	s11 =	sadd.s32 s6, s29;
	s13 =	sadd.s32 $0x10000, s31;
	s12 =	sadd.s32 $0x8, s10  }
.LBB2_1:
0x11: {  	[tilespmem:s2], [sflag:$0x2] =	stream.linear.gather [hbm4b:s9+s2], $0x80, $0x38;
	[tilespmem:$0x4100] =	vst v63  }
0x12: {  	_ = 	snop  }
0x13: {  	[tilespmem:s15], [sflag:$0x2] =	stream.linear.gather [hbm4b:s11+s2], $0x80, $0x38;
	[tilespmem:$0x4100] =	vst v63  }
0x14: {  	_ =	swait.ge [sflag:s16], $0x80  }
0x15: {  	[sflag:s16] =	ssyncset.done $0x0  }
0x16: {  	[sflag:s16] =	ssyncadd.s32 $0xFFFFFF80  }
0x17: {  	_ =	swait.ge [sflag:s16], $0x80  }
0x18: {  	[sflag:s16] =	ssyncset.done $0x0  }
0x19: {  	[sflag:s16] =	ssyncadd.s32 $0xFFFFFF80  }
0x1a: {  	[tilespmem:s17], [sflag:$0x1] =	stream.indirect.gather [hbm4b:s1+s15], $0x40, s2, s15, $0xb8;
	[tilespmem:$0x4100] =	vst v63  }
0x1b: {  	_ = 	snop  }
0x1c: {  	[tilespmem:s18], [sflag:$0x1] =	stream.indirect.gather [hbm4b:s4+s15], $0x40, s15, s15, $0xb8;
	[tilespmem:$0x4100] =	vst v63  }
0x1d: {  	_ =	swait.ge [sflag:s19], $0x2000  }
0x1e: {  	[sflag:s19] =	ssyncset.done $0x0  }
0x1f: {  	[sflag:s19] =	ssyncadd.s32 $0xFFFFE000  }
0x20: {  	p1 =	sne.s32 s7, $0x1;
	_ =	swait.ge [sflag:s19], $0x2000  }
.Ltmp0:
0x21: {  	[sflag:s19] =	ssyncset.done $0x0;
	(pc) =	sbr.rel @!p1 .LBB2_2-.Ltmp0, $4  }
0x22: {  	s24 =	sshrl.u32 s14, $0x3;
	[sflag:s19] =	ssyncadd.s32 $0xFFFFE000  }
0x23: {  	[hbm4b:s10+s20] =	stream.strided.scatter [tilespmem:s17], [sflag:$0x3], $0x2000, s15, s20, $0x38;
	[tilespmem:$0x4100] =	vst v63  }
0x24: {  	s23 =	sadd.s32 $0xFFFFFFFF, s7;
	s26 =	sadd.s32 $0x1000, s14;
	p0 =	por $0x0, $0x0  }
0x25: {  	[hbm4b:s12+s20] =	stream.strided.scatter [tilespmem:s18], [sflag:$0x3], $0x2000, s15, s20, $0x38;
	[tilespmem:$0x4100] =	vst v63  }
0x26: {  	s25 =	sadd.s32 s5, s24  }
0x27: {  	[tilespmem:s2], [sflag:$0x2] =	stream.linear.gather [hbm4b:s25+s2], $0x80, $0x38;
	[tilespmem:$0x4100] =	vst v63  }
0x28: {  	s31 =	sadd.s32 s6, s24  }
0x29: {  	[tilespmem:s15], [sflag:$0x2] =	stream.linear.gather [hbm4b:s31+s2], $0x80, $0x38;
	[tilespmem:$0x4100] =	vst v63  }
0x2a: {  	_ =	swait.ge [sflag:s21], $0x2000  }
0x2b: {  	[sflag:s21] =	ssyncset.done $0x0  }
0x2c: {  	[sflag:s21] =	ssyncadd.s32 $0xFFFFE000  }
0x2d: {  	_ =	swait.ge [sflag:s21], $0x2000  }
0x2e: {  	[sflag:s21] =	ssyncset.done $0x0  }
0x2f: {  	[sflag:s21] =	ssyncadd.s32 $0xFFFFE000  }
0x30: {  	_ =	swait.ge [sflag:s16], $0x80  }
0x31: {  	[sflag:s16] =	ssyncset.done $0x0  }
0x32: {  	[sflag:s16] =	ssyncadd.s32 $0xFFFFFF80  }
0x33: {  	_ =	swait.ge [sflag:s16], $0x80  }
0x34: {  	[sflag:s16] =	ssyncset.done $0x0  }
0x35: {  	[sflag:s16] =	ssyncadd.s32 $0xFFFFFF80  }
0x36: {  	[tilespmem:s17], [sflag:$0x1] =	stream.indirect.gather [hbm4b:s1+s15], $0x40, s2, s15, $0xb8;
	[tilespmem:$0x4100] =	vst v63  }
0x37: {  	_ = 	snop  }
0x38: {  	[tilespmem:s18], [sflag:$0x1] =	stream.indirect.gather [hbm4b:s4+s15], $0x40, s15, s15, $0xb8;
	[tilespmem:$0x4100] =	vst v63  }
0x39: {  	_ =	swait.ge [sflag:s19], $0x2000  }
0x3a: {  	p1 =	sne.s32 s23, $0x1;
	[sflag:s19] =	ssyncset.done $0x0  }
.Ltmp1:
0x3b: {  	[sflag:s19] =	ssyncadd.s32 $0xFFFFE000;
	(pc) =	sbr.rel @!p1 .LBB2_5-.Ltmp1, $4  }
0x3c: {  	s24 =	sshrl.u32 s26, $0x3;
	s26 =	sadd.s32 $0x1000, s26;
	_ =	swait.ge [sflag:s19], $0x2000  }
0x3d: {  	s28 =	sadd.s32 $0x8, s13;
	p0 =	por $0x1, $0x1;
	[sflag:s19] =	ssyncset.done $0x0  }
0x3e: {  	s25 =	sadd.s32 $0xFFFFFFFF, s23;
	s23 =	sadd.s32 $0x10000, s13;
	[sflag:s19] =	ssyncadd.s32 $0xFFFFE000  }
0x3f: {  	[hbm4b:s13+s20] =	stream.strided.scatter [tilespmem:s17], [sflag:$0x3], $0x2000, s15, s20, $0x38;
	[tilespmem:$0x4100] =	vst v63  }
.LBB2_4:
0x40: {  	[hbm4b:s28+s20] =	stream.strided.scatter [tilespmem:s18], [sflag:$0x3], $0x2000, s15, s20, $0x38;
	[tilespmem:$0x4100] =	vst v63  }
0x41: {  	s28 =	sshrl.u32 s26, $0x3;
	p1 =	sne.s32 s25, $0x1;
	s29 =	sadd.s32 s5, s24  }
0x42: {  	[tilespmem:s2], [sflag:$0x2] =	stream.linear.gather [hbm4b:s29+s2], $0x80, $0x38;
	[tilespmem:$0x4100] =	vst v63  }
0x43: {  	s25 =	sadd.s32 $0xFFFFFFFF, s25;
	s29 =	sadd.s32 s6, s24;
	s24 =	smov.u32 s28  }
0x44: {  	[tilespmem:s15], [sflag:$0x2] =	stream.linear.gather [hbm4b:s29+s2], $0x80, $0x38;
	[tilespmem:$0x4100] =	vst v63  }
0x45: {  	_ =	swait.ge [sflag:s21], $0x2000  }
0x46: {  	[sflag:s21] =	ssyncset.done $0x0  }
0x47: {  	[sflag:s21] =	ssyncadd.s32 $0xFFFFE000  }
0x48: {  	_ =	swait.ge [sflag:s21], $0x2000  }
0x49: {  	[sflag:s21] =	ssyncset.done $0x0  }
0x4a: {  	[sflag:s21] =	ssyncadd.s32 $0xFFFFE000  }
0x4b: {  	_ =	swait.ge [sflag:s16], $0x80  }
0x4c: {  	[sflag:s16] =	ssyncset.done $0x0  }
0x4d: {  	[sflag:s16] =	ssyncadd.s32 $0xFFFFFF80  }
0x4e: {  	_ =	swait.ge [sflag:s16], $0x80  }
0x4f: {  	[sflag:s16] =	ssyncset.done $0x0  }
0x50: {  	[sflag:s16] =	ssyncadd.s32 $0xFFFFFF80  }
0x51: {  	[tilespmem:s17], [sflag:$0x1] =	stream.indirect.gather [hbm4b:s1+s15], $0x40, s2, s15, $0xb8;
	[tilespmem:$0x4100] =	vst v63  }
0x52: {  	_ = 	snop  }
0x53: {  	[tilespmem:s18], [sflag:$0x1] =	stream.indirect.gather [hbm4b:s4+s15], $0x40, s15, s15, $0xb8;
	[tilespmem:$0x4100] =	vst v63  }
0x54: {  	_ =	swait.ge [sflag:s19], $0x2000  }
0x55: {  	[sflag:s19] =	ssyncset.done $0x0  }
0x56: {  	[sflag:s19] =	ssyncadd.s32 $0xFFFFE000  }
.Ltmp2:
0x57: {  	_ =	swait.ge [sflag:s19], $0x2000;
	(pc) =	sbr.rel @p1 .LBB2_4-.Ltmp2, $4  }
0x58: {  	[sflag:s19] =	ssyncset.done $0x0  }
0x59: {  	[sflag:s19] =	ssyncadd.s32 $0xFFFFE000  }
0x5a: {  	[hbm4b:s23+s20] =	stream.strided.scatter [tilespmem:s17], [sflag:$0x3], $0x2000, s15, s20, $0x38;
	[tilespmem:$0x4100] =	vst v63  }
0x5b: {  	s26 =	sadd.s32 $0x1000, s26;
	s28 =	sadd.s32 $0x8, s23;
	s23 =	sadd.s32 $0x10000, s23  }
.LBB2_5:
0x5c: {  	[hbm4b:s28+s20] =	stream.strided.scatter @p0 [tilespmem:s18], [sflag:$0x3], $0x2000, s15, s20, $0x38;
	[tilespmem:$0x4100] =	vst v63  }
0x5d: {  	s25 =	sadd.s32 s5, s24  }
0x5e: {  	[tilespmem:s2], [sflag:$0x2] =	stream.linear.gather [hbm4b:s25+s2], $0x80, $0x38;
	[tilespmem:$0x4100] =	vst v63  }
0x5f: {  	s30 =	sadd.s32 s6, s24  }
0x60: {  	[tilespmem:s15], [sflag:$0x2] =	stream.linear.gather [hbm4b:s30+s2], $0x80, $0x38;
	[tilespmem:$0x4100] =	vst v63  }
0x61: {  	_ =	swait.ge [sflag:s21], $0x2000  }
0x62: {  	[sflag:s21] =	ssyncset.done $0x0  }
0x63: {  	[sflag:s21] =	ssyncadd.s32 $0xFFFFE000  }
0x64: {  	_ =	swait.ge [sflag:s21], $0x2000  }
0x65: {  	[sflag:s21] =	ssyncset.done $0x0  }
0x66: {  	[sflag:s21] =	ssyncadd.s32 $0xFFFFE000  }
0x67: {  	_ =	swait.ge [sflag:s16], $0x80  }
0x68: {  	[sflag:s16] =	ssyncset.done $0x0  }
0x69: {  	[sflag:s16] =	ssyncadd.s32 $0xFFFFFF80  }
0x6a: {  	_ =	swait.ge [sflag:s16], $0x80  }
0x6b: {  	[sflag:s16] =	ssyncset.done $0x0  }
0x6c: {  	[sflag:s16] =	ssyncadd.s32 $0xFFFFFF80  }
0x6d: {  	[tilespmem:s17], [sflag:$0x1] =	stream.indirect.gather [hbm4b:s1+s15], $0x40, s2, s15, $0xb8;
	[tilespmem:$0x4100] =	vst v63  }
0x6e: {  	_ = 	snop  }
0x6f: {  	[tilespmem:s18], [sflag:$0x1] =	stream.indirect.gather [hbm4b:s4+s15], $0x40, s15, s15, $0xb8;
	[tilespmem:$0x4100] =	vst v63  }
0x70: {  	_ =	swait.ge [sflag:s19], $0x2000  }
0x71: {  	[sflag:s19] =	ssyncset.done $0x0  }
0x72: {  	[sflag:s19] =	ssyncadd.s32 $0xFFFFE000  }
0x73: {  	_ =	swait.ge [sflag:s19], $0x2000  }
0x74: {  	[sflag:s19] =	ssyncset.done $0x0  }
0x75: {  	[sflag:s19] =	ssyncadd.s32 $0xFFFFE000  }
0x76: {  	[hbm4b:s23+s20] =	stream.strided.scatter [tilespmem:s17], [sflag:$0x3], $0x2000, s15, s20, $0x38;
	[tilespmem:$0x4100] =	vst v63  }
0x77: {  	s31 =	sadd.s32 $0x8, s23;
	s22 =	sadd.s32 $0x1, s22  }
0x78: {  	[hbm4b:s31+s20] =	stream.strided.scatter [tilespmem:s18], [sflag:$0x3], $0x2000, s15, s20, $0x38;
	[tilespmem:$0x4100] =	vst v63  }
0x79: {  	p0 =	sne.s32 s22, s8;
	_ =	swait.ge [sflag:s21], $0x2000  }
.Ltmp3:
0x7a: {  	[sflag:s21] =	ssyncset.done $0x0;
	(pc) =	sbr.rel @p0 .LBB2_1-.Ltmp3, $4  }
.Ltmp4:
0x7b: {  	[sflag:s21] =	ssyncadd.s32 $0xFFFFE000;
	(pc) =	sbr.rel @!p0 .LBB2_6-.Ltmp4, $4  }
0x7c: {  	_ =	swait.ge [sflag:s21], $0x2000  }
0x7d: {  	[sflag:s21] =	ssyncset.done $0x0  }
0x7e: {  	[sflag:s21] =	ssyncadd.s32 $0xFFFFE000  }
0x7f: {  	_ = 	snop  }
.LBB2_2:
.Ltmp5:
0x80: {  	(pc) =	sbr.rel .LBB2_5-.Ltmp5, $2  }
0x81: {  	_ =	sdelay $0x2  }
0x82: {  	s23 =	smov.u32 s13  }
.LBB2_6:
0x83: {  	_ =	sfence.sel $0x180000  }
0x84: {  	[bflag:$0x0] =	sbarrier.arrive $0xFFFF  }
0x85: {  	p0 =	sne.s32 s3, $0x0;
	_ =	strace $0x90000047  }
0x86: {  	s0 =	sadd.s32 @!p0 $0x100000, s0;
	[bflag:$0x2] =	sbarrier.arrive $0xFFFF  }
0x87: {  	[sflag:s0] =	ssyncadd.tile.s32 @!p0 $0x1;
	_ =	shalt  }
.Lfunc_end2:
_tile_overlayer_lowered:
.L_overlay_start_2:
0x88: {  	(tag) =	ssettag $0x2  }
0x89: {  	s0 =	rddreg [dreg:$0x0];
	s2 =	stileid.u32  }
0x8a: {  	s1 =	rddreg [dreg:$0x1];
	p0 =	sne.s32 s2, $0x0  }
0x8b: {  	s3 =	rddreg [dreg:$0x2];
	[bflag:$0x3] =	sbarrier.arrive $0xFFFF;
	s2 =	simm.s32 @!p0 $0x1C04  }
0x8c: {  	[timem:s3], [sflag:s2] =	dma.local @!p0 [hbm:s0], s1  }
0x8d: {  	s0 =	simm.s32 @!p0 $0x4  }
0x8e: {  	_ =	swait.ge @!p0 [sflag:s0], s1  }
0x8f: {  	s1 =	ssub.s32 @!p0 $0x0, s1;
	[sflag:s0] =	ssyncset.done @!p0 $0x0  }
0x90: {  	[sflag:s0] =	ssyncadd.s32 @!p0 s1  }
0x91: {  	[bflag:$0x3] =	sbarrier.arrive $0xFFFF  }
0x92: {  	_ =	shalt  }

// kernel: kernel.14.cloned.1.call-start
scs
__scs_entry_jumppad:
0x0: {  	(pc) =	sbr.rel $0x88, $3  }
0x1: {  	(tag) =	ssettag $0x0;
	lr =	simm.s32 $0x1  }
0x2: {  	[smem:$0x3F85] =	sst lr;
	_ =	strace $0xD0000000  }
0x3: {  	_ = 	snop  }
0x4: {  	_ = 	snop  }
0x5: {  	_ = 	snop  }
0x6: {  	_ = 	snop  }
0x7: {  	_ = 	snop  }
__scs_overlays_trampoline_lowered:
0x8: {  	[smem:$0x3F94] =	sst s0  }
0x9: {  	[smem:$0x3F95] =	sst s1  }
0xa: {  	[smem:$0x3F96] =	sst s2  }
0xb: {  	[smem:$0x3F97] =	sst s3  }
0xc: {  	[smem:$0x3F98] =	sst s4  }
0xd: {  	[smem:$0x3F99] =	sst s5  }
0xe: {  	[smem:$0x3F9A] =	sst s6  }
0xf: {  	[smem:$0x3F9B] =	sst s7  }
0x10: {  	[smem:$0x3F9C] =	sst s8  }
0x11: {  	[smem:$0x3F9D] =	sst s9;
	s0 =	simm.s32 @!p0 $0x0  }
0x12: {  	s1 =	sld [smem:$0x3F83];
	s0 =	simm.s32 @p0 $0x1  }
0x13: {  	[smem:$0x3F9E] =	sst s0;
	s0 =	simm.s32 @!p1 $0x0  }
0x14: {  	s2 =	sld [smem:$0x3F82];
	s0 =	simm.s32 @p1 $0x1  }
0x15: {  	[smem:$0x3F9F] =	sst s0;
	s0 =	simm.s32 @!p2 $0x0  }
0x16: {  	s3 =	sld [smem:$0x3FDB];
	s0 =	simm.s32 @p2 $0x1  }
0x17: {  	s4 =	simm.s32 $0x1BF5;
	[smem:$0x3FA1] =	sst s0  }
0x18: {  	s0 =	sld [smem:$0x3F84];
	_ =	swait.ge [sflag:s4], $0x0  }
0x19: {  	s7 =	sld [smem:$0x3F85]  }
0x1a: {  	s8 =	sadd.s32 $0xFFFFE003, lr  }
0x1b: {  	s9 =	sadd.s32 $0xFFFFFEF7, lr;
	s5 =	simm.s32 $0xFFFFFFFF;
	p2 =	slt.u32 s8, $0xFFFFF086  }
0x1c: {  	p1 =	slt.u32 s9, $0xF7A;
	s5 =	simm.s32 @!p2 $0x0  }
0x1d: {  	s5 =	simm.s32 @p1 $0x1;
	p0 =	seq.s32 s7, s2  }
0x1e: {  	s7 =	smul.u32 @!p0 $0xF7A, s2;
	p2 =	seq.s32 @!p0 s5, $0x0  }
0x1f: {  	s9 =	smul.u32 $0xF7A, s1;
	s8 =	simm.s32 @!p0 $0x1BF5;
	p2 =	por !p2, p0  }
0x20: {  	[sflag:s8] =	ssyncset.s32 @!p0 $0xFFFFF086;
	s6 =	sadd.s32 @!p0 s3, s7;
	s7 =	simm.s32 @!p0 $0x108  }
0x21: {  	s3 =	sadd.s32 s3, s9;
	s6 =	sadd.s32 @!p0 $0x88, s6;
	s7 =	simm.s32 @p2 $0x1082  }
0x22: {  	[simem:s7], [sflag:s8] =	dma.local @!p0 [hbm:s6], $0xF7A  }
0x23: {  	s9 =	sor.u32 $0xD0000000, s2;
	s6 =	simm.s32 $0x108;
	_ =	swait.ge @!p0 [sflag:s8], $0x0  }
0x24: {  	s3 =	sadd.s32 $0x88, s3;
	s6 =	simm.s32 @!p1 $0x1082;
	[sflag:s4] =	ssyncset.s32 $0xFFFFF086  }
0x25: {  	[simem:s6], [sflag:s4] =	dma.local [hbm:s3], $0xF7A  }
0x26: {  	[smem:$0x3F85] =	sst s1;
	(tag) =	ssettag s2;
	_ =	strace s9  }
0x27: {  	s1 =	sld [smem:$0x3F95]  }
0x28: {  	s2 =	sld [smem:$0x3F96]  }
0x29: {  	s4 =	sld [smem:$0x3F98]  }
0x2a: {  	p0 =	seq.s32 s5, $0x0;
	s5 =	sld [smem:$0x3F99]  }
0x2b: {  	s6 =	sld [smem:$0x3F9A]  }
0x2c: {  	s7 =	sld [smem:$0x3F9B]  }
0x2d: {  	s3 =	simm.s32 $0x108;
	s8 =	sld [smem:$0x3F9C]  }
0x2e: {  	s3 =	simm.s32 @!p0 $0x1082;
	s9 =	sld [smem:$0x3F9D]  }
0x2f: {  	lr =	sadd.s32 s0, s3;
	s0 =	sld [smem:$0x3F94]  }
0x30: {  	s3 =	sld [smem:$0x3F97]  }
0x31: {  	[smem:$0x3FA0] =	sst s10  }
0x32: {  	s10 =	sld [smem:$0x3F9E];
	_ =	sdelay $0x3  }
0x33: {  	p0 =	seq.s32 s10, $0x1;
	s10 =	sld [smem:$0x3FA0];
	_ =	sdelay $0x3  }
0x34: {  	[smem:$0x3FA0] =	sst s10  }
0x35: {  	s10 =	sld [smem:$0x3F9F];
	_ =	sdelay $0x3  }
0x36: {  	p1 =	seq.s32 s10, $0x1;
	s10 =	sld [smem:$0x3FA0];
	_ =	sdelay $0x3  }
0x37: {  	[smem:$0x3FA0] =	sst s10  }
0x38: {  	s10 =	sld [smem:$0x3FA1]  }
0x39: {  	_ = 	snop;
	(pc) =	sbr.ind lr, $3  }
0x3a: {  	_ = 	snop  }
0x3b: {  	_ = 	snop  }
0x3c: {  	p2 =	seq.s32 s10, $0x1;
	s10 =	sld [smem:$0x3FA0]  }
0x3d: {  	_ =	shalt  }
0x3e: {  	_ =	shalt  }
0x3f: {  	_ =	shalt  }
0x40: {  	_ =	shalt  }
0x41: {  	_ =	shalt  }
0x42: {  	_ =	shalt  }
0x43: {  	_ =	shalt  }
0x44: {  	_ =	shalt  }
0x45: {  	_ =	shalt  }
0x46: {  	_ =	shalt  }
0x47: {  	_ =	shalt  }
0x48: {  	_ =	shalt  }
0x49: {  	_ =	shalt  }
0x4a: {  	_ =	shalt  }
0x4b: {  	_ =	shalt  }
0x4c: {  	_ =	shalt  }
0x4d: {  	_ =	shalt  }
0x4e: {  	_ =	shalt  }
0x4f: {  	_ =	shalt  }
0x50: {  	_ =	shalt  }
0x51: {  	_ =	shalt  }
0x52: {  	_ =	shalt  }
0x53: {  	_ =	shalt  }
0x54: {  	_ =	shalt  }
0x55: {  	_ =	shalt  }
0x56: {  	_ =	shalt  }
0x57: {  	_ =	shalt  }
0x58: {  	_ =	shalt  }
0x59: {  	_ =	shalt  }
0x5a: {  	_ =	shalt  }
0x5b: {  	_ =	shalt  }
0x5c: {  	_ =	shalt  }
0x5d: {  	_ =	shalt  }
0x5e: {  	_ =	shalt  }
0x5f: {  	_ =	shalt  }
0x60: {  	_ =	shalt  }
0x61: {  	_ =	shalt  }
0x62: {  	_ =	shalt  }
0x63: {  	_ =	shalt  }
0x64: {  	_ =	shalt  }
0x65: {  	_ =	shalt  }
0x66: {  	_ =	shalt  }
0x67: {  	_ =	shalt  }
0x68: {  	_ =	shalt  }
0x69: {  	_ =	shalt  }
0x6a: {  	_ =	shalt  }
0x6b: {  	_ =	shalt  }
0x6c: {  	_ =	shalt  }
0x6d: {  	_ =	shalt  }
0x6e: {  	_ =	shalt  }
0x6f: {  	_ =	shalt  }
0x70: {  	_ =	shalt  }
0x71: {  	_ =	shalt  }
0x72: {  	_ =	shalt  }
0x73: {  	_ =	shalt  }
0x74: {  	_ =	shalt  }
0x75: {  	_ =	shalt  }
0x76: {  	_ =	shalt  }
0x77: {  	_ =	shalt  }
0x78: {  	_ =	shalt  }
0x79: {  	_ =	shalt  }
0x7a: {  	_ =	shalt  }
0x7b: {  	_ =	shalt  }
0x7c: {  	_ =	shalt  }
0x7d: {  	_ =	shalt  }
0x7e: {  	_ =	shalt  }
0x7f: {  	_ =	shalt  }
0x80: {  	_ =	shalt  }
0x81: {  	_ =	shalt  }
0x82: {  	_ =	shalt  }
0x83: {  	_ =	shalt  }
0x84: {  	_ =	shalt  }
0x85: {  	_ =	shalt  }
0x86: {  	_ =	shalt  }
0x87: {  	_ =	shalt  }
.Lfunc_end0:
.L_simem_size_0:
called_computation.1_lowered:
.L_overlay_start_0:
0x88: {  	s2 =	sld [smem:$0x3FD9]  }
0x89: {  	s3 =	sld [smem:$0x3FFE];
	_ =	sdelay $0x1  }
0x8a: {  	s1 =	srdreg.scid  }
0x8b: {  	s0 =	sand.u32 $0x1, s1  }
0x8c: {  	s16 =	sshll.u32 s0, $0xA;
	s2 =	sadd.s32 s3, s2  }
0x8d: {  	s2 =	sadd.s32 s2, s16  }
0x8e: {  	[smem:$0x3FAC] =	sst s2  }
0x8f: {  	_ = 	snop  }
0x90: {  	(tm) =	ssettm $0x1  }
0x91: {  	s17 =	sld [smem:$0x3FFB];
	_ =	sdelay $0x3  }
0x92: {  	_ =	strace s17  }
0x93: {  	s2 =	sld [smem:$0x3FFC];
	_ =	sdelay $0x3  }
0x94: {  	_ =	strace s2  }
0x95: {  	s2 =	sld [smem:$0x3FFD];
	_ =	sdelay $0x3  }
0x96: {  	_ =	strace s2  }
0x97: {  	_ =	strace $0x8FFFFFFF  }
0x98: {  	s18 =	sld [smem:$0x3FDB];
	_ =	sdelay $0x1  }
0x99: {  	s19 =	simm.s32 $_scs_section_size  }
0x9a: {  	s4 =	simm.s32 $_size__tile_overlayer_lowered;
	s5 =	simm.s32 $_tile_overlayer_lowered  }
0x9b: {  	s22 =	simm.s32 $0x1BFF;
	s21 =	sshll.u32 s5, $0x1;
	s2 =	sadd.s32 s19, s18  }
0x9c: {  	s6 =	simm.s32 $0x0;
	s20 =	sshll.u32 s4, $0x1;
	s4 =	sadd.s32 s21, s2  }
0x9d: {  	[timem:s6], [sflag:s22] =	dma.local [hbm:s4], s20  }
0x9e: {  	_ =	swait.ge [sflag:s22], s20  }
0x9f: {  	s3 =	ssub.s32 $0x0, s20;
	[sflag:s22] =	ssyncset.done $0x0  }
0xa0: {  	[sflag:s22] =	ssyncadd.s32 s3;
	_ =	sdelay $0x1  }
0xa1: {  	s23 =	simm.s32 $0x1B8B  }
0xa2: {  	_ =	swait.ge [sflag:s23], $0x1  }
0xa3: {  	[sflag:s23] =	ssyncset.done $0x0  }
0xa4: {  	s25 =	simm.s32 $0x1B8E;
	s24 =	sld [smem:$0x3FFE];
	[sflag:s23] =	ssyncadd.s32 $0xFFFFFFFF  }
0xa5: {  	s26 =	simm.s32 $execute0_lowered;
	[smem:$0x3FD2] =	sst s25  }
0xa6: {  	s4 =	sshll.u32 s26, $0x1;
	_ =	strace $0x80000049;
	[dreg:$0x1] =	wrdreg $0xFFFFFFFF  }
0xa7: {  	s28 =	simm.s32 $_size_execute0_lowered;
	s2 =	sadd.s32 s2, s4;
	[dreg:$0x0] =	wrdreg $0x0  }
0xa8: {  	s4 =	sshll.u32 s28, $0x1;
	[dreg:$0x2] =	wrdreg s2  }
0xa9: {  	[dreg:$0x3] =	wrdreg s4  }
0xaa: {  	[dreg:$0x4] =	wrdreg $0xC0  }
0xab: {  	_ =	task [dreg:s6], $0x5FFFF  }
0xac: {  	[dreg:$0x1] =	wrdreg $0xFFFFFFFF  }
0xad: {  	[dreg:$0x0] =	wrdreg $0x60  }
0xae: {  	[dreg:$0x2] =	wrdreg s24  }
0xaf: {  	[dreg:$0x3] =	wrdreg $0x21000  }
0xb0: {  	[dreg:$0x4] =	wrdreg $0x9  }
0xb1: {  	_ =	task.clear_ibuf [dreg:s6], $0x5FFFF;
	_ =	strace $0x90000049  }
0xb2: {  	s29 =	simm.s32 $0x9;
	_ =	strace $0x8000004B  }
0xb3: {  	_ =	swait.ge [sflag:s29], $0x1  }
0xb4: {  	[sflag:s29] =	ssyncadd.s32 $0xFFFFFFFF  }
0xb5: {  	_ =	strace $0x9000004B  }
0xb6: {  	_ =	sfence  }
0xb7: {  	s30 =	sld [smem:$0x0];
	_ =	sdelay $0x2  }
0xb8: {  	s31 =	sshll.u32 s1, $0xD;
	s1 =	sshrl.u32 s1, $0x2  }
0xb9: {  	s3 =	sand.u32 $0x4000, s31;
	s1 =	sadd.s32 s1, s30  }
0xba: {  	s0 =	sor.u32 s3, s0;
	s1 =	sshll.u32 s1, $0x11  }
0xbb: {  	s0 =	sor.u32 s1, s0  }
0xbc: {  	s0 =	sadd.s32 $0x8F2B, s0  }
0xbd: {  	[sflag:s0] =	ssyncadd.remote.s32 $0x1  }
0xbe: {  	_ =	sfence.sel $0xFFFF  }
0xbf: {  	[dreg:$0x0] =	wrdreg $0xFFFFFFFF;
	(pc) =	sbr.abs _section_cstart, $3  }
0xc0: {  	[dreg:$0x1] =	wrdreg $0xFFFFFFFF  }
0xc1: {  	_ =	task.clear_ibuf [dreg:s6], $0x2FFFF;
	_ =	strace $0x9FFFFFFF  }
0xc2: {  	(tm) =	ssettm $0x7FFFFFFF  }
0xc3: {  	_ =	shalt  }
tec
execute0_lowered:
.L_overlay_start_1:
0x0: {  	(tag) =	ssettag $0x1  }
0x1: {  	s0 =	rddreg [dreg:$0x0]  }
0x2: {  	s2 =	rddreg [dreg:$0x1];
	s3 =	simm.s32 $0x0  }
0x3: {  	s15 =	stileid.u32;
	s5 =	srdreg.scid;
	s28 =	simm.s32 $0x20  }
0x4: {  	s29 =	simm.s32 $0x80;
	s30 =	simm.s32 $0x1;
	s31 =	simm.s32 $0x2080  }
0x5: {  	[smem:$0x7FF] =	sst s3;
	s1 =	smul.u32 $0x186A0, s15;
	s4 =	sadd.s32 $0xEEBC00, s0  }
0x6: {  	s8 =	sadd.s32 $0xE6C00, s0;
	s5 =	sand.u32 $0x1, s5;
	s10 =	smul.u32 $0x61A80, s15  }
0x7: {  	s11 =	sshll.u32 s15, $0x6;
	s21 =	sshll.u32 s15, $0xE;
	s22 =	sor.u32 $0x10, s15  }
0x8: {  	s23 =	sshll.u32 s15, $0x4;
	s16 =	sor.u32 $0x1860, s15;
	_ =	strace $0x8000004A  }
0x9: {  	s7 =	ssub.s32 $0x2, s5;
	s5 =	sshll.u32 s5, $0x6;
	s14 =	sshll.u32 s22, $0xE  }
0xa: {  	p0 =	sgt.u32 s16, $0x1869;
	s6 =	sshrl.u32 s1, $0x3;
	s9 =	sshrl.u32 s7, $0x1  }
0xb: {  	s1 =	sadd.s32 s1, s2;
	s18 =	sor.u32 s5, s10;
	s24 =	sor.u32 s5, s21  }
0xc: {  	s13 =	sor.u32 s5, s14;
	s6 =	sadd.s32 s6, s0;
	s0 =	sadd.s32 $0x255000, s0  }
0xd: {  	s9 =	ssub.s32 s7, s9;
	[dreg:$0x3] =	wrdreg s1;
	s1 =	sor.u32 $0x20, s5  }
0xe: {  	s12 =	sshrl.u32 s18, $0x3;
	s7 =	sor.u32 $0x1C05, s11;
	s11 =	sadd.s32 s8, s23  }
0xf: {  	s25 =	sshrl.u32 s24, $0x3;
	s26 =	sshrl.u32 s13, $0x3;
	s18 =	sshll.u32 s16, $0xE  }
0x10: {  	s23 =	sor.u32 $0x80020, s24;
	s6 =	sadd.s32 $0xFF600, s6;
	s10 =	sor.u32 s10, s1  }
0x11: {  	s19 =	sadd.s32 s0, s12;
	s20 =	smax.u32 s9, $0x1;
	s9 =	sshll.u32 s22, $0x4  }
0x12: {  	s14 =	sor.u32 s1, s14;
	s22 =	sor.u32 $0xC0000, s24;
	[dreg:$0x4] =	wrdreg s19  }
0x13: {  	s10 =	sshrl.u32 s10, $0x3;
	[dreg:$0x6] =	wrdreg s20;
	s13 =	sadd.s32 s8, s9  }
0x14: {  	s17 =	sshrl.u32 s14, $0x3;
	s19 =	sor.u32 s5, s18;
	s0 =	sadd.s32 s0, s10  }
0x15: {  	s20 =	sshll.u32 s16, $0x4;
	s10 =	sadd.s32 s4, s25;
	[dreg:$0x5] =	wrdreg s0  }
0x16: {  	s5 =	simm.s32 $0x3;
	s25 =	sshrl.u32 s23, $0x3;
	[dreg:$0x7] =	wrdreg s10  }
0x17: {  	s10 =	sadd.s32 s4, s26;
	s0 =	sor.u32 s1, s21;
	s1 =	sor.u32 s1, s18  }
0x18: {  	s23 =	sadd.s32 s25, s4;
	s25 =	simm.s32 $0x5;
	[dreg:$0x8] =	wrdreg s10  }
0x19: {  	s0 =	sshrl.u32 s0, $0x3;
	s1 =	sshrl.u32 s1, $0x3;
	s10 =	simm.s32 $0x0  }
0x1a: {  	s0 =	sadd.s32 s4, s0;
	s21 =	sadd.s32 s4, s1;
	s1 =	simm.s32 $0x2  }
0x1b: {  	[dreg:$0x9] =	wrdreg s0;
	s0 =	sadd.s32 s4, s17;
	s17 =	sadd.s32 s8, s20  }
0x1c: {  	[dreg:$0xc] =	wrdreg s21;
	s20 =	sadd.s32 $0x200, s11;
	s21 =	sor.u32 $0x80000, s24  }
0x1d: {  	s24 =	sor.u32 $0xC0020, s24;
	[dreg:$0xa] =	wrdreg s0;
	s0 =	sshrl.u32 s19, $0x3  }
0x1e: {  	s8 =	simm.s32 $0x4;
	s26 =	sshrl.u32 s24, $0x3;
	s0 =	sadd.s32 s4, s0  }
0x1f: {  	s24 =	sadd.s32 s26, s4;
	[dreg:$0xb] =	wrdreg s0;
	s0 =	sshrl.u32 s22, $0x3  }
0x20: {  	s26 =	simm.s32 $0x1000;
	s22 =	sadd.s32 s0, s4;
	s0 =	simm.s32 $0x1080  }
.LBB2_1:
0x21: {  	s9 =	rddreg [dreg:$0x3]  }
0x22: {  	s12 =	sshrl.u32 s9, $0x3  }
0x23: {  	[spmem:s12], [sflag:s7] =	dma.local [hbm:s6], $0x30D4  }
0x24: {  	_ =	swait.ge [sflag:s25], $0x30D4  }
0x25: {  	[sflag:s25] =	ssyncset.done $0x0  }
0x26: {  	[sflag:s25] =	ssyncadd.s32 $0xFFFFCF2C  }
0x27: {  	[bflag:$0x0] =	sbarrier.arrive $0xFFFF  }
0x28: {  	[tilespmem:s26], [sflag:$0x1] =	stream.linear.gather [hbm4b:s11+s3], $0x80, $0x38;
	[tilespmem:$0x1A7A0] =	vst v63  }
0x29: {  	s18 =	rddreg [dreg:$0x7]  }
0x2a: {  	[tilespmem:s3], [sflag:$0x1] =	stream.strided.gather [hbm4b:s18+s28], $0x1000, s29, s28, $0x38;
	[tilespmem:$0x1A7A0] =	vst v63  }
0x2b: {  	_ =	swait.ge [sflag:s30], $0x80  }
0x2c: {  	[sflag:s30] =	ssyncset.done $0x0  }
0x2d: {  	[sflag:s30] =	ssyncadd.s32 $0xFFFFFF80  }
0x2e: {  	_ =	swait.ge [sflag:s30], $0x1000  }
0x2f: {  	[sflag:s30] =	ssyncset.done $0x0  }
0x30: {  	[sflag:s30] =	ssyncadd.s32 $0xFFFFF000  }
0x31: {  	[spmem:s2] =	stream.indirect.scatter.add.f32 [tilespmem:s3], [sflag:$0x3], $0x20, s26, s29, $0xb8;
	[tilespmem:$0x1A7A0] =	vst v63  }
0x32: {  	_ = 	snop  }
0x33: {  	[tilespmem:s31], [sflag:$0x2] =	stream.linear.gather [hbm4b:s13+s3], $0x80, $0x38;
	[tilespmem:$0x1A7A0] =	vst v63  }
0x34: {  	s19 =	rddreg [dreg:$0x8]  }
0x35: {  	[tilespmem:s0], [sflag:$0x2] =	stream.strided.gather [hbm4b:s19+s28], $0x1000, s29, s28, $0x38;
	[tilespmem:$0x1A7A0] =	vst v63  }
0x36: {  	_ =	swait.ge [sflag:s1], $0x80  }
0x37: {  	[sflag:s1] =	ssyncset.done $0x0  }
0x38: {  	[sflag:s1] =	ssyncadd.s32 $0xFFFFFF80  }
0x39: {  	_ =	swait.ge [sflag:s1], $0x1000  }
0x3a: {  	[sflag:s1] =	ssyncset.done $0x0  }
0x3b: {  	[sflag:s1] =	ssyncadd.s32 $0xFFFFF000  }
0x3c: {  	[spmem:s2] =	stream.indirect.scatter.add.f32 [tilespmem:s0], [sflag:$0x4], $0x20, s31, s29, $0xb8;
	[tilespmem:$0x1A7A0] =	vst v63  }
0x3d: {  	_ =	swait.ge [sflag:s5], $0x1000  }
0x3e: {  	[sflag:s5] =	ssyncset.done $0x0  }
0x3f: {  	s14 =	sshrl.u32 s21, $0x3;
	[sflag:s5] =	ssyncadd.s32 $0xFFFFF000  }
0x40: {  	[tilespmem:s26], [sflag:$0x1] =	stream.linear.gather [hbm4b:s20+s3], $0x80, $0x38;
	[tilespmem:$0x1A7A0] =	vst v63  }
0x41: {  	s14 =	sadd.s32 s4, s14  }
0x42: {  	[tilespmem:s3], [sflag:$0x1] =	stream.strided.gather [hbm4b:s14+s28], $0x1000, s29, s28, $0x38;
	[tilespmem:$0x1A7A0] =	vst v63  }
0x43: {  	_ =	swait.ge [sflag:s30], $0x80  }
0x44: {  	[sflag:s30] =	ssyncset.done $0x0  }
0x45: {  	[sflag:s30] =	ssyncadd.s32 $0xFFFFFF80  }
0x46: {  	_ =	swait.ge [sflag:s30], $0x1000  }
0x47: {  	[sflag:s30] =	ssyncset.done $0x0  }
0x48: {  	[sflag:s30] =	ssyncadd.s32 $0xFFFFF000  }
0x49: {  	[spmem:s2] =	stream.indirect.scatter.add.f32 [tilespmem:s3], [sflag:$0x3], $0x20, s26, s29, $0xb8;
	[tilespmem:$0x1A7A0] =	vst v63  }
0x4a: {  	_ =	swait.ge [sflag:s8], $0x1000  }
0x4b: {  	[sflag:s8] =	ssyncset.done $0x0  }
0x4c: {  	s14 =	sadd.s32 $0x100, s20;
	[sflag:s8] =	ssyncadd.s32 $0xFFFFF000  }
0x4d: {  	[tilespmem:s31], [sflag:$0x2] =	stream.linear.gather [hbm4b:s14+s3], $0x80, $0x38;
	[tilespmem:$0x1A7A0] =	vst v63  }
0x4e: {  	s15 =	sadd.s32 $0x0, s22  }
0x4f: {  	[tilespmem:s0], [sflag:$0x2] =	stream.strided.gather [hbm4b:s15+s28], $0x1000, s29, s28, $0x38;
	[tilespmem:$0x1A7A0] =	vst v63  }
0x50: {  	_ =	swait.ge [sflag:s1], $0x80  }
0x51: {  	[sflag:s1] =	ssyncset.done $0x0  }
0x52: {  	[sflag:s1] =	ssyncadd.s32 $0xFFFFFF80  }
0x53: {  	_ =	swait.ge [sflag:s1], $0x1000  }
0x54: {  	s16 =	sadd.s32 $0x200, s20;
	[sflag:s1] =	ssyncset.done $0x0  }
0x55: {  	s18 =	sadd.s32 $0x80000, s21;
	s15 =	simm.s32 $0x10000;
	[sflag:s1] =	ssyncadd.s32 $0xFFFFF000  }
.LBB2_2:
0x56: {  	[spmem:s2] =	stream.indirect.scatter.add.f32 [tilespmem:s0], [sflag:$0x4], $0x20, s31, s29, $0xb8;
	[tilespmem:$0x1A7A0] =	vst v63  }
0x57: {  	s19 =	smov.u32 s15  }
0x58: {  	p1 =	sne.s32 s15, $0xC10000;
	s15 =	sadd.s32 $0x10000, s15;
	_ =	swait.ge [sflag:s5], $0x1000  }
0x59: {  	[sflag:s5] =	ssyncset.done $0x0  }
0x5a: {  	s9 =	sshrl.u32 s18, $0x3;
	[sflag:s5] =	ssyncadd.s32 $0xFFFFF000  }
0x5b: {  	[tilespmem:s26], [sflag:$0x1] =	stream.linear.gather [hbm4b:s16+s3], $0x80, $0x38;
	[tilespmem:$0x1A7A0] =	vst v63  }
0x5c: {  	s9 =	sadd.s32 s4, s9  }
0x5d: {  	[tilespmem:s3], [sflag:$0x1] =	stream.strided.gather [hbm4b:s9+s28], $0x1000, s29, s28, $0x38;
	[tilespmem:$0x1A7A0] =	vst v63  }
0x5e: {  	_ =	swait.ge [sflag:s30], $0x80  }
0x5f: {  	[sflag:s30] =	ssyncset.done $0x0  }
0x60: {  	[sflag:s30] =	ssyncadd.s32 $0xFFFFFF80  }
0x61: {  	_ =	swait.ge [sflag:s30], $0x1000  }
0x62: {  	[sflag:s30] =	ssyncset.done $0x0  }
0x63: {  	[sflag:s30] =	ssyncadd.s32 $0xFFFFF000  }
0x64: {  	[spmem:s2] =	stream.indirect.scatter.add.f32 [tilespmem:s3], [sflag:$0x3], $0x20, s26, s29, $0xb8;
	[tilespmem:$0x1A7A0] =	vst v63  }
0x65: {  	_ =	swait.ge [sflag:s8], $0x1000  }
0x66: {  	[sflag:s8] =	ssyncset.done $0x0  }
0x67: {  	s9 =	sadd.s32 $0x100, s16;
	[sflag:s8] =	ssyncadd.s32 $0xFFFFF000  }
0x68: {  	[tilespmem:s31], [sflag:$0x2] =	stream.linear.gather [hbm4b:s9+s3], $0x80, $0x38;
	[tilespmem:$0x1A7A0] =	vst v63  }
0x69: {  	s9 =	sadd.s32 s19, s22  }
0x6a: {  	[tilespmem:s0], [sflag:$0x2] =	stream.strided.gather [hbm4b:s9+s28], $0x1000, s29, s28, $0x38;
	[tilespmem:$0x1A7A0] =	vst v63  }
0x6b: {  	_ =	swait.ge [sflag:s1], $0x80  }
.Ltmp0:
0x6c: {  	[sflag:s1] =	ssyncset.done $0x0;
	(pc) =	sbr.rel @p1 .LBB2_2-.Ltmp0, $4  }
0x6d: {  	[sflag:s1] =	ssyncadd.s32 $0xFFFFFF80  }
0x6e: {  	_ =	swait.ge [sflag:s1], $0x1000  }
0x6f: {  	[sflag:s1] =	ssyncset.done $0x0  }
0x70: {  	s18 =	sadd.s32 $0x80000, s18;
	s16 =	sadd.s32 $0x200, s16;
	[sflag:s1] =	ssyncadd.s32 $0xFFFFF000  }
0x71: {  	[spmem:s2] =	stream.indirect.scatter.add.f32 [tilespmem:s0], [sflag:$0x4], $0x20, s31, s29, $0xb8;
	[tilespmem:$0x1A7A0] =	vst v63  }
0x72: {  	s9 =	simm.s32 @!p0 $0x3  }
0x73: {  	_ =	swait.ge @!p0 [sflag:s9], $0x1000  }
0x74: {  	[sflag:s9] =	ssyncset.done @!p0 $0x0  }
0x75: {  	s15 =	simm.s32 @!p0 $0x1000;
	[sflag:s9] =	ssyncadd.s32 @!p0 $0xFFFFF000;
	s9 =	simm.s32 @!p0 $0x0  }
0x76: {  	[tilespmem:s15], [sflag:$0x1] =	stream.linear.gather @!p0 [hbm4b:s17+s9], $0x80, $0x38;
	[tilespmem:$0x1A7A0] =	vst v63  }
0x77: {  	s16 =	simm.s32 @!p0 $0x20;
	s18 =	simm.s32 @!p0 $0x80;
	s19 =	rddreg [dreg:$0xb]  }
0x78: {  	[tilespmem:s9], [sflag:$0x1] =	stream.strided.gather @!p0 [hbm4b:s19+s16], $0x1000, s18, s16, $0x38;
	[tilespmem:$0x1A7A0] =	vst v63  }
0x79: {  	s16 =	simm.s32 @!p0 $0x1  }
0x7a: {  	_ =	swait.ge @!p0 [sflag:s16], $0x80  }
0x7b: {  	[sflag:s16] =	ssyncset.done @!p0 $0x0  }
0x7c: {  	[sflag:s16] =	ssyncadd.s32 @!p0 $0xFFFFFF80  }
0x7d: {  	_ =	swait.ge @!p0 [sflag:s16], $0x1000  }
0x7e: {  	[sflag:s16] =	ssyncset.done @!p0 $0x0  }
0x7f: {  	[sflag:s16] =	ssyncadd.s32 @!p0 $0xFFFFF000  }
0x80: {  	[spmem:s2] =	stream.indirect.scatter.add.f32 @!p0 [tilespmem:s9], [sflag:$0x3], $0x20, s15, s18, $0xb8;
	[tilespmem:$0x1A7A0] =	vst v63  }
0x81: {  	_ =	swait.ge [sflag:s5], $0x1000  }
0x82: {  	[sflag:s5] =	ssyncset.done $0x0  }
0x83: {  	[sflag:s5] =	ssyncadd.s32 $0xFFFFF000  }
0x84: {  	_ =	swait.ge [sflag:s8], $0x1000  }
0x85: {  	[sflag:s8] =	ssyncset.done $0x0  }
0x86: {  	[sflag:s8] =	ssyncadd.s32 $0xFFFFF000  }
0x87: {  	[bflag:$0x0] =	sbarrier.arrive $0xFFFF  }
0x88: {  	s19 =	simm.s32 $0x10;
	s15 =	rddreg [dreg:$0x4]  }
0x89: {  	[hbm:s15@s19], [sflag:s7] =	dma.strided [spmem:s12@s8], $0x30D4, s30, $0x4   }
0x8a: {  	_ =	swait.ge [sflag:s25], $0x30D4  }
0x8b: {  	[sflag:s25] =	ssyncset.done $0x0  }
0x8c: {  	[sflag:s25] =	ssyncadd.s32 $0xFFFFCF2C  }
0x8d: {  	[bflag:$0x0] =	sbarrier.arrive $0xFFFF  }
0x8e: {  	[spmem:s12], [sflag:s7] =	dma.local [hbm:s6], $0x30D4  }
0x8f: {  	_ =	swait.ge [sflag:s25], $0x30D4  }
0x90: {  	[sflag:s25] =	ssyncset.done $0x0  }
0x91: {  	[sflag:s25] =	ssyncadd.s32 $0xFFFFCF2C  }
0x92: {  	s16 =	simm.s32 $0x0;
	[bflag:$0x0] =	sbarrier.arrive $0xFFFF  }
0x93: {  	[tilespmem:s26], [sflag:$0x1] =	stream.linear.gather [hbm4b:s11+s16], $0x80, $0x38;
	[tilespmem:$0x1A7A0] =	vst v63  }
0x94: {  	s18 =	rddreg [dreg:$0x9]  }
0x95: {  	[tilespmem:s16], [sflag:$0x1] =	stream.strided.gather [hbm4b:s18+s28], $0x1000, s29, s28, $0x38;
	[tilespmem:$0x1A7A0] =	vst v63  }
0x96: {  	_ =	swait.ge [sflag:s30], $0x80  }
0x97: {  	[sflag:s30] =	ssyncset.done $0x0  }
0x98: {  	[sflag:s30] =	ssyncadd.s32 $0xFFFFFF80  }
0x99: {  	_ =	swait.ge [sflag:s30], $0x1000  }
0x9a: {  	[sflag:s30] =	ssyncset.done $0x0  }
0x9b: {  	[sflag:s30] =	ssyncadd.s32 $0xFFFFF000  }
0x9c: {  	[spmem:s2] =	stream.indirect.scatter.add.f32 [tilespmem:s16], [sflag:$0x3], $0x20, s26, s29, $0xb8;
	[tilespmem:$0x1A7A0] =	vst v63  }
0x9d: {  	_ = 	snop  }
0x9e: {  	[tilespmem:s31], [sflag:$0x2] =	stream.linear.gather [hbm4b:s13+s16], $0x80, $0x38;
	[tilespmem:$0x1A7A0] =	vst v63  }
0x9f: {  	s15 =	rddreg [dreg:$0xa]  }
0xa0: {  	[tilespmem:s0], [sflag:$0x2] =	stream.strided.gather [hbm4b:s15+s28], $0x1000, s29, s28, $0x38;
	[tilespmem:$0x1A7A0] =	vst v63  }
0xa1: {  	_ =	swait.ge [sflag:s1], $0x80  }
0xa2: {  	[sflag:s1] =	ssyncset.done $0x0  }
0xa3: {  	[sflag:s1] =	ssyncadd.s32 $0xFFFFFF80  }
0xa4: {  	_ =	swait.ge [sflag:s1], $0x1000  }
0xa5: {  	[sflag:s1] =	ssyncset.done $0x0  }
0xa6: {  	[sflag:s1] =	ssyncadd.s32 $0xFFFFF000  }
0xa7: {  	[spmem:s2] =	stream.indirect.scatter.add.f32 [tilespmem:s0], [sflag:$0x4], $0x20, s31, s29, $0xb8;
	[tilespmem:$0x1A7A0] =	vst v63  }
0xa8: {  	_ =	swait.ge [sflag:s5], $0x1000  }
0xa9: {  	[sflag:s5] =	ssyncset.done $0x0  }
0xaa: {  	[sflag:s5] =	ssyncadd.s32 $0xFFFFF000  }
0xab: {  	[tilespmem:s26], [sflag:$0x1] =	stream.linear.gather [hbm4b:s20+s3], $0x80, $0x38;
	[tilespmem:$0x1A7A0] =	vst v63  }
0xac: {  	s16 =	sadd.s32 $0x0, s23  }
0xad: {  	[tilespmem:s3], [sflag:$0x1] =	stream.strided.gather [hbm4b:s16+s28], $0x1000, s29, s28, $0x38;
	[tilespmem:$0x1A7A0] =	vst v63  }
0xae: {  	_ =	swait.ge [sflag:s30], $0x80  }
0xaf: {  	[sflag:s30] =	ssyncset.done $0x0  }
0xb0: {  	[sflag:s30] =	ssyncadd.s32 $0xFFFFFF80  }
0xb1: {  	_ =	swait.ge [sflag:s30], $0x1000  }
0xb2: {  	[sflag:s30] =	ssyncset.done $0x0  }
0xb3: {  	[sflag:s30] =	ssyncadd.s32 $0xFFFFF000  }
0xb4: {  	[spmem:s2] =	stream.indirect.scatter.add.f32 [tilespmem:s3], [sflag:$0x3], $0x20, s26, s29, $0xb8;
	[tilespmem:$0x1A7A0] =	vst v63  }
0xb5: {  	_ =	swait.ge [sflag:s8], $0x1000  }
0xb6: {  	[sflag:s8] =	ssyncset.done $0x0  }
0xb7: {  	[sflag:s8] =	ssyncadd.s32 $0xFFFFF000  }
0xb8: {  	[tilespmem:s31], [sflag:$0x2] =	stream.linear.gather [hbm4b:s14+s3], $0x80, $0x38;
	[tilespmem:$0x1A7A0] =	vst v63  }
0xb9: {  	s18 =	sadd.s32 $0x0, s24  }
0xba: {  	[tilespmem:s0], [sflag:$0x2] =	stream.strided.gather [hbm4b:s18+s28], $0x1000, s29, s28, $0x38;
	[tilespmem:$0x1A7A0] =	vst v63  }
0xbb: {  	_ =	swait.ge [sflag:s1], $0x80  }
0xbc: {  	[sflag:s1] =	ssyncset.done $0x0  }
0xbd: {  	[sflag:s1] =	ssyncadd.s32 $0xFFFFFF80  }
0xbe: {  	_ =	swait.ge [sflag:s1], $0x1000  }
0xbf: {  	[sflag:s1] =	ssyncset.done $0x0  }
0xc0: {  	s15 =	sadd.s32 $0x200, s20;
	s14 =	simm.s32 $0x10000;
	[sflag:s1] =	ssyncadd.s32 $0xFFFFF000  }
.LBB2_4:
0xc1: {  	[spmem:s2] =	stream.indirect.scatter.add.f32 [tilespmem:s0], [sflag:$0x4], $0x20, s31, s29, $0xb8;
	[tilespmem:$0x1A7A0] =	vst v63  }
0xc2: {  	s9 =	smov.u32 s14  }
0xc3: {  	p1 =	sne.s32 s14, $0xC10000;
	s14 =	sadd.s32 $0x10000, s14;
	_ =	swait.ge [sflag:s5], $0x1000  }
0xc4: {  	[sflag:s5] =	ssyncset.done $0x0  }
0xc5: {  	[sflag:s5] =	ssyncadd.s32 $0xFFFFF000  }
0xc6: {  	[tilespmem:s26], [sflag:$0x1] =	stream.linear.gather [hbm4b:s15+s3], $0x80, $0x38;
	[tilespmem:$0x1A7A0] =	vst v63  }
0xc7: {  	s16 =	sadd.s32 s9, s23  }
0xc8: {  	[tilespmem:s3], [sflag:$0x1] =	stream.strided.gather [hbm4b:s16+s28], $0x1000, s29, s28, $0x38;
	[tilespmem:$0x1A7A0] =	vst v63  }
0xc9: {  	_ =	swait.ge [sflag:s30], $0x80  }
0xca: {  	[sflag:s30] =	ssyncset.done $0x0  }
0xcb: {  	[sflag:s30] =	ssyncadd.s32 $0xFFFFFF80  }
0xcc: {  	_ =	swait.ge [sflag:s30], $0x1000  }
0xcd: {  	[sflag:s30] =	ssyncset.done $0x0  }
0xce: {  	[sflag:s30] =	ssyncadd.s32 $0xFFFFF000  }
0xcf: {  	[spmem:s2] =	stream.indirect.scatter.add.f32 [tilespmem:s3], [sflag:$0x3], $0x20, s26, s29, $0xb8;
	[tilespmem:$0x1A7A0] =	vst v63  }
0xd0: {  	_ =	swait.ge [sflag:s8], $0x1000  }
0xd1: {  	[sflag:s8] =	ssyncset.done $0x0  }
0xd2: {  	s16 =	sadd.s32 $0x100, s15;
	[sflag:s8] =	ssyncadd.s32 $0xFFFFF000  }
0xd3: {  	[tilespmem:s31], [sflag:$0x2] =	stream.linear.gather [hbm4b:s16+s3], $0x80, $0x38;
	[tilespmem:$0x1A7A0] =	vst v63  }
0xd4: {  	s9 =	sadd.s32 s9, s24  }
0xd5: {  	[tilespmem:s0], [sflag:$0x2] =	stream.strided.gather [hbm4b:s9+s28], $0x1000, s29, s28, $0x38;
	[tilespmem:$0x1A7A0] =	vst v63  }
0xd6: {  	_ =	swait.ge [sflag:s1], $0x80  }
.Ltmp1:
0xd7: {  	[sflag:s1] =	ssyncset.done $0x0;
	(pc) =	sbr.rel @p1 .LBB2_4-.Ltmp1, $4  }
0xd8: {  	[sflag:s1] =	ssyncadd.s32 $0xFFFFFF80  }
0xd9: {  	_ =	swait.ge [sflag:s1], $0x1000  }
0xda: {  	[sflag:s1] =	ssyncset.done $0x0  }
0xdb: {  	s15 =	sadd.s32 $0x200, s15;
	[sflag:s1] =	ssyncadd.s32 $0xFFFFF000  }
0xdc: {  	[spmem:s2] =	stream.indirect.scatter.add.f32 [tilespmem:s0], [sflag:$0x4], $0x20, s31, s29, $0xb8;
	[tilespmem:$0x1A7A0] =	vst v63  }
0xdd: {  	s9 =	simm.s32 @!p0 $0x3  }
0xde: {  	_ =	swait.ge @!p0 [sflag:s9], $0x1000  }
0xdf: {  	[sflag:s9] =	ssyncset.done @!p0 $0x0  }
0xe0: {  	s14 =	simm.s32 @!p0 $0x1000;
	[sflag:s9] =	ssyncadd.s32 @!p0 $0xFFFFF000;
	s9 =	simm.s32 @!p0 $0x0  }
0xe1: {  	[tilespmem:s14], [sflag:$0x1] =	stream.linear.gather @!p0 [hbm4b:s17+s9], $0x80, $0x38;
	[tilespmem:$0x1A7A0] =	vst v63  }
0xe2: {  	s15 =	simm.s32 @!p0 $0x20;
	s16 =	simm.s32 @!p0 $0x80;
	s18 =	rddreg [dreg:$0xc]  }
0xe3: {  	[tilespmem:s9], [sflag:$0x1] =	stream.strided.gather @!p0 [hbm4b:s18+s15], $0x1000, s16, s15, $0x38;
	[tilespmem:$0x1A7A0] =	vst v63  }
0xe4: {  	s15 =	simm.s32 @!p0 $0x1  }
0xe5: {  	_ =	swait.ge @!p0 [sflag:s15], $0x80  }
0xe6: {  	[sflag:s15] =	ssyncset.done @!p0 $0x0  }
0xe7: {  	[sflag:s15] =	ssyncadd.s32 @!p0 $0xFFFFFF80  }
0xe8: {  	_ =	swait.ge @!p0 [sflag:s15], $0x1000  }
0xe9: {  	[sflag:s15] =	ssyncset.done @!p0 $0x0  }
0xea: {  	[sflag:s15] =	ssyncadd.s32 @!p0 $0xFFFFF000  }
0xeb: {  	[spmem:s2] =	stream.indirect.scatter.add.f32 @!p0 [tilespmem:s9], [sflag:$0x3], $0x20, s14, s16, $0xb8;
	[tilespmem:$0x1A7A0] =	vst v63  }
0xec: {  	_ =	swait.ge [sflag:s5], $0x1000  }
0xed: {  	[sflag:s5] =	ssyncset.done $0x0  }
0xee: {  	[sflag:s5] =	ssyncadd.s32 $0xFFFFF000  }
0xef: {  	_ =	swait.ge [sflag:s8], $0x1000  }
0xf0: {  	[sflag:s8] =	ssyncset.done $0x0  }
0xf1: {  	[sflag:s8] =	ssyncadd.s32 $0xFFFFF000  }
0xf2: {  	[bflag:$0x0] =	sbarrier.arrive $0xFFFF  }
0xf3: {  	s18 =	rddreg [dreg:$0x5]  }
0xf4: {  	[hbm:s18@s19], [sflag:s7] =	dma.strided [spmem:s12@s8], $0x30D4, s30, $0x4   }
0xf5: {  	_ =	swait.ge [sflag:s25], $0x30D4  }
0xf6: {  	s10 =	sadd.s32 $0x1, s10;
	s19 =	rddreg [dreg:$0x6]  }
0xf7: {  	p1 =	sne.s32 s10, s19  }
.Ltmp2:
0xf8: {  	_ = 	snop;
	(pc) =	sbr.rel @p1 .LBB2_1-.Ltmp2, $3  }
0xf9: {  	[sflag:s25] =	ssyncset.done $0x0  }
0xfa: {  	[sflag:s25] =	ssyncadd.s32 $0xFFFFCF2C  }
0xfb: {  	[bflag:$0x0] =	sbarrier.arrive $0xFFFF;
	_ =	sdelay $0x1  }
0xfc: {  	_ =	sfence.sel $0x180000  }
0xfd: {  	[bflag:$0x0] =	sbarrier.arrive $0xFFFF  }
0xfe: {  	_ =	strace $0x9000004A  }
0xff: {  	s0 =	stileid.u32;
	[bflag:$0x2] =	sbarrier.arrive $0xFFFF  }
0x100: {  	p0 =	sne.s32 s0, $0x0;
	s0 =	rddreg [dreg:$0x2]  }
0x101: {  	s0 =	sadd.s32 @!p0 $0x100000, s0  }
0x102: {  	[sflag:s0] =	ssyncadd.tile.s32 @!p0 $0x1;
	_ =	shalt  }
.Lfunc_end2:
_tile_overlayer_lowered:
.L_overlay_start_2:
0x103: {  	(tag) =	ssettag $0x2  }
0x104: {  	s0 =	rddreg [dreg:$0x0];
	s2 =	stileid.u32  }
0x105: {  	s1 =	rddreg [dreg:$0x1];
	p0 =	sne.s32 s2, $0x0  }
0x106: {  	s3 =	rddreg [dreg:$0x2];
	[bflag:$0x3] =	sbarrier.arrive $0xFFFF;
	s2 =	simm.s32 @!p0 $0x1C05  }
0x107: {  	[timem:s3], [sflag:s2] =	dma.local @!p0 [hbm:s0], s1  }
0x108: {  	s0 =	simm.s32 @!p0 $0x5  }
0x109: {  	_ =	swait.ge @!p0 [sflag:s0], s1  }
0x10a: {  	s1 =	ssub.s32 @!p0 $0x0, s1;
	[sflag:s0] =	ssyncset.done @!p0 $0x0  }
0x10b: {  	[sflag:s0] =	ssyncadd.s32 @!p0 s1  }
0x10c: {  	[bflag:$0x3] =	sbarrier.arrive $0xFFFF  }
0x10d: {  	_ =	shalt  }

// kernel: kernel.17.cloned.1.call-start
scs
__scs_entry_jumppad:
0x0: {  	(pc) =	sbr.rel $0x88, $3  }
0x1: {  	(tag) =	ssettag $0x0;
	lr =	simm.s32 $0x1  }
0x2: {  	[smem:$0x3F85] =	sst lr;
	_ =	strace $0xD0000000  }
0x3: {  	_ = 	snop  }
0x4: {  	_ = 	snop  }
0x5: {  	_ = 	snop  }
0x6: {  	_ = 	snop  }
0x7: {  	_ = 	snop  }
__scs_overlays_trampoline_lowered:
0x8: {  	[smem:$0x3F94] =	sst s0  }
0x9: {  	[smem:$0x3F95] =	sst s1  }
0xa: {  	[smem:$0x3F96] =	sst s2  }
0xb: {  	[smem:$0x3F97] =	sst s3  }
0xc: {  	[smem:$0x3F98] =	sst s4  }
0xd: {  	[smem:$0x3F99] =	sst s5  }
0xe: {  	[smem:$0x3F9A] =	sst s6  }
0xf: {  	[smem:$0x3F9B] =	sst s7  }
0x10: {  	[smem:$0x3F9C] =	sst s8  }
0x11: {  	[smem:$0x3F9D] =	sst s9;
	s0 =	simm.s32 @!p0 $0x0  }
0x12: {  	s1 =	sld [smem:$0x3F83];
	s0 =	simm.s32 @p0 $0x1  }
0x13: {  	[smem:$0x3F9E] =	sst s0;
	s0 =	simm.s32 @!p1 $0x0  }
0x14: {  	s2 =	sld [smem:$0x3F82];
	s0 =	simm.s32 @p1 $0x1  }
0x15: {  	[smem:$0x3F9F] =	sst s0;
	s0 =	simm.s32 @!p2 $0x0  }
0x16: {  	s3 =	sld [smem:$0x3FDB];
	s0 =	simm.s32 @p2 $0x1  }
0x17: {  	s4 =	simm.s32 $0x1BF5;
	[smem:$0x3FA1] =	sst s0  }
0x18: {  	s0 =	sld [smem:$0x3F84];
	_ =	swait.ge [sflag:s4], $0x0  }
0x19: {  	s7 =	sld [smem:$0x3F85]  }
0x1a: {  	s8 =	sadd.s32 $0xFFFFE003, lr  }
0x1b: {  	s9 =	sadd.s32 $0xFFFFFEF7, lr;
	s5 =	simm.s32 $0xFFFFFFFF;
	p2 =	slt.u32 s8, $0xFFFFF086  }
0x1c: {  	p1 =	slt.u32 s9, $0xF7A;
	s5 =	simm.s32 @!p2 $0x0  }
0x1d: {  	s5 =	simm.s32 @p1 $0x1;
	p0 =	seq.s32 s7, s2  }
0x1e: {  	s7 =	smul.u32 @!p0 $0xF7A, s2;
	p2 =	seq.s32 @!p0 s5, $0x0  }
0x1f: {  	s9 =	smul.u32 $0xF7A, s1;
	s8 =	simm.s32 @!p0 $0x1BF5;
	p2 =	por !p2, p0  }
0x20: {  	[sflag:s8] =	ssyncset.s32 @!p0 $0xFFFFF086;
	s6 =	sadd.s32 @!p0 s3, s7;
	s7 =	simm.s32 @!p0 $0x108  }
0x21: {  	s3 =	sadd.s32 s3, s9;
	s6 =	sadd.s32 @!p0 $0x88, s6;
	s7 =	simm.s32 @p2 $0x1082  }
0x22: {  	[simem:s7], [sflag:s8] =	dma.local @!p0 [hbm:s6], $0xF7A  }
0x23: {  	s9 =	sor.u32 $0xD0000000, s2;
	s6 =	simm.s32 $0x108;
	_ =	swait.ge @!p0 [sflag:s8], $0x0  }
0x24: {  	s3 =	sadd.s32 $0x88, s3;
	s6 =	simm.s32 @!p1 $0x1082;
	[sflag:s4] =	ssyncset.s32 $0xFFFFF086  }
0x25: {  	[simem:s6], [sflag:s4] =	dma.local [hbm:s3], $0xF7A  }
0x26: {  	[smem:$0x3F85] =	sst s1;
	(tag) =	ssettag s2;
	_ =	strace s9  }
0x27: {  	s1 =	sld [smem:$0x3F95]  }
0x28: {  	s2 =	sld [smem:$0x3F96]  }
0x29: {  	s4 =	sld [smem:$0x3F98]  }
0x2a: {  	p0 =	seq.s32 s5, $0x0;
	s5 =	sld [smem:$0x3F99]  }
0x2b: {  	s6 =	sld [smem:$0x3F9A]  }
0x2c: {  	s7 =	sld [smem:$0x3F9B]  }
0x2d: {  	s3 =	simm.s32 $0x108;
	s8 =	sld [smem:$0x3F9C]  }
0x2e: {  	s3 =	simm.s32 @!p0 $0x1082;
	s9 =	sld [smem:$0x3F9D]  }
0x2f: {  	lr =	sadd.s32 s0, s3;
	s0 =	sld [smem:$0x3F94]  }
0x30: {  	s3 =	sld [smem:$0x3F97]  }
0x31: {  	[smem:$0x3FA0] =	sst s10  }
0x32: {  	s10 =	sld [smem:$0x3F9E];
	_ =	sdelay $0x3  }
0x33: {  	p0 =	seq.s32 s10, $0x1;
	s10 =	sld [smem:$0x3FA0];
	_ =	sdelay $0x3  }
0x34: {  	[smem:$0x3FA0] =	sst s10  }
0x35: {  	s10 =	sld [smem:$0x3F9F];
	_ =	sdelay $0x3  }
0x36: {  	p1 =	seq.s32 s10, $0x1;
	s10 =	sld [smem:$0x3FA0];
	_ =	sdelay $0x3  }
0x37: {  	[smem:$0x3FA0] =	sst s10  }
0x38: {  	s10 =	sld [smem:$0x3FA1]  }
0x39: {  	_ = 	snop;
	(pc) =	sbr.ind lr, $3  }
0x3a: {  	_ = 	snop  }
0x3b: {  	_ = 	snop  }
0x3c: {  	p2 =	seq.s32 s10, $0x1;
	s10 =	sld [smem:$0x3FA0]  }
0x3d: {  	_ =	shalt  }
0x3e: {  	_ =	shalt  }
0x3f: {  	_ =	shalt  }
0x40: {  	_ =	shalt  }
0x41: {  	_ =	shalt  }
0x42: {  	_ =	shalt  }
0x43: {  	_ =	shalt  }
0x44: {  	_ =	shalt  }
0x45: {  	_ =	shalt  }
0x46: {  	_ =	shalt  }
0x47: {  	_ =	shalt  }
0x48: {  	_ =	shalt  }
0x49: {  	_ =	shalt  }
0x4a: {  	_ =	shalt  }
0x4b: {  	_ =	shalt  }
0x4c: {  	_ =	shalt  }
0x4d: {  	_ =	shalt  }
0x4e: {  	_ =	shalt  }
0x4f: {  	_ =	shalt  }
0x50: {  	_ =	shalt  }
0x51: {  	_ =	shalt  }
0x52: {  	_ =	shalt  }
0x53: {  	_ =	shalt  }
0x54: {  	_ =	shalt  }
0x55: {  	_ =	shalt  }
0x56: {  	_ =	shalt  }
0x57: {  	_ =	shalt  }
0x58: {  	_ =	shalt  }
0x59: {  	_ =	shalt  }
0x5a: {  	_ =	shalt  }
0x5b: {  	_ =	shalt  }
0x5c: {  	_ =	shalt  }
0x5d: {  	_ =	shalt  }
0x5e: {  	_ =	shalt  }
0x5f: {  	_ =	shalt  }
0x60: {  	_ =	shalt  }
0x61: {  	_ =	shalt  }
0x62: {  	_ =	shalt  }
0x63: {  	_ =	shalt  }
0x64: {  	_ =	shalt  }
0x65: {  	_ =	shalt  }
0x66: {  	_ =	shalt  }
0x67: {  	_ =	shalt  }
0x68: {  	_ =	shalt  }
0x69: {  	_ =	shalt  }
0x6a: {  	_ =	shalt  }
0x6b: {  	_ =	shalt  }
0x6c: {  	_ =	shalt  }
0x6d: {  	_ =	shalt  }
0x6e: {  	_ =	shalt  }
0x6f: {  	_ =	shalt  }
0x70: {  	_ =	shalt  }
0x71: {  	_ =	shalt  }
0x72: {  	_ =	shalt  }
0x73: {  	_ =	shalt  }
0x74: {  	_ =	shalt  }
0x75: {  	_ =	shalt  }
0x76: {  	_ =	shalt  }
0x77: {  	_ =	shalt  }
0x78: {  	_ =	shalt  }
0x79: {  	_ =	shalt  }
0x7a: {  	_ =	shalt  }
0x7b: {  	_ =	shalt  }
0x7c: {  	_ =	shalt  }
0x7d: {  	_ =	shalt  }
0x7e: {  	_ =	shalt  }
0x7f: {  	_ =	shalt  }
0x80: {  	_ =	shalt  }
0x81: {  	_ =	shalt  }
0x82: {  	_ =	shalt  }
0x83: {  	_ =	shalt  }
0x84: {  	_ =	shalt  }
0x85: {  	_ =	shalt  }
0x86: {  	_ =	shalt  }
0x87: {  	_ =	shalt  }
.Lfunc_end0:
.L_simem_size_0:
called_computation.2_lowered:
.L_overlay_start_0:
0x88: {  	s2 =	sld [smem:$0x3FD9]  }
0x89: {  	s3 =	sld [smem:$0x3FFE];
	_ =	sdelay $0x1  }
0x8a: {  	s1 =	srdreg.scid  }
0x8b: {  	s0 =	sand.u32 $0x1, s1  }
0x8c: {  	s14 =	sshll.u32 s0, $0xA;
	s2 =	sadd.s32 s3, s2  }
0x8d: {  	s2 =	sadd.s32 s2, s14  }
0x8e: {  	[smem:$0x3FAC] =	sst s2  }
0x8f: {  	_ = 	snop  }
0x90: {  	s2 =	sld [smem:$0x3FD0];
	_ =	sdelay $0x2  }
0x91: {  	s15 =	simm.s32 $0xA;
	s4 =	simm.s32 $0x10  }
0x92: {  	[smem:s4], [sflag:s15] =	dma.local [hbm:s2], $0x1  }
0x93: {  	_ =	swait.eq [sflag:s15], $0x1  }
0x94: {  	[sflag:s15] =	ssyncset.done $0x0  }
0x95: {  	s16 =	sld [smem:$0x10];
	[sflag:s15] =	ssyncadd.s32 $0xFFFFFFFF  }
0x96: {  	s17 =	sld [smem:$0x11];
	(tm) =	ssettm $0x1  }
0x97: {  	s18 =	sld [smem:$0x3FFB];
	_ =	sdelay $0x3  }
0x98: {  	_ =	strace s18  }
0x99: {  	s4 =	sld [smem:$0x3FFC];
	_ =	sdelay $0x3  }
0x9a: {  	_ =	strace s4  }
0x9b: {  	s4 =	sld [smem:$0x3FFD];
	_ =	sdelay $0x3  }
0x9c: {  	_ =	strace s4  }
0x9d: {  	_ =	strace $0x8FFFFFFF  }
0x9e: {  	s19 =	sld [smem:$0x3FDB];
	_ =	sdelay $0x1  }
0x9f: {  	s5 =	simm.s32 $_scs_section_size  }
0xa0: {  	s6 =	simm.s32 $_size__tile_overlayer_lowered;
	s7 =	simm.s32 $_tile_overlayer_lowered  }
0xa1: {  	s22 =	simm.s32 $0x1BFF;
	s21 =	sshll.u32 s7, $0x1;
	s4 =	sadd.s32 s5, s19  }
0xa2: {  	s8 =	simm.s32 $0x0;
	s20 =	sshll.u32 s6, $0x1;
	s6 =	sadd.s32 s21, s4  }
0xa3: {  	[timem:s8], [sflag:s22] =	dma.local [hbm:s6], s20  }
0xa4: {  	_ =	swait.ge [sflag:s22], s20  }
0xa5: {  	s5 =	ssub.s32 $0x0, s20;
	[sflag:s22] =	ssyncset.done $0x0  }
0xa6: {  	[sflag:s22] =	ssyncadd.s32 s5;
	_ =	sdelay $0x1  }
0xa7: {  	s23 =	simm.s32 $0x1B8B  }
0xa8: {  	_ =	swait.ge [sflag:s23], $0x1  }
0xa9: {  	[sflag:s23] =	ssyncset.done $0x0  }
0xaa: {  	s25 =	simm.s32 $0x1B8E;
	s24 =	sld [smem:$0x3FFE];
	[sflag:s23] =	ssyncadd.s32 $0xFFFFFFFF  }
0xab: {  	s26 =	simm.s32 $execute0_lowered;
	[smem:$0x3FD2] =	sst s25  }
0xac: {  	s6 =	sshll.u32 s26, $0x1;
	_ =	strace $0x8000004C;
	[dreg:$0x1] =	wrdreg $0xFFFFFFFF  }
0xad: {  	s28 =	simm.s32 $_size_execute0_lowered;
	s4 =	sadd.s32 s4, s6;
	[dreg:$0x0] =	wrdreg $0x0  }
0xae: {  	s6 =	sshll.u32 s28, $0x1;
	[dreg:$0x2] =	wrdreg s4  }
0xaf: {  	[dreg:$0x3] =	wrdreg s6  }
0xb0: {  	[dreg:$0x4] =	wrdreg $0xC0  }
0xb1: {  	_ =	task [dreg:s8], $0x5FFFF  }
0xb2: {  	[dreg:$0x1] =	wrdreg $0xFFFFFFFF  }
0xb3: {  	[dreg:$0x0] =	wrdreg $0x60  }
0xb4: {  	[dreg:$0x2] =	wrdreg s16  }
0xb5: {  	[dreg:$0x3] =	wrdreg s24  }
0xb6: {  	[dreg:$0x4] =	wrdreg s17  }
0xb7: {  	[dreg:$0x5] =	wrdreg $0x9  }
0xb8: {  	_ =	task.clear_ibuf [dreg:s8], $0x6FFFF;
	_ =	strace $0x9000004C  }
0xb9: {  	s29 =	simm.s32 $0x9;
	_ =	strace $0x8000004E  }
0xba: {  	_ =	swait.ge [sflag:s29], $0x1  }
0xbb: {  	[sflag:s29] =	ssyncadd.s32 $0xFFFFFFFF  }
0xbc: {  	_ =	strace $0x9000004E  }
0xbd: {  	_ =	sfence  }
0xbe: {  	s30 =	sld [smem:$0x0];
	_ =	sdelay $0x2  }
0xbf: {  	s31 =	sshll.u32 s1, $0xD;
	s1 =	sshrl.u32 s1, $0x2  }
0xc0: {  	s3 =	sand.u32 $0x4000, s31;
	s1 =	sadd.s32 s1, s30  }
0xc1: {  	s0 =	sor.u32 s3, s0;
	s1 =	sshll.u32 s1, $0x11  }
0xc2: {  	s0 =	sor.u32 s1, s0  }
0xc3: {  	s0 =	sadd.s32 $0x8F2B, s0  }
0xc4: {  	[sflag:s0] =	ssyncadd.remote.s32 $0x1  }
0xc5: {  	_ =	sfence.sel $0xFFFF  }
0xc6: {  	[dreg:$0x0] =	wrdreg $0xFFFFFFFF;
	(pc) =	sbr.abs _section_cstart, $3  }
0xc7: {  	[dreg:$0x1] =	wrdreg $0xFFFFFFFF  }
0xc8: {  	_ =	task.clear_ibuf [dreg:s8], $0x2FFFF;
	_ =	strace $0x9FFFFFFF  }
0xc9: {  	(tm) =	ssettm $0x7FFFFFFF  }
tec
execute0_lowered:
.L_overlay_start_1:
0x0: {  	(tag) =	ssettag $0x1  }
0x1: {  	s1 =	rddreg [dreg:$0x0]  }
0x2: {  	s7 =	rddreg [dreg:$0x1]  }
0x3: {  	s2 =	rddreg [dreg:$0x2];
	s4 =	simm.s32 $0x0;
	s5 =	srdreg.scid  }
0x4: {  	s3 =	stileid.u32;
	s13 =	simm.s32 $0x80;
	s14 =	simm.s32 $0x2  }
0x5: {  	s15 =	simm.s32 $0x100;
	s16 =	simm.s32 $0x2100;
	s17 =	simm.s32 $0x4100  }
0x6: {  	s18 =	simm.s32 $0x5900;
	s19 =	simm.s32 $0x5D00;
	s20 =	simm.s32 $0x1  }
0x7: {  	s21 =	simm.s32 $0x40;
	s22 =	simm.s32 $0x30;
	s23 =	simm.s32 $0x8  }
0x8: {  	s24 =	simm.s32 $0x3;
	s25 =	simm.s32 $0x0;
	[smem:$0x7FF] =	sst s4  }
0x9: {  	s8 =	sand.u32 $0x1, s5;
	s9 =	sshll.u32 s3, $0x8;
	s5 =	sadd.s32 $0xAE00, s7  }
0xa: {  	s6 =	sadd.s32 $0x6CA00, s7;
	s28 =	sshll.u32 s3, $0xC;
	p0 =	slt.u32 s3, $0x5  }
0xb: {  	_ =	strace $0x8000004D;
	s10 =	sshll.u32 s8, $0x7;
	s11 =	ssub.s32 $0x2, s8  }
0xc: {  	s29 =	sadd.s32 s28, s7;
	s8 =	sshll.u32 s8, $0xB;
	s9 =	sor.u32 s10, s9  }
0xd: {  	s30 =	sshrl.u32 s11, $0x1;
	s31 =	sadd.s32 s8, s29;
	s9 =	sshrl.u32 s9, $0x3  }
0xe: {  	s10 =	ssub.s32 s11, s30;
	s12 =	sadd.s32 s9, s7;
	s7 =	simm.s32 $0xC40000  }
0xf: {  	s8 =	smax.u32 s10, $0x1;
	s9 =	sadd.s32 $0x162BC00, s31;
	s10 =	sadd.s32 $0x9F6C00, s31  }
0x10: {  	s7 =	simm.s32 @!p0 $0xC30000;
	s11 =	sadd.s32 $0xE6C00, s12;
	s12 =	sadd.s32 $0xCE400, s12  }
.LBB2_1:
0x11: {  	[tilespmem:s4], [sflag:$0x2] =	stream.linear.gather [hbm4b:s12+s4], $0x80, $0x38;
	[tilespmem:$0x6100] =	vst v63  }
0x12: {  	p0 =	por $0x1, $0x1  }
0x13: {  	s26 =	simm.s32 @!p0 $0x3  }
0x14: {  	[tilespmem:s13], [sflag:$0x2] =	stream.linear.gather [hbm4b:s11+s4], $0x80, $0x38;
	[tilespmem:$0x6100] =	vst v63  }
0x15: {  	_ =	swait.ge @!p0 [sflag:s26], $0x2000  }
0x16: {  	[sflag:s26] =	ssyncset.done @!p0 $0x0  }
0x17: {  	[sflag:s26] =	ssyncadd.s32 @!p0 $0xFFFFE000  }
0x18: {  	_ =	swait.ge @!p0 [sflag:s26], $0x2000  }
0x19: {  	[sflag:s26] =	ssyncset.done @!p0 $0x0  }
0x1a: {  	[sflag:s26] =	ssyncadd.s32 @!p0 $0xFFFFE000  }
0x1b: {  	_ =	swait.ge @!p0 [sflag:s26], $0x1800  }
0x1c: {  	[sflag:s26] =	ssyncset.done @!p0 $0x0  }
0x1d: {  	[sflag:s26] =	ssyncadd.s32 @!p0 $0xFFFFE800  }
0x1e: {  	_ =	swait.ge @!p0 [sflag:s26], $0x400  }
0x1f: {  	[sflag:s26] =	ssyncset.done @!p0 $0x0  }
0x20: {  	[sflag:s26] =	ssyncadd.s32 @!p0 $0xFFFFFC00  }
0x21: {  	_ =	swait.ge @!p0 [sflag:s26], $0x400  }
0x22: {  	[sflag:s26] =	ssyncset.done @!p0 $0x0  }
0x23: {  	[sflag:s26] =	ssyncadd.s32 @!p0 $0xFFFFFC00  }
0x24: {  	_ =	swait.ge [sflag:s14], $0x80  }
0x25: {  	[sflag:s14] =	ssyncset.done $0x0  }
0x26: {  	[sflag:s14] =	ssyncadd.s32 $0xFFFFFF80  }
0x27: {  	_ =	swait.ge [sflag:s14], $0x80  }
0x28: {  	[sflag:s14] =	ssyncset.done $0x0  }
0x29: {  	[sflag:s14] =	ssyncadd.s32 $0xFFFFFF80  }
0x2a: {  	[tilespmem:s15], [sflag:$0x1] =	stream.indirect.gather [hbm4b:s1+s13], $0x40, s4, s13, $0xb8;
	[tilespmem:$0x6100] =	vst v63  }
0x2b: {  	_ = 	snop  }
0x2c: {  	[tilespmem:s16], [sflag:$0x1] =	stream.indirect.gather [hbm4b:s5+s13], $0x40, s13, s13, $0xb8;
	[tilespmem:$0x6100] =	vst v63  }
0x2d: {  	_ = 	snop  }
0x2e: {  	[tilespmem:s17], [sflag:$0x1] =	stream.indirect.gather [hbm4b:s2+s13], $0x30, s4, s13, $0xb8;
	[tilespmem:$0x6100] =	vst v63  }
0x2f: {  	_ = 	snop  }
0x30: {  	[tilespmem:s18], [sflag:$0x1] =	stream.indirect.gather [hbm4b:s6+s13], $0x8, s4, s13, $0xb8;
	[tilespmem:$0x6100] =	vst v63  }
0x31: {  	_ = 	snop  }
0x32: {  	[tilespmem:s19], [sflag:$0x1] =	stream.indirect.gather [hbm4b:s6+s13], $0x8, s13, s13, $0xb8;
	[tilespmem:$0x6100] =	vst v63  }
0x33: {  	_ =	swait.ge [sflag:s20], $0x2000  }
0x34: {  	[sflag:s20] =	ssyncset.done $0x0  }
0x35: {  	[sflag:s20] =	ssyncadd.s32 $0xFFFFE000  }
0x36: {  	_ =	swait.ge [sflag:s20], $0x2000  }
0x37: {  	[sflag:s20] =	ssyncset.done $0x0  }
0x38: {  	[sflag:s20] =	ssyncadd.s32 $0xFFFFE000  }
0x39: {  	_ =	swait.ge [sflag:s20], $0x1800  }
0x3a: {  	[sflag:s20] =	ssyncset.done $0x0  }
0x3b: {  	[sflag:s20] =	ssyncadd.s32 $0xFFFFE800  }
0x3c: {  	_ =	swait.ge [sflag:s20], $0x400  }
0x3d: {  	[sflag:s20] =	ssyncset.done $0x0  }
0x3e: {  	[sflag:s20] =	ssyncadd.s32 $0xFFFFFC00  }
0x3f: {  	_ =	swait.ge [sflag:s20], $0x400  }
0x40: {  	[sflag:s20] =	ssyncset.done $0x0  }
0x41: {  	s0 =	sadd.s32 $0x0, s10;
	[sflag:s20] =	ssyncadd.s32 $0xFFFFFC00  }
0x42: {  	[hbm4b:s0+s21] =	stream.strided.scatter [tilespmem:s15], [sflag:$0x3], $0x2000, s13, s21, $0x38;
	[tilespmem:$0x6100] =	vst v63  }
0x43: {  	s26 =	sadd.s32 $0x8, s0;
	p0 =	sne.s32 s7, $0x10000  }
0x44: {  	[hbm4b:s26+s21] =	stream.strided.scatter [tilespmem:s16], [sflag:$0x3], $0x2000, s13, s21, $0x38;
	[tilespmem:$0x6100] =	vst v63  }
.Ltmp0:
0x45: {  	s28 =	sadd.s32 $0x0, s9;
	(pc) =	sbr.rel @!p0 .LBB2_3-.Ltmp0, $4  }
0x46: {  	s29 =	smov.u32 s12;
	s30 =	sadd.s32 $0x6, s28  }
0x47: {  	[hbm4b:s28+s22] =	stream.strided.scatter [tilespmem:s17], [sflag:$0x3], $0x1800, s13, s22, $0x38;
	[tilespmem:$0x6100] =	vst v63  }
0x48: {  	s31 =	sadd.s32 $0x7, s28;
	s26 =	simm.s32 $0x10000;
	s28 =	smov.u32 s11  }
0x49: {  	[hbm4b:s30+s23] =	stream.strided.scatter [tilespmem:s18], [sflag:$0x3], $0x400, s13, s23, $0x38;
	[tilespmem:$0x6100] =	vst v63  }
.LBB2_2:
0x4a: {  	s28 =	sadd.s32 $0x200, s28  }
0x4b: {  	s29 =	sadd.s32 $0x200, s29;
	s30 =	smov.u32 s26;
	s26 =	sadd.s32 $0x10000, s26  }
0x4c: {  	[hbm4b:s31+s23] =	stream.strided.scatter [tilespmem:s19], [sflag:$0x3], $0x400, s13, s23, $0x38;
	[tilespmem:$0x6100] =	vst v63  }
0x4d: {  	p0 =	sne.s32 s7, s26  }
0x4e: {  	[tilespmem:s4], [sflag:$0x2] =	stream.linear.gather [hbm4b:s29+s4], $0x80, $0x38;
	[tilespmem:$0x6100] =	vst v63  }
0x4f: {  	p1 =	seq.s32 s30, $0x0  }
0x50: {  	[tilespmem:s13], [sflag:$0x2] =	stream.linear.gather [hbm4b:s28+s4], $0x80, $0x38;
	[tilespmem:$0x6100] =	vst v63  }
0x51: {  	s31 =	simm.s32 @!p1 $0x3  }
0x52: {  	_ =	swait.ge @!p1 [sflag:s31], $0x2000  }
0x53: {  	[sflag:s31] =	ssyncset.done @!p1 $0x0  }
0x54: {  	[sflag:s31] =	ssyncadd.s32 @!p1 $0xFFFFE000  }
0x55: {  	_ =	swait.ge @!p1 [sflag:s31], $0x2000  }
0x56: {  	[sflag:s31] =	ssyncset.done @!p1 $0x0  }
0x57: {  	[sflag:s31] =	ssyncadd.s32 @!p1 $0xFFFFE000  }
0x58: {  	_ =	swait.ge @!p1 [sflag:s31], $0x1800  }
0x59: {  	[sflag:s31] =	ssyncset.done @!p1 $0x0  }
0x5a: {  	[sflag:s31] =	ssyncadd.s32 @!p1 $0xFFFFE800  }
0x5b: {  	_ =	swait.ge @!p1 [sflag:s31], $0x400  }
0x5c: {  	[sflag:s31] =	ssyncset.done @!p1 $0x0  }
0x5d: {  	[sflag:s31] =	ssyncadd.s32 @!p1 $0xFFFFFC00  }
0x5e: {  	_ =	swait.ge @!p1 [sflag:s31], $0x400  }
0x5f: {  	[sflag:s31] =	ssyncset.done @!p1 $0x0  }
0x60: {  	[sflag:s31] =	ssyncadd.s32 @!p1 $0xFFFFFC00  }
0x61: {  	_ =	swait.ge [sflag:s14], $0x80  }
0x62: {  	[sflag:s14] =	ssyncset.done $0x0  }
0x63: {  	[sflag:s14] =	ssyncadd.s32 $0xFFFFFF80  }
0x64: {  	_ =	swait.ge [sflag:s14], $0x80  }
0x65: {  	[sflag:s14] =	ssyncset.done $0x0  }
0x66: {  	[sflag:s14] =	ssyncadd.s32 $0xFFFFFF80  }
0x67: {  	[tilespmem:s15], [sflag:$0x1] =	stream.indirect.gather [hbm4b:s1+s13], $0x40, s4, s13, $0xb8;
	[tilespmem:$0x6100] =	vst v63  }
0x68: {  	_ = 	snop  }
0x69: {  	[tilespmem:s16], [sflag:$0x1] =	stream.indirect.gather [hbm4b:s5+s13], $0x40, s13, s13, $0xb8;
	[tilespmem:$0x6100] =	vst v63  }
0x6a: {  	_ = 	snop  }
0x6b: {  	[tilespmem:s17], [sflag:$0x1] =	stream.indirect.gather [hbm4b:s2+s13], $0x30, s4, s13, $0xb8;
	[tilespmem:$0x6100] =	vst v63  }
0x6c: {  	_ = 	snop  }
0x6d: {  	[tilespmem:s18], [sflag:$0x1] =	stream.indirect.gather [hbm4b:s6+s13], $0x8, s4, s13, $0xb8;
	[tilespmem:$0x6100] =	vst v63  }
0x6e: {  	_ = 	snop  }
0x6f: {  	[tilespmem:s19], [sflag:$0x1] =	stream.indirect.gather [hbm4b:s6+s13], $0x8, s13, s13, $0xb8;
	[tilespmem:$0x6100] =	vst v63  }
0x70: {  	_ =	swait.ge [sflag:s20], $0x2000  }
0x71: {  	[sflag:s20] =	ssyncset.done $0x0  }
0x72: {  	[sflag:s20] =	ssyncadd.s32 $0xFFFFE000  }
0x73: {  	_ =	swait.ge [sflag:s20], $0x2000  }
0x74: {  	[sflag:s20] =	ssyncset.done $0x0  }
0x75: {  	[sflag:s20] =	ssyncadd.s32 $0xFFFFE000  }
0x76: {  	_ =	swait.ge [sflag:s20], $0x1800  }
0x77: {  	[sflag:s20] =	ssyncset.done $0x0  }
0x78: {  	[sflag:s20] =	ssyncadd.s32 $0xFFFFE800  }
0x79: {  	_ =	swait.ge [sflag:s20], $0x400  }
0x7a: {  	[sflag:s20] =	ssyncset.done $0x0  }
0x7b: {  	[sflag:s20] =	ssyncadd.s32 $0xFFFFFC00  }
0x7c: {  	_ =	swait.ge [sflag:s20], $0x400  }
0x7d: {  	s31 =	sadd.s32 s30, s10;
	[sflag:s20] =	ssyncset.done $0x0  }
0x7e: {  	s0 =	sadd.s32 $0x8, s31;
	[sflag:s20] =	ssyncadd.s32 $0xFFFFFC00  }
0x7f: {  	[hbm4b:s31+s21] =	stream.strided.scatter [tilespmem:s15], [sflag:$0x3], $0x2000, s13, s21, $0x38;
	[tilespmem:$0x6100] =	vst v63  }
0x80: {  	s30 =	sadd.s32 s30, s9  }
0x81: {  	[hbm4b:s0+s21] =	stream.strided.scatter [tilespmem:s16], [sflag:$0x3], $0x2000, s13, s21, $0x38;
	[tilespmem:$0x6100] =	vst v63  }
.Ltmp1:
0x82: {  	_ = 	snop;
	(pc) =	sbr.rel @p0 .LBB2_2-.Ltmp1, $4  }
0x83: {  	s0 =	sadd.s32 $0x6, s30  }
0x84: {  	[hbm4b:s30+s22] =	stream.strided.scatter [tilespmem:s17], [sflag:$0x3], $0x1800, s13, s22, $0x38;
	[tilespmem:$0x6100] =	vst v63  }
0x85: {  	s31 =	sadd.s32 $0x7, s30  }
0x86: {  	[hbm4b:s0+s23] =	stream.strided.scatter [tilespmem:s18], [sflag:$0x3], $0x400, s13, s23, $0x38;
	[tilespmem:$0x6100] =	vst v63  }
.LBB2_3:
0x87: {  	[hbm4b:s31+s23] =	stream.strided.scatter [tilespmem:s19], [sflag:$0x3], $0x400, s13, s23, $0x38;
	[tilespmem:$0x6100] =	vst v63  }
0x88: {  	_ =	swait.ge [sflag:s24], $0x2000  }
0x89: {  	[sflag:s24] =	ssyncset.done $0x0  }
0x8a: {  	[sflag:s24] =	ssyncadd.s32 $0xFFFFE000  }
0x8b: {  	_ =	swait.ge [sflag:s24], $0x2000  }
0x8c: {  	[sflag:s24] =	ssyncset.done $0x0  }
0x8d: {  	[sflag:s24] =	ssyncadd.s32 $0xFFFFE000  }
0x8e: {  	_ =	swait.ge [sflag:s24], $0x1800  }
0x8f: {  	[sflag:s24] =	ssyncset.done $0x0  }
0x90: {  	s25 =	sadd.s32 $0x1, s25;
	[sflag:s24] =	ssyncadd.s32 $0xFFFFE800  }
0x91: {  	p0 =	sne.s32 s25, s8;
	_ =	swait.ge [sflag:s24], $0x400  }
.Ltmp2:
0x92: {  	[sflag:s24] =	ssyncset.done $0x0;
	(pc) =	sbr.rel @p0 .LBB2_1-.Ltmp2, $4  }
0x93: {  	[sflag:s24] =	ssyncadd.s32 $0xFFFFFC00  }
0x94: {  	_ =	swait.ge [sflag:s24], $0x400  }
0x95: {  	[sflag:s24] =	ssyncset.done $0x0  }
0x96: {  	[sflag:s24] =	ssyncadd.s32 $0xFFFFFC00  }
0x97: {  	_ =	sfence.sel $0x180000  }
0x98: {  	[bflag:$0x0] =	sbarrier.arrive $0xFFFF  }
0x99: {  	_ =	strace $0x9000004D  }
0x9a: {  	[bflag:$0x2] =	sbarrier.arrive $0xFFFF  }
0x9b: {  	p0 =	sne.s32 s3, $0x0;
	s0 =	rddreg [dreg:$0x3]  }
0x9c: {  	s0 =	sadd.s32 @!p0 $0x100000, s0  }
0x9d: {  	[sflag:s0] =	ssyncadd.tile.s32 @!p0 $0x1;
	_ =	shalt  }
.Lfunc_end2:
_tile_overlayer_lowered:
.L_overlay_start_2:
0x9e: {  	(tag) =	ssettag $0x2  }
0x9f: {  	s0 =	rddreg [dreg:$0x0];
	s2 =	stileid.u32  }
0xa0: {  	s1 =	rddreg [dreg:$0x1];
	p0 =	sne.s32 s2, $0x0  }
0xa1: {  	s3 =	rddreg [dreg:$0x2];
	[bflag:$0x3] =	sbarrier.arrive $0xFFFF;
	s2 =	simm.s32 @!p0 $0x1C04  }
0xa2: {  	[timem:s3], [sflag:s2] =	dma.local @!p0 [hbm:s0], s1  }
0xa3: {  	s0 =	simm.s32 @!p0 $0x4  }
0xa4: {  	_ =	swait.ge @!p0 [sflag:s0], s1  }
0xa5: {  	s1 =	ssub.s32 @!p0 $0x0, s1;
	[sflag:s0] =	ssyncset.done @!p0 $0x0  }
0xa6: {  	[sflag:s0] =	ssyncadd.s32 @!p0 s1  }
0xa7: {  	[bflag:$0x3] =	sbarrier.arrive $0xFFFF  }
0xa8: {  	_ =	shalt  }

// kernel: kernel.20.cloned.1.call-start
scs
__scs_entry_jumppad:
0x0: {  	(pc) =	sbr.rel $0x88, $3  }
0x1: {  	(tag) =	ssettag $0x0;
	lr =	simm.s32 $0x1  }
0x2: {  	[smem:$0x3F85] =	sst lr;
	_ =	strace $0xD0000000  }
0x3: {  	_ = 	snop  }
0x4: {  	_ = 	snop  }
0x5: {  	_ = 	snop  }
0x6: {  	_ = 	snop  }
0x7: {  	_ = 	snop  }
__scs_overlays_trampoline_lowered:
0x8: {  	[smem:$0x3F94] =	sst s0  }
0x9: {  	[smem:$0x3F95] =	sst s1  }
0xa: {  	[smem:$0x3F96] =	sst s2  }
0xb: {  	[smem:$0x3F97] =	sst s3  }
0xc: {  	[smem:$0x3F98] =	sst s4  }
0xd: {  	[smem:$0x3F99] =	sst s5  }
0xe: {  	[smem:$0x3F9A] =	sst s6  }
0xf: {  	[smem:$0x3F9B] =	sst s7  }
0x10: {  	[smem:$0x3F9C] =	sst s8  }
0x11: {  	[smem:$0x3F9D] =	sst s9;
	s0 =	simm.s32 @!p0 $0x0  }
0x12: {  	s1 =	sld [smem:$0x3F83];
	s0 =	simm.s32 @p0 $0x1  }
0x13: {  	[smem:$0x3F9E] =	sst s0;
	s0 =	simm.s32 @!p1 $0x0  }
0x14: {  	s2 =	sld [smem:$0x3F82];
	s0 =	simm.s32 @p1 $0x1  }
0x15: {  	[smem:$0x3F9F] =	sst s0;
	s0 =	simm.s32 @!p2 $0x0  }
0x16: {  	s3 =	sld [smem:$0x3FDB];
	s0 =	simm.s32 @p2 $0x1  }
0x17: {  	s4 =	simm.s32 $0x1BF5;
	[smem:$0x3FA1] =	sst s0  }
0x18: {  	s0 =	sld [smem:$0x3F84];
	_ =	swait.ge [sflag:s4], $0x0  }
0x19: {  	s7 =	sld [smem:$0x3F85]  }
0x1a: {  	s8 =	sadd.s32 $0xFFFFE003, lr  }
0x1b: {  	s9 =	sadd.s32 $0xFFFFFEF7, lr;
	s5 =	simm.s32 $0xFFFFFFFF;
	p2 =	slt.u32 s8, $0xFFFFF086  }
0x1c: {  	p1 =	slt.u32 s9, $0xF7A;
	s5 =	simm.s32 @!p2 $0x0  }
0x1d: {  	s5 =	simm.s32 @p1 $0x1;
	p0 =	seq.s32 s7, s2  }
0x1e: {  	s7 =	smul.u32 @!p0 $0xF7A, s2;
	p2 =	seq.s32 @!p0 s5, $0x0  }
0x1f: {  	s9 =	smul.u32 $0xF7A, s1;
	s8 =	simm.s32 @!p0 $0x1BF5;
	p2 =	por !p2, p0  }
0x20: {  	[sflag:s8] =	ssyncset.s32 @!p0 $0xFFFFF086;
	s6 =	sadd.s32 @!p0 s3, s7;
	s7 =	simm.s32 @!p0 $0x108  }
0x21: {  	s3 =	sadd.s32 s3, s9;
	s6 =	sadd.s32 @!p0 $0x88, s6;
	s7 =	simm.s32 @p2 $0x1082  }
0x22: {  	[simem:s7], [sflag:s8] =	dma.local @!p0 [hbm:s6], $0xF7A  }
0x23: {  	s9 =	sor.u32 $0xD0000000, s2;
	s6 =	simm.s32 $0x108;
	_ =	swait.ge @!p0 [sflag:s8], $0x0  }
0x24: {  	s3 =	sadd.s32 $0x88, s3;
	s6 =	simm.s32 @!p1 $0x1082;
	[sflag:s4] =	ssyncset.s32 $0xFFFFF086  }
0x25: {  	[simem:s6], [sflag:s4] =	dma.local [hbm:s3], $0xF7A  }
0x26: {  	[smem:$0x3F85] =	sst s1;
	(tag) =	ssettag s2;
	_ =	strace s9  }
0x27: {  	s1 =	sld [smem:$0x3F95]  }
0x28: {  	s2 =	sld [smem:$0x3F96]  }
0x29: {  	s4 =	sld [smem:$0x3F98]  }
0x2a: {  	p0 =	seq.s32 s5, $0x0;
	s5 =	sld [smem:$0x3F99]  }
0x2b: {  	s6 =	sld [smem:$0x3F9A]  }
0x2c: {  	s7 =	sld [smem:$0x3F9B]  }
0x2d: {  	s3 =	simm.s32 $0x108;
	s8 =	sld [smem:$0x3F9C]  }
0x2e: {  	s3 =	simm.s32 @!p0 $0x1082;
	s9 =	sld [smem:$0x3F9D]  }
0x2f: {  	lr =	sadd.s32 s0, s3;
	s0 =	sld [smem:$0x3F94]  }
0x30: {  	s3 =	sld [smem:$0x3F97]  }
0x31: {  	[smem:$0x3FA0] =	sst s10  }
0x32: {  	s10 =	sld [smem:$0x3F9E];
	_ =	sdelay $0x3  }
0x33: {  	p0 =	seq.s32 s10, $0x1;
	s10 =	sld [smem:$0x3FA0];
	_ =	sdelay $0x3  }
0x34: {  	[smem:$0x3FA0] =	sst s10  }
0x35: {  	s10 =	sld [smem:$0x3F9F];
	_ =	sdelay $0x3  }
0x36: {  	p1 =	seq.s32 s10, $0x1;
	s10 =	sld [smem:$0x3FA0];
	_ =	sdelay $0x3  }
0x37: {  	[smem:$0x3FA0] =	sst s10  }
0x38: {  	s10 =	sld [smem:$0x3FA1]  }
0x39: {  	_ = 	snop;
	(pc) =	sbr.ind lr, $3  }
0x3a: {  	_ = 	snop  }
0x3b: {  	_ = 	snop  }
0x3c: {  	p2 =	seq.s32 s10, $0x1;
	s10 =	sld [smem:$0x3FA0]  }
0x3d: {  	_ =	shalt  }
0x3e: {  	_ =	shalt  }
0x3f: {  	_ =	shalt  }
0x40: {  	_ =	shalt  }
0x41: {  	_ =	shalt  }
0x42: {  	_ =	shalt  }
0x43: {  	_ =	shalt  }
0x44: {  	_ =	shalt  }
0x45: {  	_ =	shalt  }
0x46: {  	_ =	shalt  }
0x47: {  	_ =	shalt  }
0x48: {  	_ =	shalt  }
0x49: {  	_ =	shalt  }
0x4a: {  	_ =	shalt  }
0x4b: {  	_ =	shalt  }
0x4c: {  	_ =	shalt  }
0x4d: {  	_ =	shalt  }
0x4e: {  	_ =	shalt  }
0x4f: {  	_ =	shalt  }
0x50: {  	_ =	shalt  }
0x51: {  	_ =	shalt  }
0x52: {  	_ =	shalt  }
0x53: {  	_ =	shalt  }
0x54: {  	_ =	shalt  }
0x55: {  	_ =	shalt  }
0x56: {  	_ =	shalt  }
0x57: {  	_ =	shalt  }
0x58: {  	_ =	shalt  }
0x59: {  	_ =	shalt  }
0x5a: {  	_ =	shalt  }
0x5b: {  	_ =	shalt  }
0x5c: {  	_ =	shalt  }
0x5d: {  	_ =	shalt  }
0x5e: {  	_ =	shalt  }
0x5f: {  	_ =	shalt  }
0x60: {  	_ =	shalt  }
0x61: {  	_ =	shalt  }
0x62: {  	_ =	shalt  }
0x63: {  	_ =	shalt  }
0x64: {  	_ =	shalt  }
0x65: {  	_ =	shalt  }
0x66: {  	_ =	shalt  }
0x67: {  	_ =	shalt  }
0x68: {  	_ =	shalt  }
0x69: {  	_ =	shalt  }
0x6a: {  	_ =	shalt  }
0x6b: {  	_ =	shalt  }
0x6c: {  	_ =	shalt  }
0x6d: {  	_ =	shalt  }
0x6e: {  	_ =	shalt  }
0x6f: {  	_ =	shalt  }
0x70: {  	_ =	shalt  }
0x71: {  	_ =	shalt  }
0x72: {  	_ =	shalt  }
0x73: {  	_ =	shalt  }
0x74: {  	_ =	shalt  }
0x75: {  	_ =	shalt  }
0x76: {  	_ =	shalt  }
0x77: {  	_ =	shalt  }
0x78: {  	_ =	shalt  }
0x79: {  	_ =	shalt  }
0x7a: {  	_ =	shalt  }
0x7b: {  	_ =	shalt  }
0x7c: {  	_ =	shalt  }
0x7d: {  	_ =	shalt  }
0x7e: {  	_ =	shalt  }
0x7f: {  	_ =	shalt  }
0x80: {  	_ =	shalt  }
0x81: {  	_ =	shalt  }
0x82: {  	_ =	shalt  }
0x83: {  	_ =	shalt  }
0x84: {  	_ =	shalt  }
0x85: {  	_ =	shalt  }
0x86: {  	_ =	shalt  }
0x87: {  	_ =	shalt  }
.Lfunc_end0:
.L_simem_size_0:
called_computation.3_lowered:
.L_overlay_start_0:
0x88: {  	s2 =	sld [smem:$0x3FD9]  }
0x89: {  	s3 =	sld [smem:$0x3FFE];
	_ =	sdelay $0x1  }
0x8a: {  	s1 =	srdreg.scid  }
0x8b: {  	s0 =	sand.u32 $0x1, s1  }
0x8c: {  	s16 =	sshll.u32 s0, $0xA;
	s2 =	sadd.s32 s3, s2  }
0x8d: {  	s2 =	sadd.s32 s2, s16  }
0x8e: {  	[smem:$0x3FAC] =	sst s2  }
0x8f: {  	_ = 	snop  }
0x90: {  	(tm) =	ssettm $0x1  }
0x91: {  	s17 =	sld [smem:$0x3FFB];
	_ =	sdelay $0x3  }
0x92: {  	_ =	strace s17  }
0x93: {  	s2 =	sld [smem:$0x3FFC];
	_ =	sdelay $0x3  }
0x94: {  	_ =	strace s2  }
0x95: {  	s2 =	sld [smem:$0x3FFD];
	_ =	sdelay $0x3  }
0x96: {  	_ =	strace s2  }
0x97: {  	_ =	strace $0x8FFFFFFF  }
0x98: {  	s18 =	sld [smem:$0x3FDB];
	_ =	sdelay $0x1  }
0x99: {  	s19 =	simm.s32 $_scs_section_size  }
0x9a: {  	s4 =	simm.s32 $_size__tile_overlayer_lowered;
	s5 =	simm.s32 $_tile_overlayer_lowered  }
0x9b: {  	s22 =	simm.s32 $0x1BFF;
	s21 =	sshll.u32 s5, $0x1;
	s2 =	sadd.s32 s19, s18  }
0x9c: {  	s6 =	simm.s32 $0x0;
	s20 =	sshll.u32 s4, $0x1;
	s4 =	sadd.s32 s21, s2  }
0x9d: {  	[timem:s6], [sflag:s22] =	dma.local [hbm:s4], s20  }
0x9e: {  	_ =	swait.ge [sflag:s22], s20  }
0x9f: {  	s3 =	ssub.s32 $0x0, s20;
	[sflag:s22] =	ssyncset.done $0x0  }
0xa0: {  	[sflag:s22] =	ssyncadd.s32 s3;
	_ =	sdelay $0x1  }
0xa1: {  	s23 =	simm.s32 $0x1B8B  }
0xa2: {  	_ =	swait.ge [sflag:s23], $0x1  }
0xa3: {  	[sflag:s23] =	ssyncset.done $0x0  }
0xa4: {  	s25 =	simm.s32 $0x1B8E;
	s24 =	sld [smem:$0x3FFE];
	[sflag:s23] =	ssyncadd.s32 $0xFFFFFFFF  }
0xa5: {  	s26 =	simm.s32 $execute0_lowered;
	[smem:$0x3FD2] =	sst s25  }
0xa6: {  	s4 =	sshll.u32 s26, $0x1;
	_ =	strace $0x8000004F;
	[dreg:$0x1] =	wrdreg $0xFFFFFFFF  }
0xa7: {  	s28 =	simm.s32 $_size_execute0_lowered;
	s2 =	sadd.s32 s2, s4;
	[dreg:$0x0] =	wrdreg $0x0  }
0xa8: {  	s4 =	sshll.u32 s28, $0x1;
	[dreg:$0x2] =	wrdreg s2  }
0xa9: {  	[dreg:$0x3] =	wrdreg s4  }
0xaa: {  	[dreg:$0x4] =	wrdreg $0xC0  }
0xab: {  	_ =	task [dreg:s6], $0x5FFFF  }
0xac: {  	[dreg:$0x1] =	wrdreg $0xFFFFFFFF  }
0xad: {  	[dreg:$0x0] =	wrdreg $0x60  }
0xae: {  	[dreg:$0x2] =	wrdreg s24  }
0xaf: {  	[dreg:$0x3] =	wrdreg $0x21000  }
0xb0: {  	[dreg:$0x4] =	wrdreg $0x9  }
0xb1: {  	_ =	task.clear_ibuf [dreg:s6], $0x5FFFF;
	_ =	strace $0x9000004F  }
0xb2: {  	s29 =	simm.s32 $0x9;
	_ =	strace $0x80000051  }
0xb3: {  	_ =	swait.ge [sflag:s29], $0x1  }
0xb4: {  	[sflag:s29] =	ssyncadd.s32 $0xFFFFFFFF  }
0xb5: {  	_ =	strace $0x90000051  }
0xb6: {  	_ =	sfence  }
0xb7: {  	s30 =	sld [smem:$0x0];
	_ =	sdelay $0x2  }
0xb8: {  	s31 =	sshll.u32 s1, $0xD;
	s1 =	sshrl.u32 s1, $0x2  }
0xb9: {  	s3 =	sand.u32 $0x4000, s31;
	s1 =	sadd.s32 s1, s30  }
0xba: {  	s0 =	sor.u32 s3, s0;
	s1 =	sshll.u32 s1, $0x11  }
0xbb: {  	s0 =	sor.u32 s1, s0  }
0xbc: {  	s0 =	sadd.s32 $0x8F2B, s0  }
0xbd: {  	[sflag:s0] =	ssyncadd.remote.s32 $0x1  }
0xbe: {  	_ =	sfence.sel $0xFFFF  }
0xbf: {  	[dreg:$0x0] =	wrdreg $0xFFFFFFFF;
	(pc) =	sbr.abs _section_cstart, $3  }
0xc0: {  	[dreg:$0x1] =	wrdreg $0xFFFFFFFF  }
0xc1: {  	_ =	task.clear_ibuf [dreg:s6], $0x2FFFF;
	_ =	strace $0x9FFFFFFF  }
0xc2: {  	(tm) =	ssettm $0x7FFFFFFF  }
0xc3: {  	_ =	shalt  }
tec
execute0_lowered:
.L_overlay_start_1:
0x0: {  	(tag) =	ssettag $0x1  }
0x1: {  	s0 =	rddreg [dreg:$0x0]  }
0x2: {  	s2 =	rddreg [dreg:$0x1];
	s3 =	simm.s32 $0x0  }
0x3: {  	s15 =	stileid.u32;
	s5 =	srdreg.scid;
	s28 =	simm.s32 $0x20  }
0x4: {  	s29 =	simm.s32 $0x80;
	s30 =	simm.s32 $0x1;
	s31 =	simm.s32 $0x2080  }
0x5: {  	[smem:$0x7FF] =	sst s3;
	s1 =	smul.u32 $0x186A0, s15;
	s4 =	sadd.s32 $0x2E95C00, s0  }
0x6: {  	s8 =	sadd.s32 $0xE6C00, s0;
	s5 =	sand.u32 $0x1, s5;
	s10 =	smul.u32 $0x61A80, s15  }
0x7: {  	s11 =	sshll.u32 s15, $0x6;
	s21 =	sshll.u32 s15, $0xE;
	s22 =	sor.u32 $0x10, s15  }
0x8: {  	s23 =	sshll.u32 s15, $0x4;
	s16 =	sor.u32 $0x1860, s15;
	_ =	strace $0x80000050  }
0x9: {  	s7 =	ssub.s32 $0x2, s5;
	s5 =	sshll.u32 s5, $0x6;
	s14 =	sshll.u32 s22, $0xE  }
0xa: {  	p0 =	sgt.u32 s16, $0x1869;
	s6 =	sshrl.u32 s1, $0x3;
	s9 =	sshrl.u32 s7, $0x1  }
0xb: {  	s1 =	sadd.s32 s1, s2;
	s18 =	sor.u32 s5, s10;
	s24 =	sor.u32 s5, s21  }
0xc: {  	s13 =	sor.u32 s5, s14;
	s6 =	sadd.s32 s6, s0;
	s0 =	sadd.s32 $0xAE00, s0  }
0xd: {  	s9 =	ssub.s32 s7, s9;
	[dreg:$0x3] =	wrdreg s1;
	s1 =	sor.u32 $0x20, s5  }
0xe: {  	s12 =	sshrl.u32 s18, $0x3;
	s7 =	sor.u32 $0x1C05, s11;
	s11 =	sadd.s32 s8, s23  }
0xf: {  	s25 =	sshrl.u32 s24, $0x3;
	s26 =	sshrl.u32 s13, $0x3;
	s18 =	sshll.u32 s16, $0xE  }
0x10: {  	s23 =	sor.u32 $0x80020, s24;
	s6 =	sadd.s32 $0xFF600, s6;
	s10 =	sor.u32 s10, s1  }
0x11: {  	s19 =	sadd.s32 s0, s12;
	s20 =	smax.u32 s9, $0x1;
	s9 =	sshll.u32 s22, $0x4  }
0x12: {  	s14 =	sor.u32 s1, s14;
	s22 =	sor.u32 $0xC0000, s24;
	[dreg:$0x4] =	wrdreg s19  }
0x13: {  	s10 =	sshrl.u32 s10, $0x3;
	[dreg:$0x6] =	wrdreg s20;
	s13 =	sadd.s32 s8, s9  }
0x14: {  	s17 =	sshrl.u32 s14, $0x3;
	s19 =	sor.u32 s5, s18;
	s0 =	sadd.s32 s0, s10  }
0x15: {  	s20 =	sshll.u32 s16, $0x4;
	s10 =	sadd.s32 s4, s25;
	[dreg:$0x5] =	wrdreg s0  }
0x16: {  	s5 =	simm.s32 $0x3;
	s25 =	sshrl.u32 s23, $0x3;
	[dreg:$0x7] =	wrdreg s10  }
0x17: {  	s10 =	sadd.s32 s4, s26;
	s0 =	sor.u32 s1, s21;
	s1 =	sor.u32 s1, s18  }
0x18: {  	s23 =	sadd.s32 s25, s4;
	s25 =	simm.s32 $0x5;
	[dreg:$0x8] =	wrdreg s10  }
0x19: {  	s0 =	sshrl.u32 s0, $0x3;
	s1 =	sshrl.u32 s1, $0x3;
	s10 =	simm.s32 $0x0  }
0x1a: {  	s0 =	sadd.s32 s4, s0;
	s21 =	sadd.s32 s4, s1;
	s1 =	simm.s32 $0x2  }
0x1b: {  	[dreg:$0x9] =	wrdreg s0;
	s0 =	sadd.s32 s4, s17;
	s17 =	sadd.s32 s8, s20  }
0x1c: {  	[dreg:$0xc] =	wrdreg s21;
	s20 =	sadd.s32 $0x200, s11;
	s21 =	sor.u32 $0x80000, s24  }
0x1d: {  	s24 =	sor.u32 $0xC0020, s24;
	[dreg:$0xa] =	wrdreg s0;
	s0 =	sshrl.u32 s19, $0x3  }
0x1e: {  	s8 =	simm.s32 $0x4;
	s26 =	sshrl.u32 s24, $0x3;
	s0 =	sadd.s32 s4, s0  }
0x1f: {  	s24 =	sadd.s32 s26, s4;
	[dreg:$0xb] =	wrdreg s0;
	s0 =	sshrl.u32 s22, $0x3  }
0x20: {  	s26 =	simm.s32 $0x1000;
	s22 =	sadd.s32 s0, s4;
	s0 =	simm.s32 $0x1080  }
.LBB2_1:
0x21: {  	s9 =	rddreg [dreg:$0x3]  }
0x22: {  	s12 =	sshrl.u32 s9, $0x3  }
0x23: {  	[spmem:s12], [sflag:s7] =	dma.local [hbm:s6], $0x30D4  }
0x24: {  	_ =	swait.ge [sflag:s25], $0x30D4  }
0x25: {  	[sflag:s25] =	ssyncset.done $0x0  }
0x26: {  	[sflag:s25] =	ssyncadd.s32 $0xFFFFCF2C  }
0x27: {  	[bflag:$0x0] =	sbarrier.arrive $0xFFFF  }
0x28: {  	[tilespmem:s26], [sflag:$0x1] =	stream.linear.gather [hbm4b:s11+s3], $0x80, $0x38;
	[tilespmem:$0x1A7A0] =	vst v63  }
0x29: {  	s18 =	rddreg [dreg:$0x7]  }
0x2a: {  	[tilespmem:s3], [sflag:$0x1] =	stream.strided.gather [hbm4b:s18+s28], $0x1000, s29, s28, $0x38;
	[tilespmem:$0x1A7A0] =	vst v63  }
0x2b: {  	_ =	swait.ge [sflag:s30], $0x80  }
0x2c: {  	[sflag:s30] =	ssyncset.done $0x0  }
0x2d: {  	[sflag:s30] =	ssyncadd.s32 $0xFFFFFF80  }
0x2e: {  	_ =	swait.ge [sflag:s30], $0x1000  }
0x2f: {  	[sflag:s30] =	ssyncset.done $0x0  }
0x30: {  	[sflag:s30] =	ssyncadd.s32 $0xFFFFF000  }
0x31: {  	[spmem:s2] =	stream.indirect.scatter.add.f32 [tilespmem:s3], [sflag:$0x3], $0x20, s26, s29, $0xb8;
	[tilespmem:$0x1A7A0] =	vst v63  }
0x32: {  	_ = 	snop  }
0x33: {  	[tilespmem:s31], [sflag:$0x2] =	stream.linear.gather [hbm4b:s13+s3], $0x80, $0x38;
	[tilespmem:$0x1A7A0] =	vst v63  }
0x34: {  	s19 =	rddreg [dreg:$0x8]  }
0x35: {  	[tilespmem:s0], [sflag:$0x2] =	stream.strided.gather [hbm4b:s19+s28], $0x1000, s29, s28, $0x38;
	[tilespmem:$0x1A7A0] =	vst v63  }
0x36: {  	_ =	swait.ge [sflag:s1], $0x80  }
0x37: {  	[sflag:s1] =	ssyncset.done $0x0  }
0x38: {  	[sflag:s1] =	ssyncadd.s32 $0xFFFFFF80  }
0x39: {  	_ =	swait.ge [sflag:s1], $0x1000  }
0x3a: {  	[sflag:s1] =	ssyncset.done $0x0  }
0x3b: {  	[sflag:s1] =	ssyncadd.s32 $0xFFFFF000  }
0x3c: {  	[spmem:s2] =	stream.indirect.scatter.add.f32 [tilespmem:s0], [sflag:$0x4], $0x20, s31, s29, $0xb8;
	[tilespmem:$0x1A7A0] =	vst v63  }
0x3d: {  	_ =	swait.ge [sflag:s5], $0x1000  }
0x3e: {  	[sflag:s5] =	ssyncset.done $0x0  }
0x3f: {  	s14 =	sshrl.u32 s21, $0x3;
	[sflag:s5] =	ssyncadd.s32 $0xFFFFF000  }
0x40: {  	[tilespmem:s26], [sflag:$0x1] =	stream.linear.gather [hbm4b:s20+s3], $0x80, $0x38;
	[tilespmem:$0x1A7A0] =	vst v63  }
0x41: {  	s14 =	sadd.s32 s4, s14  }
0x42: {  	[tilespmem:s3], [sflag:$0x1] =	stream.strided.gather [hbm4b:s14+s28], $0x1000, s29, s28, $0x38;
	[tilespmem:$0x1A7A0] =	vst v63  }
0x43: {  	_ =	swait.ge [sflag:s30], $0x80  }
0x44: {  	[sflag:s30] =	ssyncset.done $0x0  }
0x45: {  	[sflag:s30] =	ssyncadd.s32 $0xFFFFFF80  }
0x46: {  	_ =	swait.ge [sflag:s30], $0x1000  }
0x47: {  	[sflag:s30] =	ssyncset.done $0x0  }
0x48: {  	[sflag:s30] =	ssyncadd.s32 $0xFFFFF000  }
0x49: {  	[spmem:s2] =	stream.indirect.scatter.add.f32 [tilespmem:s3], [sflag:$0x3], $0x20, s26, s29, $0xb8;
	[tilespmem:$0x1A7A0] =	vst v63  }
0x4a: {  	_ =	swait.ge [sflag:s8], $0x1000  }
0x4b: {  	[sflag:s8] =	ssyncset.done $0x0  }
0x4c: {  	s14 =	sadd.s32 $0x100, s20;
	[sflag:s8] =	ssyncadd.s32 $0xFFFFF000  }
0x4d: {  	[tilespmem:s31], [sflag:$0x2] =	stream.linear.gather [hbm4b:s14+s3], $0x80, $0x38;
	[tilespmem:$0x1A7A0] =	vst v63  }
0x4e: {  	s15 =	sadd.s32 $0x0, s22  }
0x4f: {  	[tilespmem:s0], [sflag:$0x2] =	stream.strided.gather [hbm4b:s15+s28], $0x1000, s29, s28, $0x38;
	[tilespmem:$0x1A7A0] =	vst v63  }
0x50: {  	_ =	swait.ge [sflag:s1], $0x80  }
0x51: {  	[sflag:s1] =	ssyncset.done $0x0  }
0x52: {  	[sflag:s1] =	ssyncadd.s32 $0xFFFFFF80  }
0x53: {  	_ =	swait.ge [sflag:s1], $0x1000  }
0x54: {  	s16 =	sadd.s32 $0x200, s20;
	[sflag:s1] =	ssyncset.done $0x0  }
0x55: {  	s18 =	sadd.s32 $0x80000, s21;
	s15 =	simm.s32 $0x10000;
	[sflag:s1] =	ssyncadd.s32 $0xFFFFF000  }
.LBB2_2:
0x56: {  	[spmem:s2] =	stream.indirect.scatter.add.f32 [tilespmem:s0], [sflag:$0x4], $0x20, s31, s29, $0xb8;
	[tilespmem:$0x1A7A0] =	vst v63  }
0x57: {  	s19 =	smov.u32 s15  }
0x58: {  	p1 =	sne.s32 s15, $0xC10000;
	s15 =	sadd.s32 $0x10000, s15;
	_ =	swait.ge [sflag:s5], $0x1000  }
0x59: {  	[sflag:s5] =	ssyncset.done $0x0  }
0x5a: {  	s9 =	sshrl.u32 s18, $0x3;
	[sflag:s5] =	ssyncadd.s32 $0xFFFFF000  }
0x5b: {  	[tilespmem:s26], [sflag:$0x1] =	stream.linear.gather [hbm4b:s16+s3], $0x80, $0x38;
	[tilespmem:$0x1A7A0] =	vst v63  }
0x5c: {  	s9 =	sadd.s32 s4, s9  }
0x5d: {  	[tilespmem:s3], [sflag:$0x1] =	stream.strided.gather [hbm4b:s9+s28], $0x1000, s29, s28, $0x38;
	[tilespmem:$0x1A7A0] =	vst v63  }
0x5e: {  	_ =	swait.ge [sflag:s30], $0x80  }
0x5f: {  	[sflag:s30] =	ssyncset.done $0x0  }
0x60: {  	[sflag:s30] =	ssyncadd.s32 $0xFFFFFF80  }
0x61: {  	_ =	swait.ge [sflag:s30], $0x1000  }
0x62: {  	[sflag:s30] =	ssyncset.done $0x0  }
0x63: {  	[sflag:s30] =	ssyncadd.s32 $0xFFFFF000  }
0x64: {  	[spmem:s2] =	stream.indirect.scatter.add.f32 [tilespmem:s3], [sflag:$0x3], $0x20, s26, s29, $0xb8;
	[tilespmem:$0x1A7A0] =	vst v63  }
0x65: {  	_ =	swait.ge [sflag:s8], $0x1000  }
0x66: {  	[sflag:s8] =	ssyncset.done $0x0  }
0x67: {  	s9 =	sadd.s32 $0x100, s16;
	[sflag:s8] =	ssyncadd.s32 $0xFFFFF000  }
0x68: {  	[tilespmem:s31], [sflag:$0x2] =	stream.linear.gather [hbm4b:s9+s3], $0x80, $0x38;
	[tilespmem:$0x1A7A0] =	vst v63  }
0x69: {  	s9 =	sadd.s32 s19, s22  }
0x6a: {  	[tilespmem:s0], [sflag:$0x2] =	stream.strided.gather [hbm4b:s9+s28], $0x1000, s29, s28, $0x38;
	[tilespmem:$0x1A7A0] =	vst v63  }
0x6b: {  	_ =	swait.ge [sflag:s1], $0x80  }
.Ltmp0:
0x6c: {  	[sflag:s1] =	ssyncset.done $0x0;
	(pc) =	sbr.rel @p1 .LBB2_2-.Ltmp0, $4  }
0x6d: {  	[sflag:s1] =	ssyncadd.s32 $0xFFFFFF80  }
0x6e: {  	_ =	swait.ge [sflag:s1], $0x1000  }
0x6f: {  	[sflag:s1] =	ssyncset.done $0x0  }
0x70: {  	s18 =	sadd.s32 $0x80000, s18;
	s16 =	sadd.s32 $0x200, s16;
	[sflag:s1] =	ssyncadd.s32 $0xFFFFF000  }
0x71: {  	[spmem:s2] =	stream.indirect.scatter.add.f32 [tilespmem:s0], [sflag:$0x4], $0x20, s31, s29, $0xb8;
	[tilespmem:$0x1A7A0] =	vst v63  }
0x72: {  	s9 =	simm.s32 @!p0 $0x3  }
0x73: {  	_ =	swait.ge @!p0 [sflag:s9], $0x1000  }
0x74: {  	[sflag:s9] =	ssyncset.done @!p0 $0x0  }
0x75: {  	s15 =	simm.s32 @!p0 $0x1000;
	[sflag:s9] =	ssyncadd.s32 @!p0 $0xFFFFF000;
	s9 =	simm.s32 @!p0 $0x0  }
0x76: {  	[tilespmem:s15], [sflag:$0x1] =	stream.linear.gather @!p0 [hbm4b:s17+s9], $0x80, $0x38;
	[tilespmem:$0x1A7A0] =	vst v63  }
0x77: {  	s16 =	simm.s32 @!p0 $0x20;
	s18 =	simm.s32 @!p0 $0x80;
	s19 =	rddreg [dreg:$0xb]  }
0x78: {  	[tilespmem:s9], [sflag:$0x1] =	stream.strided.gather @!p0 [hbm4b:s19+s16], $0x1000, s18, s16, $0x38;
	[tilespmem:$0x1A7A0] =	vst v63  }
0x79: {  	s16 =	simm.s32 @!p0 $0x1  }
0x7a: {  	_ =	swait.ge @!p0 [sflag:s16], $0x80  }
0x7b: {  	[sflag:s16] =	ssyncset.done @!p0 $0x0  }
0x7c: {  	[sflag:s16] =	ssyncadd.s32 @!p0 $0xFFFFFF80  }
0x7d: {  	_ =	swait.ge @!p0 [sflag:s16], $0x1000  }
0x7e: {  	[sflag:s16] =	ssyncset.done @!p0 $0x0  }
0x7f: {  	[sflag:s16] =	ssyncadd.s32 @!p0 $0xFFFFF000  }
0x80: {  	[spmem:s2] =	stream.indirect.scatter.add.f32 @!p0 [tilespmem:s9], [sflag:$0x3], $0x20, s15, s18, $0xb8;
	[tilespmem:$0x1A7A0] =	vst v63  }
0x81: {  	_ =	swait.ge [sflag:s5], $0x1000  }
0x82: {  	[sflag:s5] =	ssyncset.done $0x0  }
0x83: {  	[sflag:s5] =	ssyncadd.s32 $0xFFFFF000  }
0x84: {  	_ =	swait.ge [sflag:s8], $0x1000  }
0x85: {  	[sflag:s8] =	ssyncset.done $0x0  }
0x86: {  	[sflag:s8] =	ssyncadd.s32 $0xFFFFF000  }
0x87: {  	[bflag:$0x0] =	sbarrier.arrive $0xFFFF  }
0x88: {  	s19 =	simm.s32 $0x10;
	s15 =	rddreg [dreg:$0x4]  }
0x89: {  	[hbm:s15@s19], [sflag:s7] =	dma.strided [spmem:s12@s8], $0x30D4, s30, $0x4   }
0x8a: {  	_ =	swait.ge [sflag:s25], $0x30D4  }
0x8b: {  	[sflag:s25] =	ssyncset.done $0x0  }
0x8c: {  	[sflag:s25] =	ssyncadd.s32 $0xFFFFCF2C  }
0x8d: {  	[bflag:$0x0] =	sbarrier.arrive $0xFFFF  }
0x8e: {  	[spmem:s12], [sflag:s7] =	dma.local [hbm:s6], $0x30D4  }
0x8f: {  	_ =	swait.ge [sflag:s25], $0x30D4  }
0x90: {  	[sflag:s25] =	ssyncset.done $0x0  }
0x91: {  	[sflag:s25] =	ssyncadd.s32 $0xFFFFCF2C  }
0x92: {  	s16 =	simm.s32 $0x0;
	[bflag:$0x0] =	sbarrier.arrive $0xFFFF  }
0x93: {  	[tilespmem:s26], [sflag:$0x1] =	stream.linear.gather [hbm4b:s11+s16], $0x80, $0x38;
	[tilespmem:$0x1A7A0] =	vst v63  }
0x94: {  	s18 =	rddreg [dreg:$0x9]  }
0x95: {  	[tilespmem:s16], [sflag:$0x1] =	stream.strided.gather [hbm4b:s18+s28], $0x1000, s29, s28, $0x38;
	[tilespmem:$0x1A7A0] =	vst v63  }
0x96: {  	_ =	swait.ge [sflag:s30], $0x80  }
0x97: {  	[sflag:s30] =	ssyncset.done $0x0  }
0x98: {  	[sflag:s30] =	ssyncadd.s32 $0xFFFFFF80  }
0x99: {  	_ =	swait.ge [sflag:s30], $0x1000  }
0x9a: {  	[sflag:s30] =	ssyncset.done $0x0  }
0x9b: {  	[sflag:s30] =	ssyncadd.s32 $0xFFFFF000  }
0x9c: {  	[spmem:s2] =	stream.indirect.scatter.add.f32 [tilespmem:s16], [sflag:$0x3], $0x20, s26, s29, $0xb8;
	[tilespmem:$0x1A7A0] =	vst v63  }
0x9d: {  	_ = 	snop  }
0x9e: {  	[tilespmem:s31], [sflag:$0x2] =	stream.linear.gather [hbm4b:s13+s16], $0x80, $0x38;
	[tilespmem:$0x1A7A0] =	vst v63  }
0x9f: {  	s15 =	rddreg [dreg:$0xa]  }
0xa0: {  	[tilespmem:s0], [sflag:$0x2] =	stream.strided.gather [hbm4b:s15+s28], $0x1000, s29, s28, $0x38;
	[tilespmem:$0x1A7A0] =	vst v63  }
0xa1: {  	_ =	swait.ge [sflag:s1], $0x80  }
0xa2: {  	[sflag:s1] =	ssyncset.done $0x0  }
0xa3: {  	[sflag:s1] =	ssyncadd.s32 $0xFFFFFF80  }
0xa4: {  	_ =	swait.ge [sflag:s1], $0x1000  }
0xa5: {  	[sflag:s1] =	ssyncset.done $0x0  }
0xa6: {  	[sflag:s1] =	ssyncadd.s32 $0xFFFFF000  }
0xa7: {  	[spmem:s2] =	stream.indirect.scatter.add.f32 [tilespmem:s0], [sflag:$0x4], $0x20, s31, s29, $0xb8;
	[tilespmem:$0x1A7A0] =	vst v63  }
0xa8: {  	_ =	swait.ge [sflag:s5], $0x1000  }
0xa9: {  	[sflag:s5] =	ssyncset.done $0x0  }
0xaa: {  	[sflag:s5] =	ssyncadd.s32 $0xFFFFF000  }
0xab: {  	[tilespmem:s26], [sflag:$0x1] =	stream.linear.gather [hbm4b:s20+s3], $0x80, $0x38;
	[tilespmem:$0x1A7A0] =	vst v63  }
0xac: {  	s16 =	sadd.s32 $0x0, s23  }
0xad: {  	[tilespmem:s3], [sflag:$0x1] =	stream.strided.gather [hbm4b:s16+s28], $0x1000, s29, s28, $0x38;
	[tilespmem:$0x1A7A0] =	vst v63  }
0xae: {  	_ =	swait.ge [sflag:s30], $0x80  }
0xaf: {  	[sflag:s30] =	ssyncset.done $0x0  }
0xb0: {  	[sflag:s30] =	ssyncadd.s32 $0xFFFFFF80  }
0xb1: {  	_ =	swait.ge [sflag:s30], $0x1000  }
0xb2: {  	[sflag:s30] =	ssyncset.done $0x0  }
0xb3: {  	[sflag:s30] =	ssyncadd.s32 $0xFFFFF000  }
0xb4: {  	[spmem:s2] =	stream.indirect.scatter.add.f32 [tilespmem:s3], [sflag:$0x3], $0x20, s26, s29, $0xb8;
	[tilespmem:$0x1A7A0] =	vst v63  }
0xb5: {  	_ =	swait.ge [sflag:s8], $0x1000  }
0xb6: {  	[sflag:s8] =	ssyncset.done $0x0  }
0xb7: {  	[sflag:s8] =	ssyncadd.s32 $0xFFFFF000  }
0xb8: {  	[tilespmem:s31], [sflag:$0x2] =	stream.linear.gather [hbm4b:s14+s3], $0x80, $0x38;
	[tilespmem:$0x1A7A0] =	vst v63  }
0xb9: {  	s18 =	sadd.s32 $0x0, s24  }
0xba: {  	[tilespmem:s0], [sflag:$0x2] =	stream.strided.gather [hbm4b:s18+s28], $0x1000, s29, s28, $0x38;
	[tilespmem:$0x1A7A0] =	vst v63  }
0xbb: {  	_ =	swait.ge [sflag:s1], $0x80  }
0xbc: {  	[sflag:s1] =	ssyncset.done $0x0  }
0xbd: {  	[sflag:s1] =	ssyncadd.s32 $0xFFFFFF80  }
0xbe: {  	_ =	swait.ge [sflag:s1], $0x1000  }
0xbf: {  	[sflag:s1] =	ssyncset.done $0x0  }
0xc0: {  	s15 =	sadd.s32 $0x200, s20;
	s14 =	simm.s32 $0x10000;
	[sflag:s1] =	ssyncadd.s32 $0xFFFFF000  }
.LBB2_4:
0xc1: {  	[spmem:s2] =	stream.indirect.scatter.add.f32 [tilespmem:s0], [sflag:$0x4], $0x20, s31, s29, $0xb8;
	[tilespmem:$0x1A7A0] =	vst v63  }
0xc2: {  	s9 =	smov.u32 s14  }
0xc3: {  	p1 =	sne.s32 s14, $0xC10000;
	s14 =	sadd.s32 $0x10000, s14;
	_ =	swait.ge [sflag:s5], $0x1000  }
0xc4: {  	[sflag:s5] =	ssyncset.done $0x0  }
0xc5: {  	[sflag:s5] =	ssyncadd.s32 $0xFFFFF000  }
0xc6: {  	[tilespmem:s26], [sflag:$0x1] =	stream.linear.gather [hbm4b:s15+s3], $0x80, $0x38;
	[tilespmem:$0x1A7A0] =	vst v63  }
0xc7: {  	s16 =	sadd.s32 s9, s23  }
0xc8: {  	[tilespmem:s3], [sflag:$0x1] =	stream.strided.gather [hbm4b:s16+s28], $0x1000, s29, s28, $0x38;
	[tilespmem:$0x1A7A0] =	vst v63  }
0xc9: {  	_ =	swait.ge [sflag:s30], $0x80  }
0xca: {  	[sflag:s30] =	ssyncset.done $0x0  }
0xcb: {  	[sflag:s30] =	ssyncadd.s32 $0xFFFFFF80  }
0xcc: {  	_ =	swait.ge [sflag:s30], $0x1000  }
0xcd: {  	[sflag:s30] =	ssyncset.done $0x0  }
0xce: {  	[sflag:s30] =	ssyncadd.s32 $0xFFFFF000  }
0xcf: {  	[spmem:s2] =	stream.indirect.scatter.add.f32 [tilespmem:s3], [sflag:$0x3], $0x20, s26, s29, $0xb8;
	[tilespmem:$0x1A7A0] =	vst v63  }
0xd0: {  	_ =	swait.ge [sflag:s8], $0x1000  }
0xd1: {  	[sflag:s8] =	ssyncset.done $0x0  }
0xd2: {  	s16 =	sadd.s32 $0x100, s15;
	[sflag:s8] =	ssyncadd.s32 $0xFFFFF000  }
0xd3: {  	[tilespmem:s31], [sflag:$0x2] =	stream.linear.gather [hbm4b:s16+s3], $0x80, $0x38;
	[tilespmem:$0x1A7A0] =	vst v63  }
0xd4: {  	s9 =	sadd.s32 s9, s24  }
0xd5: {  	[tilespmem:s0], [sflag:$0x2] =	stream.strided.gather [hbm4b:s9+s28], $0x1000, s29, s28, $0x38;
	[tilespmem:$0x1A7A0] =	vst v63  }
0xd6: {  	_ =	swait.ge [sflag:s1], $0x80  }
.Ltmp1:
0xd7: {  	[sflag:s1] =	ssyncset.done $0x0;
	(pc) =	sbr.rel @p1 .LBB2_4-.Ltmp1, $4  }
0xd8: {  	[sflag:s1] =	ssyncadd.s32 $0xFFFFFF80  }
0xd9: {  	_ =	swait.ge [sflag:s1], $0x1000  }
0xda: {  	[sflag:s1] =	ssyncset.done $0x0  }
0xdb: {  	s15 =	sadd.s32 $0x200, s15;
	[sflag:s1] =	ssyncadd.s32 $0xFFFFF000  }
0xdc: {  	[spmem:s2] =	stream.indirect.scatter.add.f32 [tilespmem:s0], [sflag:$0x4], $0x20, s31, s29, $0xb8;
	[tilespmem:$0x1A7A0] =	vst v63  }
0xdd: {  	s9 =	simm.s32 @!p0 $0x3  }
0xde: {  	_ =	swait.ge @!p0 [sflag:s9], $0x1000  }
0xdf: {  	[sflag:s9] =	ssyncset.done @!p0 $0x0  }
0xe0: {  	s14 =	simm.s32 @!p0 $0x1000;
	[sflag:s9] =	ssyncadd.s32 @!p0 $0xFFFFF000;
	s9 =	simm.s32 @!p0 $0x0  }
0xe1: {  	[tilespmem:s14], [sflag:$0x1] =	stream.linear.gather @!p0 [hbm4b:s17+s9], $0x80, $0x38;
	[tilespmem:$0x1A7A0] =	vst v63  }
0xe2: {  	s15 =	simm.s32 @!p0 $0x20;
	s16 =	simm.s32 @!p0 $0x80;
	s18 =	rddreg [dreg:$0xc]  }
0xe3: {  	[tilespmem:s9], [sflag:$0x1] =	stream.strided.gather @!p0 [hbm4b:s18+s15], $0x1000, s16, s15, $0x38;
	[tilespmem:$0x1A7A0] =	vst v63  }
0xe4: {  	s15 =	simm.s32 @!p0 $0x1  }
0xe5: {  	_ =	swait.ge @!p0 [sflag:s15], $0x80  }
0xe6: {  	[sflag:s15] =	ssyncset.done @!p0 $0x0  }
0xe7: {  	[sflag:s15] =	ssyncadd.s32 @!p0 $0xFFFFFF80  }
0xe8: {  	_ =	swait.ge @!p0 [sflag:s15], $0x1000  }
0xe9: {  	[sflag:s15] =	ssyncset.done @!p0 $0x0  }
0xea: {  	[sflag:s15] =	ssyncadd.s32 @!p0 $0xFFFFF000  }
0xeb: {  	[spmem:s2] =	stream.indirect.scatter.add.f32 @!p0 [tilespmem:s9], [sflag:$0x3], $0x20, s14, s16, $0xb8;
	[tilespmem:$0x1A7A0] =	vst v63  }
0xec: {  	_ =	swait.ge [sflag:s5], $0x1000  }
0xed: {  	[sflag:s5] =	ssyncset.done $0x0  }
0xee: {  	[sflag:s5] =	ssyncadd.s32 $0xFFFFF000  }
0xef: {  	_ =	swait.ge [sflag:s8], $0x1000  }
0xf0: {  	[sflag:s8] =	ssyncset.done $0x0  }
0xf1: {  	[sflag:s8] =	ssyncadd.s32 $0xFFFFF000  }
0xf2: {  	[bflag:$0x0] =	sbarrier.arrive $0xFFFF  }
0xf3: {  	s18 =	rddreg [dreg:$0x5]  }
0xf4: {  	[hbm:s18@s19], [sflag:s7] =	dma.strided [spmem:s12@s8], $0x30D4, s30, $0x4   }
0xf5: {  	_ =	swait.ge [sflag:s25], $0x30D4  }
0xf6: {  	s10 =	sadd.s32 $0x1, s10;
	s19 =	rddreg [dreg:$0x6]  }
0xf7: {  	p1 =	sne.s32 s10, s19  }
.Ltmp2:
0xf8: {  	_ = 	snop;
	(pc) =	sbr.rel @p1 .LBB2_1-.Ltmp2, $3  }
0xf9: {  	[sflag:s25] =	ssyncset.done $0x0  }
0xfa: {  	[sflag:s25] =	ssyncadd.s32 $0xFFFFCF2C  }
0xfb: {  	[bflag:$0x0] =	sbarrier.arrive $0xFFFF;
	_ =	sdelay $0x1  }
0xfc: {  	_ =	sfence.sel $0x180000  }
0xfd: {  	[bflag:$0x0] =	sbarrier.arrive $0xFFFF  }
0xfe: {  	_ =	strace $0x90000050  }
0xff: {  	s0 =	stileid.u32;
	[bflag:$0x2] =	sbarrier.arrive $0xFFFF  }
0x100: {  	p0 =	sne.s32 s0, $0x0;
	s0 =	rddreg [dreg:$0x2]  }
0x101: {  	s0 =	sadd.s32 @!p0 $0x100000, s0  }
0x102: {  	[sflag:s0] =	ssyncadd.tile.s32 @!p0 $0x1;
	_ =	shalt  }
.Lfunc_end2:
_tile_overlayer_lowered:
.L_overlay_start_2:
0x103: {  	(tag) =	ssettag $0x2  }
0x104: {  	s0 =	rddreg [dreg:$0x0];
	s2 =	stileid.u32  }
0x105: {  	s1 =	rddreg [dreg:$0x1];
	p0 =	sne.s32 s2, $0x0  }
0x106: {  	s3 =	rddreg [dreg:$0x2];
	[bflag:$0x3] =	sbarrier.arrive $0xFFFF;
	s2 =	simm.s32 @!p0 $0x1C05  }
0x107: {  	[timem:s3], [sflag:s2] =	dma.local @!p0 [hbm:s0], s1  }
0x108: {  	s0 =	simm.s32 @!p0 $0x5  }
0x109: {  	_ =	swait.ge @!p0 [sflag:s0], s1  }
0x10a: {  	s1 =	ssub.s32 @!p0 $0x0, s1;
	[sflag:s0] =	ssyncset.done @!p0 $0x0  }
0x10b: {  	[sflag:s0] =	ssyncadd.s32 @!p0 s1  }
0x10c: {  	[bflag:$0x3] =	sbarrier.arrive $0xFFFF  }
0x10d: {  	_ =	shalt  }

</sc_bundles>
